<compile_context>
chip_gen: v7x
topology: tpu7x:2x2x1
jax: 0.10.2.dev20260603
libtpu: 0.0.44.dev20260713+nightly
codegen_flags: <defaults>
</compile_context>

<pallas_src>
import functools

import jax
import jax.numpy as jnp
from jax import lax
from jax.experimental import pallas as pl
from jax.experimental.pallas import tpu as pltpu
from jax.experimental.pallas import tpu_sc as plsc

EMBED_DIM = 32
HIST = 50
NUM_WORKERS = 32
GROUP = 16
BATCHES_PER_STEP = 8
STEP_ROWS = BATCHES_PER_STEP * HIST
SUB = STEP_ROWS // GROUP


def _rsqrt(s):
    i = plsc.bitcast(s, jnp.int32)
    i = jnp.int32(0x5F3759DF) - (i >> 1)
    y = plsc.bitcast(i, jnp.float32)
    xh = s * jnp.float32(0.5)
    for _ in range(3):
        y = y * (jnp.float32(1.5) - xh * y * y)
    return y


def _make_sc_kernel(batch):
    batches_per_w = batch // NUM_WORKERS
    rows_per_w = batches_per_w * HIST
    n_idx_rows = rows_per_w // GROUP
    n_steps = batches_per_w // BATCHES_PER_STEP
    n_groups = STEP_ROWS // GROUP

    mesh = plsc.VectorSubcoreMesh(core_axis_name="c", subcore_axis_name="s")

    @functools.partial(
        pl.kernel,
        out_type=jax.ShapeDtypeStruct((batch, HIST, EMBED_DIM), jnp.float32),
        mesh=mesh,
        compiler_params=pltpu.CompilerParams(
            needs_layout_passes=False, use_tc_tiling_on_sc=False
        ),
        scratch_types=[
            pltpu.VMEM((n_idx_rows, GROUP), jnp.int32),
            pltpu.VMEM((STEP_ROWS, EMBED_DIM), jnp.float32),
            pltpu.VMEM((STEP_ROWS, EMBED_DIM), jnp.float32),
            pltpu.VMEM((BATCHES_PER_STEP, HIST, EMBED_DIM), jnp.float32),
            pltpu.VMEM((BATCHES_PER_STEP, HIST, EMBED_DIM), jnp.float32),
            pltpu.SemaphoreType.DMA,
            pltpu.SemaphoreType.DMA,
            pltpu.SemaphoreType.DMA,
            pltpu.SemaphoreType.DMA,
        ],
    )
    def sc_kernel(
        idx_hbm, table_hbm, out_hbm,
        idx_v, g_a, g_b, o_a, o_b, gsem_a, gsem_b, osem_a, osem_b,
    ):
        wid = lax.axis_index("s") * 2 + lax.axis_index("c")
        pltpu.sync_copy(idx_hbm.at[wid], idx_v)
        batch_base = wid * batches_per_w
        lanes = lax.iota(jnp.int32, GROUP)

        def fire_gather(s, g_ref, gsem):
            for t in range(SUB):
                vec = idx_v[s * SUB + t]
                pltpu.async_copy(
                    table_hbm.at[vec],
                    g_ref.at[pl.ds(t * GROUP, GROUP)],
                    gsem,
                )

        def wait_gather(g_ref, gsem):
            pltpu.make_async_copy(
                table_hbm.at[pl.ds(0, STEP_ROWS)], g_ref, gsem
            ).wait()

        def out_slice(s):
            return out_hbm.at[
                pl.ds(batch_base + s * BATCHES_PER_STEP, BATCHES_PER_STEP)
            ]

        def compute(g_ref, o_ref):
            @plsc.parallel_loop(0, n_groups, 1, unroll=1)
            def grp(g):
                rvec = g * GROUP + lanes
                bvec = (rvec * jnp.int32(1311)) >> 16
                hvec = rvec - jnp.int32(HIST) * bvec
                vs = []
                for d in range(EMBED_DIM):
                    dvec = jnp.full((GROUP,), d, jnp.int32)
                    vs.append(plsc.load_gather(g_ref, [rvec, dvec]))
                accs = [jnp.zeros((GROUP,), jnp.float32) for _ in range(4)]
                for d in range(EMBED_DIM):
                    accs[d % 4] = accs[d % 4] + vs[d] * vs[d]
                acc = (accs[0] + accs[1]) + (accs[2] + accs[3])
                scale = _rsqrt(jnp.maximum(acc, jnp.float32(1e-24)))
                for d in range(EMBED_DIM):
                    dvec = jnp.full((GROUP,), d, jnp.int32)
                    plsc.store_scatter(
                        o_ref, [bvec, hvec, dvec], vs[d] * scale
                    )

        def do_step(s, g_ref, o_ref, gsem, osem):
            wait_gather(g_ref, gsem)

            @pl.when(s >= 2)
            def _():
                pltpu.make_async_copy(o_ref, out_slice(s - 2), osem).wait()

            compute(g_ref, o_ref)
            pltpu.async_copy(o_ref, out_slice(s), osem)

            @pl.when(s + 2 < n_steps)
            def _():
                fire_gather(s + 2, g_ref, gsem)

        fire_gather(0, g_a, gsem_a)
        fire_gather(1, g_b, gsem_b)

        def step(s, carry):
            @pl.when(s % 2 == 0)
            def _():
                do_step(s, g_a, o_a, gsem_a, osem_a)

            @pl.when(s % 2 == 1)
            def _():
                do_step(s, g_b, o_b, gsem_b, osem_b)

            return carry

        lax.fori_loop(0, n_steps, step, 0)
        pltpu.make_async_copy(o_a, out_slice(n_steps - 2), osem_a).wait()
        pltpu.make_async_copy(o_b, out_slice(n_steps - 1), osem_b).wait()

    return sc_kernel


def kernel(x, table):
    batch, hist = x.shape
    rows_per_w = batch * hist // NUM_WORKERS
    idx = x.astype(jnp.int32).reshape(
        NUM_WORKERS, rows_per_w // GROUP, GROUP
    )
    return _make_sc_kernel(batch)(idx, table)

# --- scband reference (transcript-rebuilt; emitter-appended) ---
"""Pipeline reference for scband-embedder-63977832841992 (READ-ONLY COPY).

The authoritative reference and input builder live on the scoring server;
editing this copy changes nothing except your own understanding.
"""

import jax, jax.numpy as jnp
import numpy as np

NUM_EMBEDDINGS = 1000000
EMBED_DIM = 32
BATCH = 16384
HIST = 50
EPS = 1e-12


def setup_inputs(seed: int = 0) -> dict:
    key = jax.random.key(seed)
    k1, k2 = jax.random.split(key)
    x = jax.random.randint(k1, (BATCH, HIST), 0, NUM_EMBEDDINGS, dtype=jnp.int64 if jax.config.jax_enable_x64 else jnp.int32)
    table = jax.random.normal(k2, (NUM_EMBEDDINGS, EMBED_DIM), dtype=jnp.float32)
    return {"x": x, "table": table}


def reference(x, table):
    # embedding lookup (SparseCore-friendly gather)
    emb = jnp.take(table, x, axis=0)  # [B, L, D]
    # F.normalize(p=2, dim=-1): x / max(||x||_2, eps)
    norm = jnp.sqrt(jnp.sum(emb * emb, axis=-1, keepdims=True))
    denom = jnp.maximum(norm, EPS)
    return emb / denom

if __name__ == "__main__":
    import jax
    _d = setup_inputs()
    print(jax.jit(kernel)(*tuple(_d.values())))

</pallas_src>

<mosaic_0001>
#map = affine_map<(d0, d1) -> (0, 0, 0)>
#map1 = affine_map<(d0, d1) -> (0, 0)>
module attributes {stable_mosaic.version = 14 : i64} {
  func.func @sc_kernel(%arg0: i32, %arg1: i32, %arg2: memref<32x1600x16xi32, #tpu.memory_space<hbm>>, %arg3: memref<1000000x32xf32, #tpu.memory_space<hbm>>, %arg4: memref<16384x50x32xf32, #tpu.memory_space<hbm>>, %arg5: memref<1600x16xi32, #tpu.memory_space<vmem>>, %arg6: memref<400x32xf32, #tpu.memory_space<vmem>>, %arg7: memref<400x32xf32, #tpu.memory_space<vmem>>, %arg8: memref<8x50x32xf32, #tpu.memory_space<vmem>>, %arg9: memref<8x50x32xf32, #tpu.memory_space<vmem>>, %arg10: memref<!tpu.dma_semaphore, #tpu.memory_space<semaphore_mem>>, %arg11: memref<!tpu.dma_semaphore, #tpu.memory_space<semaphore_mem>>, %arg12: memref<!tpu.dma_semaphore, #tpu.memory_space<semaphore_mem>>, %arg13: memref<!tpu.dma_semaphore, #tpu.memory_space<semaphore_mem>>) attributes {dimension_semantics = [#tpu.dimension_semantics<core_parallel>, #tpu.dimension_semantics<subcore_parallel>], iteration_bounds = array<i64: 2, 16>, scalar_prefetch = 0 : i64, scratch_operands = 9 : i64, tpu.core_type = #tpu.core_type<sc_vector_subcore>, window_params = [{transform_indices = #map}, {transform_indices = #map1}, {transform_indices = #map}]} {
    %mul3A = arith.constant 2 : i32
    %mul3A_0 = arith.muli %arg1, %mul3A : i32
    %add3A = arith.addi %mul3A_0, %arg0 : i32
    "tpu.region"() ({
      %run_scoped3A = tpu.sem_alloc : memref<!tpu.dma_semaphore, #tpu.memory_space<semaphore_mem>>
      %dma_start3A_521 = arith.constant 0 : i32
      %dma_start3A_522 = arith.constant 0 : i32
      %dma_start3A_523 = tpu.memref_slice %arg2[%add3A, %dma_start3A_521, %dma_start3A_522] : memref<32x1600x16xi32, #tpu.memory_space<hbm>> -> memref<1x1600x16xi32, #tpu.memory_space<hbm>>
      %dma_start3A_524 = tpu.memref_squeeze %dma_start3A_523 : memref<1x1600x16xi32, #tpu.memory_space<hbm>> -> memref<1600x16xi32, #tpu.memory_space<hbm>>
      %dma_start3A_525 = arith.constant 0 : i32
      %dma_start3A_526 = arith.constant 0 : i32
      %dma_start3A_527 = tpu.memref_slice %arg2[%add3A, %dma_start3A_525, %dma_start3A_526] : memref<32x1600x16xi32, #tpu.memory_space<hbm>> -> memref<1x1600x16xi32, #tpu.memory_space<hbm>>
      %dma_start3A_528 = tpu.memref_squeeze %dma_start3A_527 : memref<1x1600x16xi32, #tpu.memory_space<hbm>> -> memref<1600x16xi32, #tpu.memory_space<hbm>>
      tpu.enqueue_dma source(%dma_start3A_528 : memref<1600x16xi32, #tpu.memory_space<hbm>>) target(%arg5 : memref<1600x16xi32, #tpu.memory_space<vmem>>) target_semaphore(%run_scoped3A : memref<!tpu.dma_semaphore, #tpu.memory_space<semaphore_mem>>)
      %dma_wait3A_529 = arith.constant 0 : i32
      %dma_wait3A_530 = arith.constant 0 : i32
      %dma_wait3A_531 = tpu.memref_slice %arg2[%add3A, %dma_wait3A_529, %dma_wait3A_530] : memref<32x1600x16xi32, #tpu.memory_space<hbm>> -> memref<1x1600x16xi32, #tpu.memory_space<hbm>>
      %dma_wait3A_532 = tpu.memref_squeeze %dma_wait3A_531 : memref<1x1600x16xi32, #tpu.memory_space<hbm>> -> memref<1600x16xi32, #tpu.memory_space<hbm>>
      %dma_wait3A_533 = arith.constant 0 : i32
      %dma_wait3A_534 = arith.constant 0 : i32
      %dma_wait3A_535 = tpu.memref_slice %arg2[%add3A, %dma_wait3A_533, %dma_wait3A_534] : memref<32x1600x16xi32, #tpu.memory_space<hbm>> -> memref<1x1600x16xi32, #tpu.memory_space<hbm>>
      %dma_wait3A_536 = tpu.memref_squeeze %dma_wait3A_535 : memref<1x1600x16xi32, #tpu.memory_space<hbm>> -> memref<1600x16xi32, #tpu.memory_space<hbm>>
      tpu.wait_dma2 semaphore(%run_scoped3A : memref<!tpu.dma_semaphore, #tpu.memory_space<semaphore_mem>>) src(%dma_wait3A_536 : memref<1600x16xi32, #tpu.memory_space<hbm>>) dst(%arg5 : memref<1600x16xi32, #tpu.memory_space<vmem>>)
      tpu.yield
    }) : () -> ()
    %mul3A_1 = arith.constant 512 : i32
    %mul3A_2 = arith.muli %add3A, %mul3A_1 : i32
    %iota3A = tpu.iota {dimensions = array<i32: 0>} : vector<16xi32>
    %get3A = arith.constant 0 : i32
    %get3A_3 = arith.index_cast %get3A : i32 to index
    %get3A_4 = arith.constant 0 : index
    %get3A_5 = tpu.vector_load %arg5[%get3A_3, %get3A_4] {strides = array<i32>} : memref<1600x16xi32, #tpu.memory_space<vmem>>, vector<16xi32>,
    %dma_start3A = arith.constant 0 : i32
    %dma_start3A_6 = arith.constant 0 : i32
    %dma_start3A_7 = tpu.memref_slice %arg6[%dma_start3A, %dma_start3A_6] : memref<400x32xf32, #tpu.memory_space<vmem>> -> memref<16x32xf32, #tpu.memory_space<vmem>>
    %dma_start3A_8 = arith.constant 0 : i32
    %dma_start3A_9 = arith.constant 0 : i32
    %dma_start3A_10 = tpu.memref_slice %arg3[%dma_start3A_8, %dma_start3A_9] : memref<1000000x32xf32, #tpu.memory_space<hbm>> -> memref<1000000x32xf32, #tpu.memory_space<hbm>>
    tpu.enqueue_indirect_dma source(%dma_start3A_10 : memref<1000000x32xf32, #tpu.memory_space<hbm>>) target(%dma_start3A_7 : memref<16x32xf32, #tpu.memory_space<vmem>>) offsets(%get3A_5 : vector<16xi32>) semaphore(%arg10 : memref<!tpu.dma_semaphore, #tpu.memory_space<semaphore_mem>>)
    %get3A_11 = arith.constant 1 : i32
    %get3A_12 = arith.index_cast %get3A_11 : i32 to index
    %get3A_13 = arith.constant 0 : index
    %get3A_14 = tpu.vector_load %arg5[%get3A_12, %get3A_13] {strides = array<i32>} : memref<1600x16xi32, #tpu.memory_space<vmem>>, vector<16xi32>,
    %dma_start3A_15 = arith.constant 16 : i32
    %dma_start3A_16 = arith.constant 0 : i32
    %dma_start3A_17 = tpu.memref_slice %arg6[%dma_start3A_15, %dma_start3A_16] : memref<400x32xf32, #tpu.memory_space<vmem>> -> memref<16x32xf32, #tpu.memory_space<vmem>>
    %dma_start3A_18 = arith.constant 0 : i32
    %dma_start3A_19 = arith.constant 0 : i32
    %dma_start3A_20 = tpu.memref_slice %arg3[%dma_start3A_18, %dma_start3A_19] : memref<1000000x32xf32, #tpu.memory_space<hbm>> -> memref<1000000x32xf32, #tpu.memory_space<hbm>>
    tpu.enqueue_indirect_dma source(%dma_start3A_20 : memref<1000000x32xf32, #tpu.memory_space<hbm>>) target(%dma_start3A_17 : memref<16x32xf32, #tpu.memory_space<vmem>>) offsets(%get3A_14 : vector<16xi32>) semaphore(%arg10 : memref<!tpu.dma_semaphore, #tpu.memory_space<semaphore_mem>>)
    %get3A_21 = arith.constant 2 : i32
    %get3A_22 = arith.index_cast %get3A_21 : i32 to index
    %get3A_23 = arith.constant 0 : index
    %get3A_24 = tpu.vector_load %arg5[%get3A_22, %get3A_23] {strides = array<i32>} : memref<1600x16xi32, #tpu.memory_space<vmem>>, vector<16xi32>,
    %dma_start3A_25 = arith.constant 32 : i32
    %dma_start3A_26 = arith.constant 0 : i32
    %dma_start3A_27 = tpu.memref_slice %arg6[%dma_start3A_25, %dma_start3A_26] : memref<400x32xf32, #tpu.memory_space<vmem>> -> memref<16x32xf32, #tpu.memory_space<vmem>>
    %dma_start3A_28 = arith.constant 0 : i32
    %dma_start3A_29 = arith.constant 0 : i32
    %dma_start3A_30 = tpu.memref_slice %arg3[%dma_start3A_28, %dma_start3A_29] : memref<1000000x32xf32, #tpu.memory_space<hbm>> -> memref<1000000x32xf32, #tpu.memory_space<hbm>>
    tpu.enqueue_indirect_dma source(%dma_start3A_30 : memref<1000000x32xf32, #tpu.memory_space<hbm>>) target(%dma_start3A_27 : memref<16x32xf32, #tpu.memory_space<vmem>>) offsets(%get3A_24 : vector<16xi32>) semaphore(%arg10 : memref<!tpu.dma_semaphore, #tpu.memory_space<semaphore_mem>>)
    %get3A_31 = arith.constant 3 : i32
    %get3A_32 = arith.index_cast %get3A_31 : i32 to index
    %get3A_33 = arith.constant 0 : index
    %get3A_34 = tpu.vector_load %arg5[%get3A_32, %get3A_33] {strides = array<i32>} : memref<1600x16xi32, #tpu.memory_space<vmem>>, vector<16xi32>,
    %dma_start3A_35 = arith.constant 48 : i32
    %dma_start3A_36 = arith.constant 0 : i32
    %dma_start3A_37 = tpu.memref_slice %arg6[%dma_start3A_35, %dma_start3A_36] : memref<400x32xf32, #tpu.memory_space<vmem>> -> memref<16x32xf32, #tpu.memory_space<vmem>>
    %dma_start3A_38 = arith.constant 0 : i32
    %dma_start3A_39 = arith.constant 0 : i32
    %dma_start3A_40 = tpu.memref_slice %arg3[%dma_start3A_38, %dma_start3A_39] : memref<1000000x32xf32, #tpu.memory_space<hbm>> -> memref<1000000x32xf32, #tpu.memory_space<hbm>>
    tpu.enqueue_indirect_dma source(%dma_start3A_40 : memref<1000000x32xf32, #tpu.memory_space<hbm>>) target(%dma_start3A_37 : memref<16x32xf32, #tpu.memory_space<vmem>>) offsets(%get3A_34 : vector<16xi32>) semaphore(%arg10 : memref<!tpu.dma_semaphore, #tpu.memory_space<semaphore_mem>>)
    %get3A_41 = arith.constant 4 : i32
    %get3A_42 = arith.index_cast %get3A_41 : i32 to index
    %get3A_43 = arith.constant 0 : index
    %get3A_44 = tpu.vector_load %arg5[%get3A_42, %get3A_43] {strides = array<i32>} : memref<1600x16xi32, #tpu.memory_space<vmem>>, vector<16xi32>,
    %dma_start3A_45 = arith.constant 64 : i32
    %dma_start3A_46 = arith.constant 0 : i32
    %dma_start3A_47 = tpu.memref_slice %arg6[%dma_start3A_45, %dma_start3A_46] : memref<400x32xf32, #tpu.memory_space<vmem>> -> memref<16x32xf32, #tpu.memory_space<vmem>>
    %dma_start3A_48 = arith.constant 0 : i32
    %dma_start3A_49 = arith.constant 0 : i32
    %dma_start3A_50 = tpu.memref_slice %arg3[%dma_start3A_48, %dma_start3A_49] : memref<1000000x32xf32, #tpu.memory_space<hbm>> -> memref<1000000x32xf32, #tpu.memory_space<hbm>>
    tpu.enqueue_indirect_dma source(%dma_start3A_50 : memref<1000000x32xf32, #tpu.memory_space<hbm>>) target(%dma_start3A_47 : memref<16x32xf32, #tpu.memory_space<vmem>>) offsets(%get3A_44 : vector<16xi32>) semaphore(%arg10 : memref<!tpu.dma_semaphore, #tpu.memory_space<semaphore_mem>>)
    %get3A_51 = arith.constant 5 : i32
    %get3A_52 = arith.index_cast %get3A_51 : i32 to index
    %get3A_53 = arith.constant 0 : index
    %get3A_54 = tpu.vector_load %arg5[%get3A_52, %get3A_53] {strides = array<i32>} : memref<1600x16xi32, #tpu.memory_space<vmem>>, vector<16xi32>,
    %dma_start3A_55 = arith.constant 80 : i32
    %dma_start3A_56 = arith.constant 0 : i32
    %dma_start3A_57 = tpu.memref_slice %arg6[%dma_start3A_55, %dma_start3A_56] : memref<400x32xf32, #tpu.memory_space<vmem>> -> memref<16x32xf32, #tpu.memory_space<vmem>>
    %dma_start3A_58 = arith.constant 0 : i32
    %dma_start3A_59 = arith.constant 0 : i32
    %dma_start3A_60 = tpu.memref_slice %arg3[%dma_start3A_58, %dma_start3A_59] : memref<1000000x32xf32, #tpu.memory_space<hbm>> -> memref<1000000x32xf32, #tpu.memory_space<hbm>>
    tpu.enqueue_indirect_dma source(%dma_start3A_60 : memref<1000000x32xf32, #tpu.memory_space<hbm>>) target(%dma_start3A_57 : memref<16x32xf32, #tpu.memory_space<vmem>>) offsets(%get3A_54 : vector<16xi32>) semaphore(%arg10 : memref<!tpu.dma_semaphore, #tpu.memory_space<semaphore_mem>>)
    %get3A_61 = arith.constant 6 : i32
    %get3A_62 = arith.index_cast %get3A_61 : i32 to index
    %get3A_63 = arith.constant 0 : index
    %get3A_64 = tpu.vector_load %arg5[%get3A_62, %get3A_63] {strides = array<i32>} : memref<1600x16xi32, #tpu.memory_space<vmem>>, vector<16xi32>,
    %dma_start3A_65 = arith.constant 96 : i32
    %dma_start3A_66 = arith.constant 0 : i32
    %dma_start3A_67 = tpu.memref_slice %arg6[%dma_start3A_65, %dma_start3A_66] : memref<400x32xf32, #tpu.memory_space<vmem>> -> memref<16x32xf32, #tpu.memory_space<vmem>>
    %dma_start3A_68 = arith.constant 0 : i32
    %dma_start3A_69 = arith.constant 0 : i32
    %dma_start3A_70 = tpu.memref_slice %arg3[%dma_start3A_68, %dma_start3A_69] : memref<1000000x32xf32, #tpu.memory_space<hbm>> -> memref<1000000x32xf32, #tpu.memory_space<hbm>>
    tpu.enqueue_indirect_dma source(%dma_start3A_70 : memref<1000000x32xf32, #tpu.memory_space<hbm>>) target(%dma_start3A_67 : memref<16x32xf32, #tpu.memory_space<vmem>>) offsets(%get3A_64 : vector<16xi32>) semaphore(%arg10 : memref<!tpu.dma_semaphore, #tpu.memory_space<semaphore_mem>>)
    %get3A_71 = arith.constant 7 : i32
    %get3A_72 = arith.index_cast %get3A_71 : i32 to index
    %get3A_73 = arith.constant 0 : index
    %get3A_74 = tpu.vector_load %arg5[%get3A_72, %get3A_73] {strides = array<i32>} : memref<1600x16xi32, #tpu.memory_space<vmem>>, vector<16xi32>,
    %dma_start3A_75 = arith.constant 112 : i32
    %dma_start3A_76 = arith.constant 0 : i32
    %dma_start3A_77 = tpu.memref_slice %arg6[%dma_start3A_75, %dma_start3A_76] : memref<400x32xf32, #tpu.memory_space<vmem>> -> memref<16x32xf32, #tpu.memory_space<vmem>>
    %dma_start3A_78 = arith.constant 0 : i32
    %dma_start3A_79 = arith.constant 0 : i32
    %dma_start3A_80 = tpu.memref_slice %arg3[%dma_start3A_78, %dma_start3A_79] : memref<1000000x32xf32, #tpu.memory_space<hbm>> -> memref<1000000x32xf32, #tpu.memory_space<hbm>>
    tpu.enqueue_indirect_dma source(%dma_start3A_80 : memref<1000000x32xf32, #tpu.memory_space<hbm>>) target(%dma_start3A_77 : memref<16x32xf32, #tpu.memory_space<vmem>>) offsets(%get3A_74 : vector<16xi32>) semaphore(%arg10 : memref<!tpu.dma_semaphore, #tpu.memory_space<semaphore_mem>>)
    %get3A_81 = arith.constant 8 : i32
    %get3A_82 = arith.index_cast %get3A_81 : i32 to index
    %get3A_83 = arith.constant 0 : index
    %get3A_84 = tpu.vector_load %arg5[%get3A_82, %get3A_83] {strides = array<i32>} : memref<1600x16xi32, #tpu.memory_space<vmem>>, vector<16xi32>,
    %dma_start3A_85 = arith.constant 128 : i32
    %dma_start3A_86 = arith.constant 0 : i32
    %dma_start3A_87 = tpu.memref_slice %arg6[%dma_start3A_85, %dma_start3A_86] : memref<400x32xf32, #tpu.memory_space<vmem>> -> memref<16x32xf32, #tpu.memory_space<vmem>>
    %dma_start3A_88 = arith.constant 0 : i32
    %dma_start3A_89 = arith.constant 0 : i32
    %dma_start3A_90 = tpu.memref_slice %arg3[%dma_start3A_88, %dma_start3A_89] : memref<1000000x32xf32, #tpu.memory_space<hbm>> -> memref<1000000x32xf32, #tpu.memory_space<hbm>>
    tpu.enqueue_indirect_dma source(%dma_start3A_90 : memref<1000000x32xf32, #tpu.memory_space<hbm>>) target(%dma_start3A_87 : memref<16x32xf32, #tpu.memory_space<vmem>>) offsets(%get3A_84 : vector<16xi32>) semaphore(%arg10 : memref<!tpu.dma_semaphore, #tpu.memory_space<semaphore_mem>>)
    %get3A_91 = arith.constant 9 : i32
    %get3A_92 = arith.index_cast %get3A_91 : i32 to index
    %get3A_93 = arith.constant 0 : index
    %get3A_94 = tpu.vector_load %arg5[%get3A_92, %get3A_93] {strides = array<i32>} : memref<1600x16xi32, #tpu.memory_space<vmem>>, vector<16xi32>,
    %dma_start3A_95 = arith.constant 144 : i32
    %dma_start3A_96 = arith.constant 0 : i32
    %dma_start3A_97 = tpu.memref_slice %arg6[%dma_start3A_95, %dma_start3A_96] : memref<400x32xf32, #tpu.memory_space<vmem>> -> memref<16x32xf32, #tpu.memory_space<vmem>>
    %dma_start3A_98 = arith.constant 0 : i32
    %dma_start3A_99 = arith.constant 0 : i32
    %dma_start3A_100 = tpu.memref_slice %arg3[%dma_start3A_98, %dma_start3A_99] : memref<1000000x32xf32, #tpu.memory_space<hbm>> -> memref<1000000x32xf32, #tpu.memory_space<hbm>>
    tpu.enqueue_indirect_dma source(%dma_start3A_100 : memref<1000000x32xf32, #tpu.memory_space<hbm>>) target(%dma_start3A_97 : memref<16x32xf32, #tpu.memory_space<vmem>>) offsets(%get3A_94 : vector<16xi32>) semaphore(%arg10 : memref<!tpu.dma_semaphore, #tpu.memory_space<semaphore_mem>>)
    %get3A_101 = arith.constant 10 : i32
    %get3A_102 = arith.index_cast %get3A_101 : i32 to index
    %get3A_103 = arith.constant 0 : index
    %get3A_104 = tpu.vector_load %arg5[%get3A_102, %get3A_103] {strides = array<i32>} : memref<1600x16xi32, #tpu.memory_space<vmem>>, vector<16xi32>,
    %dma_start3A_105 = arith.constant 160 : i32
    %dma_start3A_106 = arith.constant 0 : i32
    %dma_start3A_107 = tpu.memref_slice %arg6[%dma_start3A_105, %dma_start3A_106] : memref<400x32xf32, #tpu.memory_space<vmem>> -> memref<16x32xf32, #tpu.memory_space<vmem>>
    %dma_start3A_108 = arith.constant 0 : i32
    %dma_start3A_109 = arith.constant 0 : i32
    %dma_start3A_110 = tpu.memref_slice %arg3[%dma_start3A_108, %dma_start3A_109] : memref<1000000x32xf32, #tpu.memory_space<hbm>> -> memref<1000000x32xf32, #tpu.memory_space<hbm>>
    tpu.enqueue_indirect_dma source(%dma_start3A_110 : memref<1000000x32xf32, #tpu.memory_space<hbm>>) target(%dma_start3A_107 : memref<16x32xf32, #tpu.memory_space<vmem>>) offsets(%get3A_104 : vector<16xi32>) semaphore(%arg10 : memref<!tpu.dma_semaphore, #tpu.memory_space<semaphore_mem>>)
    %get3A_111 = arith.constant 11 : i32
    %get3A_112 = arith.index_cast %get3A_111 : i32 to index
    %get3A_113 = arith.constant 0 : index
    %get3A_114 = tpu.vector_load %arg5[%get3A_112, %get3A_113] {strides = array<i32>} : memref<1600x16xi32, #tpu.memory_space<vmem>>, vector<16xi32>,
    %dma_start3A_115 = arith.constant 176 : i32
    %dma_start3A_116 = arith.constant 0 : i32
    %dma_start3A_117 = tpu.memref_slice %arg6[%dma_start3A_115, %dma_start3A_116] : memref<400x32xf32, #tpu.memory_space<vmem>> -> memref<16x32xf32, #tpu.memory_space<vmem>>
    %dma_start3A_118 = arith.constant 0 : i32
    %dma_start3A_119 = arith.constant 0 : i32
    %dma_start3A_120 = tpu.memref_slice %arg3[%dma_start3A_118, %dma_start3A_119] : memref<1000000x32xf32, #tpu.memory_space<hbm>> -> memref<1000000x32xf32, #tpu.memory_space<hbm>>
    tpu.enqueue_indirect_dma source(%dma_start3A_120 : memref<1000000x32xf32, #tpu.memory_space<hbm>>) target(%dma_start3A_117 : memref<16x32xf32, #tpu.memory_space<vmem>>) offsets(%get3A_114 : vector<16xi32>) semaphore(%arg10 : memref<!tpu.dma_semaphore, #tpu.memory_space<semaphore_mem>>)
    %get3A_121 = arith.constant 12 : i32
    %get3A_122 = arith.index_cast %get3A_121 : i32 to index
    %get3A_123 = arith.constant 0 : index
    %get3A_124 = tpu.vector_load %arg5[%get3A_122, %get3A_123] {strides = array<i32>} : memref<1600x16xi32, #tpu.memory_space<vmem>>, vector<16xi32>,
    %dma_start3A_125 = arith.constant 192 : i32
    %dma_start3A_126 = arith.constant 0 : i32
    %dma_start3A_127 = tpu.memref_slice %arg6[%dma_start3A_125, %dma_start3A_126] : memref<400x32xf32, #tpu.memory_space<vmem>> -> memref<16x32xf32, #tpu.memory_space<vmem>>
    %dma_start3A_128 = arith.constant 0 : i32
    %dma_start3A_129 = arith.constant 0 : i32
    %dma_start3A_130 = tpu.memref_slice %arg3[%dma_start3A_128, %dma_start3A_129] : memref<1000000x32xf32, #tpu.memory_space<hbm>> -> memref<1000000x32xf32, #tpu.memory_space<hbm>>
    tpu.enqueue_indirect_dma source(%dma_start3A_130 : memref<1000000x32xf32, #tpu.memory_space<hbm>>) target(%dma_start3A_127 : memref<16x32xf32, #tpu.memory_space<vmem>>) offsets(%get3A_124 : vector<16xi32>) semaphore(%arg10 : memref<!tpu.dma_semaphore, #tpu.memory_space<semaphore_mem>>)
    %get3A_131 = arith.constant 13 : i32
    %get3A_132 = arith.index_cast %get3A_131 : i32 to index
    %get3A_133 = arith.constant 0 : index
    %get3A_134 = tpu.vector_load %arg5[%get3A_132, %get3A_133] {strides = array<i32>} : memref<1600x16xi32, #tpu.memory_space<vmem>>, vector<16xi32>,
    %dma_start3A_135 = arith.constant 208 : i32
    %dma_start3A_136 = arith.constant 0 : i32
    %dma_start3A_137 = tpu.memref_slice %arg6[%dma_start3A_135, %dma_start3A_136] : memref<400x32xf32, #tpu.memory_space<vmem>> -> memref<16x32xf32, #tpu.memory_space<vmem>>
    %dma_start3A_138 = arith.constant 0 : i32
    %dma_start3A_139 = arith.constant 0 : i32
    %dma_start3A_140 = tpu.memref_slice %arg3[%dma_start3A_138, %dma_start3A_139] : memref<1000000x32xf32, #tpu.memory_space<hbm>> -> memref<1000000x32xf32, #tpu.memory_space<hbm>>
    tpu.enqueue_indirect_dma source(%dma_start3A_140 : memref<1000000x32xf32, #tpu.memory_space<hbm>>) target(%dma_start3A_137 : memref<16x32xf32, #tpu.memory_space<vmem>>) offsets(%get3A_134 : vector<16xi32>) semaphore(%arg10 : memref<!tpu.dma_semaphore, #tpu.memory_space<semaphore_mem>>)
    %get3A_141 = arith.constant 14 : i32
    %get3A_142 = arith.index_cast %get3A_141 : i32 to index
    %get3A_143 = arith.constant 0 : index
    %get3A_144 = tpu.vector_load %arg5[%get3A_142, %get3A_143] {strides = array<i32>} : memref<1600x16xi32, #tpu.memory_space<vmem>>, vector<16xi32>,
    %dma_start3A_145 = arith.constant 224 : i32
    %dma_start3A_146 = arith.constant 0 : i32
    %dma_start3A_147 = tpu.memref_slice %arg6[%dma_start3A_145, %dma_start3A_146] : memref<400x32xf32, #tpu.memory_space<vmem>> -> memref<16x32xf32, #tpu.memory_space<vmem>>
    %dma_start3A_148 = arith.constant 0 : i32
    %dma_start3A_149 = arith.constant 0 : i32
    %dma_start3A_150 = tpu.memref_slice %arg3[%dma_start3A_148, %dma_start3A_149] : memref<1000000x32xf32, #tpu.memory_space<hbm>> -> memref<1000000x32xf32, #tpu.memory_space<hbm>>
    tpu.enqueue_indirect_dma source(%dma_start3A_150 : memref<1000000x32xf32, #tpu.memory_space<hbm>>) target(%dma_start3A_147 : memref<16x32xf32, #tpu.memory_space<vmem>>) offsets(%get3A_144 : vector<16xi32>) semaphore(%arg10 : memref<!tpu.dma_semaphore, #tpu.memory_space<semaphore_mem>>)
    %get3A_151 = arith.constant 15 : i32
    %get3A_152 = arith.index_cast %get3A_151 : i32 to index
    %get3A_153 = arith.constant 0 : index
    %get3A_154 = tpu.vector_load %arg5[%get3A_152, %get3A_153] {strides = array<i32>} : memref<1600x16xi32, #tpu.memory_space<vmem>>, vector<16xi32>,
    %dma_start3A_155 = arith.constant 240 : i32
    %dma_start3A_156 = arith.constant 0 : i32
    %dma_start3A_157 = tpu.memref_slice %arg6[%dma_start3A_155, %dma_start3A_156] : memref<400x32xf32, #tpu.memory_space<vmem>> -> memref<16x32xf32, #tpu.memory_space<vmem>>
    %dma_start3A_158 = arith.constant 0 : i32
    %dma_start3A_159 = arith.constant 0 : i32
    %dma_start3A_160 = tpu.memref_slice %arg3[%dma_start3A_158, %dma_start3A_159] : memref<1000000x32xf32, #tpu.memory_space<hbm>> -> memref<1000000x32xf32, #tpu.memory_space<hbm>>
    tpu.enqueue_indirect_dma source(%dma_start3A_160 : memref<1000000x32xf32, #tpu.memory_space<hbm>>) target(%dma_start3A_157 : memref<16x32xf32, #tpu.memory_space<vmem>>) offsets(%get3A_154 : vector<16xi32>) semaphore(%arg10 : memref<!tpu.dma_semaphore, #tpu.memory_space<semaphore_mem>>)
    %get3A_161 = arith.constant 16 : i32
    %get3A_162 = arith.index_cast %get3A_161 : i32 to index
    %get3A_163 = arith.constant 0 : index
    %get3A_164 = tpu.vector_load %arg5[%get3A_162, %get3A_163] {strides = array<i32>} : memref<1600x16xi32, #tpu.memory_space<vmem>>, vector<16xi32>,
    %dma_start3A_165 = arith.constant 256 : i32
    %dma_start3A_166 = arith.constant 0 : i32
    %dma_start3A_167 = tpu.memref_slice %arg6[%dma_start3A_165, %dma_start3A_166] : memref<400x32xf32, #tpu.memory_space<vmem>> -> memref<16x32xf32, #tpu.memory_space<vmem>>
    %dma_start3A_168 = arith.constant 0 : i32
    %dma_start3A_169 = arith.constant 0 : i32
    %dma_start3A_170 = tpu.memref_slice %arg3[%dma_start3A_168, %dma_start3A_169] : memref<1000000x32xf32, #tpu.memory_space<hbm>> -> memref<1000000x32xf32, #tpu.memory_space<hbm>>
    tpu.enqueue_indirect_dma source(%dma_start3A_170 : memref<1000000x32xf32, #tpu.memory_space<hbm>>) target(%dma_start3A_167 : memref<16x32xf32, #tpu.memory_space<vmem>>) offsets(%get3A_164 : vector<16xi32>) semaphore(%arg10 : memref<!tpu.dma_semaphore, #tpu.memory_space<semaphore_mem>>)
    %get3A_171 = arith.constant 17 : i32
    %get3A_172 = arith.index_cast %get3A_171 : i32 to index
    %get3A_173 = arith.constant 0 : index
    %get3A_174 = tpu.vector_load %arg5[%get3A_172, %get3A_173] {strides = array<i32>} : memref<1600x16xi32, #tpu.memory_space<vmem>>, vector<16xi32>,
    %dma_start3A_175 = arith.constant 272 : i32
    %dma_start3A_176 = arith.constant 0 : i32
    %dma_start3A_177 = tpu.memref_slice %arg6[%dma_start3A_175, %dma_start3A_176] : memref<400x32xf32, #tpu.memory_space<vmem>> -> memref<16x32xf32, #tpu.memory_space<vmem>>
    %dma_start3A_178 = arith.constant 0 : i32
    %dma_start3A_179 = arith.constant 0 : i32
    %dma_start3A_180 = tpu.memref_slice %arg3[%dma_start3A_178, %dma_start3A_179] : memref<1000000x32xf32, #tpu.memory_space<hbm>> -> memref<1000000x32xf32, #tpu.memory_space<hbm>>
    tpu.enqueue_indirect_dma source(%dma_start3A_180 : memref<1000000x32xf32, #tpu.memory_space<hbm>>) target(%dma_start3A_177 : memref<16x32xf32, #tpu.memory_space<vmem>>) offsets(%get3A_174 : vector<16xi32>) semaphore(%arg10 : memref<!tpu.dma_semaphore, #tpu.memory_space<semaphore_mem>>)
    %get3A_181 = arith.constant 18 : i32
    %get3A_182 = arith.index_cast %get3A_181 : i32 to index
    %get3A_183 = arith.constant 0 : index
    %get3A_184 = tpu.vector_load %arg5[%get3A_182, %get3A_183] {strides = array<i32>} : memref<1600x16xi32, #tpu.memory_space<vmem>>, vector<16xi32>,
    %dma_start3A_185 = arith.constant 288 : i32
    %dma_start3A_186 = arith.constant 0 : i32
    %dma_start3A_187 = tpu.memref_slice %arg6[%dma_start3A_185, %dma_start3A_186] : memref<400x32xf32, #tpu.memory_space<vmem>> -> memref<16x32xf32, #tpu.memory_space<vmem>>
    %dma_start3A_188 = arith.constant 0 : i32
    %dma_start3A_189 = arith.constant 0 : i32
    %dma_start3A_190 = tpu.memref_slice %arg3[%dma_start3A_188, %dma_start3A_189] : memref<1000000x32xf32, #tpu.memory_space<hbm>> -> memref<1000000x32xf32, #tpu.memory_space<hbm>>
    tpu.enqueue_indirect_dma source(%dma_start3A_190 : memref<1000000x32xf32, #tpu.memory_space<hbm>>) target(%dma_start3A_187 : memref<16x32xf32, #tpu.memory_space<vmem>>) offsets(%get3A_184 : vector<16xi32>) semaphore(%arg10 : memref<!tpu.dma_semaphore, #tpu.memory_space<semaphore_mem>>)
    %get3A_191 = arith.constant 19 : i32
    %get3A_192 = arith.index_cast %get3A_191 : i32 to index
    %get3A_193 = arith.constant 0 : index
    %get3A_194 = tpu.vector_load %arg5[%get3A_192, %get3A_193] {strides = array<i32>} : memref<1600x16xi32, #tpu.memory_space<vmem>>, vector<16xi32>,
    %dma_start3A_195 = arith.constant 304 : i32
    %dma_start3A_196 = arith.constant 0 : i32
    %dma_start3A_197 = tpu.memref_slice %arg6[%dma_start3A_195, %dma_start3A_196] : memref<400x32xf32, #tpu.memory_space<vmem>> -> memref<16x32xf32, #tpu.memory_space<vmem>>
    %dma_start3A_198 = arith.constant 0 : i32
    %dma_start3A_199 = arith.constant 0 : i32
    %dma_start3A_200 = tpu.memref_slice %arg3[%dma_start3A_198, %dma_start3A_199] : memref<1000000x32xf32, #tpu.memory_space<hbm>> -> memref<1000000x32xf32, #tpu.memory_space<hbm>>
    tpu.enqueue_indirect_dma source(%dma_start3A_200 : memref<1000000x32xf32, #tpu.memory_space<hbm>>) target(%dma_start3A_197 : memref<16x32xf32, #tpu.memory_space<vmem>>) offsets(%get3A_194 : vector<16xi32>) semaphore(%arg10 : memref<!tpu.dma_semaphore, #tpu.memory_space<semaphore_mem>>)
    %get3A_201 = arith.constant 20 : i32
    %get3A_202 = arith.index_cast %get3A_201 : i32 to index
    %get3A_203 = arith.constant 0 : index
    %get3A_204 = tpu.vector_load %arg5[%get3A_202, %get3A_203] {strides = array<i32>} : memref<1600x16xi32, #tpu.memory_space<vmem>>, vector<16xi32>,
    %dma_start3A_205 = arith.constant 320 : i32
    %dma_start3A_206 = arith.constant 0 : i32
    %dma_start3A_207 = tpu.memref_slice %arg6[%dma_start3A_205, %dma_start3A_206] : memref<400x32xf32, #tpu.memory_space<vmem>> -> memref<16x32xf32, #tpu.memory_space<vmem>>
    %dma_start3A_208 = arith.constant 0 : i32
    %dma_start3A_209 = arith.constant 0 : i32
    %dma_start3A_210 = tpu.memref_slice %arg3[%dma_start3A_208, %dma_start3A_209] : memref<1000000x32xf32, #tpu.memory_space<hbm>> -> memref<1000000x32xf32, #tpu.memory_space<hbm>>
    tpu.enqueue_indirect_dma source(%dma_start3A_210 : memref<1000000x32xf32, #tpu.memory_space<hbm>>) target(%dma_start3A_207 : memref<16x32xf32, #tpu.memory_space<vmem>>) offsets(%get3A_204 : vector<16xi32>) semaphore(%arg10 : memref<!tpu.dma_semaphore, #tpu.memory_space<semaphore_mem>>)
    %get3A_211 = arith.constant 21 : i32
    %get3A_212 = arith.index_cast %get3A_211 : i32 to index
    %get3A_213 = arith.constant 0 : index
    %get3A_214 = tpu.vector_load %arg5[%get3A_212, %get3A_213] {strides = array<i32>} : memref<1600x16xi32, #tpu.memory_space<vmem>>, vector<16xi32>,
    %dma_start3A_215 = arith.constant 336 : i32
    %dma_start3A_216 = arith.constant 0 : i32
    %dma_start3A_217 = tpu.memref_slice %arg6[%dma_start3A_215, %dma_start3A_216] : memref<400x32xf32, #tpu.memory_space<vmem>> -> memref<16x32xf32, #tpu.memory_space<vmem>>
    %dma_start3A_218 = arith.constant 0 : i32
    %dma_start3A_219 = arith.constant 0 : i32
    %dma_start3A_220 = tpu.memref_slice %arg3[%dma_start3A_218, %dma_start3A_219] : memref<1000000x32xf32, #tpu.memory_space<hbm>> -> memref<1000000x32xf32, #tpu.memory_space<hbm>>
    tpu.enqueue_indirect_dma source(%dma_start3A_220 : memref<1000000x32xf32, #tpu.memory_space<hbm>>) target(%dma_start3A_217 : memref<16x32xf32, #tpu.memory_space<vmem>>) offsets(%get3A_214 : vector<16xi32>) semaphore(%arg10 : memref<!tpu.dma_semaphore, #tpu.memory_space<semaphore_mem>>)
    %get3A_221 = arith.constant 22 : i32
    %get3A_222 = arith.index_cast %get3A_221 : i32 to index
    %get3A_223 = arith.constant 0 : index
    %get3A_224 = tpu.vector_load %arg5[%get3A_222, %get3A_223] {strides = array<i32>} : memref<1600x16xi32, #tpu.memory_space<vmem>>, vector<16xi32>,
    %dma_start3A_225 = arith.constant 352 : i32
    %dma_start3A_226 = arith.constant 0 : i32
    %dma_start3A_227 = tpu.memref_slice %arg6[%dma_start3A_225, %dma_start3A_226] : memref<400x32xf32, #tpu.memory_space<vmem>> -> memref<16x32xf32, #tpu.memory_space<vmem>>
    %dma_start3A_228 = arith.constant 0 : i32
    %dma_start3A_229 = arith.constant 0 : i32
    %dma_start3A_230 = tpu.memref_slice %arg3[%dma_start3A_228, %dma_start3A_229] : memref<1000000x32xf32, #tpu.memory_space<hbm>> -> memref<1000000x32xf32, #tpu.memory_space<hbm>>
    tpu.enqueue_indirect_dma source(%dma_start3A_230 : memref<1000000x32xf32, #tpu.memory_space<hbm>>) target(%dma_start3A_227 : memref<16x32xf32, #tpu.memory_space<vmem>>) offsets(%get3A_224 : vector<16xi32>) semaphore(%arg10 : memref<!tpu.dma_semaphore, #tpu.memory_space<semaphore_mem>>)
    %get3A_231 = arith.constant 23 : i32
    %get3A_232 = arith.index_cast %get3A_231 : i32 to index
    %get3A_233 = arith.constant 0 : index
    %get3A_234 = tpu.vector_load %arg5[%get3A_232, %get3A_233] {strides = array<i32>} : memref<1600x16xi32, #tpu.memory_space<vmem>>, vector<16xi32>,
    %dma_start3A_235 = arith.constant 368 : i32
    %dma_start3A_236 = arith.constant 0 : i32
    %dma_start3A_237 = tpu.memref_slice %arg6[%dma_start3A_235, %dma_start3A_236] : memref<400x32xf32, #tpu.memory_space<vmem>> -> memref<16x32xf32, #tpu.memory_space<vmem>>
    %dma_start3A_238 = arith.constant 0 : i32
    %dma_start3A_239 = arith.constant 0 : i32
    %dma_start3A_240 = tpu.memref_slice %arg3[%dma_start3A_238, %dma_start3A_239] : memref<1000000x32xf32, #tpu.memory_space<hbm>> -> memref<1000000x32xf32, #tpu.memory_space<hbm>>
    tpu.enqueue_indirect_dma source(%dma_start3A_240 : memref<1000000x32xf32, #tpu.memory_space<hbm>>) target(%dma_start3A_237 : memref<16x32xf32, #tpu.memory_space<vmem>>) offsets(%get3A_234 : vector<16xi32>) semaphore(%arg10 : memref<!tpu.dma_semaphore, #tpu.memory_space<semaphore_mem>>)
    %get3A_241 = arith.constant 24 : i32
    %get3A_242 = arith.index_cast %get3A_241 : i32 to index
    %get3A_243 = arith.constant 0 : index
    %get3A_244 = tpu.vector_load %arg5[%get3A_242, %get3A_243] {strides = array<i32>} : memref<1600x16xi32, #tpu.memory_space<vmem>>, vector<16xi32>,
    %dma_start3A_245 = arith.constant 384 : i32
    %dma_start3A_246 = arith.constant 0 : i32
    %dma_start3A_247 = tpu.memref_slice %arg6[%dma_start3A_245, %dma_start3A_246] : memref<400x32xf32, #tpu.memory_space<vmem>> -> memref<16x32xf32, #tpu.memory_space<vmem>>
    %dma_start3A_248 = arith.constant 0 : i32
    %dma_start3A_249 = arith.constant 0 : i32
    %dma_start3A_250 = tpu.memref_slice %arg3[%dma_start3A_248, %dma_start3A_249] : memref<1000000x32xf32, #tpu.memory_space<hbm>> -> memref<1000000x32xf32, #tpu.memory_space<hbm>>
    tpu.enqueue_indirect_dma source(%dma_start3A_250 : memref<1000000x32xf32, #tpu.memory_space<hbm>>) target(%dma_start3A_247 : memref<16x32xf32, #tpu.memory_space<vmem>>) offsets(%get3A_244 : vector<16xi32>) semaphore(%arg10 : memref<!tpu.dma_semaphore, #tpu.memory_space<semaphore_mem>>)
    %get3A_251 = arith.constant 25 : i32
    %get3A_252 = arith.index_cast %get3A_251 : i32 to index
    %get3A_253 = arith.constant 0 : index
    %get3A_254 = tpu.vector_load %arg5[%get3A_252, %get3A_253] {strides = array<i32>} : memref<1600x16xi32, #tpu.memory_space<vmem>>, vector<16xi32>,
    %dma_start3A_255 = arith.constant 0 : i32
    %dma_start3A_256 = arith.constant 0 : i32
    %dma_start3A_257 = tpu.memref_slice %arg7[%dma_start3A_255, %dma_start3A_256] : memref<400x32xf32, #tpu.memory_space<vmem>> -> memref<16x32xf32, #tpu.memory_space<vmem>>
    %dma_start3A_258 = arith.constant 0 : i32
    %dma_start3A_259 = arith.constant 0 : i32
    %dma_start3A_260 = tpu.memref_slice %arg3[%dma_start3A_258, %dma_start3A_259] : memref<1000000x32xf32, #tpu.memory_space<hbm>> -> memref<1000000x32xf32, #tpu.memory_space<hbm>>
    tpu.enqueue_indirect_dma source(%dma_start3A_260 : memref<1000000x32xf32, #tpu.memory_space<hbm>>) target(%dma_start3A_257 : memref<16x32xf32, #tpu.memory_space<vmem>>) offsets(%get3A_254 : vector<16xi32>) semaphore(%arg11 : memref<!tpu.dma_semaphore, #tpu.memory_space<semaphore_mem>>)
    %get3A_261 = arith.constant 26 : i32
    %get3A_262 = arith.index_cast %get3A_261 : i32 to index
    %get3A_263 = arith.constant 0 : index
    %get3A_264 = tpu.vector_load %arg5[%get3A_262, %get3A_263] {strides = array<i32>} : memref<1600x16xi32, #tpu.memory_space<vmem>>, vector<16xi32>,
    %dma_start3A_265 = arith.constant 16 : i32
    %dma_start3A_266 = arith.constant 0 : i32
    %dma_start3A_267 = tpu.memref_slice %arg7[%dma_start3A_265, %dma_start3A_266] : memref<400x32xf32, #tpu.memory_space<vmem>> -> memref<16x32xf32, #tpu.memory_space<vmem>>
    %dma_start3A_268 = arith.constant 0 : i32
    %dma_start3A_269 = arith.constant 0 : i32
    %dma_start3A_270 = tpu.memref_slice %arg3[%dma_start3A_268, %dma_start3A_269] : memref<1000000x32xf32, #tpu.memory_space<hbm>> -> memref<1000000x32xf32, #tpu.memory_space<hbm>>
    tpu.enqueue_indirect_dma source(%dma_start3A_270 : memref<1000000x32xf32, #tpu.memory_space<hbm>>) target(%dma_start3A_267 : memref<16x32xf32, #tpu.memory_space<vmem>>) offsets(%get3A_264 : vector<16xi32>) semaphore(%arg11 : memref<!tpu.dma_semaphore, #tpu.memory_space<semaphore_mem>>)
    %get3A_271 = arith.constant 27 : i32
    %get3A_272 = arith.index_cast %get3A_271 : i32 to index
    %get3A_273 = arith.constant 0 : index
    %get3A_274 = tpu.vector_load %arg5[%get3A_272, %get3A_273] {strides = array<i32>} : memref<1600x16xi32, #tpu.memory_space<vmem>>, vector<16xi32>,
    %dma_start3A_275 = arith.constant 32 : i32
    %dma_start3A_276 = arith.constant 0 : i32
    %dma_start3A_277 = tpu.memref_slice %arg7[%dma_start3A_275, %dma_start3A_276] : memref<400x32xf32, #tpu.memory_space<vmem>> -> memref<16x32xf32, #tpu.memory_space<vmem>>
    %dma_start3A_278 = arith.constant 0 : i32
    %dma_start3A_279 = arith.constant 0 : i32
    %dma_start3A_280 = tpu.memref_slice %arg3[%dma_start3A_278, %dma_start3A_279] : memref<1000000x32xf32, #tpu.memory_space<hbm>> -> memref<1000000x32xf32, #tpu.memory_space<hbm>>
    tpu.enqueue_indirect_dma source(%dma_start3A_280 : memref<1000000x32xf32, #tpu.memory_space<hbm>>) target(%dma_start3A_277 : memref<16x32xf32, #tpu.memory_space<vmem>>) offsets(%get3A_274 : vector<16xi32>) semaphore(%arg11 : memref<!tpu.dma_semaphore, #tpu.memory_space<semaphore_mem>>)
    %get3A_281 = arith.constant 28 : i32
    %get3A_282 = arith.index_cast %get3A_281 : i32 to index
    %get3A_283 = arith.constant 0 : index
    %get3A_284 = tpu.vector_load %arg5[%get3A_282, %get3A_283] {strides = array<i32>} : memref<1600x16xi32, #tpu.memory_space<vmem>>, vector<16xi32>,
    %dma_start3A_285 = arith.constant 48 : i32
    %dma_start3A_286 = arith.constant 0 : i32
    %dma_start3A_287 = tpu.memref_slice %arg7[%dma_start3A_285, %dma_start3A_286] : memref<400x32xf32, #tpu.memory_space<vmem>> -> memref<16x32xf32, #tpu.memory_space<vmem>>
    %dma_start3A_288 = arith.constant 0 : i32
    %dma_start3A_289 = arith.constant 0 : i32
    %dma_start3A_290 = tpu.memref_slice %arg3[%dma_start3A_288, %dma_start3A_289] : memref<1000000x32xf32, #tpu.memory_space<hbm>> -> memref<1000000x32xf32, #tpu.memory_space<hbm>>
    tpu.enqueue_indirect_dma source(%dma_start3A_290 : memref<1000000x32xf32, #tpu.memory_space<hbm>>) target(%dma_start3A_287 : memref<16x32xf32, #tpu.memory_space<vmem>>) offsets(%get3A_284 : vector<16xi32>) semaphore(%arg11 : memref<!tpu.dma_semaphore, #tpu.memory_space<semaphore_mem>>)
    %get3A_291 = arith.constant 29 : i32
    %get3A_292 = arith.index_cast %get3A_291 : i32 to index
    %get3A_293 = arith.constant 0 : index
    %get3A_294 = tpu.vector_load %arg5[%get3A_292, %get3A_293] {strides = array<i32>} : memref<1600x16xi32, #tpu.memory_space<vmem>>, vector<16xi32>,
    %dma_start3A_295 = arith.constant 64 : i32
    %dma_start3A_296 = arith.constant 0 : i32
    %dma_start3A_297 = tpu.memref_slice %arg7[%dma_start3A_295, %dma_start3A_296] : memref<400x32xf32, #tpu.memory_space<vmem>> -> memref<16x32xf32, #tpu.memory_space<vmem>>
    %dma_start3A_298 = arith.constant 0 : i32
    %dma_start3A_299 = arith.constant 0 : i32
    %dma_start3A_300 = tpu.memref_slice %arg3[%dma_start3A_298, %dma_start3A_299] : memref<1000000x32xf32, #tpu.memory_space<hbm>> -> memref<1000000x32xf32, #tpu.memory_space<hbm>>
    tpu.enqueue_indirect_dma source(%dma_start3A_300 : memref<1000000x32xf32, #tpu.memory_space<hbm>>) target(%dma_start3A_297 : memref<16x32xf32, #tpu.memory_space<vmem>>) offsets(%get3A_294 : vector<16xi32>) semaphore(%arg11 : memref<!tpu.dma_semaphore, #tpu.memory_space<semaphore_mem>>)
    %get3A_301 = arith.constant 30 : i32
    %get3A_302 = arith.index_cast %get3A_301 : i32 to index
    %get3A_303 = arith.constant 0 : index
    %get3A_304 = tpu.vector_load %arg5[%get3A_302, %get3A_303] {strides = array<i32>} : memref<1600x16xi32, #tpu.memory_space<vmem>>, vector<16xi32>,
    %dma_start3A_305 = arith.constant 80 : i32
    %dma_start3A_306 = arith.constant 0 : i32
    %dma_start3A_307 = tpu.memref_slice %arg7[%dma_start3A_305, %dma_start3A_306] : memref<400x32xf32, #tpu.memory_space<vmem>> -> memref<16x32xf32, #tpu.memory_space<vmem>>
    %dma_start3A_308 = arith.constant 0 : i32
    %dma_start3A_309 = arith.constant 0 : i32
    %dma_start3A_310 = tpu.memref_slice %arg3[%dma_start3A_308, %dma_start3A_309] : memref<1000000x32xf32, #tpu.memory_space<hbm>> -> memref<1000000x32xf32, #tpu.memory_space<hbm>>
    tpu.enqueue_indirect_dma source(%dma_start3A_310 : memref<1000000x32xf32, #tpu.memory_space<hbm>>) target(%dma_start3A_307 : memref<16x32xf32, #tpu.memory_space<vmem>>) offsets(%get3A_304 : vector<16xi32>) semaphore(%arg11 : memref<!tpu.dma_semaphore, #tpu.memory_space<semaphore_mem>>)
    %get3A_311 = arith.constant 31 : i32
    %get3A_312 = arith.index_cast %get3A_311 : i32 to index
    %get3A_313 = arith.constant 0 : index
    %get3A_314 = tpu.vector_load %arg5[%get3A_312, %get3A_313] {strides = array<i32>} : memref<1600x16xi32, #tpu.memory_space<vmem>>, vector<16xi32>,
    %dma_start3A_315 = arith.constant 96 : i32
    %dma_start3A_316 = arith.constant 0 : i32
    %dma_start3A_317 = tpu.memref_slice %arg7[%dma_start3A_315, %dma_start3A_316] : memref<400x32xf32, #tpu.memory_space<vmem>> -> memref<16x32xf32, #tpu.memory_space<vmem>>
    %dma_start3A_318 = arith.constant 0 : i32
    %dma_start3A_319 = arith.constant 0 : i32
    %dma_start3A_320 = tpu.memref_slice %arg3[%dma_start3A_318, %dma_start3A_319] : memref<1000000x32xf32, #tpu.memory_space<hbm>> -> memref<1000000x32xf32, #tpu.memory_space<hbm>>
    tpu.enqueue_indirect_dma source(%dma_start3A_320 : memref<1000000x32xf32, #tpu.memory_space<hbm>>) target(%dma_start3A_317 : memref<16x32xf32, #tpu.memory_space<vmem>>) offsets(%get3A_314 : vector<16xi32>) semaphore(%arg11 : memref<!tpu.dma_semaphore, #tpu.memory_space<semaphore_mem>>)
    %get3A_321 = arith.constant 32 : i32
    %get3A_322 = arith.index_cast %get3A_321 : i32 to index
    %get3A_323 = arith.constant 0 : index
    %get3A_324 = tpu.vector_load %arg5[%get3A_322, %get3A_323] {strides = array<i32>} : memref<1600x16xi32, #tpu.memory_space<vmem>>, vector<16xi32>,
    %dma_start3A_325 = arith.constant 112 : i32
    %dma_start3A_326 = arith.constant 0 : i32
    %dma_start3A_327 = tpu.memref_slice %arg7[%dma_start3A_325, %dma_start3A_326] : memref<400x32xf32, #tpu.memory_space<vmem>> -> memref<16x32xf32, #tpu.memory_space<vmem>>
    %dma_start3A_328 = arith.constant 0 : i32
    %dma_start3A_329 = arith.constant 0 : i32
    %dma_start3A_330 = tpu.memref_slice %arg3[%dma_start3A_328, %dma_start3A_329] : memref<1000000x32xf32, #tpu.memory_space<hbm>> -> memref<1000000x32xf32, #tpu.memory_space<hbm>>
    tpu.enqueue_indirect_dma source(%dma_start3A_330 : memref<1000000x32xf32, #tpu.memory_space<hbm>>) target(%dma_start3A_327 : memref<16x32xf32, #tpu.memory_space<vmem>>) offsets(%get3A_324 : vector<16xi32>) semaphore(%arg11 : memref<!tpu.dma_semaphore, #tpu.memory_space<semaphore_mem>>)
    %get3A_331 = arith.constant 33 : i32
    %get3A_332 = arith.index_cast %get3A_331 : i32 to index
    %get3A_333 = arith.constant 0 : index
    %get3A_334 = tpu.vector_load %arg5[%get3A_332, %get3A_333] {strides = array<i32>} : memref<1600x16xi32, #tpu.memory_space<vmem>>, vector<16xi32>,
    %dma_start3A_335 = arith.constant 128 : i32
    %dma_start3A_336 = arith.constant 0 : i32
    %dma_start3A_337 = tpu.memref_slice %arg7[%dma_start3A_335, %dma_start3A_336] : memref<400x32xf32, #tpu.memory_space<vmem>> -> memref<16x32xf32, #tpu.memory_space<vmem>>
    %dma_start3A_338 = arith.constant 0 : i32
    %dma_start3A_339 = arith.constant 0 : i32
    %dma_start3A_340 = tpu.memref_slice %arg3[%dma_start3A_338, %dma_start3A_339] : memref<1000000x32xf32, #tpu.memory_space<hbm>> -> memref<1000000x32xf32, #tpu.memory_space<hbm>>
    tpu.enqueue_indirect_dma source(%dma_start3A_340 : memref<1000000x32xf32, #tpu.memory_space<hbm>>) target(%dma_start3A_337 : memref<16x32xf32, #tpu.memory_space<vmem>>) offsets(%get3A_334 : vector<16xi32>) semaphore(%arg11 : memref<!tpu.dma_semaphore, #tpu.memory_space<semaphore_mem>>)
    %get3A_341 = arith.constant 34 : i32
    %get3A_342 = arith.index_cast %get3A_341 : i32 to index
    %get3A_343 = arith.constant 0 : index
    %get3A_344 = tpu.vector_load %arg5[%get3A_342, %get3A_343] {strides = array<i32>} : memref<1600x16xi32, #tpu.memory_space<vmem>>, vector<16xi32>,
    %dma_start3A_345 = arith.constant 144 : i32
    %dma_start3A_346 = arith.constant 0 : i32
    %dma_start3A_347 = tpu.memref_slice %arg7[%dma_start3A_345, %dma_start3A_346] : memref<400x32xf32, #tpu.memory_space<vmem>> -> memref<16x32xf32, #tpu.memory_space<vmem>>
    %dma_start3A_348 = arith.constant 0 : i32
    %dma_start3A_349 = arith.constant 0 : i32
    %dma_start3A_350 = tpu.memref_slice %arg3[%dma_start3A_348, %dma_start3A_349] : memref<1000000x32xf32, #tpu.memory_space<hbm>> -> memref<1000000x32xf32, #tpu.memory_space<hbm>>
    tpu.enqueue_indirect_dma source(%dma_start3A_350 : memref<1000000x32xf32, #tpu.memory_space<hbm>>) target(%dma_start3A_347 : memref<16x32xf32, #tpu.memory_space<vmem>>) offsets(%get3A_344 : vector<16xi32>) semaphore(%arg11 : memref<!tpu.dma_semaphore, #tpu.memory_space<semaphore_mem>>)
    %get3A_351 = arith.constant 35 : i32
    %get3A_352 = arith.index_cast %get3A_351 : i32 to index
    %get3A_353 = arith.constant 0 : index
    %get3A_354 = tpu.vector_load %arg5[%get3A_352, %get3A_353] {strides = array<i32>} : memref<1600x16xi32, #tpu.memory_space<vmem>>, vector<16xi32>,
    %dma_start3A_355 = arith.constant 160 : i32
    %dma_start3A_356 = arith.constant 0 : i32
    %dma_start3A_357 = tpu.memref_slice %arg7[%dma_start3A_355, %dma_start3A_356] : memref<400x32xf32, #tpu.memory_space<vmem>> -> memref<16x32xf32, #tpu.memory_space<vmem>>
    %dma_start3A_358 = arith.constant 0 : i32
    %dma_start3A_359 = arith.constant 0 : i32
    %dma_start3A_360 = tpu.memref_slice %arg3[%dma_start3A_358, %dma_start3A_359] : memref<1000000x32xf32, #tpu.memory_space<hbm>> -> memref<1000000x32xf32, #tpu.memory_space<hbm>>
    tpu.enqueue_indirect_dma source(%dma_start3A_360 : memref<1000000x32xf32, #tpu.memory_space<hbm>>) target(%dma_start3A_357 : memref<16x32xf32, #tpu.memory_space<vmem>>) offsets(%get3A_354 : vector<16xi32>) semaphore(%arg11 : memref<!tpu.dma_semaphore, #tpu.memory_space<semaphore_mem>>)
    %get3A_361 = arith.constant 36 : i32
    %get3A_362 = arith.index_cast %get3A_361 : i32 to index
    %get3A_363 = arith.constant 0 : index
    %get3A_364 = tpu.vector_load %arg5[%get3A_362, %get3A_363] {strides = array<i32>} : memref<1600x16xi32, #tpu.memory_space<vmem>>, vector<16xi32>,
    %dma_start3A_365 = arith.constant 176 : i32
    %dma_start3A_366 = arith.constant 0 : i32
    %dma_start3A_367 = tpu.memref_slice %arg7[%dma_start3A_365, %dma_start3A_366] : memref<400x32xf32, #tpu.memory_space<vmem>> -> memref<16x32xf32, #tpu.memory_space<vmem>>
    %dma_start3A_368 = arith.constant 0 : i32
    %dma_start3A_369 = arith.constant 0 : i32
    %dma_start3A_370 = tpu.memref_slice %arg3[%dma_start3A_368, %dma_start3A_369] : memref<1000000x32xf32, #tpu.memory_space<hbm>> -> memref<1000000x32xf32, #tpu.memory_space<hbm>>
    tpu.enqueue_indirect_dma source(%dma_start3A_370 : memref<1000000x32xf32, #tpu.memory_space<hbm>>) target(%dma_start3A_367 : memref<16x32xf32, #tpu.memory_space<vmem>>) offsets(%get3A_364 : vector<16xi32>) semaphore(%arg11 : memref<!tpu.dma_semaphore, #tpu.memory_space<semaphore_mem>>)
    %get3A_371 = arith.constant 37 : i32
    %get3A_372 = arith.index_cast %get3A_371 : i32 to index
    %get3A_373 = arith.constant 0 : index
    %get3A_374 = tpu.vector_load %arg5[%get3A_372, %get3A_373] {strides = array<i32>} : memref<1600x16xi32, #tpu.memory_space<vmem>>, vector<16xi32>,
    %dma_start3A_375 = arith.constant 192 : i32
    %dma_start3A_376 = arith.constant 0 : i32
    %dma_start3A_377 = tpu.memref_slice %arg7[%dma_start3A_375, %dma_start3A_376] : memref<400x32xf32, #tpu.memory_space<vmem>> -> memref<16x32xf32, #tpu.memory_space<vmem>>
    %dma_start3A_378 = arith.constant 0 : i32
    %dma_start3A_379 = arith.constant 0 : i32
    %dma_start3A_380 = tpu.memref_slice %arg3[%dma_start3A_378, %dma_start3A_379] : memref<1000000x32xf32, #tpu.memory_space<hbm>> -> memref<1000000x32xf32, #tpu.memory_space<hbm>>
    tpu.enqueue_indirect_dma source(%dma_start3A_380 : memref<1000000x32xf32, #tpu.memory_space<hbm>>) target(%dma_start3A_377 : memref<16x32xf32, #tpu.memory_space<vmem>>) offsets(%get3A_374 : vector<16xi32>) semaphore(%arg11 : memref<!tpu.dma_semaphore, #tpu.memory_space<semaphore_mem>>)
    %get3A_381 = arith.constant 38 : i32
    %get3A_382 = arith.index_cast %get3A_381 : i32 to index
    %get3A_383 = arith.constant 0 : index
    %get3A_384 = tpu.vector_load %arg5[%get3A_382, %get3A_383] {strides = array<i32>} : memref<1600x16xi32, #tpu.memory_space<vmem>>, vector<16xi32>,
    %dma_start3A_385 = arith.constant 208 : i32
    %dma_start3A_386 = arith.constant 0 : i32
    %dma_start3A_387 = tpu.memref_slice %arg7[%dma_start3A_385, %dma_start3A_386] : memref<400x32xf32, #tpu.memory_space<vmem>> -> memref<16x32xf32, #tpu.memory_space<vmem>>
    %dma_start3A_388 = arith.constant 0 : i32
    %dma_start3A_389 = arith.constant 0 : i32
    %dma_start3A_390 = tpu.memref_slice %arg3[%dma_start3A_388, %dma_start3A_389] : memref<1000000x32xf32, #tpu.memory_space<hbm>> -> memref<1000000x32xf32, #tpu.memory_space<hbm>>
    tpu.enqueue_indirect_dma source(%dma_start3A_390 : memref<1000000x32xf32, #tpu.memory_space<hbm>>) target(%dma_start3A_387 : memref<16x32xf32, #tpu.memory_space<vmem>>) offsets(%get3A_384 : vector<16xi32>) semaphore(%arg11 : memref<!tpu.dma_semaphore, #tpu.memory_space<semaphore_mem>>)
    %get3A_391 = arith.constant 39 : i32
    %get3A_392 = arith.index_cast %get3A_391 : i32 to index
    %get3A_393 = arith.constant 0 : index
    %get3A_394 = tpu.vector_load %arg5[%get3A_392, %get3A_393] {strides = array<i32>} : memref<1600x16xi32, #tpu.memory_space<vmem>>, vector<16xi32>,
    %dma_start3A_395 = arith.constant 224 : i32
    %dma_start3A_396 = arith.constant 0 : i32
    %dma_start3A_397 = tpu.memref_slice %arg7[%dma_start3A_395, %dma_start3A_396] : memref<400x32xf32, #tpu.memory_space<vmem>> -> memref<16x32xf32, #tpu.memory_space<vmem>>
    %dma_start3A_398 = arith.constant 0 : i32
    %dma_start3A_399 = arith.constant 0 : i32
    %dma_start3A_400 = tpu.memref_slice %arg3[%dma_start3A_398, %dma_start3A_399] : memref<1000000x32xf32, #tpu.memory_space<hbm>> -> memref<1000000x32xf32, #tpu.memory_space<hbm>>
    tpu.enqueue_indirect_dma source(%dma_start3A_400 : memref<1000000x32xf32, #tpu.memory_space<hbm>>) target(%dma_start3A_397 : memref<16x32xf32, #tpu.memory_space<vmem>>) offsets(%get3A_394 : vector<16xi32>) semaphore(%arg11 : memref<!tpu.dma_semaphore, #tpu.memory_space<semaphore_mem>>)
    %get3A_401 = arith.constant 40 : i32
    %get3A_402 = arith.index_cast %get3A_401 : i32 to index
    %get3A_403 = arith.constant 0 : index
    %get3A_404 = tpu.vector_load %arg5[%get3A_402, %get3A_403] {strides = array<i32>} : memref<1600x16xi32, #tpu.memory_space<vmem>>, vector<16xi32>,
    %dma_start3A_405 = arith.constant 240 : i32
    %dma_start3A_406 = arith.constant 0 : i32
    %dma_start3A_407 = tpu.memref_slice %arg7[%dma_start3A_405, %dma_start3A_406] : memref<400x32xf32, #tpu.memory_space<vmem>> -> memref<16x32xf32, #tpu.memory_space<vmem>>
    %dma_start3A_408 = arith.constant 0 : i32
    %dma_start3A_409 = arith.constant 0 : i32
    %dma_start3A_410 = tpu.memref_slice %arg3[%dma_start3A_408, %dma_start3A_409] : memref<1000000x32xf32, #tpu.memory_space<hbm>> -> memref<1000000x32xf32, #tpu.memory_space<hbm>>
    tpu.enqueue_indirect_dma source(%dma_start3A_410 : memref<1000000x32xf32, #tpu.memory_space<hbm>>) target(%dma_start3A_407 : memref<16x32xf32, #tpu.memory_space<vmem>>) offsets(%get3A_404 : vector<16xi32>) semaphore(%arg11 : memref<!tpu.dma_semaphore, #tpu.memory_space<semaphore_mem>>)
    %get3A_411 = arith.constant 41 : i32
    %get3A_412 = arith.index_cast %get3A_411 : i32 to index
    %get3A_413 = arith.constant 0 : index
    %get3A_414 = tpu.vector_load %arg5[%get3A_412, %get3A_413] {strides = array<i32>} : memref<1600x16xi32, #tpu.memory_space<vmem>>, vector<16xi32>,
    %dma_start3A_415 = arith.constant 256 : i32
    %dma_start3A_416 = arith.constant 0 : i32
    %dma_start3A_417 = tpu.memref_slice %arg7[%dma_start3A_415, %dma_start3A_416] : memref<400x32xf32, #tpu.memory_space<vmem>> -> memref<16x32xf32, #tpu.memory_space<vmem>>
    %dma_start3A_418 = arith.constant 0 : i32
    %dma_start3A_419 = arith.constant 0 : i32
    %dma_start3A_420 = tpu.memref_slice %arg3[%dma_start3A_418, %dma_start3A_419] : memref<1000000x32xf32, #tpu.memory_space<hbm>> -> memref<1000000x32xf32, #tpu.memory_space<hbm>>
    tpu.enqueue_indirect_dma source(%dma_start3A_420 : memref<1000000x32xf32, #tpu.memory_space<hbm>>) target(%dma_start3A_417 : memref<16x32xf32, #tpu.memory_space<vmem>>) offsets(%get3A_414 : vector<16xi32>) semaphore(%arg11 : memref<!tpu.dma_semaphore, #tpu.memory_space<semaphore_mem>>)
    %get3A_421 = arith.constant 42 : i32
    %get3A_422 = arith.index_cast %get3A_421 : i32 to index
    %get3A_423 = arith.constant 0 : index
    %get3A_424 = tpu.vector_load %arg5[%get3A_422, %get3A_423] {strides = array<i32>} : memref<1600x16xi32, #tpu.memory_space<vmem>>, vector<16xi32>,
    %dma_start3A_425 = arith.constant 272 : i32
    %dma_start3A_426 = arith.constant 0 : i32
    %dma_start3A_427 = tpu.memref_slice %arg7[%dma_start3A_425, %dma_start3A_426] : memref<400x32xf32, #tpu.memory_space<vmem>> -> memref<16x32xf32, #tpu.memory_space<vmem>>
    %dma_start3A_428 = arith.constant 0 : i32
    %dma_start3A_429 = arith.constant 0 : i32
    %dma_start3A_430 = tpu.memref_slice %arg3[%dma_start3A_428, %dma_start3A_429] : memref<1000000x32xf32, #tpu.memory_space<hbm>> -> memref<1000000x32xf32, #tpu.memory_space<hbm>>
    tpu.enqueue_indirect_dma source(%dma_start3A_430 : memref<1000000x32xf32, #tpu.memory_space<hbm>>) target(%dma_start3A_427 : memref<16x32xf32, #tpu.memory_space<vmem>>) offsets(%get3A_424 : vector<16xi32>) semaphore(%arg11 : memref<!tpu.dma_semaphore, #tpu.memory_space<semaphore_mem>>)
    %get3A_431 = arith.constant 43 : i32
    %get3A_432 = arith.index_cast %get3A_431 : i32 to index
    %get3A_433 = arith.constant 0 : index
    %get3A_434 = tpu.vector_load %arg5[%get3A_432, %get3A_433] {strides = array<i32>} : memref<1600x16xi32, #tpu.memory_space<vmem>>, vector<16xi32>,
    %dma_start3A_435 = arith.constant 288 : i32
    %dma_start3A_436 = arith.constant 0 : i32
    %dma_start3A_437 = tpu.memref_slice %arg7[%dma_start3A_435, %dma_start3A_436] : memref<400x32xf32, #tpu.memory_space<vmem>> -> memref<16x32xf32, #tpu.memory_space<vmem>>
    %dma_start3A_438 = arith.constant 0 : i32
    %dma_start3A_439 = arith.constant 0 : i32
    %dma_start3A_440 = tpu.memref_slice %arg3[%dma_start3A_438, %dma_start3A_439] : memref<1000000x32xf32, #tpu.memory_space<hbm>> -> memref<1000000x32xf32, #tpu.memory_space<hbm>>
    tpu.enqueue_indirect_dma source(%dma_start3A_440 : memref<1000000x32xf32, #tpu.memory_space<hbm>>) target(%dma_start3A_437 : memref<16x32xf32, #tpu.memory_space<vmem>>) offsets(%get3A_434 : vector<16xi32>) semaphore(%arg11 : memref<!tpu.dma_semaphore, #tpu.memory_space<semaphore_mem>>)
    %get3A_441 = arith.constant 44 : i32
    %get3A_442 = arith.index_cast %get3A_441 : i32 to index
    %get3A_443 = arith.constant 0 : index
    %get3A_444 = tpu.vector_load %arg5[%get3A_442, %get3A_443] {strides = array<i32>} : memref<1600x16xi32, #tpu.memory_space<vmem>>, vector<16xi32>,
    %dma_start3A_445 = arith.constant 304 : i32
    %dma_start3A_446 = arith.constant 0 : i32
    %dma_start3A_447 = tpu.memref_slice %arg7[%dma_start3A_445, %dma_start3A_446] : memref<400x32xf32, #tpu.memory_space<vmem>> -> memref<16x32xf32, #tpu.memory_space<vmem>>
    %dma_start3A_448 = arith.constant 0 : i32
    %dma_start3A_449 = arith.constant 0 : i32
    %dma_start3A_450 = tpu.memref_slice %arg3[%dma_start3A_448, %dma_start3A_449] : memref<1000000x32xf32, #tpu.memory_space<hbm>> -> memref<1000000x32xf32, #tpu.memory_space<hbm>>
    tpu.enqueue_indirect_dma source(%dma_start3A_450 : memref<1000000x32xf32, #tpu.memory_space<hbm>>) target(%dma_start3A_447 : memref<16x32xf32, #tpu.memory_space<vmem>>) offsets(%get3A_444 : vector<16xi32>) semaphore(%arg11 : memref<!tpu.dma_semaphore, #tpu.memory_space<semaphore_mem>>)
    %get3A_451 = arith.constant 45 : i32
    %get3A_452 = arith.index_cast %get3A_451 : i32 to index
    %get3A_453 = arith.constant 0 : index
    %get3A_454 = tpu.vector_load %arg5[%get3A_452, %get3A_453] {strides = array<i32>} : memref<1600x16xi32, #tpu.memory_space<vmem>>, vector<16xi32>,
    %dma_start3A_455 = arith.constant 320 : i32
    %dma_start3A_456 = arith.constant 0 : i32
    %dma_start3A_457 = tpu.memref_slice %arg7[%dma_start3A_455, %dma_start3A_456] : memref<400x32xf32, #tpu.memory_space<vmem>> -> memref<16x32xf32, #tpu.memory_space<vmem>>
    %dma_start3A_458 = arith.constant 0 : i32
    %dma_start3A_459 = arith.constant 0 : i32
    %dma_start3A_460 = tpu.memref_slice %arg3[%dma_start3A_458, %dma_start3A_459] : memref<1000000x32xf32, #tpu.memory_space<hbm>> -> memref<1000000x32xf32, #tpu.memory_space<hbm>>
    tpu.enqueue_indirect_dma source(%dma_start3A_460 : memref<1000000x32xf32, #tpu.memory_space<hbm>>) target(%dma_start3A_457 : memref<16x32xf32, #tpu.memory_space<vmem>>) offsets(%get3A_454 : vector<16xi32>) semaphore(%arg11 : memref<!tpu.dma_semaphore, #tpu.memory_space<semaphore_mem>>)
    %get3A_461 = arith.constant 46 : i32
    %get3A_462 = arith.index_cast %get3A_461 : i32 to index
    %get3A_463 = arith.constant 0 : index
    %get3A_464 = tpu.vector_load %arg5[%get3A_462, %get3A_463] {strides = array<i32>} : memref<1600x16xi32, #tpu.memory_space<vmem>>, vector<16xi32>,
    %dma_start3A_465 = arith.constant 336 : i32
    %dma_start3A_466 = arith.constant 0 : i32
    %dma_start3A_467 = tpu.memref_slice %arg7[%dma_start3A_465, %dma_start3A_466] : memref<400x32xf32, #tpu.memory_space<vmem>> -> memref<16x32xf32, #tpu.memory_space<vmem>>
    %dma_start3A_468 = arith.constant 0 : i32
    %dma_start3A_469 = arith.constant 0 : i32
    %dma_start3A_470 = tpu.memref_slice %arg3[%dma_start3A_468, %dma_start3A_469] : memref<1000000x32xf32, #tpu.memory_space<hbm>> -> memref<1000000x32xf32, #tpu.memory_space<hbm>>
    tpu.enqueue_indirect_dma source(%dma_start3A_470 : memref<1000000x32xf32, #tpu.memory_space<hbm>>) target(%dma_start3A_467 : memref<16x32xf32, #tpu.memory_space<vmem>>) offsets(%get3A_464 : vector<16xi32>) semaphore(%arg11 : memref<!tpu.dma_semaphore, #tpu.memory_space<semaphore_mem>>)
    %get3A_471 = arith.constant 47 : i32
    %get3A_472 = arith.index_cast %get3A_471 : i32 to index
    %get3A_473 = arith.constant 0 : index
    %get3A_474 = tpu.vector_load %arg5[%get3A_472, %get3A_473] {strides = array<i32>} : memref<1600x16xi32, #tpu.memory_space<vmem>>, vector<16xi32>,
    %dma_start3A_475 = arith.constant 352 : i32
    %dma_start3A_476 = arith.constant 0 : i32
    %dma_start3A_477 = tpu.memref_slice %arg7[%dma_start3A_475, %dma_start3A_476] : memref<400x32xf32, #tpu.memory_space<vmem>> -> memref<16x32xf32, #tpu.memory_space<vmem>>
    %dma_start3A_478 = arith.constant 0 : i32
    %dma_start3A_479 = arith.constant 0 : i32
    %dma_start3A_480 = tpu.memref_slice %arg3[%dma_start3A_478, %dma_start3A_479] : memref<1000000x32xf32, #tpu.memory_space<hbm>> -> memref<1000000x32xf32, #tpu.memory_space<hbm>>
    tpu.enqueue_indirect_dma source(%dma_start3A_480 : memref<1000000x32xf32, #tpu.memory_space<hbm>>) target(%dma_start3A_477 : memref<16x32xf32, #tpu.memory_space<vmem>>) offsets(%get3A_474 : vector<16xi32>) semaphore(%arg11 : memref<!tpu.dma_semaphore, #tpu.memory_space<semaphore_mem>>)
    %get3A_481 = arith.constant 48 : i32
    %get3A_482 = arith.index_cast %get3A_481 : i32 to index
    %get3A_483 = arith.constant 0 : index
    %get3A_484 = tpu.vector_load %arg5[%get3A_482, %get3A_483] {strides = array<i32>} : memref<1600x16xi32, #tpu.memory_space<vmem>>, vector<16xi32>,
    %dma_start3A_485 = arith.constant 368 : i32
    %dma_start3A_486 = arith.constant 0 : i32
    %dma_start3A_487 = tpu.memref_slice %arg7[%dma_start3A_485, %dma_start3A_486] : memref<400x32xf32, #tpu.memory_space<vmem>> -> memref<16x32xf32, #tpu.memory_space<vmem>>
    %dma_start3A_488 = arith.constant 0 : i32
    %dma_start3A_489 = arith.constant 0 : i32
    %dma_start3A_490 = tpu.memref_slice %arg3[%dma_start3A_488, %dma_start3A_489] : memref<1000000x32xf32, #tpu.memory_space<hbm>> -> memref<1000000x32xf32, #tpu.memory_space<hbm>>
    tpu.enqueue_indirect_dma source(%dma_start3A_490 : memref<1000000x32xf32, #tpu.memory_space<hbm>>) target(%dma_start3A_487 : memref<16x32xf32, #tpu.memory_space<vmem>>) offsets(%get3A_484 : vector<16xi32>) semaphore(%arg11 : memref<!tpu.dma_semaphore, #tpu.memory_space<semaphore_mem>>)
    %get3A_491 = arith.constant 49 : i32
    %get3A_492 = arith.index_cast %get3A_491 : i32 to index
    %get3A_493 = arith.constant 0 : index
    %get3A_494 = tpu.vector_load %arg5[%get3A_492, %get3A_493] {strides = array<i32>} : memref<1600x16xi32, #tpu.memory_space<vmem>>, vector<16xi32>,
    %dma_start3A_495 = arith.constant 384 : i32
    %dma_start3A_496 = arith.constant 0 : i32
    %dma_start3A_497 = tpu.memref_slice %arg7[%dma_start3A_495, %dma_start3A_496] : memref<400x32xf32, #tpu.memory_space<vmem>> -> memref<16x32xf32, #tpu.memory_space<vmem>>
    %dma_start3A_498 = arith.constant 0 : i32
    %dma_start3A_499 = arith.constant 0 : i32
    %dma_start3A_500 = tpu.memref_slice %arg3[%dma_start3A_498, %dma_start3A_499] : memref<1000000x32xf32, #tpu.memory_space<hbm>> -> memref<1000000x32xf32, #tpu.memory_space<hbm>>
    tpu.enqueue_indirect_dma source(%dma_start3A_500 : memref<1000000x32xf32, #tpu.memory_space<hbm>>) target(%dma_start3A_497 : memref<16x32xf32, #tpu.memory_space<vmem>>) offsets(%get3A_494 : vector<16xi32>) semaphore(%arg11 : memref<!tpu.dma_semaphore, #tpu.memory_space<semaphore_mem>>)
    %scan3A = arith.constant 0 : i32
    %scan3A_501 = arith.constant 0 : i32
    %scan3A_502 = arith.constant 64 : i32
    %scan3A_503 = arith.addi %scan3A_501, %scan3A_502 : i32
    %scan3A_504 = arith.constant 1 : i32
    scf.for %scan3A_521 = %scan3A_501 to %scan3A_503 step %scan3A_504  : i32 {
      %jit3A = arith.constant 2 : i32
      %eq3A = arith.constant 0 : i32
      %eq3A_522 = arith.cmpi eq, %jit3A, %eq3A : i32
      %jit3A_523 = arith.constant 1 : i32
      %select_n3A = arith.select %eq3A_522, %jit3A_523, %jit3A : i32
      %rem3A = arith.remsi %scan3A_521, %select_n3A : i32
      %ne3A = arith.constant 0 : i32
      %ne3A_524 = arith.cmpi ne, %rem3A, %ne3A : i32
      %lt3A = arith.constant 0 : i32
      %lt3A_525 = arith.cmpi slt, %rem3A, %lt3A : i32
      %lt3A_526 = arith.constant 0 : i32
      %lt3A_527 = arith.cmpi slt, %select_n3A, %lt3A_526 : i32
      %ne3A_528 = arith.xori %lt3A_525, %lt3A_527 : i1
      %and3A = arith.andi %ne3A_528, %ne3A_524 : i1
      %add3A_529 = arith.addi %rem3A, %select_n3A : i32
      %select_n3A_530 = arith.select %and3A, %add3A_529, %rem3A : i32
      %eq3A_531 = arith.constant 0 : i32
      %eq3A_532 = arith.cmpi eq, %select_n3A_530, %eq3A_531 : i32
      %convert_element_type3A = arith.extui %eq3A_532 : i1 to i32
      %cond3A = arith.constant 0 : i32
      %cond3A_533 = arith.cmpi ne, %convert_element_type3A, %cond3A : i32
      scf.if %cond3A_533 {
        %dma_wait3A_555 = arith.constant 0 : i32
        %dma_wait3A_556 = arith.constant 0 : i32
        %dma_wait3A_557 = tpu.memref_slice %arg3[%dma_wait3A_555, %dma_wait3A_556] : memref<1000000x32xf32, #tpu.memory_space<hbm>> -> memref<400x32xf32, #tpu.memory_space<hbm>>
        %dma_wait3A_558 = arith.constant 0 : i32
        %dma_wait3A_559 = arith.constant 0 : i32
        %dma_wait3A_560 = tpu.memref_slice %arg3[%dma_wait3A_558, %dma_wait3A_559] : memref<1000000x32xf32, #tpu.memory_space<hbm>> -> memref<400x32xf32, #tpu.memory_space<hbm>>
        tpu.wait_dma2 semaphore(%arg10 : memref<!tpu.dma_semaphore, #tpu.memory_space<semaphore_mem>>) src(%dma_wait3A_560 : memref<400x32xf32, #tpu.memory_space<hbm>>) dst(%arg6 : memref<400x32xf32, #tpu.memory_space<vmem>>)
        %ge3A = arith.constant 2 : i32
        %ge3A_561 = arith.cmpi sge, %scan3A_521, %ge3A : i32
        %convert_element_type3A_562 = arith.extui %ge3A_561 : i1 to i32
        %cond3A_563 = arith.constant 0 : i32
        %cond3A_564 = arith.cmpi ne, %convert_element_type3A_562, %cond3A_563 : i32
        scf.if %cond3A_564 {
          %sub3A = arith.constant 2 : i32
          %sub3A_583 = arith.subi %scan3A_521, %sub3A : i32
          %mul3A_584 = arith.constant 8 : i32
          %mul3A_585 = arith.muli %sub3A_583, %mul3A_584 : i32
          %add3A_586 = arith.addi %mul3A_2, %mul3A_585 : i32
          %dma_wait3A_587 = arith.constant 0 : i32
          %dma_wait3A_588 = arith.constant 0 : i32
          %dma_wait3A_589 = tpu.memref_slice %arg4[%add3A_586, %dma_wait3A_587, %dma_wait3A_588] : memref<16384x50x32xf32, #tpu.memory_space<hbm>> -> memref<8x50x32xf32, #tpu.memory_space<hbm>>
          %dma_wait3A_590 = arith.constant 0 : i32
          %dma_wait3A_591 = arith.constant 0 : i32
          %dma_wait3A_592 = tpu.memref_slice %arg4[%add3A_586, %dma_wait3A_590, %dma_wait3A_591] : memref<16384x50x32xf32, #tpu.memory_space<hbm>> -> memref<8x50x32xf32, #tpu.memory_space<hbm>>
          tpu.wait_dma2 semaphore(%arg12 : memref<!tpu.dma_semaphore, #tpu.memory_space<semaphore_mem>>) src(%arg8 : memref<8x50x32xf32, #tpu.memory_space<vmem>>) dst(%dma_wait3A_592 : memref<8x50x32xf32, #tpu.memory_space<hbm>>)
        } else {
        }
        %parallel_loop3A = arith.constant 0 : i32
        %parallel_loop3A_565 = arith.constant 25 : i32
        %parallel_loop3A_566 = arith.constant 1 : i32
        scf.for %parallel_loop3A_583 = %parallel_loop3A to %parallel_loop3A_565 step %parallel_loop3A_566  : i32 {
          %parallel_loop3A_584 = arith.constant 16 : i32
          %parallel_loop3A_585 = arith.muli %parallel_loop3A_583, %parallel_loop3A_584 : i32
          %parallel_loop3A_586 = vector.broadcast %parallel_loop3A_585 : i32 to vector<16xi32>
          %parallel_loop3A_587 = arith.addi %parallel_loop3A_586, %iota3A : vector<16xi32>
          %parallel_loop3A_588 = arith.constant 1311 : i32
          %parallel_loop3A_589 = vector.broadcast %parallel_loop3A_588 : i32 to vector<16xi32>
          %parallel_loop3A_590 = arith.muli %parallel_loop3A_587, %parallel_loop3A_589 : vector<16xi32>
          %parallel_loop3A_591 = arith.constant 16 : i32
          %parallel_loop3A_592 = vector.broadcast %parallel_loop3A_591 : i32 to vector<16xi32>
          %parallel_loop3A_593 = arith.shrsi %parallel_loop3A_590, %parallel_loop3A_592 : vector<16xi32>
          %parallel_loop3A_594 = arith.constant 50 : i32
          %parallel_loop3A_595 = vector.broadcast %parallel_loop3A_594 : i32 to vector<16xi32>
          %parallel_loop3A_596 = arith.muli %parallel_loop3A_595, %parallel_loop3A_593 : vector<16xi32>
          %parallel_loop3A_597 = arith.subi %parallel_loop3A_587, %parallel_loop3A_596 : vector<16xi32>
          %parallel_loop3A_598 = arith.constant 0 : i32
          %parallel_loop3A_599 = vector.broadcast %parallel_loop3A_598 : i32 to vector<16xi32>
          %parallel_loop3A_600 = tpu.vector_load_idx %arg6[%parallel_loop3A_587, %parallel_loop3A_599] : memref<400x32xf32, #tpu.memory_space<vmem>>[vector<16xi32>, vector<16xi32>], vector<16xf32>,
          %parallel_loop3A_601 = arith.constant 1 : i32
          %parallel_loop3A_602 = vector.broadcast %parallel_loop3A_601 : i32 to vector<16xi32>
          %parallel_loop3A_603 = tpu.vector_load_idx %arg6[%parallel_loop3A_587, %parallel_loop3A_602] : memref<400x32xf32, #tpu.memory_space<vmem>>[vector<16xi32>, vector<16xi32>], vector<16xf32>,
          %parallel_loop3A_604 = arith.constant 2 : i32
          %parallel_loop3A_605 = vector.broadcast %parallel_loop3A_604 : i32 to vector<16xi32>
          %parallel_loop3A_606 = tpu.vector_load_idx %arg6[%parallel_loop3A_587, %parallel_loop3A_605] : memref<400x32xf32, #tpu.memory_space<vmem>>[vector<16xi32>, vector<16xi32>], vector<16xf32>,
          %parallel_loop3A_607 = arith.constant 3 : i32
          %parallel_loop3A_608 = vector.broadcast %parallel_loop3A_607 : i32 to vector<16xi32>
          %parallel_loop3A_609 = tpu.vector_load_idx %arg6[%parallel_loop3A_587, %parallel_loop3A_608] : memref<400x32xf32, #tpu.memory_space<vmem>>[vector<16xi32>, vector<16xi32>], vector<16xf32>,
          %parallel_loop3A_610 = arith.constant 4 : i32
          %parallel_loop3A_611 = vector.broadcast %parallel_loop3A_610 : i32 to vector<16xi32>
          %parallel_loop3A_612 = tpu.vector_load_idx %arg6[%parallel_loop3A_587, %parallel_loop3A_611] : memref<400x32xf32, #tpu.memory_space<vmem>>[vector<16xi32>, vector<16xi32>], vector<16xf32>,
          %parallel_loop3A_613 = arith.constant 5 : i32
          %parallel_loop3A_614 = vector.broadcast %parallel_loop3A_613 : i32 to vector<16xi32>
          %parallel_loop3A_615 = tpu.vector_load_idx %arg6[%parallel_loop3A_587, %parallel_loop3A_614] : memref<400x32xf32, #tpu.memory_space<vmem>>[vector<16xi32>, vector<16xi32>], vector<16xf32>,
          %parallel_loop3A_616 = arith.constant 6 : i32
          %parallel_loop3A_617 = vector.broadcast %parallel_loop3A_616 : i32 to vector<16xi32>
          %parallel_loop3A_618 = tpu.vector_load_idx %arg6[%parallel_loop3A_587, %parallel_loop3A_617] : memref<400x32xf32, #tpu.memory_space<vmem>>[vector<16xi32>, vector<16xi32>], vector<16xf32>,
          %parallel_loop3A_619 = arith.constant 7 : i32
          %parallel_loop3A_620 = vector.broadcast %parallel_loop3A_619 : i32 to vector<16xi32>
          %parallel_loop3A_621 = tpu.vector_load_idx %arg6[%parallel_loop3A_587, %parallel_loop3A_620] : memref<400x32xf32, #tpu.memory_space<vmem>>[vector<16xi32>, vector<16xi32>], vector<16xf32>,
          %parallel_loop3A_622 = arith.constant 8 : i32
          %parallel_loop3A_623 = vector.broadcast %parallel_loop3A_622 : i32 to vector<16xi32>
          %parallel_loop3A_624 = tpu.vector_load_idx %arg6[%parallel_loop3A_587, %parallel_loop3A_623] : memref<400x32xf32, #tpu.memory_space<vmem>>[vector<16xi32>, vector<16xi32>], vector<16xf32>,
          %parallel_loop3A_625 = arith.constant 9 : i32
          %parallel_loop3A_626 = vector.broadcast %parallel_loop3A_625 : i32 to vector<16xi32>
          %parallel_loop3A_627 = tpu.vector_load_idx %arg6[%parallel_loop3A_587, %parallel_loop3A_626] : memref<400x32xf32, #tpu.memory_space<vmem>>[vector<16xi32>, vector<16xi32>], vector<16xf32>,
          %parallel_loop3A_628 = arith.constant 10 : i32
          %parallel_loop3A_629 = vector.broadcast %parallel_loop3A_628 : i32 to vector<16xi32>
          %parallel_loop3A_630 = tpu.vector_load_idx %arg6[%parallel_loop3A_587, %parallel_loop3A_629] : memref<400x32xf32, #tpu.memory_space<vmem>>[vector<16xi32>, vector<16xi32>], vector<16xf32>,
          %parallel_loop3A_631 = arith.constant 11 : i32
          %parallel_loop3A_632 = vector.broadcast %parallel_loop3A_631 : i32 to vector<16xi32>
          %parallel_loop3A_633 = tpu.vector_load_idx %arg6[%parallel_loop3A_587, %parallel_loop3A_632] : memref<400x32xf32, #tpu.memory_space<vmem>>[vector<16xi32>, vector<16xi32>], vector<16xf32>,
          %parallel_loop3A_634 = arith.constant 12 : i32
          %parallel_loop3A_635 = vector.broadcast %parallel_loop3A_634 : i32 to vector<16xi32>
          %parallel_loop3A_636 = tpu.vector_load_idx %arg6[%parallel_loop3A_587, %parallel_loop3A_635] : memref<400x32xf32, #tpu.memory_space<vmem>>[vector<16xi32>, vector<16xi32>], vector<16xf32>,
          %parallel_loop3A_637 = arith.constant 13 : i32
          %parallel_loop3A_638 = vector.broadcast %parallel_loop3A_637 : i32 to vector<16xi32>
          %parallel_loop3A_639 = tpu.vector_load_idx %arg6[%parallel_loop3A_587, %parallel_loop3A_638] : memref<400x32xf32, #tpu.memory_space<vmem>>[vector<16xi32>, vector<16xi32>], vector<16xf32>,
          %parallel_loop3A_640 = arith.constant 14 : i32
          %parallel_loop3A_641 = vector.broadcast %parallel_loop3A_640 : i32 to vector<16xi32>
          %parallel_loop3A_642 = tpu.vector_load_idx %arg6[%parallel_loop3A_587, %parallel_loop3A_641] : memref<400x32xf32, #tpu.memory_space<vmem>>[vector<16xi32>, vector<16xi32>], vector<16xf32>,
          %parallel_loop3A_643 = arith.constant 15 : i32
          %parallel_loop3A_644 = vector.broadcast %parallel_loop3A_643 : i32 to vector<16xi32>
          %parallel_loop3A_645 = tpu.vector_load_idx %arg6[%parallel_loop3A_587, %parallel_loop3A_644] : memref<400x32xf32, #tpu.memory_space<vmem>>[vector<16xi32>, vector<16xi32>], vector<16xf32>,
          %parallel_loop3A_646 = arith.constant 16 : i32
          %parallel_loop3A_647 = vector.broadcast %parallel_loop3A_646 : i32 to vector<16xi32>
          %parallel_loop3A_648 = tpu.vector_load_idx %arg6[%parallel_loop3A_587, %parallel_loop3A_647] : memref<400x32xf32, #tpu.memory_space<vmem>>[vector<16xi32>, vector<16xi32>], vector<16xf32>,
          %parallel_loop3A_649 = arith.constant 17 : i32
          %parallel_loop3A_650 = vector.broadcast %parallel_loop3A_649 : i32 to vector<16xi32>
          %parallel_loop3A_651 = tpu.vector_load_idx %arg6[%parallel_loop3A_587, %parallel_loop3A_650] : memref<400x32xf32, #tpu.memory_space<vmem>>[vector<16xi32>, vector<16xi32>], vector<16xf32>,
          %parallel_loop3A_652 = arith.constant 18 : i32
          %parallel_loop3A_653 = vector.broadcast %parallel_loop3A_652 : i32 to vector<16xi32>
          %parallel_loop3A_654 = tpu.vector_load_idx %arg6[%parallel_loop3A_587, %parallel_loop3A_653] : memref<400x32xf32, #tpu.memory_space<vmem>>[vector<16xi32>, vector<16xi32>], vector<16xf32>,
          %parallel_loop3A_655 = arith.constant 19 : i32
          %parallel_loop3A_656 = vector.broadcast %parallel_loop3A_655 : i32 to vector<16xi32>
          %parallel_loop3A_657 = tpu.vector_load_idx %arg6[%parallel_loop3A_587, %parallel_loop3A_656] : memref<400x32xf32, #tpu.memory_space<vmem>>[vector<16xi32>, vector<16xi32>], vector<16xf32>,
          %parallel_loop3A_658 = arith.constant 20 : i32
          %parallel_loop3A_659 = vector.broadcast %parallel_loop3A_658 : i32 to vector<16xi32>
          %parallel_loop3A_660 = tpu.vector_load_idx %arg6[%parallel_loop3A_587, %parallel_loop3A_659] : memref<400x32xf32, #tpu.memory_space<vmem>>[vector<16xi32>, vector<16xi32>], vector<16xf32>,
          %parallel_loop3A_661 = arith.constant 21 : i32
          %parallel_loop3A_662 = vector.broadcast %parallel_loop3A_661 : i32 to vector<16xi32>
          %parallel_loop3A_663 = tpu.vector_load_idx %arg6[%parallel_loop3A_587, %parallel_loop3A_662] : memref<400x32xf32, #tpu.memory_space<vmem>>[vector<16xi32>, vector<16xi32>], vector<16xf32>,
          %parallel_loop3A_664 = arith.constant 22 : i32
          %parallel_loop3A_665 = vector.broadcast %parallel_loop3A_664 : i32 to vector<16xi32>
          %parallel_loop3A_666 = tpu.vector_load_idx %arg6[%parallel_loop3A_587, %parallel_loop3A_665] : memref<400x32xf32, #tpu.memory_space<vmem>>[vector<16xi32>, vector<16xi32>], vector<16xf32>,
          %parallel_loop3A_667 = arith.constant 23 : i32
          %parallel_loop3A_668 = vector.broadcast %parallel_loop3A_667 : i32 to vector<16xi32>
          %parallel_loop3A_669 = tpu.vector_load_idx %arg6[%parallel_loop3A_587, %parallel_loop3A_668] : memref<400x32xf32, #tpu.memory_space<vmem>>[vector<16xi32>, vector<16xi32>], vector<16xf32>,
          %parallel_loop3A_670 = arith.constant 24 : i32
          %parallel_loop3A_671 = vector.broadcast %parallel_loop3A_670 : i32 to vector<16xi32>
          %parallel_loop3A_672 = tpu.vector_load_idx %arg6[%parallel_loop3A_587, %parallel_loop3A_671] : memref<400x32xf32, #tpu.memory_space<vmem>>[vector<16xi32>, vector<16xi32>], vector<16xf32>,
          %parallel_loop3A_673 = arith.constant 25 : i32
          %parallel_loop3A_674 = vector.broadcast %parallel_loop3A_673 : i32 to vector<16xi32>
          %parallel_loop3A_675 = tpu.vector_load_idx %arg6[%parallel_loop3A_587, %parallel_loop3A_674] : memref<400x32xf32, #tpu.memory_space<vmem>>[vector<16xi32>, vector<16xi32>], vector<16xf32>,
          %parallel_loop3A_676 = arith.constant 26 : i32
          %parallel_loop3A_677 = vector.broadcast %parallel_loop3A_676 : i32 to vector<16xi32>
          %parallel_loop3A_678 = tpu.vector_load_idx %arg6[%parallel_loop3A_587, %parallel_loop3A_677] : memref<400x32xf32, #tpu.memory_space<vmem>>[vector<16xi32>, vector<16xi32>], vector<16xf32>,
          %parallel_loop3A_679 = arith.constant 27 : i32
          %parallel_loop3A_680 = vector.broadcast %parallel_loop3A_679 : i32 to vector<16xi32>
          %parallel_loop3A_681 = tpu.vector_load_idx %arg6[%parallel_loop3A_587, %parallel_loop3A_680] : memref<400x32xf32, #tpu.memory_space<vmem>>[vector<16xi32>, vector<16xi32>], vector<16xf32>,
          %parallel_loop3A_682 = arith.constant 28 : i32
          %parallel_loop3A_683 = vector.broadcast %parallel_loop3A_682 : i32 to vector<16xi32>
          %parallel_loop3A_684 = tpu.vector_load_idx %arg6[%parallel_loop3A_587, %parallel_loop3A_683] : memref<400x32xf32, #tpu.memory_space<vmem>>[vector<16xi32>, vector<16xi32>], vector<16xf32>,
          %parallel_loop3A_685 = arith.constant 29 : i32
          %parallel_loop3A_686 = vector.broadcast %parallel_loop3A_685 : i32 to vector<16xi32>
          %parallel_loop3A_687 = tpu.vector_load_idx %arg6[%parallel_loop3A_587, %parallel_loop3A_686] : memref<400x32xf32, #tpu.memory_space<vmem>>[vector<16xi32>, vector<16xi32>], vector<16xf32>,
          %parallel_loop3A_688 = arith.constant 30 : i32
          %parallel_loop3A_689 = vector.broadcast %parallel_loop3A_688 : i32 to vector<16xi32>
          %parallel_loop3A_690 = tpu.vector_load_idx %arg6[%parallel_loop3A_587, %parallel_loop3A_689] : memref<400x32xf32, #tpu.memory_space<vmem>>[vector<16xi32>, vector<16xi32>], vector<16xf32>,
          %parallel_loop3A_691 = arith.constant 31 : i32
          %parallel_loop3A_692 = vector.broadcast %parallel_loop3A_691 : i32 to vector<16xi32>
          %parallel_loop3A_693 = tpu.vector_load_idx %arg6[%parallel_loop3A_587, %parallel_loop3A_692] : memref<400x32xf32, #tpu.memory_space<vmem>>[vector<16xi32>, vector<16xi32>], vector<16xf32>,
          %parallel_loop3A_694 = arith.constant 0.000000e+00 : f32
          %parallel_loop3A_695 = vector.broadcast %parallel_loop3A_694 : f32 to vector<16xf32>
          %parallel_loop3A_696 = arith.constant 0.000000e+00 : f32
          %parallel_loop3A_697 = vector.broadcast %parallel_loop3A_696 : f32 to vector<16xf32>
          %parallel_loop3A_698 = arith.constant 0.000000e+00 : f32
          %parallel_loop3A_699 = vector.broadcast %parallel_loop3A_698 : f32 to vector<16xf32>
          %parallel_loop3A_700 = arith.constant 0.000000e+00 : f32
          %parallel_loop3A_701 = vector.broadcast %parallel_loop3A_700 : f32 to vector<16xf32>
          %parallel_loop3A_702 = arith.mulf %parallel_loop3A_600, %parallel_loop3A_600 : vector<16xf32>
          %parallel_loop3A_703 = arith.addf %parallel_loop3A_695, %parallel_loop3A_702 : vector<16xf32>
          %parallel_loop3A_704 = arith.mulf %parallel_loop3A_603, %parallel_loop3A_603 : vector<16xf32>
          %parallel_loop3A_705 = arith.addf %parallel_loop3A_697, %parallel_loop3A_704 : vector<16xf32>
          %parallel_loop3A_706 = arith.mulf %parallel_loop3A_606, %parallel_loop3A_606 : vector<16xf32>
          %parallel_loop3A_707 = arith.addf %parallel_loop3A_699, %parallel_loop3A_706 : vector<16xf32>
          %parallel_loop3A_708 = arith.mulf %parallel_loop3A_609, %parallel_loop3A_609 : vector<16xf32>
          %parallel_loop3A_709 = arith.addf %parallel_loop3A_701, %parallel_loop3A_708 : vector<16xf32>
          %parallel_loop3A_710 = arith.mulf %parallel_loop3A_612, %parallel_loop3A_612 : vector<16xf32>
          %parallel_loop3A_711 = arith.addf %parallel_loop3A_703, %parallel_loop3A_710 : vector<16xf32>
          %parallel_loop3A_712 = arith.mulf %parallel_loop3A_615, %parallel_loop3A_615 : vector<16xf32>
          %parallel_loop3A_713 = arith.addf %parallel_loop3A_705, %parallel_loop3A_712 : vector<16xf32>
          %parallel_loop3A_714 = arith.mulf %parallel_loop3A_618, %parallel_loop3A_618 : vector<16xf32>
          %parallel_loop3A_715 = arith.addf %parallel_loop3A_707, %parallel_loop3A_714 : vector<16xf32>
          %parallel_loop3A_716 = arith.mulf %parallel_loop3A_621, %parallel_loop3A_621 : vector<16xf32>
          %parallel_loop3A_717 = arith.addf %parallel_loop3A_709, %parallel_loop3A_716 : vector<16xf32>
          %parallel_loop3A_718 = arith.mulf %parallel_loop3A_624, %parallel_loop3A_624 : vector<16xf32>
          %parallel_loop3A_719 = arith.addf %parallel_loop3A_711, %parallel_loop3A_718 : vector<16xf32>
          %parallel_loop3A_720 = arith.mulf %parallel_loop3A_627, %parallel_loop3A_627 : vector<16xf32>
          %parallel_loop3A_721 = arith.addf %parallel_loop3A_713, %parallel_loop3A_720 : vector<16xf32>
          %parallel_loop3A_722 = arith.mulf %parallel_loop3A_630, %parallel_loop3A_630 : vector<16xf32>
          %parallel_loop3A_723 = arith.addf %parallel_loop3A_715, %parallel_loop3A_722 : vector<16xf32>
          %parallel_loop3A_724 = arith.mulf %parallel_loop3A_633, %parallel_loop3A_633 : vector<16xf32>
          %parallel_loop3A_725 = arith.addf %parallel_loop3A_717, %parallel_loop3A_724 : vector<16xf32>
          %parallel_loop3A_726 = arith.mulf %parallel_loop3A_636, %parallel_loop3A_636 : vector<16xf32>
          %parallel_loop3A_727 = arith.addf %parallel_loop3A_719, %parallel_loop3A_726 : vector<16xf32>
          %parallel_loop3A_728 = arith.mulf %parallel_loop3A_639, %parallel_loop3A_639 : vector<16xf32>
          %parallel_loop3A_729 = arith.addf %parallel_loop3A_721, %parallel_loop3A_728 : vector<16xf32>
          %parallel_loop3A_730 = arith.mulf %parallel_loop3A_642, %parallel_loop3A_642 : vector<16xf32>
          %parallel_loop3A_731 = arith.addf %parallel_loop3A_723, %parallel_loop3A_730 : vector<16xf32>
          %parallel_loop3A_732 = arith.mulf %parallel_loop3A_645, %parallel_loop3A_645 : vector<16xf32>
          %parallel_loop3A_733 = arith.addf %parallel_loop3A_725, %parallel_loop3A_732 : vector<16xf32>
          %parallel_loop3A_734 = arith.mulf %parallel_loop3A_648, %parallel_loop3A_648 : vector<16xf32>
          %parallel_loop3A_735 = arith.addf %parallel_loop3A_727, %parallel_loop3A_734 : vector<16xf32>
          %parallel_loop3A_736 = arith.mulf %parallel_loop3A_651, %parallel_loop3A_651 : vector<16xf32>
          %parallel_loop3A_737 = arith.addf %parallel_loop3A_729, %parallel_loop3A_736 : vector<16xf32>
          %parallel_loop3A_738 = arith.mulf %parallel_loop3A_654, %parallel_loop3A_654 : vector<16xf32>
          %parallel_loop3A_739 = arith.addf %parallel_loop3A_731, %parallel_loop3A_738 : vector<16xf32>
          %parallel_loop3A_740 = arith.mulf %parallel_loop3A_657, %parallel_loop3A_657 : vector<16xf32>
          %parallel_loop3A_741 = arith.addf %parallel_loop3A_733, %parallel_loop3A_740 : vector<16xf32>
          %parallel_loop3A_742 = arith.mulf %parallel_loop3A_660, %parallel_loop3A_660 : vector<16xf32>
          %parallel_loop3A_743 = arith.addf %parallel_loop3A_735, %parallel_loop3A_742 : vector<16xf32>
          %parallel_loop3A_744 = arith.mulf %parallel_loop3A_663, %parallel_loop3A_663 : vector<16xf32>
          %parallel_loop3A_745 = arith.addf %parallel_loop3A_737, %parallel_loop3A_744 : vector<16xf32>
          %parallel_loop3A_746 = arith.mulf %parallel_loop3A_666, %parallel_loop3A_666 : vector<16xf32>
          %parallel_loop3A_747 = arith.addf %parallel_loop3A_739, %parallel_loop3A_746 : vector<16xf32>
          %parallel_loop3A_748 = arith.mulf %parallel_loop3A_669, %parallel_loop3A_669 : vector<16xf32>
          %parallel_loop3A_749 = arith.addf %parallel_loop3A_741, %parallel_loop3A_748 : vector<16xf32>
          %parallel_loop3A_750 = arith.mulf %parallel_loop3A_672, %parallel_loop3A_672 : vector<16xf32>
          %parallel_loop3A_751 = arith.addf %parallel_loop3A_743, %parallel_loop3A_750 : vector<16xf32>
          %parallel_loop3A_752 = arith.mulf %parallel_loop3A_675, %parallel_loop3A_675 : vector<16xf32>
          %parallel_loop3A_753 = arith.addf %parallel_loop3A_745, %parallel_loop3A_752 : vector<16xf32>
          %parallel_loop3A_754 = arith.mulf %parallel_loop3A_678, %parallel_loop3A_678 : vector<16xf32>
          %parallel_loop3A_755 = arith.addf %parallel_loop3A_747, %parallel_loop3A_754 : vector<16xf32>
          %parallel_loop3A_756 = arith.mulf %parallel_loop3A_681, %parallel_loop3A_681 : vector<16xf32>
          %parallel_loop3A_757 = arith.addf %parallel_loop3A_749, %parallel_loop3A_756 : vector<16xf32>
          %parallel_loop3A_758 = arith.mulf %parallel_loop3A_684, %parallel_loop3A_684 : vector<16xf32>
          %parallel_loop3A_759 = arith.addf %parallel_loop3A_751, %parallel_loop3A_758 : vector<16xf32>
          %parallel_loop3A_760 = arith.mulf %parallel_loop3A_687, %parallel_loop3A_687 : vector<16xf32>
          %parallel_loop3A_761 = arith.addf %parallel_loop3A_753, %parallel_loop3A_760 : vector<16xf32>
          %parallel_loop3A_762 = arith.mulf %parallel_loop3A_690, %parallel_loop3A_690 : vector<16xf32>
          %parallel_loop3A_763 = arith.addf %parallel_loop3A_755, %parallel_loop3A_762 : vector<16xf32>
          %parallel_loop3A_764 = arith.mulf %parallel_loop3A_693, %parallel_loop3A_693 : vector<16xf32>
          %parallel_loop3A_765 = arith.addf %parallel_loop3A_757, %parallel_loop3A_764 : vector<16xf32>
          %parallel_loop3A_766 = arith.addf %parallel_loop3A_759, %parallel_loop3A_761 : vector<16xf32>
          %parallel_loop3A_767 = arith.addf %parallel_loop3A_763, %parallel_loop3A_765 : vector<16xf32>
          %parallel_loop3A_768 = arith.addf %parallel_loop3A_766, %parallel_loop3A_767 : vector<16xf32>
          %parallel_loop3A_769 = arith.constant 1.000000e-24 : f32
          %parallel_loop3A_770 = vector.broadcast %parallel_loop3A_769 : f32 to vector<16xf32>
          %parallel_loop3A_771 = arith.maximumf %parallel_loop3A_768, %parallel_loop3A_770 : vector<16xf32>
          %parallel_loop3A_772 = vector.bitcast %parallel_loop3A_771 : vector<16xf32> to vector<16xi32>
          %parallel_loop3A_773 = arith.constant 1 : i32
          %parallel_loop3A_774 = vector.broadcast %parallel_loop3A_773 : i32 to vector<16xi32>
          %parallel_loop3A_775 = arith.shrsi %parallel_loop3A_772, %parallel_loop3A_774 : vector<16xi32>
          %parallel_loop3A_776 = arith.constant 1597463007 : i32
          %parallel_loop3A_777 = vector.broadcast %parallel_loop3A_776 : i32 to vector<16xi32>
          %parallel_loop3A_778 = arith.subi %parallel_loop3A_777, %parallel_loop3A_775 : vector<16xi32>
          %parallel_loop3A_779 = vector.bitcast %parallel_loop3A_778 : vector<16xi32> to vector<16xf32>
          %parallel_loop3A_780 = arith.constant 5.000000e-01 : f32
          %parallel_loop3A_781 = vector.broadcast %parallel_loop3A_780 : f32 to vector<16xf32>
          %parallel_loop3A_782 = arith.mulf %parallel_loop3A_771, %parallel_loop3A_781 : vector<16xf32>
          %parallel_loop3A_783 = arith.mulf %parallel_loop3A_782, %parallel_loop3A_779 : vector<16xf32>
          %parallel_loop3A_784 = arith.mulf %parallel_loop3A_783, %parallel_loop3A_779 : vector<16xf32>
          %parallel_loop3A_785 = arith.constant 1.500000e+00 : f32
          %parallel_loop3A_786 = vector.broadcast %parallel_loop3A_785 : f32 to vector<16xf32>
          %parallel_loop3A_787 = arith.subf %parallel_loop3A_786, %parallel_loop3A_784 : vector<16xf32>
          %parallel_loop3A_788 = arith.mulf %parallel_loop3A_779, %parallel_loop3A_787 : vector<16xf32>
          %parallel_loop3A_789 = arith.mulf %parallel_loop3A_782, %parallel_loop3A_788 : vector<16xf32>
          %parallel_loop3A_790 = arith.mulf %parallel_loop3A_789, %parallel_loop3A_788 : vector<16xf32>
          %parallel_loop3A_791 = arith.constant 1.500000e+00 : f32
          %parallel_loop3A_792 = vector.broadcast %parallel_loop3A_791 : f32 to vector<16xf32>
          %parallel_loop3A_793 = arith.subf %parallel_loop3A_792, %parallel_loop3A_790 : vector<16xf32>
          %parallel_loop3A_794 = arith.mulf %parallel_loop3A_788, %parallel_loop3A_793 : vector<16xf32>
          %parallel_loop3A_795 = arith.mulf %parallel_loop3A_782, %parallel_loop3A_794 : vector<16xf32>
          %parallel_loop3A_796 = arith.mulf %parallel_loop3A_795, %parallel_loop3A_794 : vector<16xf32>
          %parallel_loop3A_797 = arith.constant 1.500000e+00 : f32
          %parallel_loop3A_798 = vector.broadcast %parallel_loop3A_797 : f32 to vector<16xf32>
          %parallel_loop3A_799 = arith.subf %parallel_loop3A_798, %parallel_loop3A_796 : vector<16xf32>
          %parallel_loop3A_800 = arith.mulf %parallel_loop3A_794, %parallel_loop3A_799 : vector<16xf32>
          %parallel_loop3A_801 = arith.constant 0 : i32
          %parallel_loop3A_802 = vector.broadcast %parallel_loop3A_801 : i32 to vector<16xi32>
          %parallel_loop3A_803 = arith.mulf %parallel_loop3A_600, %parallel_loop3A_800 : vector<16xf32>
          tpu.vector_store_idx %arg8[%parallel_loop3A_593, %parallel_loop3A_597, %parallel_loop3A_802], %parallel_loop3A_803 : memref<8x50x32xf32, #tpu.memory_space<vmem>>[vector<16xi32>, vector<16xi32>, vector<16xi32>], vector<16xf32>,
          %parallel_loop3A_804 = arith.constant 1 : i32
          %parallel_loop3A_805 = vector.broadcast %parallel_loop3A_804 : i32 to vector<16xi32>
          %parallel_loop3A_806 = arith.mulf %parallel_loop3A_603, %parallel_loop3A_800 : vector<16xf32>
          tpu.vector_store_idx %arg8[%parallel_loop3A_593, %parallel_loop3A_597, %parallel_loop3A_805], %parallel_loop3A_806 : memref<8x50x32xf32, #tpu.memory_space<vmem>>[vector<16xi32>, vector<16xi32>, vector<16xi32>], vector<16xf32>,
          %parallel_loop3A_807 = arith.constant 2 : i32
          %parallel_loop3A_808 = vector.broadcast %parallel_loop3A_807 : i32 to vector<16xi32>
          %parallel_loop3A_809 = arith.mulf %parallel_loop3A_606, %parallel_loop3A_800 : vector<16xf32>
          tpu.vector_store_idx %arg8[%parallel_loop3A_593, %parallel_loop3A_597, %parallel_loop3A_808], %parallel_loop3A_809 : memref<8x50x32xf32, #tpu.memory_space<vmem>>[vector<16xi32>, vector<16xi32>, vector<16xi32>], vector<16xf32>,
          %parallel_loop3A_810 = arith.constant 3 : i32
          %parallel_loop3A_811 = vector.broadcast %parallel_loop3A_810 : i32 to vector<16xi32>
          %parallel_loop3A_812 = arith.mulf %parallel_loop3A_609, %parallel_loop3A_800 : vector<16xf32>
          tpu.vector_store_idx %arg8[%parallel_loop3A_593, %parallel_loop3A_597, %parallel_loop3A_811], %parallel_loop3A_812 : memref<8x50x32xf32, #tpu.memory_space<vmem>>[vector<16xi32>, vector<16xi32>, vector<16xi32>], vector<16xf32>,
          %parallel_loop3A_813 = arith.constant 4 : i32
          %parallel_loop3A_814 = vector.broadcast %parallel_loop3A_813 : i32 to vector<16xi32>
          %parallel_loop3A_815 = arith.mulf %parallel_loop3A_612, %parallel_loop3A_800 : vector<16xf32>
          tpu.vector_store_idx %arg8[%parallel_loop3A_593, %parallel_loop3A_597, %parallel_loop3A_814], %parallel_loop3A_815 : memref<8x50x32xf32, #tpu.memory_space<vmem>>[vector<16xi32>, vector<16xi32>, vector<16xi32>], vector<16xf32>,
          %parallel_loop3A_816 = arith.constant 5 : i32
          %parallel_loop3A_817 = vector.broadcast %parallel_loop3A_816 : i32 to vector<16xi32>
          %parallel_loop3A_818 = arith.mulf %parallel_loop3A_615, %parallel_loop3A_800 : vector<16xf32>
          tpu.vector_store_idx %arg8[%parallel_loop3A_593, %parallel_loop3A_597, %parallel_loop3A_817], %parallel_loop3A_818 : memref<8x50x32xf32, #tpu.memory_space<vmem>>[vector<16xi32>, vector<16xi32>, vector<16xi32>], vector<16xf32>,
          %parallel_loop3A_819 = arith.constant 6 : i32
          %parallel_loop3A_820 = vector.broadcast %parallel_loop3A_819 : i32 to vector<16xi32>
          %parallel_loop3A_821 = arith.mulf %parallel_loop3A_618, %parallel_loop3A_800 : vector<16xf32>
          tpu.vector_store_idx %arg8[%parallel_loop3A_593, %parallel_loop3A_597, %parallel_loop3A_820], %parallel_loop3A_821 : memref<8x50x32xf32, #tpu.memory_space<vmem>>[vector<16xi32>, vector<16xi32>, vector<16xi32>], vector<16xf32>,
          %parallel_loop3A_822 = arith.constant 7 : i32
          %parallel_loop3A_823 = vector.broadcast %parallel_loop3A_822 : i32 to vector<16xi32>
          %parallel_loop3A_824 = arith.mulf %parallel_loop3A_621, %parallel_loop3A_800 : vector<16xf32>
          tpu.vector_store_idx %arg8[%parallel_loop3A_593, %parallel_loop3A_597, %parallel_loop3A_823], %parallel_loop3A_824 : memref<8x50x32xf32, #tpu.memory_space<vmem>>[vector<16xi32>, vector<16xi32>, vector<16xi32>], vector<16xf32>,
          %parallel_loop3A_825 = arith.constant 8 : i32
          %parallel_loop3A_826 = vector.broadcast %parallel_loop3A_825 : i32 to vector<16xi32>
          %parallel_loop3A_827 = arith.mulf %parallel_loop3A_624, %parallel_loop3A_800 : vector<16xf32>
          tpu.vector_store_idx %arg8[%parallel_loop3A_593, %parallel_loop3A_597, %parallel_loop3A_826], %parallel_loop3A_827 : memref<8x50x32xf32, #tpu.memory_space<vmem>>[vector<16xi32>, vector<16xi32>, vector<16xi32>], vector<16xf32>,
          %parallel_loop3A_828 = arith.constant 9 : i32
          %parallel_loop3A_829 = vector.broadcast %parallel_loop3A_828 : i32 to vector<16xi32>
          %parallel_loop3A_830 = arith.mulf %parallel_loop3A_627, %parallel_loop3A_800 : vector<16xf32>
          tpu.vector_store_idx %arg8[%parallel_loop3A_593, %parallel_loop3A_597, %parallel_loop3A_829], %parallel_loop3A_830 : memref<8x50x32xf32, #tpu.memory_space<vmem>>[vector<16xi32>, vector<16xi32>, vector<16xi32>], vector<16xf32>,
          %parallel_loop3A_831 = arith.constant 10 : i32
          %parallel_loop3A_832 = vector.broadcast %parallel_loop3A_831 : i32 to vector<16xi32>
          %parallel_loop3A_833 = arith.mulf %parallel_loop3A_630, %parallel_loop3A_800 : vector<16xf32>
          tpu.vector_store_idx %arg8[%parallel_loop3A_593, %parallel_loop3A_597, %parallel_loop3A_832], %parallel_loop3A_833 : memref<8x50x32xf32, #tpu.memory_space<vmem>>[vector<16xi32>, vector<16xi32>, vector<16xi32>], vector<16xf32>,
          %parallel_loop3A_834 = arith.constant 11 : i32
          %parallel_loop3A_835 = vector.broadcast %parallel_loop3A_834 : i32 to vector<16xi32>
          %parallel_loop3A_836 = arith.mulf %parallel_loop3A_633, %parallel_loop3A_800 : vector<16xf32>
          tpu.vector_store_idx %arg8[%parallel_loop3A_593, %parallel_loop3A_597, %parallel_loop3A_835], %parallel_loop3A_836 : memref<8x50x32xf32, #tpu.memory_space<vmem>>[vector<16xi32>, vector<16xi32>, vector<16xi32>], vector<16xf32>,
          %parallel_loop3A_837 = arith.constant 12 : i32
          %parallel_loop3A_838 = vector.broadcast %parallel_loop3A_837 : i32 to vector<16xi32>
          %parallel_loop3A_839 = arith.mulf %parallel_loop3A_636, %parallel_loop3A_800 : vector<16xf32>
          tpu.vector_store_idx %arg8[%parallel_loop3A_593, %parallel_loop3A_597, %parallel_loop3A_838], %parallel_loop3A_839 : memref<8x50x32xf32, #tpu.memory_space<vmem>>[vector<16xi32>, vector<16xi32>, vector<16xi32>], vector<16xf32>,
          %parallel_loop3A_840 = arith.constant 13 : i32
          %parallel_loop3A_841 = vector.broadcast %parallel_loop3A_840 : i32 to vector<16xi32>
          %parallel_loop3A_842 = arith.mulf %parallel_loop3A_639, %parallel_loop3A_800 : vector<16xf32>
          tpu.vector_store_idx %arg8[%parallel_loop3A_593, %parallel_loop3A_597, %parallel_loop3A_841], %parallel_loop3A_842 : memref<8x50x32xf32, #tpu.memory_space<vmem>>[vector<16xi32>, vector<16xi32>, vector<16xi32>], vector<16xf32>,
          %parallel_loop3A_843 = arith.constant 14 : i32
          %parallel_loop3A_844 = vector.broadcast %parallel_loop3A_843 : i32 to vector<16xi32>
          %parallel_loop3A_845 = arith.mulf %parallel_loop3A_642, %parallel_loop3A_800 : vector<16xf32>
          tpu.vector_store_idx %arg8[%parallel_loop3A_593, %parallel_loop3A_597, %parallel_loop3A_844], %parallel_loop3A_845 : memref<8x50x32xf32, #tpu.memory_space<vmem>>[vector<16xi32>, vector<16xi32>, vector<16xi32>], vector<16xf32>,
          %parallel_loop3A_846 = arith.constant 15 : i32
          %parallel_loop3A_847 = vector.broadcast %parallel_loop3A_846 : i32 to vector<16xi32>
          %parallel_loop3A_848 = arith.mulf %parallel_loop3A_645, %parallel_loop3A_800 : vector<16xf32>
          tpu.vector_store_idx %arg8[%parallel_loop3A_593, %parallel_loop3A_597, %parallel_loop3A_847], %parallel_loop3A_848 : memref<8x50x32xf32, #tpu.memory_space<vmem>>[vector<16xi32>, vector<16xi32>, vector<16xi32>], vector<16xf32>,
          %parallel_loop3A_849 = arith.constant 16 : i32
          %parallel_loop3A_850 = vector.broadcast %parallel_loop3A_849 : i32 to vector<16xi32>
          %parallel_loop3A_851 = arith.mulf %parallel_loop3A_648, %parallel_loop3A_800 : vector<16xf32>
          tpu.vector_store_idx %arg8[%parallel_loop3A_593, %parallel_loop3A_597, %parallel_loop3A_850], %parallel_loop3A_851 : memref<8x50x32xf32, #tpu.memory_space<vmem>>[vector<16xi32>, vector<16xi32>, vector<16xi32>], vector<16xf32>,
          %parallel_loop3A_852 = arith.constant 17 : i32
          %parallel_loop3A_853 = vector.broadcast %parallel_loop3A_852 : i32 to vector<16xi32>
          %parallel_loop3A_854 = arith.mulf %parallel_loop3A_651, %parallel_loop3A_800 : vector<16xf32>
          tpu.vector_store_idx %arg8[%parallel_loop3A_593, %parallel_loop3A_597, %parallel_loop3A_853], %parallel_loop3A_854 : memref<8x50x32xf32, #tpu.memory_space<vmem>>[vector<16xi32>, vector<16xi32>, vector<16xi32>], vector<16xf32>,
          %parallel_loop3A_855 = arith.constant 18 : i32
          %parallel_loop3A_856 = vector.broadcast %parallel_loop3A_855 : i32 to vector<16xi32>
          %parallel_loop3A_857 = arith.mulf %parallel_loop3A_654, %parallel_loop3A_800 : vector<16xf32>
          tpu.vector_store_idx %arg8[%parallel_loop3A_593, %parallel_loop3A_597, %parallel_loop3A_856], %parallel_loop3A_857 : memref<8x50x32xf32, #tpu.memory_space<vmem>>[vector<16xi32>, vector<16xi32>, vector<16xi32>], vector<16xf32>,
          %parallel_loop3A_858 = arith.constant 19 : i32
          %parallel_loop3A_859 = vector.broadcast %parallel_loop3A_858 : i32 to vector<16xi32>
          %parallel_loop3A_860 = arith.mulf %parallel_loop3A_657, %parallel_loop3A_800 : vector<16xf32>
          tpu.vector_store_idx %arg8[%parallel_loop3A_593, %parallel_loop3A_597, %parallel_loop3A_859], %parallel_loop3A_860 : memref<8x50x32xf32, #tpu.memory_space<vmem>>[vector<16xi32>, vector<16xi32>, vector<16xi32>], vector<16xf32>,
          %parallel_loop3A_861 = arith.constant 20 : i32
          %parallel_loop3A_862 = vector.broadcast %parallel_loop3A_861 : i32 to vector<16xi32>
          %parallel_loop3A_863 = arith.mulf %parallel_loop3A_660, %parallel_loop3A_800 : vector<16xf32>
          tpu.vector_store_idx %arg8[%parallel_loop3A_593, %parallel_loop3A_597, %parallel_loop3A_862], %parallel_loop3A_863 : memref<8x50x32xf32, #tpu.memory_space<vmem>>[vector<16xi32>, vector<16xi32>, vector<16xi32>], vector<16xf32>,
          %parallel_loop3A_864 = arith.constant 21 : i32
          %parallel_loop3A_865 = vector.broadcast %parallel_loop3A_864 : i32 to vector<16xi32>
          %parallel_loop3A_866 = arith.mulf %parallel_loop3A_663, %parallel_loop3A_800 : vector<16xf32>
          tpu.vector_store_idx %arg8[%parallel_loop3A_593, %parallel_loop3A_597, %parallel_loop3A_865], %parallel_loop3A_866 : memref<8x50x32xf32, #tpu.memory_space<vmem>>[vector<16xi32>, vector<16xi32>, vector<16xi32>], vector<16xf32>,
          %parallel_loop3A_867 = arith.constant 22 : i32
          %parallel_loop3A_868 = vector.broadcast %parallel_loop3A_867 : i32 to vector<16xi32>
          %parallel_loop3A_869 = arith.mulf %parallel_loop3A_666, %parallel_loop3A_800 : vector<16xf32>
          tpu.vector_store_idx %arg8[%parallel_loop3A_593, %parallel_loop3A_597, %parallel_loop3A_868], %parallel_loop3A_869 : memref<8x50x32xf32, #tpu.memory_space<vmem>>[vector<16xi32>, vector<16xi32>, vector<16xi32>], vector<16xf32>,
          %parallel_loop3A_870 = arith.constant 23 : i32
          %parallel_loop3A_871 = vector.broadcast %parallel_loop3A_870 : i32 to vector<16xi32>
          %parallel_loop3A_872 = arith.mulf %parallel_loop3A_669, %parallel_loop3A_800 : vector<16xf32>
          tpu.vector_store_idx %arg8[%parallel_loop3A_593, %parallel_loop3A_597, %parallel_loop3A_871], %parallel_loop3A_872 : memref<8x50x32xf32, #tpu.memory_space<vmem>>[vector<16xi32>, vector<16xi32>, vector<16xi32>], vector<16xf32>,
          %parallel_loop3A_873 = arith.constant 24 : i32
          %parallel_loop3A_874 = vector.broadcast %parallel_loop3A_873 : i32 to vector<16xi32>
          %parallel_loop3A_875 = arith.mulf %parallel_loop3A_672, %parallel_loop3A_800 : vector<16xf32>
          tpu.vector_store_idx %arg8[%parallel_loop3A_593, %parallel_loop3A_597, %parallel_loop3A_874], %parallel_loop3A_875 : memref<8x50x32xf32, #tpu.memory_space<vmem>>[vector<16xi32>, vector<16xi32>, vector<16xi32>], vector<16xf32>,
          %parallel_loop3A_876 = arith.constant 25 : i32
          %parallel_loop3A_877 = vector.broadcast %parallel_loop3A_876 : i32 to vector<16xi32>
          %parallel_loop3A_878 = arith.mulf %parallel_loop3A_675, %parallel_loop3A_800 : vector<16xf32>
          tpu.vector_store_idx %arg8[%parallel_loop3A_593, %parallel_loop3A_597, %parallel_loop3A_877], %parallel_loop3A_878 : memref<8x50x32xf32, #tpu.memory_space<vmem>>[vector<16xi32>, vector<16xi32>, vector<16xi32>], vector<16xf32>,
          %parallel_loop3A_879 = arith.constant 26 : i32
          %parallel_loop3A_880 = vector.broadcast %parallel_loop3A_879 : i32 to vector<16xi32>
          %parallel_loop3A_881 = arith.mulf %parallel_loop3A_678, %parallel_loop3A_800 : vector<16xf32>
          tpu.vector_store_idx %arg8[%parallel_loop3A_593, %parallel_loop3A_597, %parallel_loop3A_880], %parallel_loop3A_881 : memref<8x50x32xf32, #tpu.memory_space<vmem>>[vector<16xi32>, vector<16xi32>, vector<16xi32>], vector<16xf32>,
          %parallel_loop3A_882 = arith.constant 27 : i32
          %parallel_loop3A_883 = vector.broadcast %parallel_loop3A_882 : i32 to vector<16xi32>
          %parallel_loop3A_884 = arith.mulf %parallel_loop3A_681, %parallel_loop3A_800 : vector<16xf32>
          tpu.vector_store_idx %arg8[%parallel_loop3A_593, %parallel_loop3A_597, %parallel_loop3A_883], %parallel_loop3A_884 : memref<8x50x32xf32, #tpu.memory_space<vmem>>[vector<16xi32>, vector<16xi32>, vector<16xi32>], vector<16xf32>,
          %parallel_loop3A_885 = arith.constant 28 : i32
          %parallel_loop3A_886 = vector.broadcast %parallel_loop3A_885 : i32 to vector<16xi32>
          %parallel_loop3A_887 = arith.mulf %parallel_loop3A_684, %parallel_loop3A_800 : vector<16xf32>
          tpu.vector_store_idx %arg8[%parallel_loop3A_593, %parallel_loop3A_597, %parallel_loop3A_886], %parallel_loop3A_887 : memref<8x50x32xf32, #tpu.memory_space<vmem>>[vector<16xi32>, vector<16xi32>, vector<16xi32>], vector<16xf32>,
          %parallel_loop3A_888 = arith.constant 29 : i32
          %parallel_loop3A_889 = vector.broadcast %parallel_loop3A_888 : i32 to vector<16xi32>
          %parallel_loop3A_890 = arith.mulf %parallel_loop3A_687, %parallel_loop3A_800 : vector<16xf32>
          tpu.vector_store_idx %arg8[%parallel_loop3A_593, %parallel_loop3A_597, %parallel_loop3A_889], %parallel_loop3A_890 : memref<8x50x32xf32, #tpu.memory_space<vmem>>[vector<16xi32>, vector<16xi32>, vector<16xi32>], vector<16xf32>,
          %parallel_loop3A_891 = arith.constant 30 : i32
          %parallel_loop3A_892 = vector.broadcast %parallel_loop3A_891 : i32 to vector<16xi32>
          %parallel_loop3A_893 = arith.mulf %parallel_loop3A_690, %parallel_loop3A_800 : vector<16xf32>
          tpu.vector_store_idx %arg8[%parallel_loop3A_593, %parallel_loop3A_597, %parallel_loop3A_892], %parallel_loop3A_893 : memref<8x50x32xf32, #tpu.memory_space<vmem>>[vector<16xi32>, vector<16xi32>, vector<16xi32>], vector<16xf32>,
          %parallel_loop3A_894 = arith.constant 31 : i32
          %parallel_loop3A_895 = vector.broadcast %parallel_loop3A_894 : i32 to vector<16xi32>
          %parallel_loop3A_896 = arith.mulf %parallel_loop3A_693, %parallel_loop3A_800 : vector<16xf32>
          tpu.vector_store_idx %arg8[%parallel_loop3A_593, %parallel_loop3A_597, %parallel_loop3A_895], %parallel_loop3A_896 : memref<8x50x32xf32, #tpu.memory_space<vmem>>[vector<16xi32>, vector<16xi32>, vector<16xi32>], vector<16xf32>,
        } {sc.loop_unroll_factor = 1 : i64, sc.parallel_access}
        %mul3A_567 = arith.constant 8 : i32
        %mul3A_568 = arith.muli %scan3A_521, %mul3A_567 : i32
        %add3A_569 = arith.addi %mul3A_2, %mul3A_568 : i32
        %dma_start3A_570 = arith.constant 0 : i32
        %dma_start3A_571 = arith.constant 0 : i32
        %dma_start3A_572 = tpu.memref_slice %arg4[%add3A_569, %dma_start3A_570, %dma_start3A_571] : memref<16384x50x32xf32, #tpu.memory_space<hbm>> -> memref<8x50x32xf32, #tpu.memory_space<hbm>>
        %dma_start3A_573 = arith.constant 0 : i32
        %dma_start3A_574 = arith.constant 0 : i32
        %dma_start3A_575 = tpu.memref_slice %arg4[%add3A_569, %dma_start3A_573, %dma_start3A_574] : memref<16384x50x32xf32, #tpu.memory_space<hbm>> -> memref<8x50x32xf32, #tpu.memory_space<hbm>>
        tpu.enqueue_dma source(%arg8 : memref<8x50x32xf32, #tpu.memory_space<vmem>>) target(%dma_start3A_575 : memref<8x50x32xf32, #tpu.memory_space<hbm>>) target_semaphore(%arg12 : memref<!tpu.dma_semaphore, #tpu.memory_space<semaphore_mem>>)
        %add3A_576 = arith.constant 2 : i32
        %add3A_577 = arith.addi %scan3A_521, %add3A_576 : i32
        %lt3A_578 = arith.constant 64 : i32
        %lt3A_579 = arith.cmpi slt, %add3A_577, %lt3A_578 : i32
        %convert_element_type3A_580 = arith.extui %lt3A_579 : i1 to i32
        %cond3A_581 = arith.constant 0 : i32
        %cond3A_582 = arith.cmpi ne, %convert_element_type3A_580, %cond3A_581 : i32
        scf.if %cond3A_582 {
          %add3A_583 = arith.constant 2 : i32
          %add3A_584 = arith.addi %scan3A_521, %add3A_583 : i32
          %mul3A_585 = arith.constant 25 : i32
          %mul3A_586 = arith.muli %add3A_584, %mul3A_585 : i32
          %add3A_587 = arith.constant 0 : i32
          %add3A_588 = arith.addi %mul3A_586, %add3A_587 : i32
          %get3A_589 = arith.index_cast %add3A_588 : i32 to index
          %get3A_590 = arith.constant 0 : index
          %get3A_591 = tpu.vector_load %arg5[%get3A_589, %get3A_590] {strides = array<i32>} : memref<1600x16xi32, #tpu.memory_space<vmem>>, vector<16xi32>,
          %dma_start3A_592 = arith.constant 0 : i32
          %dma_start3A_593 = arith.constant 0 : i32
          %dma_start3A_594 = tpu.memref_slice %arg6[%dma_start3A_592, %dma_start3A_593] : memref<400x32xf32, #tpu.memory_space<vmem>> -> memref<16x32xf32, #tpu.memory_space<vmem>>
          %dma_start3A_595 = arith.constant 0 : i32
          %dma_start3A_596 = arith.constant 0 : i32
          %dma_start3A_597 = tpu.memref_slice %arg3[%dma_start3A_595, %dma_start3A_596] : memref<1000000x32xf32, #tpu.memory_space<hbm>> -> memref<1000000x32xf32, #tpu.memory_space<hbm>>
          tpu.enqueue_indirect_dma source(%dma_start3A_597 : memref<1000000x32xf32, #tpu.memory_space<hbm>>) target(%dma_start3A_594 : memref<16x32xf32, #tpu.memory_space<vmem>>) offsets(%get3A_591 : vector<16xi32>) semaphore(%arg10 : memref<!tpu.dma_semaphore, #tpu.memory_space<semaphore_mem>>)
          %mul3A_598 = arith.constant 25 : i32
          %mul3A_599 = arith.muli %add3A_584, %mul3A_598 : i32
          %add3A_600 = arith.constant 1 : i32
          %add3A_601 = arith.addi %mul3A_599, %add3A_600 : i32
          %get3A_602 = arith.index_cast %add3A_601 : i32 to index
          %get3A_603 = arith.constant 0 : index
          %get3A_604 = tpu.vector_load %arg5[%get3A_602, %get3A_603] {strides = array<i32>} : memref<1600x16xi32, #tpu.memory_space<vmem>>, vector<16xi32>,
          %dma_start3A_605 = arith.constant 16 : i32
          %dma_start3A_606 = arith.constant 0 : i32
          %dma_start3A_607 = tpu.memref_slice %arg6[%dma_start3A_605, %dma_start3A_606] : memref<400x32xf32, #tpu.memory_space<vmem>> -> memref<16x32xf32, #tpu.memory_space<vmem>>
          %dma_start3A_608 = arith.constant 0 : i32
          %dma_start3A_609 = arith.constant 0 : i32
          %dma_start3A_610 = tpu.memref_slice %arg3[%dma_start3A_608, %dma_start3A_609] : memref<1000000x32xf32, #tpu.memory_space<hbm>> -> memref<1000000x32xf32, #tpu.memory_space<hbm>>
          tpu.enqueue_indirect_dma source(%dma_start3A_610 : memref<1000000x32xf32, #tpu.memory_space<hbm>>) target(%dma_start3A_607 : memref<16x32xf32, #tpu.memory_space<vmem>>) offsets(%get3A_604 : vector<16xi32>) semaphore(%arg10 : memref<!tpu.dma_semaphore, #tpu.memory_space<semaphore_mem>>)
          %mul3A_611 = arith.constant 25 : i32
          %mul3A_612 = arith.muli %add3A_584, %mul3A_611 : i32
          %add3A_613 = arith.constant 2 : i32
          %add3A_614 = arith.addi %mul3A_612, %add3A_613 : i32
          %get3A_615 = arith.index_cast %add3A_614 : i32 to index
          %get3A_616 = arith.constant 0 : index
          %get3A_617 = tpu.vector_load %arg5[%get3A_615, %get3A_616] {strides = array<i32>} : memref<1600x16xi32, #tpu.memory_space<vmem>>, vector<16xi32>,
          %dma_start3A_618 = arith.constant 32 : i32
          %dma_start3A_619 = arith.constant 0 : i32
          %dma_start3A_620 = tpu.memref_slice %arg6[%dma_start3A_618, %dma_start3A_619] : memref<400x32xf32, #tpu.memory_space<vmem>> -> memref<16x32xf32, #tpu.memory_space<vmem>>
          %dma_start3A_621 = arith.constant 0 : i32
          %dma_start3A_622 = arith.constant 0 : i32
          %dma_start3A_623 = tpu.memref_slice %arg3[%dma_start3A_621, %dma_start3A_622] : memref<1000000x32xf32, #tpu.memory_space<hbm>> -> memref<1000000x32xf32, #tpu.memory_space<hbm>>
          tpu.enqueue_indirect_dma source(%dma_start3A_623 : memref<1000000x32xf32, #tpu.memory_space<hbm>>) target(%dma_start3A_620 : memref<16x32xf32, #tpu.memory_space<vmem>>) offsets(%get3A_617 : vector<16xi32>) semaphore(%arg10 : memref<!tpu.dma_semaphore, #tpu.memory_space<semaphore_mem>>)
          %mul3A_624 = arith.constant 25 : i32
          %mul3A_625 = arith.muli %add3A_584, %mul3A_624 : i32
          %add3A_626 = arith.constant 3 : i32
          %add3A_627 = arith.addi %mul3A_625, %add3A_626 : i32
          %get3A_628 = arith.index_cast %add3A_627 : i32 to index
          %get3A_629 = arith.constant 0 : index
          %get3A_630 = tpu.vector_load %arg5[%get3A_628, %get3A_629] {strides = array<i32>} : memref<1600x16xi32, #tpu.memory_space<vmem>>, vector<16xi32>,
          %dma_start3A_631 = arith.constant 48 : i32
          %dma_start3A_632 = arith.constant 0 : i32
          %dma_start3A_633 = tpu.memref_slice %arg6[%dma_start3A_631, %dma_start3A_632] : memref<400x32xf32, #tpu.memory_space<vmem>> -> memref<16x32xf32, #tpu.memory_space<vmem>>
          %dma_start3A_634 = arith.constant 0 : i32
          %dma_start3A_635 = arith.constant 0 : i32
          %dma_start3A_636 = tpu.memref_slice %arg3[%dma_start3A_634, %dma_start3A_635] : memref<1000000x32xf32, #tpu.memory_space<hbm>> -> memref<1000000x32xf32, #tpu.memory_space<hbm>>
          tpu.enqueue_indirect_dma source(%dma_start3A_636 : memref<1000000x32xf32, #tpu.memory_space<hbm>>) target(%dma_start3A_633 : memref<16x32xf32, #tpu.memory_space<vmem>>) offsets(%get3A_630 : vector<16xi32>) semaphore(%arg10 : memref<!tpu.dma_semaphore, #tpu.memory_space<semaphore_mem>>)
          %mul3A_637 = arith.constant 25 : i32
          %mul3A_638 = arith.muli %add3A_584, %mul3A_637 : i32
          %add3A_639 = arith.constant 4 : i32
          %add3A_640 = arith.addi %mul3A_638, %add3A_639 : i32
          %get3A_641 = arith.index_cast %add3A_640 : i32 to index
          %get3A_642 = arith.constant 0 : index
          %get3A_643 = tpu.vector_load %arg5[%get3A_641, %get3A_642] {strides = array<i32>} : memref<1600x16xi32, #tpu.memory_space<vmem>>, vector<16xi32>,
          %dma_start3A_644 = arith.constant 64 : i32
          %dma_start3A_645 = arith.constant 0 : i32
          %dma_start3A_646 = tpu.memref_slice %arg6[%dma_start3A_644, %dma_start3A_645] : memref<400x32xf32, #tpu.memory_space<vmem>> -> memref<16x32xf32, #tpu.memory_space<vmem>>
          %dma_start3A_647 = arith.constant 0 : i32
          %dma_start3A_648 = arith.constant 0 : i32
          %dma_start3A_649 = tpu.memref_slice %arg3[%dma_start3A_647, %dma_start3A_648] : memref<1000000x32xf32, #tpu.memory_space<hbm>> -> memref<1000000x32xf32, #tpu.memory_space<hbm>>
          tpu.enqueue_indirect_dma source(%dma_start3A_649 : memref<1000000x32xf32, #tpu.memory_space<hbm>>) target(%dma_start3A_646 : memref<16x32xf32, #tpu.memory_space<vmem>>) offsets(%get3A_643 : vector<16xi32>) semaphore(%arg10 : memref<!tpu.dma_semaphore, #tpu.memory_space<semaphore_mem>>)
          %mul3A_650 = arith.constant 25 : i32
          %mul3A_651 = arith.muli %add3A_584, %mul3A_650 : i32
          %add3A_652 = arith.constant 5 : i32
          %add3A_653 = arith.addi %mul3A_651, %add3A_652 : i32
          %get3A_654 = arith.index_cast %add3A_653 : i32 to index
          %get3A_655 = arith.constant 0 : index
          %get3A_656 = tpu.vector_load %arg5[%get3A_654, %get3A_655] {strides = array<i32>} : memref<1600x16xi32, #tpu.memory_space<vmem>>, vector<16xi32>,
          %dma_start3A_657 = arith.constant 80 : i32
          %dma_start3A_658 = arith.constant 0 : i32
          %dma_start3A_659 = tpu.memref_slice %arg6[%dma_start3A_657, %dma_start3A_658] : memref<400x32xf32, #tpu.memory_space<vmem>> -> memref<16x32xf32, #tpu.memory_space<vmem>>
          %dma_start3A_660 = arith.constant 0 : i32
          %dma_start3A_661 = arith.constant 0 : i32
          %dma_start3A_662 = tpu.memref_slice %arg3[%dma_start3A_660, %dma_start3A_661] : memref<1000000x32xf32, #tpu.memory_space<hbm>> -> memref<1000000x32xf32, #tpu.memory_space<hbm>>
          tpu.enqueue_indirect_dma source(%dma_start3A_662 : memref<1000000x32xf32, #tpu.memory_space<hbm>>) target(%dma_start3A_659 : memref<16x32xf32, #tpu.memory_space<vmem>>) offsets(%get3A_656 : vector<16xi32>) semaphore(%arg10 : memref<!tpu.dma_semaphore, #tpu.memory_space<semaphore_mem>>)
          %mul3A_663 = arith.constant 25 : i32
          %mul3A_664 = arith.muli %add3A_584, %mul3A_663 : i32
          %add3A_665 = arith.constant 6 : i32
          %add3A_666 = arith.addi %mul3A_664, %add3A_665 : i32
          %get3A_667 = arith.index_cast %add3A_666 : i32 to index
          %get3A_668 = arith.constant 0 : index
          %get3A_669 = tpu.vector_load %arg5[%get3A_667, %get3A_668] {strides = array<i32>} : memref<1600x16xi32, #tpu.memory_space<vmem>>, vector<16xi32>,
          %dma_start3A_670 = arith.constant 96 : i32
          %dma_start3A_671 = arith.constant 0 : i32
          %dma_start3A_672 = tpu.memref_slice %arg6[%dma_start3A_670, %dma_start3A_671] : memref<400x32xf32, #tpu.memory_space<vmem>> -> memref<16x32xf32, #tpu.memory_space<vmem>>
          %dma_start3A_673 = arith.constant 0 : i32
          %dma_start3A_674 = arith.constant 0 : i32
          %dma_start3A_675 = tpu.memref_slice %arg3[%dma_start3A_673, %dma_start3A_674] : memref<1000000x32xf32, #tpu.memory_space<hbm>> -> memref<1000000x32xf32, #tpu.memory_space<hbm>>
          tpu.enqueue_indirect_dma source(%dma_start3A_675 : memref<1000000x32xf32, #tpu.memory_space<hbm>>) target(%dma_start3A_672 : memref<16x32xf32, #tpu.memory_space<vmem>>) offsets(%get3A_669 : vector<16xi32>) semaphore(%arg10 : memref<!tpu.dma_semaphore, #tpu.memory_space<semaphore_mem>>)
          %mul3A_676 = arith.constant 25 : i32
          %mul3A_677 = arith.muli %add3A_584, %mul3A_676 : i32
          %add3A_678 = arith.constant 7 : i32
          %add3A_679 = arith.addi %mul3A_677, %add3A_678 : i32
          %get3A_680 = arith.index_cast %add3A_679 : i32 to index
          %get3A_681 = arith.constant 0 : index
          %get3A_682 = tpu.vector_load %arg5[%get3A_680, %get3A_681] {strides = array<i32>} : memref<1600x16xi32, #tpu.memory_space<vmem>>, vector<16xi32>,
          %dma_start3A_683 = arith.constant 112 : i32
          %dma_start3A_684 = arith.constant 0 : i32
          %dma_start3A_685 = tpu.memref_slice %arg6[%dma_start3A_683, %dma_start3A_684] : memref<400x32xf32, #tpu.memory_space<vmem>> -> memref<16x32xf32, #tpu.memory_space<vmem>>
          %dma_start3A_686 = arith.constant 0 : i32
          %dma_start3A_687 = arith.constant 0 : i32
          %dma_start3A_688 = tpu.memref_slice %arg3[%dma_start3A_686, %dma_start3A_687] : memref<1000000x32xf32, #tpu.memory_space<hbm>> -> memref<1000000x32xf32, #tpu.memory_space<hbm>>
          tpu.enqueue_indirect_dma source(%dma_start3A_688 : memref<1000000x32xf32, #tpu.memory_space<hbm>>) target(%dma_start3A_685 : memref<16x32xf32, #tpu.memory_space<vmem>>) offsets(%get3A_682 : vector<16xi32>) semaphore(%arg10 : memref<!tpu.dma_semaphore, #tpu.memory_space<semaphore_mem>>)
          %mul3A_689 = arith.constant 25 : i32
          %mul3A_690 = arith.muli %add3A_584, %mul3A_689 : i32
          %add3A_691 = arith.constant 8 : i32
          %add3A_692 = arith.addi %mul3A_690, %add3A_691 : i32
          %get3A_693 = arith.index_cast %add3A_692 : i32 to index
          %get3A_694 = arith.constant 0 : index
          %get3A_695 = tpu.vector_load %arg5[%get3A_693, %get3A_694] {strides = array<i32>} : memref<1600x16xi32, #tpu.memory_space<vmem>>, vector<16xi32>,
          %dma_start3A_696 = arith.constant 128 : i32
          %dma_start3A_697 = arith.constant 0 : i32
          %dma_start3A_698 = tpu.memref_slice %arg6[%dma_start3A_696, %dma_start3A_697] : memref<400x32xf32, #tpu.memory_space<vmem>> -> memref<16x32xf32, #tpu.memory_space<vmem>>
          %dma_start3A_699 = arith.constant 0 : i32
          %dma_start3A_700 = arith.constant 0 : i32
          %dma_start3A_701 = tpu.memref_slice %arg3[%dma_start3A_699, %dma_start3A_700] : memref<1000000x32xf32, #tpu.memory_space<hbm>> -> memref<1000000x32xf32, #tpu.memory_space<hbm>>
          tpu.enqueue_indirect_dma source(%dma_start3A_701 : memref<1000000x32xf32, #tpu.memory_space<hbm>>) target(%dma_start3A_698 : memref<16x32xf32, #tpu.memory_space<vmem>>) offsets(%get3A_695 : vector<16xi32>) semaphore(%arg10 : memref<!tpu.dma_semaphore, #tpu.memory_space<semaphore_mem>>)
          %mul3A_702 = arith.constant 25 : i32
          %mul3A_703 = arith.muli %add3A_584, %mul3A_702 : i32
          %add3A_704 = arith.constant 9 : i32
          %add3A_705 = arith.addi %mul3A_703, %add3A_704 : i32
          %get3A_706 = arith.index_cast %add3A_705 : i32 to index
          %get3A_707 = arith.constant 0 : index
          %get3A_708 = tpu.vector_load %arg5[%get3A_706, %get3A_707] {strides = array<i32>} : memref<1600x16xi32, #tpu.memory_space<vmem>>, vector<16xi32>,
          %dma_start3A_709 = arith.constant 144 : i32
          %dma_start3A_710 = arith.constant 0 : i32
          %dma_start3A_711 = tpu.memref_slice %arg6[%dma_start3A_709, %dma_start3A_710] : memref<400x32xf32, #tpu.memory_space<vmem>> -> memref<16x32xf32, #tpu.memory_space<vmem>>
          %dma_start3A_712 = arith.constant 0 : i32
          %dma_start3A_713 = arith.constant 0 : i32
          %dma_start3A_714 = tpu.memref_slice %arg3[%dma_start3A_712, %dma_start3A_713] : memref<1000000x32xf32, #tpu.memory_space<hbm>> -> memref<1000000x32xf32, #tpu.memory_space<hbm>>
          tpu.enqueue_indirect_dma source(%dma_start3A_714 : memref<1000000x32xf32, #tpu.memory_space<hbm>>) target(%dma_start3A_711 : memref<16x32xf32, #tpu.memory_space<vmem>>) offsets(%get3A_708 : vector<16xi32>) semaphore(%arg10 : memref<!tpu.dma_semaphore, #tpu.memory_space<semaphore_mem>>)
          %mul3A_715 = arith.constant 25 : i32
          %mul3A_716 = arith.muli %add3A_584, %mul3A_715 : i32
          %add3A_717 = arith.constant 10 : i32
          %add3A_718 = arith.addi %mul3A_716, %add3A_717 : i32
          %get3A_719 = arith.index_cast %add3A_718 : i32 to index
          %get3A_720 = arith.constant 0 : index
          %get3A_721 = tpu.vector_load %arg5[%get3A_719, %get3A_720] {strides = array<i32>} : memref<1600x16xi32, #tpu.memory_space<vmem>>, vector<16xi32>,
          %dma_start3A_722 = arith.constant 160 : i32
          %dma_start3A_723 = arith.constant 0 : i32
          %dma_start3A_724 = tpu.memref_slice %arg6[%dma_start3A_722, %dma_start3A_723] : memref<400x32xf32, #tpu.memory_space<vmem>> -> memref<16x32xf32, #tpu.memory_space<vmem>>
          %dma_start3A_725 = arith.constant 0 : i32
          %dma_start3A_726 = arith.constant 0 : i32
          %dma_start3A_727 = tpu.memref_slice %arg3[%dma_start3A_725, %dma_start3A_726] : memref<1000000x32xf32, #tpu.memory_space<hbm>> -> memref<1000000x32xf32, #tpu.memory_space<hbm>>
          tpu.enqueue_indirect_dma source(%dma_start3A_727 : memref<1000000x32xf32, #tpu.memory_space<hbm>>) target(%dma_start3A_724 : memref<16x32xf32, #tpu.memory_space<vmem>>) offsets(%get3A_721 : vector<16xi32>) semaphore(%arg10 : memref<!tpu.dma_semaphore, #tpu.memory_space<semaphore_mem>>)
          %mul3A_728 = arith.constant 25 : i32
          %mul3A_729 = arith.muli %add3A_584, %mul3A_728 : i32
          %add3A_730 = arith.constant 11 : i32
          %add3A_731 = arith.addi %mul3A_729, %add3A_730 : i32
          %get3A_732 = arith.index_cast %add3A_731 : i32 to index
          %get3A_733 = arith.constant 0 : index
          %get3A_734 = tpu.vector_load %arg5[%get3A_732, %get3A_733] {strides = array<i32>} : memref<1600x16xi32, #tpu.memory_space<vmem>>, vector<16xi32>,
          %dma_start3A_735 = arith.constant 176 : i32
          %dma_start3A_736 = arith.constant 0 : i32
          %dma_start3A_737 = tpu.memref_slice %arg6[%dma_start3A_735, %dma_start3A_736] : memref<400x32xf32, #tpu.memory_space<vmem>> -> memref<16x32xf32, #tpu.memory_space<vmem>>
          %dma_start3A_738 = arith.constant 0 : i32
          %dma_start3A_739 = arith.constant 0 : i32
          %dma_start3A_740 = tpu.memref_slice %arg3[%dma_start3A_738, %dma_start3A_739] : memref<1000000x32xf32, #tpu.memory_space<hbm>> -> memref<1000000x32xf32, #tpu.memory_space<hbm>>
          tpu.enqueue_indirect_dma source(%dma_start3A_740 : memref<1000000x32xf32, #tpu.memory_space<hbm>>) target(%dma_start3A_737 : memref<16x32xf32, #tpu.memory_space<vmem>>) offsets(%get3A_734 : vector<16xi32>) semaphore(%arg10 : memref<!tpu.dma_semaphore, #tpu.memory_space<semaphore_mem>>)
          %mul3A_741 = arith.constant 25 : i32
          %mul3A_742 = arith.muli %add3A_584, %mul3A_741 : i32
          %add3A_743 = arith.constant 12 : i32
          %add3A_744 = arith.addi %mul3A_742, %add3A_743 : i32
          %get3A_745 = arith.index_cast %add3A_744 : i32 to index
          %get3A_746 = arith.constant 0 : index
          %get3A_747 = tpu.vector_load %arg5[%get3A_745, %get3A_746] {strides = array<i32>} : memref<1600x16xi32, #tpu.memory_space<vmem>>, vector<16xi32>,
          %dma_start3A_748 = arith.constant 192 : i32
          %dma_start3A_749 = arith.constant 0 : i32
          %dma_start3A_750 = tpu.memref_slice %arg6[%dma_start3A_748, %dma_start3A_749] : memref<400x32xf32, #tpu.memory_space<vmem>> -> memref<16x32xf32, #tpu.memory_space<vmem>>
          %dma_start3A_751 = arith.constant 0 : i32
          %dma_start3A_752 = arith.constant 0 : i32
          %dma_start3A_753 = tpu.memref_slice %arg3[%dma_start3A_751, %dma_start3A_752] : memref<1000000x32xf32, #tpu.memory_space<hbm>> -> memref<1000000x32xf32, #tpu.memory_space<hbm>>
          tpu.enqueue_indirect_dma source(%dma_start3A_753 : memref<1000000x32xf32, #tpu.memory_space<hbm>>) target(%dma_start3A_750 : memref<16x32xf32, #tpu.memory_space<vmem>>) offsets(%get3A_747 : vector<16xi32>) semaphore(%arg10 : memref<!tpu.dma_semaphore, #tpu.memory_space<semaphore_mem>>)
          %mul3A_754 = arith.constant 25 : i32
          %mul3A_755 = arith.muli %add3A_584, %mul3A_754 : i32
          %add3A_756 = arith.constant 13 : i32
          %add3A_757 = arith.addi %mul3A_755, %add3A_756 : i32
          %get3A_758 = arith.index_cast %add3A_757 : i32 to index
          %get3A_759 = arith.constant 0 : index
          %get3A_760 = tpu.vector_load %arg5[%get3A_758, %get3A_759] {strides = array<i32>} : memref<1600x16xi32, #tpu.memory_space<vmem>>, vector<16xi32>,
          %dma_start3A_761 = arith.constant 208 : i32
          %dma_start3A_762 = arith.constant 0 : i32
          %dma_start3A_763 = tpu.memref_slice %arg6[%dma_start3A_761, %dma_start3A_762] : memref<400x32xf32, #tpu.memory_space<vmem>> -> memref<16x32xf32, #tpu.memory_space<vmem>>
          %dma_start3A_764 = arith.constant 0 : i32
          %dma_start3A_765 = arith.constant 0 : i32
          %dma_start3A_766 = tpu.memref_slice %arg3[%dma_start3A_764, %dma_start3A_765] : memref<1000000x32xf32, #tpu.memory_space<hbm>> -> memref<1000000x32xf32, #tpu.memory_space<hbm>>
          tpu.enqueue_indirect_dma source(%dma_start3A_766 : memref<1000000x32xf32, #tpu.memory_space<hbm>>) target(%dma_start3A_763 : memref<16x32xf32, #tpu.memory_space<vmem>>) offsets(%get3A_760 : vector<16xi32>) semaphore(%arg10 : memref<!tpu.dma_semaphore, #tpu.memory_space<semaphore_mem>>)
          %mul3A_767 = arith.constant 25 : i32
          %mul3A_768 = arith.muli %add3A_584, %mul3A_767 : i32
          %add3A_769 = arith.constant 14 : i32
          %add3A_770 = arith.addi %mul3A_768, %add3A_769 : i32
          %get3A_771 = arith.index_cast %add3A_770 : i32 to index
          %get3A_772 = arith.constant 0 : index
          %get3A_773 = tpu.vector_load %arg5[%get3A_771, %get3A_772] {strides = array<i32>} : memref<1600x16xi32, #tpu.memory_space<vmem>>, vector<16xi32>,
          %dma_start3A_774 = arith.constant 224 : i32
          %dma_start3A_775 = arith.constant 0 : i32
          %dma_start3A_776 = tpu.memref_slice %arg6[%dma_start3A_774, %dma_start3A_775] : memref<400x32xf32, #tpu.memory_space<vmem>> -> memref<16x32xf32, #tpu.memory_space<vmem>>
          %dma_start3A_777 = arith.constant 0 : i32
          %dma_start3A_778 = arith.constant 0 : i32
          %dma_start3A_779 = tpu.memref_slice %arg3[%dma_start3A_777, %dma_start3A_778] : memref<1000000x32xf32, #tpu.memory_space<hbm>> -> memref<1000000x32xf32, #tpu.memory_space<hbm>>
          tpu.enqueue_indirect_dma source(%dma_start3A_779 : memref<1000000x32xf32, #tpu.memory_space<hbm>>) target(%dma_start3A_776 : memref<16x32xf32, #tpu.memory_space<vmem>>) offsets(%get3A_773 : vector<16xi32>) semaphore(%arg10 : memref<!tpu.dma_semaphore, #tpu.memory_space<semaphore_mem>>)
          %mul3A_780 = arith.constant 25 : i32
          %mul3A_781 = arith.muli %add3A_584, %mul3A_780 : i32
          %add3A_782 = arith.constant 15 : i32
          %add3A_783 = arith.addi %mul3A_781, %add3A_782 : i32
          %get3A_784 = arith.index_cast %add3A_783 : i32 to index
          %get3A_785 = arith.constant 0 : index
          %get3A_786 = tpu.vector_load %arg5[%get3A_784, %get3A_785] {strides = array<i32>} : memref<1600x16xi32, #tpu.memory_space<vmem>>, vector<16xi32>,
          %dma_start3A_787 = arith.constant 240 : i32
          %dma_start3A_788 = arith.constant 0 : i32
          %dma_start3A_789 = tpu.memref_slice %arg6[%dma_start3A_787, %dma_start3A_788] : memref<400x32xf32, #tpu.memory_space<vmem>> -> memref<16x32xf32, #tpu.memory_space<vmem>>
          %dma_start3A_790 = arith.constant 0 : i32
          %dma_start3A_791 = arith.constant 0 : i32
          %dma_start3A_792 = tpu.memref_slice %arg3[%dma_start3A_790, %dma_start3A_791] : memref<1000000x32xf32, #tpu.memory_space<hbm>> -> memref<1000000x32xf32, #tpu.memory_space<hbm>>
          tpu.enqueue_indirect_dma source(%dma_start3A_792 : memref<1000000x32xf32, #tpu.memory_space<hbm>>) target(%dma_start3A_789 : memref<16x32xf32, #tpu.memory_space<vmem>>) offsets(%get3A_786 : vector<16xi32>) semaphore(%arg10 : memref<!tpu.dma_semaphore, #tpu.memory_space<semaphore_mem>>)
          %mul3A_793 = arith.constant 25 : i32
          %mul3A_794 = arith.muli %add3A_584, %mul3A_793 : i32
          %add3A_795 = arith.constant 16 : i32
          %add3A_796 = arith.addi %mul3A_794, %add3A_795 : i32
          %get3A_797 = arith.index_cast %add3A_796 : i32 to index
          %get3A_798 = arith.constant 0 : index
          %get3A_799 = tpu.vector_load %arg5[%get3A_797, %get3A_798] {strides = array<i32>} : memref<1600x16xi32, #tpu.memory_space<vmem>>, vector<16xi32>,
          %dma_start3A_800 = arith.constant 256 : i32
          %dma_start3A_801 = arith.constant 0 : i32
          %dma_start3A_802 = tpu.memref_slice %arg6[%dma_start3A_800, %dma_start3A_801] : memref<400x32xf32, #tpu.memory_space<vmem>> -> memref<16x32xf32, #tpu.memory_space<vmem>>
          %dma_start3A_803 = arith.constant 0 : i32
          %dma_start3A_804 = arith.constant 0 : i32
          %dma_start3A_805 = tpu.memref_slice %arg3[%dma_start3A_803, %dma_start3A_804] : memref<1000000x32xf32, #tpu.memory_space<hbm>> -> memref<1000000x32xf32, #tpu.memory_space<hbm>>
          tpu.enqueue_indirect_dma source(%dma_start3A_805 : memref<1000000x32xf32, #tpu.memory_space<hbm>>) target(%dma_start3A_802 : memref<16x32xf32, #tpu.memory_space<vmem>>) offsets(%get3A_799 : vector<16xi32>) semaphore(%arg10 : memref<!tpu.dma_semaphore, #tpu.memory_space<semaphore_mem>>)
          %mul3A_806 = arith.constant 25 : i32
          %mul3A_807 = arith.muli %add3A_584, %mul3A_806 : i32
          %add3A_808 = arith.constant 17 : i32
          %add3A_809 = arith.addi %mul3A_807, %add3A_808 : i32
          %get3A_810 = arith.index_cast %add3A_809 : i32 to index
          %get3A_811 = arith.constant 0 : index
          %get3A_812 = tpu.vector_load %arg5[%get3A_810, %get3A_811] {strides = array<i32>} : memref<1600x16xi32, #tpu.memory_space<vmem>>, vector<16xi32>,
          %dma_start3A_813 = arith.constant 272 : i32
          %dma_start3A_814 = arith.constant 0 : i32
          %dma_start3A_815 = tpu.memref_slice %arg6[%dma_start3A_813, %dma_start3A_814] : memref<400x32xf32, #tpu.memory_space<vmem>> -> memref<16x32xf32, #tpu.memory_space<vmem>>
          %dma_start3A_816 = arith.constant 0 : i32
          %dma_start3A_817 = arith.constant 0 : i32
          %dma_start3A_818 = tpu.memref_slice %arg3[%dma_start3A_816, %dma_start3A_817] : memref<1000000x32xf32, #tpu.memory_space<hbm>> -> memref<1000000x32xf32, #tpu.memory_space<hbm>>
          tpu.enqueue_indirect_dma source(%dma_start3A_818 : memref<1000000x32xf32, #tpu.memory_space<hbm>>) target(%dma_start3A_815 : memref<16x32xf32, #tpu.memory_space<vmem>>) offsets(%get3A_812 : vector<16xi32>) semaphore(%arg10 : memref<!tpu.dma_semaphore, #tpu.memory_space<semaphore_mem>>)
          %mul3A_819 = arith.constant 25 : i32
          %mul3A_820 = arith.muli %add3A_584, %mul3A_819 : i32
          %add3A_821 = arith.constant 18 : i32
          %add3A_822 = arith.addi %mul3A_820, %add3A_821 : i32
          %get3A_823 = arith.index_cast %add3A_822 : i32 to index
          %get3A_824 = arith.constant 0 : index
          %get3A_825 = tpu.vector_load %arg5[%get3A_823, %get3A_824] {strides = array<i32>} : memref<1600x16xi32, #tpu.memory_space<vmem>>, vector<16xi32>,
          %dma_start3A_826 = arith.constant 288 : i32
          %dma_start3A_827 = arith.constant 0 : i32
          %dma_start3A_828 = tpu.memref_slice %arg6[%dma_start3A_826, %dma_start3A_827] : memref<400x32xf32, #tpu.memory_space<vmem>> -> memref<16x32xf32, #tpu.memory_space<vmem>>
          %dma_start3A_829 = arith.constant 0 : i32
          %dma_start3A_830 = arith.constant 0 : i32
          %dma_start3A_831 = tpu.memref_slice %arg3[%dma_start3A_829, %dma_start3A_830] : memref<1000000x32xf32, #tpu.memory_space<hbm>> -> memref<1000000x32xf32, #tpu.memory_space<hbm>>
          tpu.enqueue_indirect_dma source(%dma_start3A_831 : memref<1000000x32xf32, #tpu.memory_space<hbm>>) target(%dma_start3A_828 : memref<16x32xf32, #tpu.memory_space<vmem>>) offsets(%get3A_825 : vector<16xi32>) semaphore(%arg10 : memref<!tpu.dma_semaphore, #tpu.memory_space<semaphore_mem>>)
          %mul3A_832 = arith.constant 25 : i32
          %mul3A_833 = arith.muli %add3A_584, %mul3A_832 : i32
          %add3A_834 = arith.constant 19 : i32
          %add3A_835 = arith.addi %mul3A_833, %add3A_834 : i32
          %get3A_836 = arith.index_cast %add3A_835 : i32 to index
          %get3A_837 = arith.constant 0 : index
          %get3A_838 = tpu.vector_load %arg5[%get3A_836, %get3A_837] {strides = array<i32>} : memref<1600x16xi32, #tpu.memory_space<vmem>>, vector<16xi32>,
          %dma_start3A_839 = arith.constant 304 : i32
          %dma_start3A_840 = arith.constant 0 : i32
          %dma_start3A_841 = tpu.memref_slice %arg6[%dma_start3A_839, %dma_start3A_840] : memref<400x32xf32, #tpu.memory_space<vmem>> -> memref<16x32xf32, #tpu.memory_space<vmem>>
          %dma_start3A_842 = arith.constant 0 : i32
          %dma_start3A_843 = arith.constant 0 : i32
          %dma_start3A_844 = tpu.memref_slice %arg3[%dma_start3A_842, %dma_start3A_843] : memref<1000000x32xf32, #tpu.memory_space<hbm>> -> memref<1000000x32xf32, #tpu.memory_space<hbm>>
          tpu.enqueue_indirect_dma source(%dma_start3A_844 : memref<1000000x32xf32, #tpu.memory_space<hbm>>) target(%dma_start3A_841 : memref<16x32xf32, #tpu.memory_space<vmem>>) offsets(%get3A_838 : vector<16xi32>) semaphore(%arg10 : memref<!tpu.dma_semaphore, #tpu.memory_space<semaphore_mem>>)
          %mul3A_845 = arith.constant 25 : i32
          %mul3A_846 = arith.muli %add3A_584, %mul3A_845 : i32
          %add3A_847 = arith.constant 20 : i32
          %add3A_848 = arith.addi %mul3A_846, %add3A_847 : i32
          %get3A_849 = arith.index_cast %add3A_848 : i32 to index
          %get3A_850 = arith.constant 0 : index
          %get3A_851 = tpu.vector_load %arg5[%get3A_849, %get3A_850] {strides = array<i32>} : memref<1600x16xi32, #tpu.memory_space<vmem>>, vector<16xi32>,
          %dma_start3A_852 = arith.constant 320 : i32
          %dma_start3A_853 = arith.constant 0 : i32
          %dma_start3A_854 = tpu.memref_slice %arg6[%dma_start3A_852, %dma_start3A_853] : memref<400x32xf32, #tpu.memory_space<vmem>> -> memref<16x32xf32, #tpu.memory_space<vmem>>
          %dma_start3A_855 = arith.constant 0 : i32
          %dma_start3A_856 = arith.constant 0 : i32
          %dma_start3A_857 = tpu.memref_slice %arg3[%dma_start3A_855, %dma_start3A_856] : memref<1000000x32xf32, #tpu.memory_space<hbm>> -> memref<1000000x32xf32, #tpu.memory_space<hbm>>
          tpu.enqueue_indirect_dma source(%dma_start3A_857 : memref<1000000x32xf32, #tpu.memory_space<hbm>>) target(%dma_start3A_854 : memref<16x32xf32, #tpu.memory_space<vmem>>) offsets(%get3A_851 : vector<16xi32>) semaphore(%arg10 : memref<!tpu.dma_semaphore, #tpu.memory_space<semaphore_mem>>)
          %mul3A_858 = arith.constant 25 : i32
          %mul3A_859 = arith.muli %add3A_584, %mul3A_858 : i32
          %add3A_860 = arith.constant 21 : i32
          %add3A_861 = arith.addi %mul3A_859, %add3A_860 : i32
          %get3A_862 = arith.index_cast %add3A_861 : i32 to index
          %get3A_863 = arith.constant 0 : index
          %get3A_864 = tpu.vector_load %arg5[%get3A_862, %get3A_863] {strides = array<i32>} : memref<1600x16xi32, #tpu.memory_space<vmem>>, vector<16xi32>,
          %dma_start3A_865 = arith.constant 336 : i32
          %dma_start3A_866 = arith.constant 0 : i32
          %dma_start3A_867 = tpu.memref_slice %arg6[%dma_start3A_865, %dma_start3A_866] : memref<400x32xf32, #tpu.memory_space<vmem>> -> memref<16x32xf32, #tpu.memory_space<vmem>>
          %dma_start3A_868 = arith.constant 0 : i32
          %dma_start3A_869 = arith.constant 0 : i32
          %dma_start3A_870 = tpu.memref_slice %arg3[%dma_start3A_868, %dma_start3A_869] : memref<1000000x32xf32, #tpu.memory_space<hbm>> -> memref<1000000x32xf32, #tpu.memory_space<hbm>>
          tpu.enqueue_indirect_dma source(%dma_start3A_870 : memref<1000000x32xf32, #tpu.memory_space<hbm>>) target(%dma_start3A_867 : memref<16x32xf32, #tpu.memory_space<vmem>>) offsets(%get3A_864 : vector<16xi32>) semaphore(%arg10 : memref<!tpu.dma_semaphore, #tpu.memory_space<semaphore_mem>>)
          %mul3A_871 = arith.constant 25 : i32
          %mul3A_872 = arith.muli %add3A_584, %mul3A_871 : i32
          %add3A_873 = arith.constant 22 : i32
          %add3A_874 = arith.addi %mul3A_872, %add3A_873 : i32
          %get3A_875 = arith.index_cast %add3A_874 : i32 to index
          %get3A_876 = arith.constant 0 : index
          %get3A_877 = tpu.vector_load %arg5[%get3A_875, %get3A_876] {strides = array<i32>} : memref<1600x16xi32, #tpu.memory_space<vmem>>, vector<16xi32>,
          %dma_start3A_878 = arith.constant 352 : i32
          %dma_start3A_879 = arith.constant 0 : i32
          %dma_start3A_880 = tpu.memref_slice %arg6[%dma_start3A_878, %dma_start3A_879] : memref<400x32xf32, #tpu.memory_space<vmem>> -> memref<16x32xf32, #tpu.memory_space<vmem>>
          %dma_start3A_881 = arith.constant 0 : i32
          %dma_start3A_882 = arith.constant 0 : i32
          %dma_start3A_883 = tpu.memref_slice %arg3[%dma_start3A_881, %dma_start3A_882] : memref<1000000x32xf32, #tpu.memory_space<hbm>> -> memref<1000000x32xf32, #tpu.memory_space<hbm>>
          tpu.enqueue_indirect_dma source(%dma_start3A_883 : memref<1000000x32xf32, #tpu.memory_space<hbm>>) target(%dma_start3A_880 : memref<16x32xf32, #tpu.memory_space<vmem>>) offsets(%get3A_877 : vector<16xi32>) semaphore(%arg10 : memref<!tpu.dma_semaphore, #tpu.memory_space<semaphore_mem>>)
          %mul3A_884 = arith.constant 25 : i32
          %mul3A_885 = arith.muli %add3A_584, %mul3A_884 : i32
          %add3A_886 = arith.constant 23 : i32
          %add3A_887 = arith.addi %mul3A_885, %add3A_886 : i32
          %get3A_888 = arith.index_cast %add3A_887 : i32 to index
          %get3A_889 = arith.constant 0 : index
          %get3A_890 = tpu.vector_load %arg5[%get3A_888, %get3A_889] {strides = array<i32>} : memref<1600x16xi32, #tpu.memory_space<vmem>>, vector<16xi32>,
          %dma_start3A_891 = arith.constant 368 : i32
          %dma_start3A_892 = arith.constant 0 : i32
          %dma_start3A_893 = tpu.memref_slice %arg6[%dma_start3A_891, %dma_start3A_892] : memref<400x32xf32, #tpu.memory_space<vmem>> -> memref<16x32xf32, #tpu.memory_space<vmem>>
          %dma_start3A_894 = arith.constant 0 : i32
          %dma_start3A_895 = arith.constant 0 : i32
          %dma_start3A_896 = tpu.memref_slice %arg3[%dma_start3A_894, %dma_start3A_895] : memref<1000000x32xf32, #tpu.memory_space<hbm>> -> memref<1000000x32xf32, #tpu.memory_space<hbm>>
          tpu.enqueue_indirect_dma source(%dma_start3A_896 : memref<1000000x32xf32, #tpu.memory_space<hbm>>) target(%dma_start3A_893 : memref<16x32xf32, #tpu.memory_space<vmem>>) offsets(%get3A_890 : vector<16xi32>) semaphore(%arg10 : memref<!tpu.dma_semaphore, #tpu.memory_space<semaphore_mem>>)
          %mul3A_897 = arith.constant 25 : i32
          %mul3A_898 = arith.muli %add3A_584, %mul3A_897 : i32
          %add3A_899 = arith.constant 24 : i32
          %add3A_900 = arith.addi %mul3A_898, %add3A_899 : i32
          %get3A_901 = arith.index_cast %add3A_900 : i32 to index
          %get3A_902 = arith.constant 0 : index
          %get3A_903 = tpu.vector_load %arg5[%get3A_901, %get3A_902] {strides = array<i32>} : memref<1600x16xi32, #tpu.memory_space<vmem>>, vector<16xi32>,
          %dma_start3A_904 = arith.constant 384 : i32
          %dma_start3A_905 = arith.constant 0 : i32
          %dma_start3A_906 = tpu.memref_slice %arg6[%dma_start3A_904, %dma_start3A_905] : memref<400x32xf32, #tpu.memory_space<vmem>> -> memref<16x32xf32, #tpu.memory_space<vmem>>
          %dma_start3A_907 = arith.constant 0 : i32
          %dma_start3A_908 = arith.constant 0 : i32
          %dma_start3A_909 = tpu.memref_slice %arg3[%dma_start3A_907, %dma_start3A_908] : memref<1000000x32xf32, #tpu.memory_space<hbm>> -> memref<1000000x32xf32, #tpu.memory_space<hbm>>
          tpu.enqueue_indirect_dma source(%dma_start3A_909 : memref<1000000x32xf32, #tpu.memory_space<hbm>>) target(%dma_start3A_906 : memref<16x32xf32, #tpu.memory_space<vmem>>) offsets(%get3A_903 : vector<16xi32>) semaphore(%arg10 : memref<!tpu.dma_semaphore, #tpu.memory_space<semaphore_mem>>)
        } else {
        }
      } else {
      }
      %jit3A_534 = arith.constant 2 : i32
      %eq3A_535 = arith.constant 0 : i32
      %eq3A_536 = arith.cmpi eq, %jit3A_534, %eq3A_535 : i32
      %jit3A_537 = arith.constant 1 : i32
      %select_n3A_538 = arith.select %eq3A_536, %jit3A_537, %jit3A_534 : i32
      %rem3A_539 = arith.remsi %scan3A_521, %select_n3A_538 : i32
      %ne3A_540 = arith.constant 0 : i32
      %ne3A_541 = arith.cmpi ne, %rem3A_539, %ne3A_540 : i32
      %lt3A_542 = arith.constant 0 : i32
      %lt3A_543 = arith.cmpi slt, %rem3A_539, %lt3A_542 : i32
      %lt3A_544 = arith.constant 0 : i32
      %lt3A_545 = arith.cmpi slt, %select_n3A_538, %lt3A_544 : i32
      %ne3A_546 = arith.xori %lt3A_543, %lt3A_545 : i1
      %and3A_547 = arith.andi %ne3A_546, %ne3A_541 : i1
      %add3A_548 = arith.addi %rem3A_539, %select_n3A_538 : i32
      %select_n3A_549 = arith.select %and3A_547, %add3A_548, %rem3A_539 : i32
      %eq3A_550 = arith.constant 1 : i32
      %eq3A_551 = arith.cmpi eq, %select_n3A_549, %eq3A_550 : i32
      %convert_element_type3A_552 = arith.extui %eq3A_551 : i1 to i32
      %cond3A_553 = arith.constant 0 : i32
      %cond3A_554 = arith.cmpi ne, %convert_element_type3A_552, %cond3A_553 : i32
      scf.if %cond3A_554 {
        %dma_wait3A_555 = arith.constant 0 : i32
        %dma_wait3A_556 = arith.constant 0 : i32
        %dma_wait3A_557 = tpu.memref_slice %arg3[%dma_wait3A_555, %dma_wait3A_556] : memref<1000000x32xf32, #tpu.memory_space<hbm>> -> memref<400x32xf32, #tpu.memory_space<hbm>>
        %dma_wait3A_558 = arith.constant 0 : i32
        %dma_wait3A_559 = arith.constant 0 : i32
        %dma_wait3A_560 = tpu.memref_slice %arg3[%dma_wait3A_558, %dma_wait3A_559] : memref<1000000x32xf32, #tpu.memory_space<hbm>> -> memref<400x32xf32, #tpu.memory_space<hbm>>
        tpu.wait_dma2 semaphore(%arg11 : memref<!tpu.dma_semaphore, #tpu.memory_space<semaphore_mem>>) src(%dma_wait3A_560 : memref<400x32xf32, #tpu.memory_space<hbm>>) dst(%arg7 : memref<400x32xf32, #tpu.memory_space<vmem>>)
        %ge3A = arith.constant 2 : i32
        %ge3A_561 = arith.cmpi sge, %scan3A_521, %ge3A : i32
        %convert_element_type3A_562 = arith.extui %ge3A_561 : i1 to i32
        %cond3A_563 = arith.constant 0 : i32
        %cond3A_564 = arith.cmpi ne, %convert_element_type3A_562, %cond3A_563 : i32
        scf.if %cond3A_564 {
          %sub3A = arith.constant 2 : i32
          %sub3A_583 = arith.subi %scan3A_521, %sub3A : i32
          %mul3A_584 = arith.constant 8 : i32
          %mul3A_585 = arith.muli %sub3A_583, %mul3A_584 : i32
          %add3A_586 = arith.addi %mul3A_2, %mul3A_585 : i32
          %dma_wait3A_587 = arith.constant 0 : i32
          %dma_wait3A_588 = arith.constant 0 : i32
          %dma_wait3A_589 = tpu.memref_slice %arg4[%add3A_586, %dma_wait3A_587, %dma_wait3A_588] : memref<16384x50x32xf32, #tpu.memory_space<hbm>> -> memref<8x50x32xf32, #tpu.memory_space<hbm>>
          %dma_wait3A_590 = arith.constant 0 : i32
          %dma_wait3A_591 = arith.constant 0 : i32
          %dma_wait3A_592 = tpu.memref_slice %arg4[%add3A_586, %dma_wait3A_590, %dma_wait3A_591] : memref<16384x50x32xf32, #tpu.memory_space<hbm>> -> memref<8x50x32xf32, #tpu.memory_space<hbm>>
          tpu.wait_dma2 semaphore(%arg13 : memref<!tpu.dma_semaphore, #tpu.memory_space<semaphore_mem>>) src(%arg9 : memref<8x50x32xf32, #tpu.memory_space<vmem>>) dst(%dma_wait3A_592 : memref<8x50x32xf32, #tpu.memory_space<hbm>>)
        } else {
        }
        %parallel_loop3A = arith.constant 0 : i32
        %parallel_loop3A_565 = arith.constant 25 : i32
        %parallel_loop3A_566 = arith.constant 1 : i32
        scf.for %parallel_loop3A_583 = %parallel_loop3A to %parallel_loop3A_565 step %parallel_loop3A_566  : i32 {
          %parallel_loop3A_584 = arith.constant 16 : i32
          %parallel_loop3A_585 = arith.muli %parallel_loop3A_583, %parallel_loop3A_584 : i32
          %parallel_loop3A_586 = vector.broadcast %parallel_loop3A_585 : i32 to vector<16xi32>
          %parallel_loop3A_587 = arith.addi %parallel_loop3A_586, %iota3A : vector<16xi32>
          %parallel_loop3A_588 = arith.constant 1311 : i32
          %parallel_loop3A_589 = vector.broadcast %parallel_loop3A_588 : i32 to vector<16xi32>
          %parallel_loop3A_590 = arith.muli %parallel_loop3A_587, %parallel_loop3A_589 : vector<16xi32>
          %parallel_loop3A_591 = arith.constant 16 : i32
          %parallel_loop3A_592 = vector.broadcast %parallel_loop3A_591 : i32 to vector<16xi32>
          %parallel_loop3A_593 = arith.shrsi %parallel_loop3A_590, %parallel_loop3A_592 : vector<16xi32>
          %parallel_loop3A_594 = arith.constant 50 : i32
          %parallel_loop3A_595 = vector.broadcast %parallel_loop3A_594 : i32 to vector<16xi32>
          %parallel_loop3A_596 = arith.muli %parallel_loop3A_595, %parallel_loop3A_593 : vector<16xi32>
          %parallel_loop3A_597 = arith.subi %parallel_loop3A_587, %parallel_loop3A_596 : vector<16xi32>
          %parallel_loop3A_598 = arith.constant 0 : i32
          %parallel_loop3A_599 = vector.broadcast %parallel_loop3A_598 : i32 to vector<16xi32>
          %parallel_loop3A_600 = tpu.vector_load_idx %arg7[%parallel_loop3A_587, %parallel_loop3A_599] : memref<400x32xf32, #tpu.memory_space<vmem>>[vector<16xi32>, vector<16xi32>], vector<16xf32>,
          %parallel_loop3A_601 = arith.constant 1 : i32
          %parallel_loop3A_602 = vector.broadcast %parallel_loop3A_601 : i32 to vector<16xi32>
          %parallel_loop3A_603 = tpu.vector_load_idx %arg7[%parallel_loop3A_587, %parallel_loop3A_602] : memref<400x32xf32, #tpu.memory_space<vmem>>[vector<16xi32>, vector<16xi32>], vector<16xf32>,
          %parallel_loop3A_604 = arith.constant 2 : i32
          %parallel_loop3A_605 = vector.broadcast %parallel_loop3A_604 : i32 to vector<16xi32>
          %parallel_loop3A_606 = tpu.vector_load_idx %arg7[%parallel_loop3A_587, %parallel_loop3A_605] : memref<400x32xf32, #tpu.memory_space<vmem>>[vector<16xi32>, vector<16xi32>], vector<16xf32>,
          %parallel_loop3A_607 = arith.constant 3 : i32
          %parallel_loop3A_608 = vector.broadcast %parallel_loop3A_607 : i32 to vector<16xi32>
          %parallel_loop3A_609 = tpu.vector_load_idx %arg7[%parallel_loop3A_587, %parallel_loop3A_608] : memref<400x32xf32, #tpu.memory_space<vmem>>[vector<16xi32>, vector<16xi32>], vector<16xf32>,
          %parallel_loop3A_610 = arith.constant 4 : i32
          %parallel_loop3A_611 = vector.broadcast %parallel_loop3A_610 : i32 to vector<16xi32>
          %parallel_loop3A_612 = tpu.vector_load_idx %arg7[%parallel_loop3A_587, %parallel_loop3A_611] : memref<400x32xf32, #tpu.memory_space<vmem>>[vector<16xi32>, vector<16xi32>], vector<16xf32>,
          %parallel_loop3A_613 = arith.constant 5 : i32
          %parallel_loop3A_614 = vector.broadcast %parallel_loop3A_613 : i32 to vector<16xi32>
          %parallel_loop3A_615 = tpu.vector_load_idx %arg7[%parallel_loop3A_587, %parallel_loop3A_614] : memref<400x32xf32, #tpu.memory_space<vmem>>[vector<16xi32>, vector<16xi32>], vector<16xf32>,
          %parallel_loop3A_616 = arith.constant 6 : i32
          %parallel_loop3A_617 = vector.broadcast %parallel_loop3A_616 : i32 to vector<16xi32>
          %parallel_loop3A_618 = tpu.vector_load_idx %arg7[%parallel_loop3A_587, %parallel_loop3A_617] : memref<400x32xf32, #tpu.memory_space<vmem>>[vector<16xi32>, vector<16xi32>], vector<16xf32>,
          %parallel_loop3A_619 = arith.constant 7 : i32
          %parallel_loop3A_620 = vector.broadcast %parallel_loop3A_619 : i32 to vector<16xi32>
          %parallel_loop3A_621 = tpu.vector_load_idx %arg7[%parallel_loop3A_587, %parallel_loop3A_620] : memref<400x32xf32, #tpu.memory_space<vmem>>[vector<16xi32>, vector<16xi32>], vector<16xf32>,
          %parallel_loop3A_622 = arith.constant 8 : i32
          %parallel_loop3A_623 = vector.broadcast %parallel_loop3A_622 : i32 to vector<16xi32>
          %parallel_loop3A_624 = tpu.vector_load_idx %arg7[%parallel_loop3A_587, %parallel_loop3A_623] : memref<400x32xf32, #tpu.memory_space<vmem>>[vector<16xi32>, vector<16xi32>], vector<16xf32>,
          %parallel_loop3A_625 = arith.constant 9 : i32
          %parallel_loop3A_626 = vector.broadcast %parallel_loop3A_625 : i32 to vector<16xi32>
          %parallel_loop3A_627 = tpu.vector_load_idx %arg7[%parallel_loop3A_587, %parallel_loop3A_626] : memref<400x32xf32, #tpu.memory_space<vmem>>[vector<16xi32>, vector<16xi32>], vector<16xf32>,
          %parallel_loop3A_628 = arith.constant 10 : i32
          %parallel_loop3A_629 = vector.broadcast %parallel_loop3A_628 : i32 to vector<16xi32>
          %parallel_loop3A_630 = tpu.vector_load_idx %arg7[%parallel_loop3A_587, %parallel_loop3A_629] : memref<400x32xf32, #tpu.memory_space<vmem>>[vector<16xi32>, vector<16xi32>], vector<16xf32>,
          %parallel_loop3A_631 = arith.constant 11 : i32
          %parallel_loop3A_632 = vector.broadcast %parallel_loop3A_631 : i32 to vector<16xi32>
          %parallel_loop3A_633 = tpu.vector_load_idx %arg7[%parallel_loop3A_587, %parallel_loop3A_632] : memref<400x32xf32, #tpu.memory_space<vmem>>[vector<16xi32>, vector<16xi32>], vector<16xf32>,
          %parallel_loop3A_634 = arith.constant 12 : i32
          %parallel_loop3A_635 = vector.broadcast %parallel_loop3A_634 : i32 to vector<16xi32>
          %parallel_loop3A_636 = tpu.vector_load_idx %arg7[%parallel_loop3A_587, %parallel_loop3A_635] : memref<400x32xf32, #tpu.memory_space<vmem>>[vector<16xi32>, vector<16xi32>], vector<16xf32>,
          %parallel_loop3A_637 = arith.constant 13 : i32
          %parallel_loop3A_638 = vector.broadcast %parallel_loop3A_637 : i32 to vector<16xi32>
          %parallel_loop3A_639 = tpu.vector_load_idx %arg7[%parallel_loop3A_587, %parallel_loop3A_638] : memref<400x32xf32, #tpu.memory_space<vmem>>[vector<16xi32>, vector<16xi32>], vector<16xf32>,
          %parallel_loop3A_640 = arith.constant 14 : i32
          %parallel_loop3A_641 = vector.broadcast %parallel_loop3A_640 : i32 to vector<16xi32>
          %parallel_loop3A_642 = tpu.vector_load_idx %arg7[%parallel_loop3A_587, %parallel_loop3A_641] : memref<400x32xf32, #tpu.memory_space<vmem>>[vector<16xi32>, vector<16xi32>], vector<16xf32>,
          %parallel_loop3A_643 = arith.constant 15 : i32
          %parallel_loop3A_644 = vector.broadcast %parallel_loop3A_643 : i32 to vector<16xi32>
          %parallel_loop3A_645 = tpu.vector_load_idx %arg7[%parallel_loop3A_587, %parallel_loop3A_644] : memref<400x32xf32, #tpu.memory_space<vmem>>[vector<16xi32>, vector<16xi32>], vector<16xf32>,
          %parallel_loop3A_646 = arith.constant 16 : i32
          %parallel_loop3A_647 = vector.broadcast %parallel_loop3A_646 : i32 to vector<16xi32>
          %parallel_loop3A_648 = tpu.vector_load_idx %arg7[%parallel_loop3A_587, %parallel_loop3A_647] : memref<400x32xf32, #tpu.memory_space<vmem>>[vector<16xi32>, vector<16xi32>], vector<16xf32>,
          %parallel_loop3A_649 = arith.constant 17 : i32
          %parallel_loop3A_650 = vector.broadcast %parallel_loop3A_649 : i32 to vector<16xi32>
          %parallel_loop3A_651 = tpu.vector_load_idx %arg7[%parallel_loop3A_587, %parallel_loop3A_650] : memref<400x32xf32, #tpu.memory_space<vmem>>[vector<16xi32>, vector<16xi32>], vector<16xf32>,
          %parallel_loop3A_652 = arith.constant 18 : i32
          %parallel_loop3A_653 = vector.broadcast %parallel_loop3A_652 : i32 to vector<16xi32>
          %parallel_loop3A_654 = tpu.vector_load_idx %arg7[%parallel_loop3A_587, %parallel_loop3A_653] : memref<400x32xf32, #tpu.memory_space<vmem>>[vector<16xi32>, vector<16xi32>], vector<16xf32>,
          %parallel_loop3A_655 = arith.constant 19 : i32
          %parallel_loop3A_656 = vector.broadcast %parallel_loop3A_655 : i32 to vector<16xi32>
          %parallel_loop3A_657 = tpu.vector_load_idx %arg7[%parallel_loop3A_587, %parallel_loop3A_656] : memref<400x32xf32, #tpu.memory_space<vmem>>[vector<16xi32>, vector<16xi32>], vector<16xf32>,
          %parallel_loop3A_658 = arith.constant 20 : i32
          %parallel_loop3A_659 = vector.broadcast %parallel_loop3A_658 : i32 to vector<16xi32>
          %parallel_loop3A_660 = tpu.vector_load_idx %arg7[%parallel_loop3A_587, %parallel_loop3A_659] : memref<400x32xf32, #tpu.memory_space<vmem>>[vector<16xi32>, vector<16xi32>], vector<16xf32>,
          %parallel_loop3A_661 = arith.constant 21 : i32
          %parallel_loop3A_662 = vector.broadcast %parallel_loop3A_661 : i32 to vector<16xi32>
          %parallel_loop3A_663 = tpu.vector_load_idx %arg7[%parallel_loop3A_587, %parallel_loop3A_662] : memref<400x32xf32, #tpu.memory_space<vmem>>[vector<16xi32>, vector<16xi32>], vector<16xf32>,
          %parallel_loop3A_664 = arith.constant 22 : i32
          %parallel_loop3A_665 = vector.broadcast %parallel_loop3A_664 : i32 to vector<16xi32>
          %parallel_loop3A_666 = tpu.vector_load_idx %arg7[%parallel_loop3A_587, %parallel_loop3A_665] : memref<400x32xf32, #tpu.memory_space<vmem>>[vector<16xi32>, vector<16xi32>], vector<16xf32>,
          %parallel_loop3A_667 = arith.constant 23 : i32
          %parallel_loop3A_668 = vector.broadcast %parallel_loop3A_667 : i32 to vector<16xi32>
          %parallel_loop3A_669 = tpu.vector_load_idx %arg7[%parallel_loop3A_587, %parallel_loop3A_668] : memref<400x32xf32, #tpu.memory_space<vmem>>[vector<16xi32>, vector<16xi32>], vector<16xf32>,
          %parallel_loop3A_670 = arith.constant 24 : i32
          %parallel_loop3A_671 = vector.broadcast %parallel_loop3A_670 : i32 to vector<16xi32>
          %parallel_loop3A_672 = tpu.vector_load_idx %arg7[%parallel_loop3A_587, %parallel_loop3A_671] : memref<400x32xf32, #tpu.memory_space<vmem>>[vector<16xi32>, vector<16xi32>], vector<16xf32>,
          %parallel_loop3A_673 = arith.constant 25 : i32
          %parallel_loop3A_674 = vector.broadcast %parallel_loop3A_673 : i32 to vector<16xi32>
          %parallel_loop3A_675 = tpu.vector_load_idx %arg7[%parallel_loop3A_587, %parallel_loop3A_674] : memref<400x32xf32, #tpu.memory_space<vmem>>[vector<16xi32>, vector<16xi32>], vector<16xf32>,
          %parallel_loop3A_676 = arith.constant 26 : i32
          %parallel_loop3A_677 = vector.broadcast %parallel_loop3A_676 : i32 to vector<16xi32>
          %parallel_loop3A_678 = tpu.vector_load_idx %arg7[%parallel_loop3A_587, %parallel_loop3A_677] : memref<400x32xf32, #tpu.memory_space<vmem>>[vector<16xi32>, vector<16xi32>], vector<16xf32>,
          %parallel_loop3A_679 = arith.constant 27 : i32
          %parallel_loop3A_680 = vector.broadcast %parallel_loop3A_679 : i32 to vector<16xi32>
          %parallel_loop3A_681 = tpu.vector_load_idx %arg7[%parallel_loop3A_587, %parallel_loop3A_680] : memref<400x32xf32, #tpu.memory_space<vmem>>[vector<16xi32>, vector<16xi32>], vector<16xf32>,
          %parallel_loop3A_682 = arith.constant 28 : i32
          %parallel_loop3A_683 = vector.broadcast %parallel_loop3A_682 : i32 to vector<16xi32>
          %parallel_loop3A_684 = tpu.vector_load_idx %arg7[%parallel_loop3A_587, %parallel_loop3A_683] : memref<400x32xf32, #tpu.memory_space<vmem>>[vector<16xi32>, vector<16xi32>], vector<16xf32>,
          %parallel_loop3A_685 = arith.constant 29 : i32
          %parallel_loop3A_686 = vector.broadcast %parallel_loop3A_685 : i32 to vector<16xi32>
          %parallel_loop3A_687 = tpu.vector_load_idx %arg7[%parallel_loop3A_587, %parallel_loop3A_686] : memref<400x32xf32, #tpu.memory_space<vmem>>[vector<16xi32>, vector<16xi32>], vector<16xf32>,
          %parallel_loop3A_688 = arith.constant 30 : i32
          %parallel_loop3A_689 = vector.broadcast %parallel_loop3A_688 : i32 to vector<16xi32>
          %parallel_loop3A_690 = tpu.vector_load_idx %arg7[%parallel_loop3A_587, %parallel_loop3A_689] : memref<400x32xf32, #tpu.memory_space<vmem>>[vector<16xi32>, vector<16xi32>], vector<16xf32>,
          %parallel_loop3A_691 = arith.constant 31 : i32
          %parallel_loop3A_692 = vector.broadcast %parallel_loop3A_691 : i32 to vector<16xi32>
          %parallel_loop3A_693 = tpu.vector_load_idx %arg7[%parallel_loop3A_587, %parallel_loop3A_692] : memref<400x32xf32, #tpu.memory_space<vmem>>[vector<16xi32>, vector<16xi32>], vector<16xf32>,
          %parallel_loop3A_694 = arith.constant 0.000000e+00 : f32
          %parallel_loop3A_695 = vector.broadcast %parallel_loop3A_694 : f32 to vector<16xf32>
          %parallel_loop3A_696 = arith.constant 0.000000e+00 : f32
          %parallel_loop3A_697 = vector.broadcast %parallel_loop3A_696 : f32 to vector<16xf32>
          %parallel_loop3A_698 = arith.constant 0.000000e+00 : f32
          %parallel_loop3A_699 = vector.broadcast %parallel_loop3A_698 : f32 to vector<16xf32>
          %parallel_loop3A_700 = arith.constant 0.000000e+00 : f32
          %parallel_loop3A_701 = vector.broadcast %parallel_loop3A_700 : f32 to vector<16xf32>
          %parallel_loop3A_702 = arith.mulf %parallel_loop3A_600, %parallel_loop3A_600 : vector<16xf32>
          %parallel_loop3A_703 = arith.addf %parallel_loop3A_695, %parallel_loop3A_702 : vector<16xf32>
          %parallel_loop3A_704 = arith.mulf %parallel_loop3A_603, %parallel_loop3A_603 : vector<16xf32>
          %parallel_loop3A_705 = arith.addf %parallel_loop3A_697, %parallel_loop3A_704 : vector<16xf32>
          %parallel_loop3A_706 = arith.mulf %parallel_loop3A_606, %parallel_loop3A_606 : vector<16xf32>
          %parallel_loop3A_707 = arith.addf %parallel_loop3A_699, %parallel_loop3A_706 : vector<16xf32>
          %parallel_loop3A_708 = arith.mulf %parallel_loop3A_609, %parallel_loop3A_609 : vector<16xf32>
          %parallel_loop3A_709 = arith.addf %parallel_loop3A_701, %parallel_loop3A_708 : vector<16xf32>
          %parallel_loop3A_710 = arith.mulf %parallel_loop3A_612, %parallel_loop3A_612 : vector<16xf32>
          %parallel_loop3A_711 = arith.addf %parallel_loop3A_703, %parallel_loop3A_710 : vector<16xf32>
          %parallel_loop3A_712 = arith.mulf %parallel_loop3A_615, %parallel_loop3A_615 : vector<16xf32>
          %parallel_loop3A_713 = arith.addf %parallel_loop3A_705, %parallel_loop3A_712 : vector<16xf32>
          %parallel_loop3A_714 = arith.mulf %parallel_loop3A_618, %parallel_loop3A_618 : vector<16xf32>
          %parallel_loop3A_715 = arith.addf %parallel_loop3A_707, %parallel_loop3A_714 : vector<16xf32>
          %parallel_loop3A_716 = arith.mulf %parallel_loop3A_621, %parallel_loop3A_621 : vector<16xf32>
          %parallel_loop3A_717 = arith.addf %parallel_loop3A_709, %parallel_loop3A_716 : vector<16xf32>
          %parallel_loop3A_718 = arith.mulf %parallel_loop3A_624, %parallel_loop3A_624 : vector<16xf32>
          %parallel_loop3A_719 = arith.addf %parallel_loop3A_711, %parallel_loop3A_718 : vector<16xf32>
          %parallel_loop3A_720 = arith.mulf %parallel_loop3A_627, %parallel_loop3A_627 : vector<16xf32>
          %parallel_loop3A_721 = arith.addf %parallel_loop3A_713, %parallel_loop3A_720 : vector<16xf32>
          %parallel_loop3A_722 = arith.mulf %parallel_loop3A_630, %parallel_loop3A_630 : vector<16xf32>
          %parallel_loop3A_723 = arith.addf %parallel_loop3A_715, %parallel_loop3A_722 : vector<16xf32>
          %parallel_loop3A_724 = arith.mulf %parallel_loop3A_633, %parallel_loop3A_633 : vector<16xf32>
          %parallel_loop3A_725 = arith.addf %parallel_loop3A_717, %parallel_loop3A_724 : vector<16xf32>
          %parallel_loop3A_726 = arith.mulf %parallel_loop3A_636, %parallel_loop3A_636 : vector<16xf32>
          %parallel_loop3A_727 = arith.addf %parallel_loop3A_719, %parallel_loop3A_726 : vector<16xf32>
          %parallel_loop3A_728 = arith.mulf %parallel_loop3A_639, %parallel_loop3A_639 : vector<16xf32>
          %parallel_loop3A_729 = arith.addf %parallel_loop3A_721, %parallel_loop3A_728 : vector<16xf32>
          %parallel_loop3A_730 = arith.mulf %parallel_loop3A_642, %parallel_loop3A_642 : vector<16xf32>
          %parallel_loop3A_731 = arith.addf %parallel_loop3A_723, %parallel_loop3A_730 : vector<16xf32>
          %parallel_loop3A_732 = arith.mulf %parallel_loop3A_645, %parallel_loop3A_645 : vector<16xf32>
          %parallel_loop3A_733 = arith.addf %parallel_loop3A_725, %parallel_loop3A_732 : vector<16xf32>
          %parallel_loop3A_734 = arith.mulf %parallel_loop3A_648, %parallel_loop3A_648 : vector<16xf32>
          %parallel_loop3A_735 = arith.addf %parallel_loop3A_727, %parallel_loop3A_734 : vector<16xf32>
          %parallel_loop3A_736 = arith.mulf %parallel_loop3A_651, %parallel_loop3A_651 : vector<16xf32>
          %parallel_loop3A_737 = arith.addf %parallel_loop3A_729, %parallel_loop3A_736 : vector<16xf32>
          %parallel_loop3A_738 = arith.mulf %parallel_loop3A_654, %parallel_loop3A_654 : vector<16xf32>
          %parallel_loop3A_739 = arith.addf %parallel_loop3A_731, %parallel_loop3A_738 : vector<16xf32>
          %parallel_loop3A_740 = arith.mulf %parallel_loop3A_657, %parallel_loop3A_657 : vector<16xf32>
          %parallel_loop3A_741 = arith.addf %parallel_loop3A_733, %parallel_loop3A_740 : vector<16xf32>
          %parallel_loop3A_742 = arith.mulf %parallel_loop3A_660, %parallel_loop3A_660 : vector<16xf32>
          %parallel_loop3A_743 = arith.addf %parallel_loop3A_735, %parallel_loop3A_742 : vector<16xf32>
          %parallel_loop3A_744 = arith.mulf %parallel_loop3A_663, %parallel_loop3A_663 : vector<16xf32>
          %parallel_loop3A_745 = arith.addf %parallel_loop3A_737, %parallel_loop3A_744 : vector<16xf32>
          %parallel_loop3A_746 = arith.mulf %parallel_loop3A_666, %parallel_loop3A_666 : vector<16xf32>
          %parallel_loop3A_747 = arith.addf %parallel_loop3A_739, %parallel_loop3A_746 : vector<16xf32>
          %parallel_loop3A_748 = arith.mulf %parallel_loop3A_669, %parallel_loop3A_669 : vector<16xf32>
          %parallel_loop3A_749 = arith.addf %parallel_loop3A_741, %parallel_loop3A_748 : vector<16xf32>
          %parallel_loop3A_750 = arith.mulf %parallel_loop3A_672, %parallel_loop3A_672 : vector<16xf32>
          %parallel_loop3A_751 = arith.addf %parallel_loop3A_743, %parallel_loop3A_750 : vector<16xf32>
          %parallel_loop3A_752 = arith.mulf %parallel_loop3A_675, %parallel_loop3A_675 : vector<16xf32>
          %parallel_loop3A_753 = arith.addf %parallel_loop3A_745, %parallel_loop3A_752 : vector<16xf32>
          %parallel_loop3A_754 = arith.mulf %parallel_loop3A_678, %parallel_loop3A_678 : vector<16xf32>
          %parallel_loop3A_755 = arith.addf %parallel_loop3A_747, %parallel_loop3A_754 : vector<16xf32>
          %parallel_loop3A_756 = arith.mulf %parallel_loop3A_681, %parallel_loop3A_681 : vector<16xf32>
          %parallel_loop3A_757 = arith.addf %parallel_loop3A_749, %parallel_loop3A_756 : vector<16xf32>
          %parallel_loop3A_758 = arith.mulf %parallel_loop3A_684, %parallel_loop3A_684 : vector<16xf32>
          %parallel_loop3A_759 = arith.addf %parallel_loop3A_751, %parallel_loop3A_758 : vector<16xf32>
          %parallel_loop3A_760 = arith.mulf %parallel_loop3A_687, %parallel_loop3A_687 : vector<16xf32>
          %parallel_loop3A_761 = arith.addf %parallel_loop3A_753, %parallel_loop3A_760 : vector<16xf32>
          %parallel_loop3A_762 = arith.mulf %parallel_loop3A_690, %parallel_loop3A_690 : vector<16xf32>
          %parallel_loop3A_763 = arith.addf %parallel_loop3A_755, %parallel_loop3A_762 : vector<16xf32>
          %parallel_loop3A_764 = arith.mulf %parallel_loop3A_693, %parallel_loop3A_693 : vector<16xf32>
          %parallel_loop3A_765 = arith.addf %parallel_loop3A_757, %parallel_loop3A_764 : vector<16xf32>
          %parallel_loop3A_766 = arith.addf %parallel_loop3A_759, %parallel_loop3A_761 : vector<16xf32>
          %parallel_loop3A_767 = arith.addf %parallel_loop3A_763, %parallel_loop3A_765 : vector<16xf32>
          %parallel_loop3A_768 = arith.addf %parallel_loop3A_766, %parallel_loop3A_767 : vector<16xf32>
          %parallel_loop3A_769 = arith.constant 1.000000e-24 : f32
          %parallel_loop3A_770 = vector.broadcast %parallel_loop3A_769 : f32 to vector<16xf32>
          %parallel_loop3A_771 = arith.maximumf %parallel_loop3A_768, %parallel_loop3A_770 : vector<16xf32>
          %parallel_loop3A_772 = vector.bitcast %parallel_loop3A_771 : vector<16xf32> to vector<16xi32>
          %parallel_loop3A_773 = arith.constant 1 : i32
          %parallel_loop3A_774 = vector.broadcast %parallel_loop3A_773 : i32 to vector<16xi32>
          %parallel_loop3A_775 = arith.shrsi %parallel_loop3A_772, %parallel_loop3A_774 : vector<16xi32>
          %parallel_loop3A_776 = arith.constant 1597463007 : i32
          %parallel_loop3A_777 = vector.broadcast %parallel_loop3A_776 : i32 to vector<16xi32>
          %parallel_loop3A_778 = arith.subi %parallel_loop3A_777, %parallel_loop3A_775 : vector<16xi32>
          %parallel_loop3A_779 = vector.bitcast %parallel_loop3A_778 : vector<16xi32> to vector<16xf32>
          %parallel_loop3A_780 = arith.constant 5.000000e-01 : f32
          %parallel_loop3A_781 = vector.broadcast %parallel_loop3A_780 : f32 to vector<16xf32>
          %parallel_loop3A_782 = arith.mulf %parallel_loop3A_771, %parallel_loop3A_781 : vector<16xf32>
          %parallel_loop3A_783 = arith.mulf %parallel_loop3A_782, %parallel_loop3A_779 : vector<16xf32>
          %parallel_loop3A_784 = arith.mulf %parallel_loop3A_783, %parallel_loop3A_779 : vector<16xf32>
          %parallel_loop3A_785 = arith.constant 1.500000e+00 : f32
          %parallel_loop3A_786 = vector.broadcast %parallel_loop3A_785 : f32 to vector<16xf32>
          %parallel_loop3A_787 = arith.subf %parallel_loop3A_786, %parallel_loop3A_784 : vector<16xf32>
          %parallel_loop3A_788 = arith.mulf %parallel_loop3A_779, %parallel_loop3A_787 : vector<16xf32>
          %parallel_loop3A_789 = arith.mulf %parallel_loop3A_782, %parallel_loop3A_788 : vector<16xf32>
          %parallel_loop3A_790 = arith.mulf %parallel_loop3A_789, %parallel_loop3A_788 : vector<16xf32>
          %parallel_loop3A_791 = arith.constant 1.500000e+00 : f32
          %parallel_loop3A_792 = vector.broadcast %parallel_loop3A_791 : f32 to vector<16xf32>
          %parallel_loop3A_793 = arith.subf %parallel_loop3A_792, %parallel_loop3A_790 : vector<16xf32>
          %parallel_loop3A_794 = arith.mulf %parallel_loop3A_788, %parallel_loop3A_793 : vector<16xf32>
          %parallel_loop3A_795 = arith.mulf %parallel_loop3A_782, %parallel_loop3A_794 : vector<16xf32>
          %parallel_loop3A_796 = arith.mulf %parallel_loop3A_795, %parallel_loop3A_794 : vector<16xf32>
          %parallel_loop3A_797 = arith.constant 1.500000e+00 : f32
          %parallel_loop3A_798 = vector.broadcast %parallel_loop3A_797 : f32 to vector<16xf32>
          %parallel_loop3A_799 = arith.subf %parallel_loop3A_798, %parallel_loop3A_796 : vector<16xf32>
          %parallel_loop3A_800 = arith.mulf %parallel_loop3A_794, %parallel_loop3A_799 : vector<16xf32>
          %parallel_loop3A_801 = arith.constant 0 : i32
          %parallel_loop3A_802 = vector.broadcast %parallel_loop3A_801 : i32 to vector<16xi32>
          %parallel_loop3A_803 = arith.mulf %parallel_loop3A_600, %parallel_loop3A_800 : vector<16xf32>
          tpu.vector_store_idx %arg9[%parallel_loop3A_593, %parallel_loop3A_597, %parallel_loop3A_802], %parallel_loop3A_803 : memref<8x50x32xf32, #tpu.memory_space<vmem>>[vector<16xi32>, vector<16xi32>, vector<16xi32>], vector<16xf32>,
          %parallel_loop3A_804 = arith.constant 1 : i32
          %parallel_loop3A_805 = vector.broadcast %parallel_loop3A_804 : i32 to vector<16xi32>
          %parallel_loop3A_806 = arith.mulf %parallel_loop3A_603, %parallel_loop3A_800 : vector<16xf32>
          tpu.vector_store_idx %arg9[%parallel_loop3A_593, %parallel_loop3A_597, %parallel_loop3A_805], %parallel_loop3A_806 : memref<8x50x32xf32, #tpu.memory_space<vmem>>[vector<16xi32>, vector<16xi32>, vector<16xi32>], vector<16xf32>,
          %parallel_loop3A_807 = arith.constant 2 : i32
          %parallel_loop3A_808 = vector.broadcast %parallel_loop3A_807 : i32 to vector<16xi32>
          %parallel_loop3A_809 = arith.mulf %parallel_loop3A_606, %parallel_loop3A_800 : vector<16xf32>
          tpu.vector_store_idx %arg9[%parallel_loop3A_593, %parallel_loop3A_597, %parallel_loop3A_808], %parallel_loop3A_809 : memref<8x50x32xf32, #tpu.memory_space<vmem>>[vector<16xi32>, vector<16xi32>, vector<16xi32>], vector<16xf32>,
          %parallel_loop3A_810 = arith.constant 3 : i32
          %parallel_loop3A_811 = vector.broadcast %parallel_loop3A_810 : i32 to vector<16xi32>
          %parallel_loop3A_812 = arith.mulf %parallel_loop3A_609, %parallel_loop3A_800 : vector<16xf32>
          tpu.vector_store_idx %arg9[%parallel_loop3A_593, %parallel_loop3A_597, %parallel_loop3A_811], %parallel_loop3A_812 : memref<8x50x32xf32, #tpu.memory_space<vmem>>[vector<16xi32>, vector<16xi32>, vector<16xi32>], vector<16xf32>,
          %parallel_loop3A_813 = arith.constant 4 : i32
          %parallel_loop3A_814 = vector.broadcast %parallel_loop3A_813 : i32 to vector<16xi32>
          %parallel_loop3A_815 = arith.mulf %parallel_loop3A_612, %parallel_loop3A_800 : vector<16xf32>
          tpu.vector_store_idx %arg9[%parallel_loop3A_593, %parallel_loop3A_597, %parallel_loop3A_814], %parallel_loop3A_815 : memref<8x50x32xf32, #tpu.memory_space<vmem>>[vector<16xi32>, vector<16xi32>, vector<16xi32>], vector<16xf32>,
          %parallel_loop3A_816 = arith.constant 5 : i32
          %parallel_loop3A_817 = vector.broadcast %parallel_loop3A_816 : i32 to vector<16xi32>
          %parallel_loop3A_818 = arith.mulf %parallel_loop3A_615, %parallel_loop3A_800 : vector<16xf32>
          tpu.vector_store_idx %arg9[%parallel_loop3A_593, %parallel_loop3A_597, %parallel_loop3A_817], %parallel_loop3A_818 : memref<8x50x32xf32, #tpu.memory_space<vmem>>[vector<16xi32>, vector<16xi32>, vector<16xi32>], vector<16xf32>,
          %parallel_loop3A_819 = arith.constant 6 : i32
          %parallel_loop3A_820 = vector.broadcast %parallel_loop3A_819 : i32 to vector<16xi32>
          %parallel_loop3A_821 = arith.mulf %parallel_loop3A_618, %parallel_loop3A_800 : vector<16xf32>
          tpu.vector_store_idx %arg9[%parallel_loop3A_593, %parallel_loop3A_597, %parallel_loop3A_820], %parallel_loop3A_821 : memref<8x50x32xf32, #tpu.memory_space<vmem>>[vector<16xi32>, vector<16xi32>, vector<16xi32>], vector<16xf32>,
          %parallel_loop3A_822 = arith.constant 7 : i32
          %parallel_loop3A_823 = vector.broadcast %parallel_loop3A_822 : i32 to vector<16xi32>
          %parallel_loop3A_824 = arith.mulf %parallel_loop3A_621, %parallel_loop3A_800 : vector<16xf32>
          tpu.vector_store_idx %arg9[%parallel_loop3A_593, %parallel_loop3A_597, %parallel_loop3A_823], %parallel_loop3A_824 : memref<8x50x32xf32, #tpu.memory_space<vmem>>[vector<16xi32>, vector<16xi32>, vector<16xi32>], vector<16xf32>,
          %parallel_loop3A_825 = arith.constant 8 : i32
          %parallel_loop3A_826 = vector.broadcast %parallel_loop3A_825 : i32 to vector<16xi32>
          %parallel_loop3A_827 = arith.mulf %parallel_loop3A_624, %parallel_loop3A_800 : vector<16xf32>
          tpu.vector_store_idx %arg9[%parallel_loop3A_593, %parallel_loop3A_597, %parallel_loop3A_826], %parallel_loop3A_827 : memref<8x50x32xf32, #tpu.memory_space<vmem>>[vector<16xi32>, vector<16xi32>, vector<16xi32>], vector<16xf32>,
          %parallel_loop3A_828 = arith.constant 9 : i32
          %parallel_loop3A_829 = vector.broadcast %parallel_loop3A_828 : i32 to vector<16xi32>
          %parallel_loop3A_830 = arith.mulf %parallel_loop3A_627, %parallel_loop3A_800 : vector<16xf32>
          tpu.vector_store_idx %arg9[%parallel_loop3A_593, %parallel_loop3A_597, %parallel_loop3A_829], %parallel_loop3A_830 : memref<8x50x32xf32, #tpu.memory_space<vmem>>[vector<16xi32>, vector<16xi32>, vector<16xi32>], vector<16xf32>,
          %parallel_loop3A_831 = arith.constant 10 : i32
          %parallel_loop3A_832 = vector.broadcast %parallel_loop3A_831 : i32 to vector<16xi32>
          %parallel_loop3A_833 = arith.mulf %parallel_loop3A_630, %parallel_loop3A_800 : vector<16xf32>
          tpu.vector_store_idx %arg9[%parallel_loop3A_593, %parallel_loop3A_597, %parallel_loop3A_832], %parallel_loop3A_833 : memref<8x50x32xf32, #tpu.memory_space<vmem>>[vector<16xi32>, vector<16xi32>, vector<16xi32>], vector<16xf32>,
          %parallel_loop3A_834 = arith.constant 11 : i32
          %parallel_loop3A_835 = vector.broadcast %parallel_loop3A_834 : i32 to vector<16xi32>
          %parallel_loop3A_836 = arith.mulf %parallel_loop3A_633, %parallel_loop3A_800 : vector<16xf32>
          tpu.vector_store_idx %arg9[%parallel_loop3A_593, %parallel_loop3A_597, %parallel_loop3A_835], %parallel_loop3A_836 : memref<8x50x32xf32, #tpu.memory_space<vmem>>[vector<16xi32>, vector<16xi32>, vector<16xi32>], vector<16xf32>,
          %parallel_loop3A_837 = arith.constant 12 : i32
          %parallel_loop3A_838 = vector.broadcast %parallel_loop3A_837 : i32 to vector<16xi32>
          %parallel_loop3A_839 = arith.mulf %parallel_loop3A_636, %parallel_loop3A_800 : vector<16xf32>
          tpu.vector_store_idx %arg9[%parallel_loop3A_593, %parallel_loop3A_597, %parallel_loop3A_838], %parallel_loop3A_839 : memref<8x50x32xf32, #tpu.memory_space<vmem>>[vector<16xi32>, vector<16xi32>, vector<16xi32>], vector<16xf32>,
          %parallel_loop3A_840 = arith.constant 13 : i32
          %parallel_loop3A_841 = vector.broadcast %parallel_loop3A_840 : i32 to vector<16xi32>
          %parallel_loop3A_842 = arith.mulf %parallel_loop3A_639, %parallel_loop3A_800 : vector<16xf32>
          tpu.vector_store_idx %arg9[%parallel_loop3A_593, %parallel_loop3A_597, %parallel_loop3A_841], %parallel_loop3A_842 : memref<8x50x32xf32, #tpu.memory_space<vmem>>[vector<16xi32>, vector<16xi32>, vector<16xi32>], vector<16xf32>,
          %parallel_loop3A_843 = arith.constant 14 : i32
          %parallel_loop3A_844 = vector.broadcast %parallel_loop3A_843 : i32 to vector<16xi32>
          %parallel_loop3A_845 = arith.mulf %parallel_loop3A_642, %parallel_loop3A_800 : vector<16xf32>
          tpu.vector_store_idx %arg9[%parallel_loop3A_593, %parallel_loop3A_597, %parallel_loop3A_844], %parallel_loop3A_845 : memref<8x50x32xf32, #tpu.memory_space<vmem>>[vector<16xi32>, vector<16xi32>, vector<16xi32>], vector<16xf32>,
          %parallel_loop3A_846 = arith.constant 15 : i32
          %parallel_loop3A_847 = vector.broadcast %parallel_loop3A_846 : i32 to vector<16xi32>
          %parallel_loop3A_848 = arith.mulf %parallel_loop3A_645, %parallel_loop3A_800 : vector<16xf32>
          tpu.vector_store_idx %arg9[%parallel_loop3A_593, %parallel_loop3A_597, %parallel_loop3A_847], %parallel_loop3A_848 : memref<8x50x32xf32, #tpu.memory_space<vmem>>[vector<16xi32>, vector<16xi32>, vector<16xi32>], vector<16xf32>,
          %parallel_loop3A_849 = arith.constant 16 : i32
          %parallel_loop3A_850 = vector.broadcast %parallel_loop3A_849 : i32 to vector<16xi32>
          %parallel_loop3A_851 = arith.mulf %parallel_loop3A_648, %parallel_loop3A_800 : vector<16xf32>
          tpu.vector_store_idx %arg9[%parallel_loop3A_593, %parallel_loop3A_597, %parallel_loop3A_850], %parallel_loop3A_851 : memref<8x50x32xf32, #tpu.memory_space<vmem>>[vector<16xi32>, vector<16xi32>, vector<16xi32>], vector<16xf32>,
          %parallel_loop3A_852 = arith.constant 17 : i32
          %parallel_loop3A_853 = vector.broadcast %parallel_loop3A_852 : i32 to vector<16xi32>
          %parallel_loop3A_854 = arith.mulf %parallel_loop3A_651, %parallel_loop3A_800 : vector<16xf32>
          tpu.vector_store_idx %arg9[%parallel_loop3A_593, %parallel_loop3A_597, %parallel_loop3A_853], %parallel_loop3A_854 : memref<8x50x32xf32, #tpu.memory_space<vmem>>[vector<16xi32>, vector<16xi32>, vector<16xi32>], vector<16xf32>,
          %parallel_loop3A_855 = arith.constant 18 : i32
          %parallel_loop3A_856 = vector.broadcast %parallel_loop3A_855 : i32 to vector<16xi32>
          %parallel_loop3A_857 = arith.mulf %parallel_loop3A_654, %parallel_loop3A_800 : vector<16xf32>
          tpu.vector_store_idx %arg9[%parallel_loop3A_593, %parallel_loop3A_597, %parallel_loop3A_856], %parallel_loop3A_857 : memref<8x50x32xf32, #tpu.memory_space<vmem>>[vector<16xi32>, vector<16xi32>, vector<16xi32>], vector<16xf32>,
          %parallel_loop3A_858 = arith.constant 19 : i32
          %parallel_loop3A_859 = vector.broadcast %parallel_loop3A_858 : i32 to vector<16xi32>
          %parallel_loop3A_860 = arith.mulf %parallel_loop3A_657, %parallel_loop3A_800 : vector<16xf32>
          tpu.vector_store_idx %arg9[%parallel_loop3A_593, %parallel_loop3A_597, %parallel_loop3A_859], %parallel_loop3A_860 : memref<8x50x32xf32, #tpu.memory_space<vmem>>[vector<16xi32>, vector<16xi32>, vector<16xi32>], vector<16xf32>,
          %parallel_loop3A_861 = arith.constant 20 : i32
          %parallel_loop3A_862 = vector.broadcast %parallel_loop3A_861 : i32 to vector<16xi32>
          %parallel_loop3A_863 = arith.mulf %parallel_loop3A_660, %parallel_loop3A_800 : vector<16xf32>
          tpu.vector_store_idx %arg9[%parallel_loop3A_593, %parallel_loop3A_597, %parallel_loop3A_862], %parallel_loop3A_863 : memref<8x50x32xf32, #tpu.memory_space<vmem>>[vector<16xi32>, vector<16xi32>, vector<16xi32>], vector<16xf32>,
          %parallel_loop3A_864 = arith.constant 21 : i32
          %parallel_loop3A_865 = vector.broadcast %parallel_loop3A_864 : i32 to vector<16xi32>
          %parallel_loop3A_866 = arith.mulf %parallel_loop3A_663, %parallel_loop3A_800 : vector<16xf32>
          tpu.vector_store_idx %arg9[%parallel_loop3A_593, %parallel_loop3A_597, %parallel_loop3A_865], %parallel_loop3A_866 : memref<8x50x32xf32, #tpu.memory_space<vmem>>[vector<16xi32>, vector<16xi32>, vector<16xi32>], vector<16xf32>,
          %parallel_loop3A_867 = arith.constant 22 : i32
          %parallel_loop3A_868 = vector.broadcast %parallel_loop3A_867 : i32 to vector<16xi32>
          %parallel_loop3A_869 = arith.mulf %parallel_loop3A_666, %parallel_loop3A_800 : vector<16xf32>
          tpu.vector_store_idx %arg9[%parallel_loop3A_593, %parallel_loop3A_597, %parallel_loop3A_868], %parallel_loop3A_869 : memref<8x50x32xf32, #tpu.memory_space<vmem>>[vector<16xi32>, vector<16xi32>, vector<16xi32>], vector<16xf32>,
          %parallel_loop3A_870 = arith.constant 23 : i32
          %parallel_loop3A_871 = vector.broadcast %parallel_loop3A_870 : i32 to vector<16xi32>
          %parallel_loop3A_872 = arith.mulf %parallel_loop3A_669, %parallel_loop3A_800 : vector<16xf32>
          tpu.vector_store_idx %arg9[%parallel_loop3A_593, %parallel_loop3A_597, %parallel_loop3A_871], %parallel_loop3A_872 : memref<8x50x32xf32, #tpu.memory_space<vmem>>[vector<16xi32>, vector<16xi32>, vector<16xi32>], vector<16xf32>,
          %parallel_loop3A_873 = arith.constant 24 : i32
          %parallel_loop3A_874 = vector.broadcast %parallel_loop3A_873 : i32 to vector<16xi32>
          %parallel_loop3A_875 = arith.mulf %parallel_loop3A_672, %parallel_loop3A_800 : vector<16xf32>
          tpu.vector_store_idx %arg9[%parallel_loop3A_593, %parallel_loop3A_597, %parallel_loop3A_874], %parallel_loop3A_875 : memref<8x50x32xf32, #tpu.memory_space<vmem>>[vector<16xi32>, vector<16xi32>, vector<16xi32>], vector<16xf32>,
          %parallel_loop3A_876 = arith.constant 25 : i32
          %parallel_loop3A_877 = vector.broadcast %parallel_loop3A_876 : i32 to vector<16xi32>
          %parallel_loop3A_878 = arith.mulf %parallel_loop3A_675, %parallel_loop3A_800 : vector<16xf32>
          tpu.vector_store_idx %arg9[%parallel_loop3A_593, %parallel_loop3A_597, %parallel_loop3A_877], %parallel_loop3A_878 : memref<8x50x32xf32, #tpu.memory_space<vmem>>[vector<16xi32>, vector<16xi32>, vector<16xi32>], vector<16xf32>,
          %parallel_loop3A_879 = arith.constant 26 : i32
          %parallel_loop3A_880 = vector.broadcast %parallel_loop3A_879 : i32 to vector<16xi32>
          %parallel_loop3A_881 = arith.mulf %parallel_loop3A_678, %parallel_loop3A_800 : vector<16xf32>
          tpu.vector_store_idx %arg9[%parallel_loop3A_593, %parallel_loop3A_597, %parallel_loop3A_880], %parallel_loop3A_881 : memref<8x50x32xf32, #tpu.memory_space<vmem>>[vector<16xi32>, vector<16xi32>, vector<16xi32>], vector<16xf32>,
          %parallel_loop3A_882 = arith.constant 27 : i32
          %parallel_loop3A_883 = vector.broadcast %parallel_loop3A_882 : i32 to vector<16xi32>
          %parallel_loop3A_884 = arith.mulf %parallel_loop3A_681, %parallel_loop3A_800 : vector<16xf32>
          tpu.vector_store_idx %arg9[%parallel_loop3A_593, %parallel_loop3A_597, %parallel_loop3A_883], %parallel_loop3A_884 : memref<8x50x32xf32, #tpu.memory_space<vmem>>[vector<16xi32>, vector<16xi32>, vector<16xi32>], vector<16xf32>,
          %parallel_loop3A_885 = arith.constant 28 : i32
          %parallel_loop3A_886 = vector.broadcast %parallel_loop3A_885 : i32 to vector<16xi32>
          %parallel_loop3A_887 = arith.mulf %parallel_loop3A_684, %parallel_loop3A_800 : vector<16xf32>
          tpu.vector_store_idx %arg9[%parallel_loop3A_593, %parallel_loop3A_597, %parallel_loop3A_886], %parallel_loop3A_887 : memref<8x50x32xf32, #tpu.memory_space<vmem>>[vector<16xi32>, vector<16xi32>, vector<16xi32>], vector<16xf32>,
          %parallel_loop3A_888 = arith.constant 29 : i32
          %parallel_loop3A_889 = vector.broadcast %parallel_loop3A_888 : i32 to vector<16xi32>
          %parallel_loop3A_890 = arith.mulf %parallel_loop3A_687, %parallel_loop3A_800 : vector<16xf32>
          tpu.vector_store_idx %arg9[%parallel_loop3A_593, %parallel_loop3A_597, %parallel_loop3A_889], %parallel_loop3A_890 : memref<8x50x32xf32, #tpu.memory_space<vmem>>[vector<16xi32>, vector<16xi32>, vector<16xi32>], vector<16xf32>,
          %parallel_loop3A_891 = arith.constant 30 : i32
          %parallel_loop3A_892 = vector.broadcast %parallel_loop3A_891 : i32 to vector<16xi32>
          %parallel_loop3A_893 = arith.mulf %parallel_loop3A_690, %parallel_loop3A_800 : vector<16xf32>
          tpu.vector_store_idx %arg9[%parallel_loop3A_593, %parallel_loop3A_597, %parallel_loop3A_892], %parallel_loop3A_893 : memref<8x50x32xf32, #tpu.memory_space<vmem>>[vector<16xi32>, vector<16xi32>, vector<16xi32>], vector<16xf32>,
          %parallel_loop3A_894 = arith.constant 31 : i32
          %parallel_loop3A_895 = vector.broadcast %parallel_loop3A_894 : i32 to vector<16xi32>
          %parallel_loop3A_896 = arith.mulf %parallel_loop3A_693, %parallel_loop3A_800 : vector<16xf32>
          tpu.vector_store_idx %arg9[%parallel_loop3A_593, %parallel_loop3A_597, %parallel_loop3A_895], %parallel_loop3A_896 : memref<8x50x32xf32, #tpu.memory_space<vmem>>[vector<16xi32>, vector<16xi32>, vector<16xi32>], vector<16xf32>,
        } {sc.loop_unroll_factor = 1 : i64, sc.parallel_access}
        %mul3A_567 = arith.constant 8 : i32
        %mul3A_568 = arith.muli %scan3A_521, %mul3A_567 : i32
        %add3A_569 = arith.addi %mul3A_2, %mul3A_568 : i32
        %dma_start3A_570 = arith.constant 0 : i32
        %dma_start3A_571 = arith.constant 0 : i32
        %dma_start3A_572 = tpu.memref_slice %arg4[%add3A_569, %dma_start3A_570, %dma_start3A_571] : memref<16384x50x32xf32, #tpu.memory_space<hbm>> -> memref<8x50x32xf32, #tpu.memory_space<hbm>>
        %dma_start3A_573 = arith.constant 0 : i32
        %dma_start3A_574 = arith.constant 0 : i32
        %dma_start3A_575 = tpu.memref_slice %arg4[%add3A_569, %dma_start3A_573, %dma_start3A_574] : memref<16384x50x32xf32, #tpu.memory_space<hbm>> -> memref<8x50x32xf32, #tpu.memory_space<hbm>>
        tpu.enqueue_dma source(%arg9 : memref<8x50x32xf32, #tpu.memory_space<vmem>>) target(%dma_start3A_575 : memref<8x50x32xf32, #tpu.memory_space<hbm>>) target_semaphore(%arg13 : memref<!tpu.dma_semaphore, #tpu.memory_space<semaphore_mem>>)
        %add3A_576 = arith.constant 2 : i32
        %add3A_577 = arith.addi %scan3A_521, %add3A_576 : i32
        %lt3A_578 = arith.constant 64 : i32
        %lt3A_579 = arith.cmpi slt, %add3A_577, %lt3A_578 : i32
        %convert_element_type3A_580 = arith.extui %lt3A_579 : i1 to i32
        %cond3A_581 = arith.constant 0 : i32
        %cond3A_582 = arith.cmpi ne, %convert_element_type3A_580, %cond3A_581 : i32
        scf.if %cond3A_582 {
          %add3A_583 = arith.constant 2 : i32
          %add3A_584 = arith.addi %scan3A_521, %add3A_583 : i32
          %mul3A_585 = arith.constant 25 : i32
          %mul3A_586 = arith.muli %add3A_584, %mul3A_585 : i32
          %add3A_587 = arith.constant 0 : i32
          %add3A_588 = arith.addi %mul3A_586, %add3A_587 : i32
          %get3A_589 = arith.index_cast %add3A_588 : i32 to index
          %get3A_590 = arith.constant 0 : index
          %get3A_591 = tpu.vector_load %arg5[%get3A_589, %get3A_590] {strides = array<i32>} : memref<1600x16xi32, #tpu.memory_space<vmem>>, vector<16xi32>,
          %dma_start3A_592 = arith.constant 0 : i32
          %dma_start3A_593 = arith.constant 0 : i32
          %dma_start3A_594 = tpu.memref_slice %arg7[%dma_start3A_592, %dma_start3A_593] : memref<400x32xf32, #tpu.memory_space<vmem>> -> memref<16x32xf32, #tpu.memory_space<vmem>>
          %dma_start3A_595 = arith.constant 0 : i32
          %dma_start3A_596 = arith.constant 0 : i32
          %dma_start3A_597 = tpu.memref_slice %arg3[%dma_start3A_595, %dma_start3A_596] : memref<1000000x32xf32, #tpu.memory_space<hbm>> -> memref<1000000x32xf32, #tpu.memory_space<hbm>>
          tpu.enqueue_indirect_dma source(%dma_start3A_597 : memref<1000000x32xf32, #tpu.memory_space<hbm>>) target(%dma_start3A_594 : memref<16x32xf32, #tpu.memory_space<vmem>>) offsets(%get3A_591 : vector<16xi32>) semaphore(%arg11 : memref<!tpu.dma_semaphore, #tpu.memory_space<semaphore_mem>>)
          %mul3A_598 = arith.constant 25 : i32
          %mul3A_599 = arith.muli %add3A_584, %mul3A_598 : i32
          %add3A_600 = arith.constant 1 : i32
          %add3A_601 = arith.addi %mul3A_599, %add3A_600 : i32
          %get3A_602 = arith.index_cast %add3A_601 : i32 to index
          %get3A_603 = arith.constant 0 : index
          %get3A_604 = tpu.vector_load %arg5[%get3A_602, %get3A_603] {strides = array<i32>} : memref<1600x16xi32, #tpu.memory_space<vmem>>, vector<16xi32>,
          %dma_start3A_605 = arith.constant 16 : i32
          %dma_start3A_606 = arith.constant 0 : i32
          %dma_start3A_607 = tpu.memref_slice %arg7[%dma_start3A_605, %dma_start3A_606] : memref<400x32xf32, #tpu.memory_space<vmem>> -> memref<16x32xf32, #tpu.memory_space<vmem>>
          %dma_start3A_608 = arith.constant 0 : i32
          %dma_start3A_609 = arith.constant 0 : i32
          %dma_start3A_610 = tpu.memref_slice %arg3[%dma_start3A_608, %dma_start3A_609] : memref<1000000x32xf32, #tpu.memory_space<hbm>> -> memref<1000000x32xf32, #tpu.memory_space<hbm>>
          tpu.enqueue_indirect_dma source(%dma_start3A_610 : memref<1000000x32xf32, #tpu.memory_space<hbm>>) target(%dma_start3A_607 : memref<16x32xf32, #tpu.memory_space<vmem>>) offsets(%get3A_604 : vector<16xi32>) semaphore(%arg11 : memref<!tpu.dma_semaphore, #tpu.memory_space<semaphore_mem>>)
          %mul3A_611 = arith.constant 25 : i32
          %mul3A_612 = arith.muli %add3A_584, %mul3A_611 : i32
          %add3A_613 = arith.constant 2 : i32
          %add3A_614 = arith.addi %mul3A_612, %add3A_613 : i32
          %get3A_615 = arith.index_cast %add3A_614 : i32 to index
          %get3A_616 = arith.constant 0 : index
          %get3A_617 = tpu.vector_load %arg5[%get3A_615, %get3A_616] {strides = array<i32>} : memref<1600x16xi32, #tpu.memory_space<vmem>>, vector<16xi32>,
          %dma_start3A_618 = arith.constant 32 : i32
          %dma_start3A_619 = arith.constant 0 : i32
          %dma_start3A_620 = tpu.memref_slice %arg7[%dma_start3A_618, %dma_start3A_619] : memref<400x32xf32, #tpu.memory_space<vmem>> -> memref<16x32xf32, #tpu.memory_space<vmem>>
          %dma_start3A_621 = arith.constant 0 : i32
          %dma_start3A_622 = arith.constant 0 : i32
          %dma_start3A_623 = tpu.memref_slice %arg3[%dma_start3A_621, %dma_start3A_622] : memref<1000000x32xf32, #tpu.memory_space<hbm>> -> memref<1000000x32xf32, #tpu.memory_space<hbm>>
          tpu.enqueue_indirect_dma source(%dma_start3A_623 : memref<1000000x32xf32, #tpu.memory_space<hbm>>) target(%dma_start3A_620 : memref<16x32xf32, #tpu.memory_space<vmem>>) offsets(%get3A_617 : vector<16xi32>) semaphore(%arg11 : memref<!tpu.dma_semaphore, #tpu.memory_space<semaphore_mem>>)
          %mul3A_624 = arith.constant 25 : i32
          %mul3A_625 = arith.muli %add3A_584, %mul3A_624 : i32
          %add3A_626 = arith.constant 3 : i32
          %add3A_627 = arith.addi %mul3A_625, %add3A_626 : i32
          %get3A_628 = arith.index_cast %add3A_627 : i32 to index
          %get3A_629 = arith.constant 0 : index
          %get3A_630 = tpu.vector_load %arg5[%get3A_628, %get3A_629] {strides = array<i32>} : memref<1600x16xi32, #tpu.memory_space<vmem>>, vector<16xi32>,
          %dma_start3A_631 = arith.constant 48 : i32
          %dma_start3A_632 = arith.constant 0 : i32
          %dma_start3A_633 = tpu.memref_slice %arg7[%dma_start3A_631, %dma_start3A_632] : memref<400x32xf32, #tpu.memory_space<vmem>> -> memref<16x32xf32, #tpu.memory_space<vmem>>
          %dma_start3A_634 = arith.constant 0 : i32
          %dma_start3A_635 = arith.constant 0 : i32
          %dma_start3A_636 = tpu.memref_slice %arg3[%dma_start3A_634, %dma_start3A_635] : memref<1000000x32xf32, #tpu.memory_space<hbm>> -> memref<1000000x32xf32, #tpu.memory_space<hbm>>
          tpu.enqueue_indirect_dma source(%dma_start3A_636 : memref<1000000x32xf32, #tpu.memory_space<hbm>>) target(%dma_start3A_633 : memref<16x32xf32, #tpu.memory_space<vmem>>) offsets(%get3A_630 : vector<16xi32>) semaphore(%arg11 : memref<!tpu.dma_semaphore, #tpu.memory_space<semaphore_mem>>)
          %mul3A_637 = arith.constant 25 : i32
          %mul3A_638 = arith.muli %add3A_584, %mul3A_637 : i32
          %add3A_639 = arith.constant 4 : i32
          %add3A_640 = arith.addi %mul3A_638, %add3A_639 : i32
          %get3A_641 = arith.index_cast %add3A_640 : i32 to index
          %get3A_642 = arith.constant 0 : index
          %get3A_643 = tpu.vector_load %arg5[%get3A_641, %get3A_642] {strides = array<i32>} : memref<1600x16xi32, #tpu.memory_space<vmem>>, vector<16xi32>,
          %dma_start3A_644 = arith.constant 64 : i32
          %dma_start3A_645 = arith.constant 0 : i32
          %dma_start3A_646 = tpu.memref_slice %arg7[%dma_start3A_644, %dma_start3A_645] : memref<400x32xf32, #tpu.memory_space<vmem>> -> memref<16x32xf32, #tpu.memory_space<vmem>>
          %dma_start3A_647 = arith.constant 0 : i32
          %dma_start3A_648 = arith.constant 0 : i32
          %dma_start3A_649 = tpu.memref_slice %arg3[%dma_start3A_647, %dma_start3A_648] : memref<1000000x32xf32, #tpu.memory_space<hbm>> -> memref<1000000x32xf32, #tpu.memory_space<hbm>>
          tpu.enqueue_indirect_dma source(%dma_start3A_649 : memref<1000000x32xf32, #tpu.memory_space<hbm>>) target(%dma_start3A_646 : memref<16x32xf32, #tpu.memory_space<vmem>>) offsets(%get3A_643 : vector<16xi32>) semaphore(%arg11 : memref<!tpu.dma_semaphore, #tpu.memory_space<semaphore_mem>>)
          %mul3A_650 = arith.constant 25 : i32
          %mul3A_651 = arith.muli %add3A_584, %mul3A_650 : i32
          %add3A_652 = arith.constant 5 : i32
          %add3A_653 = arith.addi %mul3A_651, %add3A_652 : i32
          %get3A_654 = arith.index_cast %add3A_653 : i32 to index
          %get3A_655 = arith.constant 0 : index
          %get3A_656 = tpu.vector_load %arg5[%get3A_654, %get3A_655] {strides = array<i32>} : memref<1600x16xi32, #tpu.memory_space<vmem>>, vector<16xi32>,
          %dma_start3A_657 = arith.constant 80 : i32
          %dma_start3A_658 = arith.constant 0 : i32
          %dma_start3A_659 = tpu.memref_slice %arg7[%dma_start3A_657, %dma_start3A_658] : memref<400x32xf32, #tpu.memory_space<vmem>> -> memref<16x32xf32, #tpu.memory_space<vmem>>
          %dma_start3A_660 = arith.constant 0 : i32
          %dma_start3A_661 = arith.constant 0 : i32
          %dma_start3A_662 = tpu.memref_slice %arg3[%dma_start3A_660, %dma_start3A_661] : memref<1000000x32xf32, #tpu.memory_space<hbm>> -> memref<1000000x32xf32, #tpu.memory_space<hbm>>
          tpu.enqueue_indirect_dma source(%dma_start3A_662 : memref<1000000x32xf32, #tpu.memory_space<hbm>>) target(%dma_start3A_659 : memref<16x32xf32, #tpu.memory_space<vmem>>) offsets(%get3A_656 : vector<16xi32>) semaphore(%arg11 : memref<!tpu.dma_semaphore, #tpu.memory_space<semaphore_mem>>)
          %mul3A_663 = arith.constant 25 : i32
          %mul3A_664 = arith.muli %add3A_584, %mul3A_663 : i32
          %add3A_665 = arith.constant 6 : i32
          %add3A_666 = arith.addi %mul3A_664, %add3A_665 : i32
          %get3A_667 = arith.index_cast %add3A_666 : i32 to index
          %get3A_668 = arith.constant 0 : index
          %get3A_669 = tpu.vector_load %arg5[%get3A_667, %get3A_668] {strides = array<i32>} : memref<1600x16xi32, #tpu.memory_space<vmem>>, vector<16xi32>,
          %dma_start3A_670 = arith.constant 96 : i32
          %dma_start3A_671 = arith.constant 0 : i32
          %dma_start3A_672 = tpu.memref_slice %arg7[%dma_start3A_670, %dma_start3A_671] : memref<400x32xf32, #tpu.memory_space<vmem>> -> memref<16x32xf32, #tpu.memory_space<vmem>>
          %dma_start3A_673 = arith.constant 0 : i32
          %dma_start3A_674 = arith.constant 0 : i32
          %dma_start3A_675 = tpu.memref_slice %arg3[%dma_start3A_673, %dma_start3A_674] : memref<1000000x32xf32, #tpu.memory_space<hbm>> -> memref<1000000x32xf32, #tpu.memory_space<hbm>>
          tpu.enqueue_indirect_dma source(%dma_start3A_675 : memref<1000000x32xf32, #tpu.memory_space<hbm>>) target(%dma_start3A_672 : memref<16x32xf32, #tpu.memory_space<vmem>>) offsets(%get3A_669 : vector<16xi32>) semaphore(%arg11 : memref<!tpu.dma_semaphore, #tpu.memory_space<semaphore_mem>>)
          %mul3A_676 = arith.constant 25 : i32
          %mul3A_677 = arith.muli %add3A_584, %mul3A_676 : i32
          %add3A_678 = arith.constant 7 : i32
          %add3A_679 = arith.addi %mul3A_677, %add3A_678 : i32
          %get3A_680 = arith.index_cast %add3A_679 : i32 to index
          %get3A_681 = arith.constant 0 : index
          %get3A_682 = tpu.vector_load %arg5[%get3A_680, %get3A_681] {strides = array<i32>} : memref<1600x16xi32, #tpu.memory_space<vmem>>, vector<16xi32>,
          %dma_start3A_683 = arith.constant 112 : i32
          %dma_start3A_684 = arith.constant 0 : i32
          %dma_start3A_685 = tpu.memref_slice %arg7[%dma_start3A_683, %dma_start3A_684] : memref<400x32xf32, #tpu.memory_space<vmem>> -> memref<16x32xf32, #tpu.memory_space<vmem>>
          %dma_start3A_686 = arith.constant 0 : i32
          %dma_start3A_687 = arith.constant 0 : i32
          %dma_start3A_688 = tpu.memref_slice %arg3[%dma_start3A_686, %dma_start3A_687] : memref<1000000x32xf32, #tpu.memory_space<hbm>> -> memref<1000000x32xf32, #tpu.memory_space<hbm>>
          tpu.enqueue_indirect_dma source(%dma_start3A_688 : memref<1000000x32xf32, #tpu.memory_space<hbm>>) target(%dma_start3A_685 : memref<16x32xf32, #tpu.memory_space<vmem>>) offsets(%get3A_682 : vector<16xi32>) semaphore(%arg11 : memref<!tpu.dma_semaphore, #tpu.memory_space<semaphore_mem>>)
          %mul3A_689 = arith.constant 25 : i32
          %mul3A_690 = arith.muli %add3A_584, %mul3A_689 : i32
          %add3A_691 = arith.constant 8 : i32
          %add3A_692 = arith.addi %mul3A_690, %add3A_691 : i32
          %get3A_693 = arith.index_cast %add3A_692 : i32 to index
          %get3A_694 = arith.constant 0 : index
          %get3A_695 = tpu.vector_load %arg5[%get3A_693, %get3A_694] {strides = array<i32>} : memref<1600x16xi32, #tpu.memory_space<vmem>>, vector<16xi32>,
          %dma_start3A_696 = arith.constant 128 : i32
          %dma_start3A_697 = arith.constant 0 : i32
          %dma_start3A_698 = tpu.memref_slice %arg7[%dma_start3A_696, %dma_start3A_697] : memref<400x32xf32, #tpu.memory_space<vmem>> -> memref<16x32xf32, #tpu.memory_space<vmem>>
          %dma_start3A_699 = arith.constant 0 : i32
          %dma_start3A_700 = arith.constant 0 : i32
          %dma_start3A_701 = tpu.memref_slice %arg3[%dma_start3A_699, %dma_start3A_700] : memref<1000000x32xf32, #tpu.memory_space<hbm>> -> memref<1000000x32xf32, #tpu.memory_space<hbm>>
          tpu.enqueue_indirect_dma source(%dma_start3A_701 : memref<1000000x32xf32, #tpu.memory_space<hbm>>) target(%dma_start3A_698 : memref<16x32xf32, #tpu.memory_space<vmem>>) offsets(%get3A_695 : vector<16xi32>) semaphore(%arg11 : memref<!tpu.dma_semaphore, #tpu.memory_space<semaphore_mem>>)
          %mul3A_702 = arith.constant 25 : i32
          %mul3A_703 = arith.muli %add3A_584, %mul3A_702 : i32
          %add3A_704 = arith.constant 9 : i32
          %add3A_705 = arith.addi %mul3A_703, %add3A_704 : i32
          %get3A_706 = arith.index_cast %add3A_705 : i32 to index
          %get3A_707 = arith.constant 0 : index
          %get3A_708 = tpu.vector_load %arg5[%get3A_706, %get3A_707] {strides = array<i32>} : memref<1600x16xi32, #tpu.memory_space<vmem>>, vector<16xi32>,
          %dma_start3A_709 = arith.constant 144 : i32
          %dma_start3A_710 = arith.constant 0 : i32
          %dma_start3A_711 = tpu.memref_slice %arg7[%dma_start3A_709, %dma_start3A_710] : memref<400x32xf32, #tpu.memory_space<vmem>> -> memref<16x32xf32, #tpu.memory_space<vmem>>
          %dma_start3A_712 = arith.constant 0 : i32
          %dma_start3A_713 = arith.constant 0 : i32
          %dma_start3A_714 = tpu.memref_slice %arg3[%dma_start3A_712, %dma_start3A_713] : memref<1000000x32xf32, #tpu.memory_space<hbm>> -> memref<1000000x32xf32, #tpu.memory_space<hbm>>
          tpu.enqueue_indirect_dma source(%dma_start3A_714 : memref<1000000x32xf32, #tpu.memory_space<hbm>>) target(%dma_start3A_711 : memref<16x32xf32, #tpu.memory_space<vmem>>) offsets(%get3A_708 : vector<16xi32>) semaphore(%arg11 : memref<!tpu.dma_semaphore, #tpu.memory_space<semaphore_mem>>)
          %mul3A_715 = arith.constant 25 : i32
          %mul3A_716 = arith.muli %add3A_584, %mul3A_715 : i32
          %add3A_717 = arith.constant 10 : i32
          %add3A_718 = arith.addi %mul3A_716, %add3A_717 : i32
          %get3A_719 = arith.index_cast %add3A_718 : i32 to index
          %get3A_720 = arith.constant 0 : index
          %get3A_721 = tpu.vector_load %arg5[%get3A_719, %get3A_720] {strides = array<i32>} : memref<1600x16xi32, #tpu.memory_space<vmem>>, vector<16xi32>,
          %dma_start3A_722 = arith.constant 160 : i32
          %dma_start3A_723 = arith.constant 0 : i32
          %dma_start3A_724 = tpu.memref_slice %arg7[%dma_start3A_722, %dma_start3A_723] : memref<400x32xf32, #tpu.memory_space<vmem>> -> memref<16x32xf32, #tpu.memory_space<vmem>>
          %dma_start3A_725 = arith.constant 0 : i32
          %dma_start3A_726 = arith.constant 0 : i32
          %dma_start3A_727 = tpu.memref_slice %arg3[%dma_start3A_725, %dma_start3A_726] : memref<1000000x32xf32, #tpu.memory_space<hbm>> -> memref<1000000x32xf32, #tpu.memory_space<hbm>>
          tpu.enqueue_indirect_dma source(%dma_start3A_727 : memref<1000000x32xf32, #tpu.memory_space<hbm>>) target(%dma_start3A_724 : memref<16x32xf32, #tpu.memory_space<vmem>>) offsets(%get3A_721 : vector<16xi32>) semaphore(%arg11 : memref<!tpu.dma_semaphore, #tpu.memory_space<semaphore_mem>>)
          %mul3A_728 = arith.constant 25 : i32
          %mul3A_729 = arith.muli %add3A_584, %mul3A_728 : i32
          %add3A_730 = arith.constant 11 : i32
          %add3A_731 = arith.addi %mul3A_729, %add3A_730 : i32
          %get3A_732 = arith.index_cast %add3A_731 : i32 to index
          %get3A_733 = arith.constant 0 : index
          %get3A_734 = tpu.vector_load %arg5[%get3A_732, %get3A_733] {strides = array<i32>} : memref<1600x16xi32, #tpu.memory_space<vmem>>, vector<16xi32>,
          %dma_start3A_735 = arith.constant 176 : i32
          %dma_start3A_736 = arith.constant 0 : i32
          %dma_start3A_737 = tpu.memref_slice %arg7[%dma_start3A_735, %dma_start3A_736] : memref<400x32xf32, #tpu.memory_space<vmem>> -> memref<16x32xf32, #tpu.memory_space<vmem>>
          %dma_start3A_738 = arith.constant 0 : i32
          %dma_start3A_739 = arith.constant 0 : i32
          %dma_start3A_740 = tpu.memref_slice %arg3[%dma_start3A_738, %dma_start3A_739] : memref<1000000x32xf32, #tpu.memory_space<hbm>> -> memref<1000000x32xf32, #tpu.memory_space<hbm>>
          tpu.enqueue_indirect_dma source(%dma_start3A_740 : memref<1000000x32xf32, #tpu.memory_space<hbm>>) target(%dma_start3A_737 : memref<16x32xf32, #tpu.memory_space<vmem>>) offsets(%get3A_734 : vector<16xi32>) semaphore(%arg11 : memref<!tpu.dma_semaphore, #tpu.memory_space<semaphore_mem>>)
          %mul3A_741 = arith.constant 25 : i32
          %mul3A_742 = arith.muli %add3A_584, %mul3A_741 : i32
          %add3A_743 = arith.constant 12 : i32
          %add3A_744 = arith.addi %mul3A_742, %add3A_743 : i32
          %get3A_745 = arith.index_cast %add3A_744 : i32 to index
          %get3A_746 = arith.constant 0 : index
          %get3A_747 = tpu.vector_load %arg5[%get3A_745, %get3A_746] {strides = array<i32>} : memref<1600x16xi32, #tpu.memory_space<vmem>>, vector<16xi32>,
          %dma_start3A_748 = arith.constant 192 : i32
          %dma_start3A_749 = arith.constant 0 : i32
          %dma_start3A_750 = tpu.memref_slice %arg7[%dma_start3A_748, %dma_start3A_749] : memref<400x32xf32, #tpu.memory_space<vmem>> -> memref<16x32xf32, #tpu.memory_space<vmem>>
          %dma_start3A_751 = arith.constant 0 : i32
          %dma_start3A_752 = arith.constant 0 : i32
          %dma_start3A_753 = tpu.memref_slice %arg3[%dma_start3A_751, %dma_start3A_752] : memref<1000000x32xf32, #tpu.memory_space<hbm>> -> memref<1000000x32xf32, #tpu.memory_space<hbm>>
          tpu.enqueue_indirect_dma source(%dma_start3A_753 : memref<1000000x32xf32, #tpu.memory_space<hbm>>) target(%dma_start3A_750 : memref<16x32xf32, #tpu.memory_space<vmem>>) offsets(%get3A_747 : vector<16xi32>) semaphore(%arg11 : memref<!tpu.dma_semaphore, #tpu.memory_space<semaphore_mem>>)
          %mul3A_754 = arith.constant 25 : i32
          %mul3A_755 = arith.muli %add3A_584, %mul3A_754 : i32
          %add3A_756 = arith.constant 13 : i32
          %add3A_757 = arith.addi %mul3A_755, %add3A_756 : i32
          %get3A_758 = arith.index_cast %add3A_757 : i32 to index
          %get3A_759 = arith.constant 0 : index
          %get3A_760 = tpu.vector_load %arg5[%get3A_758, %get3A_759] {strides = array<i32>} : memref<1600x16xi32, #tpu.memory_space<vmem>>, vector<16xi32>,
          %dma_start3A_761 = arith.constant 208 : i32
          %dma_start3A_762 = arith.constant 0 : i32
          %dma_start3A_763 = tpu.memref_slice %arg7[%dma_start3A_761, %dma_start3A_762] : memref<400x32xf32, #tpu.memory_space<vmem>> -> memref<16x32xf32, #tpu.memory_space<vmem>>
          %dma_start3A_764 = arith.constant 0 : i32
          %dma_start3A_765 = arith.constant 0 : i32
          %dma_start3A_766 = tpu.memref_slice %arg3[%dma_start3A_764, %dma_start3A_765] : memref<1000000x32xf32, #tpu.memory_space<hbm>> -> memref<1000000x32xf32, #tpu.memory_space<hbm>>
          tpu.enqueue_indirect_dma source(%dma_start3A_766 : memref<1000000x32xf32, #tpu.memory_space<hbm>>) target(%dma_start3A_763 : memref<16x32xf32, #tpu.memory_space<vmem>>) offsets(%get3A_760 : vector<16xi32>) semaphore(%arg11 : memref<!tpu.dma_semaphore, #tpu.memory_space<semaphore_mem>>)
          %mul3A_767 = arith.constant 25 : i32
          %mul3A_768 = arith.muli %add3A_584, %mul3A_767 : i32
          %add3A_769 = arith.constant 14 : i32
          %add3A_770 = arith.addi %mul3A_768, %add3A_769 : i32
          %get3A_771 = arith.index_cast %add3A_770 : i32 to index
          %get3A_772 = arith.constant 0 : index
          %get3A_773 = tpu.vector_load %arg5[%get3A_771, %get3A_772] {strides = array<i32>} : memref<1600x16xi32, #tpu.memory_space<vmem>>, vector<16xi32>,
          %dma_start3A_774 = arith.constant 224 : i32
          %dma_start3A_775 = arith.constant 0 : i32
          %dma_start3A_776 = tpu.memref_slice %arg7[%dma_start3A_774, %dma_start3A_775] : memref<400x32xf32, #tpu.memory_space<vmem>> -> memref<16x32xf32, #tpu.memory_space<vmem>>
          %dma_start3A_777 = arith.constant 0 : i32
          %dma_start3A_778 = arith.constant 0 : i32
          %dma_start3A_779 = tpu.memref_slice %arg3[%dma_start3A_777, %dma_start3A_778] : memref<1000000x32xf32, #tpu.memory_space<hbm>> -> memref<1000000x32xf32, #tpu.memory_space<hbm>>
          tpu.enqueue_indirect_dma source(%dma_start3A_779 : memref<1000000x32xf32, #tpu.memory_space<hbm>>) target(%dma_start3A_776 : memref<16x32xf32, #tpu.memory_space<vmem>>) offsets(%get3A_773 : vector<16xi32>) semaphore(%arg11 : memref<!tpu.dma_semaphore, #tpu.memory_space<semaphore_mem>>)
          %mul3A_780 = arith.constant 25 : i32
          %mul3A_781 = arith.muli %add3A_584, %mul3A_780 : i32
          %add3A_782 = arith.constant 15 : i32
          %add3A_783 = arith.addi %mul3A_781, %add3A_782 : i32
          %get3A_784 = arith.index_cast %add3A_783 : i32 to index
          %get3A_785 = arith.constant 0 : index
          %get3A_786 = tpu.vector_load %arg5[%get3A_784, %get3A_785] {strides = array<i32>} : memref<1600x16xi32, #tpu.memory_space<vmem>>, vector<16xi32>,
          %dma_start3A_787 = arith.constant 240 : i32
          %dma_start3A_788 = arith.constant 0 : i32
          %dma_start3A_789 = tpu.memref_slice %arg7[%dma_start3A_787, %dma_start3A_788] : memref<400x32xf32, #tpu.memory_space<vmem>> -> memref<16x32xf32, #tpu.memory_space<vmem>>
          %dma_start3A_790 = arith.constant 0 : i32
          %dma_start3A_791 = arith.constant 0 : i32
          %dma_start3A_792 = tpu.memref_slice %arg3[%dma_start3A_790, %dma_start3A_791] : memref<1000000x32xf32, #tpu.memory_space<hbm>> -> memref<1000000x32xf32, #tpu.memory_space<hbm>>
          tpu.enqueue_indirect_dma source(%dma_start3A_792 : memref<1000000x32xf32, #tpu.memory_space<hbm>>) target(%dma_start3A_789 : memref<16x32xf32, #tpu.memory_space<vmem>>) offsets(%get3A_786 : vector<16xi32>) semaphore(%arg11 : memref<!tpu.dma_semaphore, #tpu.memory_space<semaphore_mem>>)
          %mul3A_793 = arith.constant 25 : i32
          %mul3A_794 = arith.muli %add3A_584, %mul3A_793 : i32
          %add3A_795 = arith.constant 16 : i32
          %add3A_796 = arith.addi %mul3A_794, %add3A_795 : i32
          %get3A_797 = arith.index_cast %add3A_796 : i32 to index
          %get3A_798 = arith.constant 0 : index
          %get3A_799 = tpu.vector_load %arg5[%get3A_797, %get3A_798] {strides = array<i32>} : memref<1600x16xi32, #tpu.memory_space<vmem>>, vector<16xi32>,
          %dma_start3A_800 = arith.constant 256 : i32
          %dma_start3A_801 = arith.constant 0 : i32
          %dma_start3A_802 = tpu.memref_slice %arg7[%dma_start3A_800, %dma_start3A_801] : memref<400x32xf32, #tpu.memory_space<vmem>> -> memref<16x32xf32, #tpu.memory_space<vmem>>
          %dma_start3A_803 = arith.constant 0 : i32
          %dma_start3A_804 = arith.constant 0 : i32
          %dma_start3A_805 = tpu.memref_slice %arg3[%dma_start3A_803, %dma_start3A_804] : memref<1000000x32xf32, #tpu.memory_space<hbm>> -> memref<1000000x32xf32, #tpu.memory_space<hbm>>
          tpu.enqueue_indirect_dma source(%dma_start3A_805 : memref<1000000x32xf32, #tpu.memory_space<hbm>>) target(%dma_start3A_802 : memref<16x32xf32, #tpu.memory_space<vmem>>) offsets(%get3A_799 : vector<16xi32>) semaphore(%arg11 : memref<!tpu.dma_semaphore, #tpu.memory_space<semaphore_mem>>)
          %mul3A_806 = arith.constant 25 : i32
          %mul3A_807 = arith.muli %add3A_584, %mul3A_806 : i32
          %add3A_808 = arith.constant 17 : i32
          %add3A_809 = arith.addi %mul3A_807, %add3A_808 : i32
          %get3A_810 = arith.index_cast %add3A_809 : i32 to index
          %get3A_811 = arith.constant 0 : index
          %get3A_812 = tpu.vector_load %arg5[%get3A_810, %get3A_811] {strides = array<i32>} : memref<1600x16xi32, #tpu.memory_space<vmem>>, vector<16xi32>,
          %dma_start3A_813 = arith.constant 272 : i32
          %dma_start3A_814 = arith.constant 0 : i32
          %dma_start3A_815 = tpu.memref_slice %arg7[%dma_start3A_813, %dma_start3A_814] : memref<400x32xf32, #tpu.memory_space<vmem>> -> memref<16x32xf32, #tpu.memory_space<vmem>>
          %dma_start3A_816 = arith.constant 0 : i32
          %dma_start3A_817 = arith.constant 0 : i32
          %dma_start3A_818 = tpu.memref_slice %arg3[%dma_start3A_816, %dma_start3A_817] : memref<1000000x32xf32, #tpu.memory_space<hbm>> -> memref<1000000x32xf32, #tpu.memory_space<hbm>>
          tpu.enqueue_indirect_dma source(%dma_start3A_818 : memref<1000000x32xf32, #tpu.memory_space<hbm>>) target(%dma_start3A_815 : memref<16x32xf32, #tpu.memory_space<vmem>>) offsets(%get3A_812 : vector<16xi32>) semaphore(%arg11 : memref<!tpu.dma_semaphore, #tpu.memory_space<semaphore_mem>>)
          %mul3A_819 = arith.constant 25 : i32
          %mul3A_820 = arith.muli %add3A_584, %mul3A_819 : i32
          %add3A_821 = arith.constant 18 : i32
          %add3A_822 = arith.addi %mul3A_820, %add3A_821 : i32
          %get3A_823 = arith.index_cast %add3A_822 : i32 to index
          %get3A_824 = arith.constant 0 : index
          %get3A_825 = tpu.vector_load %arg5[%get3A_823, %get3A_824] {strides = array<i32>} : memref<1600x16xi32, #tpu.memory_space<vmem>>, vector<16xi32>,
          %dma_start3A_826 = arith.constant 288 : i32
          %dma_start3A_827 = arith.constant 0 : i32
          %dma_start3A_828 = tpu.memref_slice %arg7[%dma_start3A_826, %dma_start3A_827] : memref<400x32xf32, #tpu.memory_space<vmem>> -> memref<16x32xf32, #tpu.memory_space<vmem>>
          %dma_start3A_829 = arith.constant 0 : i32
          %dma_start3A_830 = arith.constant 0 : i32
          %dma_start3A_831 = tpu.memref_slice %arg3[%dma_start3A_829, %dma_start3A_830] : memref<1000000x32xf32, #tpu.memory_space<hbm>> -> memref<1000000x32xf32, #tpu.memory_space<hbm>>
          tpu.enqueue_indirect_dma source(%dma_start3A_831 : memref<1000000x32xf32, #tpu.memory_space<hbm>>) target(%dma_start3A_828 : memref<16x32xf32, #tpu.memory_space<vmem>>) offsets(%get3A_825 : vector<16xi32>) semaphore(%arg11 : memref<!tpu.dma_semaphore, #tpu.memory_space<semaphore_mem>>)
          %mul3A_832 = arith.constant 25 : i32
          %mul3A_833 = arith.muli %add3A_584, %mul3A_832 : i32
          %add3A_834 = arith.constant 19 : i32
          %add3A_835 = arith.addi %mul3A_833, %add3A_834 : i32
          %get3A_836 = arith.index_cast %add3A_835 : i32 to index
          %get3A_837 = arith.constant 0 : index
          %get3A_838 = tpu.vector_load %arg5[%get3A_836, %get3A_837] {strides = array<i32>} : memref<1600x16xi32, #tpu.memory_space<vmem>>, vector<16xi32>,
          %dma_start3A_839 = arith.constant 304 : i32
          %dma_start3A_840 = arith.constant 0 : i32
          %dma_start3A_841 = tpu.memref_slice %arg7[%dma_start3A_839, %dma_start3A_840] : memref<400x32xf32, #tpu.memory_space<vmem>> -> memref<16x32xf32, #tpu.memory_space<vmem>>
          %dma_start3A_842 = arith.constant 0 : i32
          %dma_start3A_843 = arith.constant 0 : i32
          %dma_start3A_844 = tpu.memref_slice %arg3[%dma_start3A_842, %dma_start3A_843] : memref<1000000x32xf32, #tpu.memory_space<hbm>> -> memref<1000000x32xf32, #tpu.memory_space<hbm>>
          tpu.enqueue_indirect_dma source(%dma_start3A_844 : memref<1000000x32xf32, #tpu.memory_space<hbm>>) target(%dma_start3A_841 : memref<16x32xf32, #tpu.memory_space<vmem>>) offsets(%get3A_838 : vector<16xi32>) semaphore(%arg11 : memref<!tpu.dma_semaphore, #tpu.memory_space<semaphore_mem>>)
          %mul3A_845 = arith.constant 25 : i32
          %mul3A_846 = arith.muli %add3A_584, %mul3A_845 : i32
          %add3A_847 = arith.constant 20 : i32
          %add3A_848 = arith.addi %mul3A_846, %add3A_847 : i32
          %get3A_849 = arith.index_cast %add3A_848 : i32 to index
          %get3A_850 = arith.constant 0 : index
          %get3A_851 = tpu.vector_load %arg5[%get3A_849, %get3A_850] {strides = array<i32>} : memref<1600x16xi32, #tpu.memory_space<vmem>>, vector<16xi32>,
          %dma_start3A_852 = arith.constant 320 : i32
          %dma_start3A_853 = arith.constant 0 : i32
          %dma_start3A_854 = tpu.memref_slice %arg7[%dma_start3A_852, %dma_start3A_853] : memref<400x32xf32, #tpu.memory_space<vmem>> -> memref<16x32xf32, #tpu.memory_space<vmem>>
          %dma_start3A_855 = arith.constant 0 : i32
          %dma_start3A_856 = arith.constant 0 : i32
          %dma_start3A_857 = tpu.memref_slice %arg3[%dma_start3A_855, %dma_start3A_856] : memref<1000000x32xf32, #tpu.memory_space<hbm>> -> memref<1000000x32xf32, #tpu.memory_space<hbm>>
          tpu.enqueue_indirect_dma source(%dma_start3A_857 : memref<1000000x32xf32, #tpu.memory_space<hbm>>) target(%dma_start3A_854 : memref<16x32xf32, #tpu.memory_space<vmem>>) offsets(%get3A_851 : vector<16xi32>) semaphore(%arg11 : memref<!tpu.dma_semaphore, #tpu.memory_space<semaphore_mem>>)
          %mul3A_858 = arith.constant 25 : i32
          %mul3A_859 = arith.muli %add3A_584, %mul3A_858 : i32
          %add3A_860 = arith.constant 21 : i32
          %add3A_861 = arith.addi %mul3A_859, %add3A_860 : i32
          %get3A_862 = arith.index_cast %add3A_861 : i32 to index
          %get3A_863 = arith.constant 0 : index
          %get3A_864 = tpu.vector_load %arg5[%get3A_862, %get3A_863] {strides = array<i32>} : memref<1600x16xi32, #tpu.memory_space<vmem>>, vector<16xi32>,
          %dma_start3A_865 = arith.constant 336 : i32
          %dma_start3A_866 = arith.constant 0 : i32
          %dma_start3A_867 = tpu.memref_slice %arg7[%dma_start3A_865, %dma_start3A_866] : memref<400x32xf32, #tpu.memory_space<vmem>> -> memref<16x32xf32, #tpu.memory_space<vmem>>
          %dma_start3A_868 = arith.constant 0 : i32
          %dma_start3A_869 = arith.constant 0 : i32
          %dma_start3A_870 = tpu.memref_slice %arg3[%dma_start3A_868, %dma_start3A_869] : memref<1000000x32xf32, #tpu.memory_space<hbm>> -> memref<1000000x32xf32, #tpu.memory_space<hbm>>
          tpu.enqueue_indirect_dma source(%dma_start3A_870 : memref<1000000x32xf32, #tpu.memory_space<hbm>>) target(%dma_start3A_867 : memref<16x32xf32, #tpu.memory_space<vmem>>) offsets(%get3A_864 : vector<16xi32>) semaphore(%arg11 : memref<!tpu.dma_semaphore, #tpu.memory_space<semaphore_mem>>)
          %mul3A_871 = arith.constant 25 : i32
          %mul3A_872 = arith.muli %add3A_584, %mul3A_871 : i32
          %add3A_873 = arith.constant 22 : i32
          %add3A_874 = arith.addi %mul3A_872, %add3A_873 : i32
          %get3A_875 = arith.index_cast %add3A_874 : i32 to index
          %get3A_876 = arith.constant 0 : index
          %get3A_877 = tpu.vector_load %arg5[%get3A_875, %get3A_876] {strides = array<i32>} : memref<1600x16xi32, #tpu.memory_space<vmem>>, vector<16xi32>,
          %dma_start3A_878 = arith.constant 352 : i32
          %dma_start3A_879 = arith.constant 0 : i32
          %dma_start3A_880 = tpu.memref_slice %arg7[%dma_start3A_878, %dma_start3A_879] : memref<400x32xf32, #tpu.memory_space<vmem>> -> memref<16x32xf32, #tpu.memory_space<vmem>>
          %dma_start3A_881 = arith.constant 0 : i32
          %dma_start3A_882 = arith.constant 0 : i32
          %dma_start3A_883 = tpu.memref_slice %arg3[%dma_start3A_881, %dma_start3A_882] : memref<1000000x32xf32, #tpu.memory_space<hbm>> -> memref<1000000x32xf32, #tpu.memory_space<hbm>>
          tpu.enqueue_indirect_dma source(%dma_start3A_883 : memref<1000000x32xf32, #tpu.memory_space<hbm>>) target(%dma_start3A_880 : memref<16x32xf32, #tpu.memory_space<vmem>>) offsets(%get3A_877 : vector<16xi32>) semaphore(%arg11 : memref<!tpu.dma_semaphore, #tpu.memory_space<semaphore_mem>>)
          %mul3A_884 = arith.constant 25 : i32
          %mul3A_885 = arith.muli %add3A_584, %mul3A_884 : i32
          %add3A_886 = arith.constant 23 : i32
          %add3A_887 = arith.addi %mul3A_885, %add3A_886 : i32
          %get3A_888 = arith.index_cast %add3A_887 : i32 to index
          %get3A_889 = arith.constant 0 : index
          %get3A_890 = tpu.vector_load %arg5[%get3A_888, %get3A_889] {strides = array<i32>} : memref<1600x16xi32, #tpu.memory_space<vmem>>, vector<16xi32>,
          %dma_start3A_891 = arith.constant 368 : i32
          %dma_start3A_892 = arith.constant 0 : i32
          %dma_start3A_893 = tpu.memref_slice %arg7[%dma_start3A_891, %dma_start3A_892] : memref<400x32xf32, #tpu.memory_space<vmem>> -> memref<16x32xf32, #tpu.memory_space<vmem>>
          %dma_start3A_894 = arith.constant 0 : i32
          %dma_start3A_895 = arith.constant 0 : i32
          %dma_start3A_896 = tpu.memref_slice %arg3[%dma_start3A_894, %dma_start3A_895] : memref<1000000x32xf32, #tpu.memory_space<hbm>> -> memref<1000000x32xf32, #tpu.memory_space<hbm>>
          tpu.enqueue_indirect_dma source(%dma_start3A_896 : memref<1000000x32xf32, #tpu.memory_space<hbm>>) target(%dma_start3A_893 : memref<16x32xf32, #tpu.memory_space<vmem>>) offsets(%get3A_890 : vector<16xi32>) semaphore(%arg11 : memref<!tpu.dma_semaphore, #tpu.memory_space<semaphore_mem>>)
          %mul3A_897 = arith.constant 25 : i32
          %mul3A_898 = arith.muli %add3A_584, %mul3A_897 : i32
          %add3A_899 = arith.constant 24 : i32
          %add3A_900 = arith.addi %mul3A_898, %add3A_899 : i32
          %get3A_901 = arith.index_cast %add3A_900 : i32 to index
          %get3A_902 = arith.constant 0 : index
          %get3A_903 = tpu.vector_load %arg5[%get3A_901, %get3A_902] {strides = array<i32>} : memref<1600x16xi32, #tpu.memory_space<vmem>>, vector<16xi32>,
          %dma_start3A_904 = arith.constant 384 : i32
          %dma_start3A_905 = arith.constant 0 : i32
          %dma_start3A_906 = tpu.memref_slice %arg7[%dma_start3A_904, %dma_start3A_905] : memref<400x32xf32, #tpu.memory_space<vmem>> -> memref<16x32xf32, #tpu.memory_space<vmem>>
          %dma_start3A_907 = arith.constant 0 : i32
          %dma_start3A_908 = arith.constant 0 : i32
          %dma_start3A_909 = tpu.memref_slice %arg3[%dma_start3A_907, %dma_start3A_908] : memref<1000000x32xf32, #tpu.memory_space<hbm>> -> memref<1000000x32xf32, #tpu.memory_space<hbm>>
          tpu.enqueue_indirect_dma source(%dma_start3A_909 : memref<1000000x32xf32, #tpu.memory_space<hbm>>) target(%dma_start3A_906 : memref<16x32xf32, #tpu.memory_space<vmem>>) offsets(%get3A_903 : vector<16xi32>) semaphore(%arg11 : memref<!tpu.dma_semaphore, #tpu.memory_space<semaphore_mem>>)
        } else {
        }
      } else {
      }
    }
    %scan3A_505 = arith.constant 64 : i32
    %add3A_506 = arith.constant 496 : i32
    %add3A_507 = arith.addi %mul3A_2, %add3A_506 : i32
    %dma_wait3A = arith.constant 0 : i32
    %dma_wait3A_508 = arith.constant 0 : i32
    %dma_wait3A_509 = tpu.memref_slice %arg4[%add3A_507, %dma_wait3A, %dma_wait3A_508] : memref<16384x50x32xf32, #tpu.memory_space<hbm>> -> memref<8x50x32xf32, #tpu.memory_space<hbm>>
    %dma_wait3A_510 = arith.constant 0 : i32
    %dma_wait3A_511 = arith.constant 0 : i32
    %dma_wait3A_512 = tpu.memref_slice %arg4[%add3A_507, %dma_wait3A_510, %dma_wait3A_511] : memref<16384x50x32xf32, #tpu.memory_space<hbm>> -> memref<8x50x32xf32, #tpu.memory_space<hbm>>
    tpu.wait_dma2 semaphore(%arg12 : memref<!tpu.dma_semaphore, #tpu.memory_space<semaphore_mem>>) src(%arg8 : memref<8x50x32xf32, #tpu.memory_space<vmem>>) dst(%dma_wait3A_512 : memref<8x50x32xf32, #tpu.memory_space<hbm>>)
    %add3A_513 = arith.constant 504 : i32
    %add3A_514 = arith.addi %mul3A_2, %add3A_513 : i32
    %dma_wait3A_515 = arith.constant 0 : i32
    %dma_wait3A_516 = arith.constant 0 : i32
    %dma_wait3A_517 = tpu.memref_slice %arg4[%add3A_514, %dma_wait3A_515, %dma_wait3A_516] : memref<16384x50x32xf32, #tpu.memory_space<hbm>> -> memref<8x50x32xf32, #tpu.memory_space<hbm>>
    %dma_wait3A_518 = arith.constant 0 : i32
    %dma_wait3A_519 = arith.constant 0 : i32
    %dma_wait3A_520 = tpu.memref_slice %arg4[%add3A_514, %dma_wait3A_518, %dma_wait3A_519] : memref<16384x50x32xf32, #tpu.memory_space<hbm>> -> memref<8x50x32xf32, #tpu.memory_space<hbm>>
    tpu.wait_dma2 semaphore(%arg13 : memref<!tpu.dma_semaphore, #tpu.memory_space<semaphore_mem>>) src(%arg9 : memref<8x50x32xf32, #tpu.memory_space<vmem>>) dst(%dma_wait3A_520 : memref<8x50x32xf32, #tpu.memory_space<hbm>>)
    return
  }
}

</mosaic_0001>

<sc_bundles>
// kernel: kernel.3.cloned.1.call-start
scs
__scs_entry_jumppad:
0x0: {  	(pc) =	sbr.rel $0x88, $3  }
0x1: {  	(tag) =	ssettag $0x0;
	lr =	simm.s32 $0x1  }
0x2: {  	[smem:$0x3F9F] =	sst lr;
	_ =	strace $0xD0000000  }
0x3: {  	_ = 	snop  }
0x4: {  	_ = 	snop  }
0x5: {  	_ = 	snop  }
0x6: {  	_ = 	snop  }
0x7: {  	_ = 	snop  }
__scs_overlays_trampoline_lowered:
0x8: {  	[smem:$0x3FAE] =	sst s0  }
0x9: {  	[smem:$0x3FAF] =	sst s1  }
0xa: {  	[smem:$0x3FB0] =	sst s2  }
0xb: {  	[smem:$0x3FB1] =	sst s3  }
0xc: {  	[smem:$0x3FB2] =	sst s4  }
0xd: {  	[smem:$0x3FB3] =	sst s5  }
0xe: {  	[smem:$0x3FB4] =	sst s6  }
0xf: {  	[smem:$0x3FB5] =	sst s7  }
0x10: {  	[smem:$0x3FB6] =	sst s8  }
0x11: {  	[smem:$0x3FB7] =	sst s9;
	s0 =	simm.s32 @!p0 $0x0  }
0x12: {  	s1 =	sld [smem:$0x3F9D];
	s0 =	simm.s32 @p0 $0x1  }
0x13: {  	[smem:$0x3FB8] =	sst s0;
	s0 =	simm.s32 @!p1 $0x0  }
0x14: {  	s2 =	sld [smem:$0x3F9C];
	s0 =	simm.s32 @p1 $0x1  }
0x15: {  	[smem:$0x3FB9] =	sst s0;
	s0 =	simm.s32 @!p2 $0x0  }
0x16: {  	s3 =	sld [smem:$0x3FDB];
	s0 =	simm.s32 @p2 $0x1  }
0x17: {  	s4 =	simm.s32 $0x1BF5;
	[smem:$0x3FBB] =	sst s0  }
0x18: {  	s0 =	sld [smem:$0x3F9E];
	_ =	swait.ge [sflag:s4], $0x0  }
0x19: {  	s7 =	sld [smem:$0x3F9F]  }
0x1a: {  	s8 =	sadd.s32 $0xFFFFE003, lr  }
0x1b: {  	s9 =	sadd.s32 $0xFFFFFEF7, lr;
	s5 =	simm.s32 $0xFFFFFFFF;
	p2 =	slt.u32 s8, $0xFFFFF086  }
0x1c: {  	p1 =	slt.u32 s9, $0xF7A;
	s5 =	simm.s32 @!p2 $0x0  }
0x1d: {  	s5 =	simm.s32 @p1 $0x1;
	p0 =	seq.s32 s7, s2  }
0x1e: {  	s7 =	smul.u32 @!p0 $0xF7A, s2;
	p2 =	seq.s32 @!p0 s5, $0x0  }
0x1f: {  	s9 =	smul.u32 $0xF7A, s1;
	s8 =	simm.s32 @!p0 $0x1BF5;
	p2 =	por !p2, p0  }
0x20: {  	[sflag:s8] =	ssyncset.s32 @!p0 $0xFFFFF086;
	s6 =	sadd.s32 @!p0 s3, s7;
	s7 =	simm.s32 @!p0 $0x108  }
0x21: {  	s3 =	sadd.s32 s3, s9;
	s6 =	sadd.s32 @!p0 $0x88, s6;
	s7 =	simm.s32 @p2 $0x1082  }
0x22: {  	[simem:s7], [sflag:s8] =	dma.local @!p0 [hbm:s6], $0xF7A  }
0x23: {  	s9 =	sor.u32 $0xD0000000, s2;
	s6 =	simm.s32 $0x108;
	_ =	swait.ge @!p0 [sflag:s8], $0x0  }
0x24: {  	s3 =	sadd.s32 $0x88, s3;
	s6 =	simm.s32 @!p1 $0x1082;
	[sflag:s4] =	ssyncset.s32 $0xFFFFF086  }
0x25: {  	[simem:s6], [sflag:s4] =	dma.local [hbm:s3], $0xF7A  }
0x26: {  	[smem:$0x3F9F] =	sst s1;
	(tag) =	ssettag s2;
	_ =	strace s9  }
0x27: {  	s1 =	sld [smem:$0x3FAF]  }
0x28: {  	s2 =	sld [smem:$0x3FB0]  }
0x29: {  	s4 =	sld [smem:$0x3FB2]  }
0x2a: {  	p0 =	seq.s32 s5, $0x0;
	s5 =	sld [smem:$0x3FB3]  }
0x2b: {  	s6 =	sld [smem:$0x3FB4]  }
0x2c: {  	s7 =	sld [smem:$0x3FB5]  }
0x2d: {  	s3 =	simm.s32 $0x108;
	s8 =	sld [smem:$0x3FB6]  }
0x2e: {  	s3 =	simm.s32 @!p0 $0x1082;
	s9 =	sld [smem:$0x3FB7]  }
0x2f: {  	lr =	sadd.s32 s0, s3;
	s0 =	sld [smem:$0x3FAE]  }
0x30: {  	s3 =	sld [smem:$0x3FB1]  }
0x31: {  	[smem:$0x3FBA] =	sst s10  }
0x32: {  	s10 =	sld [smem:$0x3FB8];
	_ =	sdelay $0x3  }
0x33: {  	p0 =	seq.s32 s10, $0x1;
	s10 =	sld [smem:$0x3FBA];
	_ =	sdelay $0x3  }
0x34: {  	[smem:$0x3FBA] =	sst s10  }
0x35: {  	s10 =	sld [smem:$0x3FB9];
	_ =	sdelay $0x3  }
0x36: {  	p1 =	seq.s32 s10, $0x1;
	s10 =	sld [smem:$0x3FBA];
	_ =	sdelay $0x3  }
0x37: {  	[smem:$0x3FBA] =	sst s10  }
0x38: {  	s10 =	sld [smem:$0x3FBB]  }
0x39: {  	_ = 	snop;
	(pc) =	sbr.ind lr, $3  }
0x3a: {  	_ = 	snop  }
0x3b: {  	_ = 	snop  }
0x3c: {  	p2 =	seq.s32 s10, $0x1;
	s10 =	sld [smem:$0x3FBA]  }
0x3d: {  	_ =	shalt  }
0x3e: {  	_ =	shalt  }
0x3f: {  	_ =	shalt  }
0x40: {  	_ =	shalt  }
0x41: {  	_ =	shalt  }
0x42: {  	_ =	shalt  }
0x43: {  	_ =	shalt  }
0x44: {  	_ =	shalt  }
0x45: {  	_ =	shalt  }
0x46: {  	_ =	shalt  }
0x47: {  	_ =	shalt  }
0x48: {  	_ =	shalt  }
0x49: {  	_ =	shalt  }
0x4a: {  	_ =	shalt  }
0x4b: {  	_ =	shalt  }
0x4c: {  	_ =	shalt  }
0x4d: {  	_ =	shalt  }
0x4e: {  	_ =	shalt  }
0x4f: {  	_ =	shalt  }
0x50: {  	_ =	shalt  }
0x51: {  	_ =	shalt  }
0x52: {  	_ =	shalt  }
0x53: {  	_ =	shalt  }
0x54: {  	_ =	shalt  }
0x55: {  	_ =	shalt  }
0x56: {  	_ =	shalt  }
0x57: {  	_ =	shalt  }
0x58: {  	_ =	shalt  }
0x59: {  	_ =	shalt  }
0x5a: {  	_ =	shalt  }
0x5b: {  	_ =	shalt  }
0x5c: {  	_ =	shalt  }
0x5d: {  	_ =	shalt  }
0x5e: {  	_ =	shalt  }
0x5f: {  	_ =	shalt  }
0x60: {  	_ =	shalt  }
0x61: {  	_ =	shalt  }
0x62: {  	_ =	shalt  }
0x63: {  	_ =	shalt  }
0x64: {  	_ =	shalt  }
0x65: {  	_ =	shalt  }
0x66: {  	_ =	shalt  }
0x67: {  	_ =	shalt  }
0x68: {  	_ =	shalt  }
0x69: {  	_ =	shalt  }
0x6a: {  	_ =	shalt  }
0x6b: {  	_ =	shalt  }
0x6c: {  	_ =	shalt  }
0x6d: {  	_ =	shalt  }
0x6e: {  	_ =	shalt  }
0x6f: {  	_ =	shalt  }
0x70: {  	_ =	shalt  }
0x71: {  	_ =	shalt  }
0x72: {  	_ =	shalt  }
0x73: {  	_ =	shalt  }
0x74: {  	_ =	shalt  }
0x75: {  	_ =	shalt  }
0x76: {  	_ =	shalt  }
0x77: {  	_ =	shalt  }
0x78: {  	_ =	shalt  }
0x79: {  	_ =	shalt  }
0x7a: {  	_ =	shalt  }
0x7b: {  	_ =	shalt  }
0x7c: {  	_ =	shalt  }
0x7d: {  	_ =	shalt  }
0x7e: {  	_ =	shalt  }
0x7f: {  	_ =	shalt  }
0x80: {  	_ =	shalt  }
0x81: {  	_ =	shalt  }
0x82: {  	_ =	shalt  }
0x83: {  	_ =	shalt  }
0x84: {  	_ =	shalt  }
0x85: {  	_ =	shalt  }
0x86: {  	_ =	shalt  }
0x87: {  	_ =	shalt  }
.Lfunc_end0:
.L_simem_size_0:
called_computation.1_lowered:
.L_overlay_start_0:
0x88: {  	s2 =	sld [smem:$0x3FD9]  }
0x89: {  	s3 =	sld [smem:$0x3FFE];
	_ =	sdelay $0x1  }
0x8a: {  	s1 =	srdreg.scid  }
0x8b: {  	s0 =	sand.u32 $0x1, s1  }
0x8c: {  	s17 =	sshll.u32 s0, $0xA;
	s2 =	sadd.s32 s3, s2  }
0x8d: {  	s2 =	sadd.s32 s2, s17  }
0x8e: {  	[smem:$0x3FC6] =	sst s2  }
0x8f: {  	_ = 	snop  }
0x90: {  	s2 =	sld [smem:$0x3FD0];
	(tm) =	ssettm $0x1  }
0x91: {  	s18 =	sld [smem:$0x3FFB];
	_ =	sdelay $0x3  }
0x92: {  	_ =	strace s18  }
0x93: {  	s3 =	sld [smem:$0x3FFC];
	_ =	sdelay $0x3  }
0x94: {  	_ =	strace s3  }
0x95: {  	s3 =	sld [smem:$0x3FFD];
	_ =	sdelay $0x3  }
0x96: {  	_ =	strace s3  }
0x97: {  	_ =	strace $0x8FFFFFFF  }
0x98: {  	s19 =	sld [smem:$0x3FDB];
	_ =	sdelay $0x1  }
0x99: {  	s4 =	simm.s32 $_scs_section_size  }
0x9a: {  	s5 =	simm.s32 $_size__tile_overlayer_lowered;
	s6 =	simm.s32 $_tile_overlayer_lowered  }
0x9b: {  	s22 =	simm.s32 $0x1BFF;
	s21 =	sshll.u32 s6, $0x1;
	s3 =	sadd.s32 s4, s19  }
0x9c: {  	s7 =	simm.s32 $0x0;
	s20 =	sshll.u32 s5, $0x1;
	s5 =	sadd.s32 s21, s3  }
0x9d: {  	[timem:s7], [sflag:s22] =	dma.local [hbm:s5], s20  }
0x9e: {  	_ =	swait.ge [sflag:s22], s20  }
0x9f: {  	s4 =	ssub.s32 $0x0, s20;
	[sflag:s22] =	ssyncset.done $0x0  }
0xa0: {  	[sflag:s22] =	ssyncadd.s32 s4;
	_ =	sdelay $0x1  }
0xa1: {  	s23 =	simm.s32 $0x1B8B  }
0xa2: {  	_ =	swait.ge [sflag:s23], $0x1  }
0xa3: {  	[sflag:s23] =	ssyncset.done $0x0  }
0xa4: {  	s25 =	simm.s32 $0x1B8E;
	s24 =	sld [smem:$0x3FFE];
	[sflag:s23] =	ssyncadd.s32 $0xFFFFFFFF  }
0xa5: {  	s26 =	simm.s32 $execute0_lowered;
	[smem:$0x3FD2] =	sst s25  }
0xa6: {  	s5 =	sshll.u32 s26, $0x1;
	_ =	strace $0x80000046;
	[dreg:$0x1] =	wrdreg $0xFFFFFFFF  }
0xa7: {  	s28 =	simm.s32 $_size_execute0_lowered;
	s3 =	sadd.s32 s3, s5;
	[dreg:$0x0] =	wrdreg $0x0  }
0xa8: {  	s5 =	sshll.u32 s28, $0x1;
	[dreg:$0x2] =	wrdreg s3  }
0xa9: {  	[dreg:$0x3] =	wrdreg s5  }
0xaa: {  	[dreg:$0x4] =	wrdreg $0xC0  }
0xab: {  	_ =	task [dreg:s7], $0x5FFFF  }
0xac: {  	[dreg:$0x1] =	wrdreg $0xFFFFFFFF  }
0xad: {  	[dreg:$0x0] =	wrdreg $0x60  }
0xae: {  	[dreg:$0x2] =	wrdreg s24  }
0xaf: {  	[dreg:$0x3] =	wrdreg s2  }
0xb0: {  	[dreg:$0x4] =	wrdreg $0x9  }
0xb1: {  	_ =	task.clear_ibuf [dreg:s7], $0x5FFFF;
	_ =	strace $0x90000046  }
0xb2: {  	s29 =	simm.s32 $0x9;
	_ =	strace $0x80000048  }
0xb3: {  	_ =	swait.ge [sflag:s29], $0x1  }
0xb4: {  	[sflag:s29] =	ssyncadd.s32 $0xFFFFFFFF  }
0xb5: {  	_ =	strace $0x90000048  }
0xb6: {  	_ =	sfence  }
0xb7: {  	s30 =	sld [smem:$0x0];
	_ =	sdelay $0x2  }
0xb8: {  	s31 =	sshll.u32 s1, $0xD;
	s1 =	sshrl.u32 s1, $0x2  }
0xb9: {  	s3 =	sand.u32 $0x4000, s31;
	s1 =	sadd.s32 s1, s30  }
0xba: {  	s0 =	sor.u32 s3, s0;
	s1 =	sshll.u32 s1, $0x11  }
0xbb: {  	s0 =	sor.u32 s1, s0  }
0xbc: {  	s0 =	sadd.s32 $0x8F2B, s0  }
0xbd: {  	[sflag:s0] =	ssyncadd.remote.s32 $0x1  }
0xbe: {  	_ =	sfence.sel $0xFFFF  }
0xbf: {  	[dreg:$0x0] =	wrdreg $0xFFFFFFFF;
	(pc) =	sbr.abs _section_cstart, $3  }
0xc0: {  	[dreg:$0x1] =	wrdreg $0xFFFFFFFF  }
0xc1: {  	_ =	task.clear_ibuf [dreg:s7], $0x2FFFF;
	_ =	strace $0x9FFFFFFF  }
0xc2: {  	(tm) =	ssettm $0x7FFFFFFF  }
0xc3: {  	_ =	shalt  }
tec
execute0_lowered:
.L_overlay_start_1:
0x0: {  	(tag) =	ssettag $0x1  }
0x1: {  	s0 =	srdreg.scid  }
0x2: {  	s2 =	stileid.u32;
	s1 =	rddreg [dreg:$0x0]  }
0x3: {  	s9 =	simm.s32 $0x6400;
	s17 =	simm.s32 $0xA800;
	s18 =	simm.s32 $0xAA00  }
0x4: {  	s19 =	simm.s32 $0xAC00;
	s20 =	simm.s32 $0xAE00;
	s21 =	simm.s32 $0xB000  }
0x5: {  	s22 =	simm.s32 $0xB200;
	s23 =	simm.s32 $0xB400;
	s24 =	simm.s32 $0xB600  }
0x6: {  	s25 =	simm.s32 $0xB800;
	s28 =	simm.s32 $0xBC00;
	s29 =	simm.s32 $0xBE00  }
0x7: {  	s30 =	simm.s32 $0xC000;
	s31 =	simm.s32 $0xC200;
	s8 =	simm.s32 $0xFA00  }
0x8: {  	s10 =	simm.s32 $0x1;
	s11 =	simm.s32 $0xC800;
	s12 =	simm.s32 $0x0  }
0x9: {  	s0 =	sand.u32 $0x1, s0;
	s3 =	sshll.u32 s2, $0x1;
	s2 =	rddreg [dreg:$0x1]  }
0xa: {  	s5 =	sor.u32 s0, s3;
	s3 =	simm.s32 $0x0;
	s0 =	ssub.s32 $0x2, s0  }
0xb: {  	s4 =	smul.u32 $0xC80, s5;
	[smem:$0x7FF] =	sst s3;
	s7 =	sshrl.u32 s0, $0x1  }
.Ltmp0:
0xc: {  	_ =	strace $0x80000047;
	s0 =	ssub.s32 s0, s7;
	(pc) =	sbr.rel .LBB2_1-.Ltmp0, $4  }
0xd: {  	s7 =	simm.s32 $0x9600;
	s6 =	sadd.s32 s4, s1;
	s4 =	sadd.s32 $0xF42E00, s1  }
0xe: {  	s0 =	smax.u32 s0, $0x1;
	s1 =	simm.s32 $0xC400;
	s26 =	sadd.s32 $0xA00, s6  }
0xf: {  	s6 =	sshll.u32 s5, $0x9;
	[dreg:$0x4] =	wrdreg s0;
	s0 =	simm.s32 $0xC600  }
0x10: {  	vm0 =	vmmov $0xffff;
	v32 =	vlaneseq.u32;
	s5 =	simm.s32 $0x2;
	[dreg:$0x3] =	wrdreg s26;
	s26 =	simm.s32 $0xBA00  }
.LBB2_13:
0x11: {  	s13 =	simm.s32 $0x3  }
0x12: {  	_ =	swait.ge [sflag:s13], $0x3200  }
0x13: {  	[sflag:s13] =	ssyncset.done $0x0  }
0x14: {  	s14 =	simm.s32 $0x4;
	[sflag:s13] =	ssyncadd.s32 $0xFFFFCE00  }
0x15: {  	_ =	swait.ge [sflag:s14], $0x3200  }
0x16: {  	s12 =	sadd.s32 $0x1, s12;
	s16 =	rddreg [dreg:$0x4]  }
0x17: {  	p0 =	sne.s32 s12, s16  }
.Ltmp1:
0x18: {  	_ = 	snop;
	(pc) =	sbr.rel @!p0 .LBB2_14-.Ltmp1, $3  }
0x19: {  	_ =	sdelay $0x1  }
0x1a: {  	[sflag:s14] =	ssyncset.done $0x0  }
0x1b: {  	[sflag:s14] =	ssyncadd.s32 $0xFFFFCE00  }
.LBB2_1:
0x1c: {  	s13 =	rddreg [dreg:$0x3];
	s14 =	simm.s32 $0x5  }
0x1d: {  	[tilespmem:s3], [sflag:$0x5] =	stream.linear.gather [hbm4b:s13+s3], $0x6400, $0x38;
	[tilespmem:$0x12C00] =	vst v63  }
0x1e: {  	_ =	swait.ge [sflag:s14], $0x6400  }
0x1f: {  	[sflag:s14] =	ssyncset.done $0x0  }
0x20: {  	[sflag:s14] =	ssyncadd.s32 $0xFFFF9C00  }
0x21: {  	v0 =	vld [tilespmem:$0x0];
	_ =	sdelay $0x7  }
0x22: {  	[tilespmem:s9], [sflag:$0x1] =	stream.indirect_vreg.gather [hbm4b:s4+s3], $0x20, v0, vm0, $0xb8;
	[tilespmem:$0x12C00] =	vst v63  }
0x23: {  	v0 =	vld [tilespmem:$0x10];
	_ =	sdelay $0x6  }
0x24: {  	s15 =	simm.s32 $0x6600  }
0x25: {  	[tilespmem:s15], [sflag:$0x1] =	stream.indirect_vreg.gather [hbm4b:s4+s3], $0x20, v0, vm0, $0xb8;
	[tilespmem:$0x12C00] =	vst v63  }
0x26: {  	v0 =	vld [tilespmem:$0x20];
	_ =	sdelay $0x6  }
0x27: {  	s16 =	simm.s32 $0x6800  }
0x28: {  	[tilespmem:s16], [sflag:$0x1] =	stream.indirect_vreg.gather [hbm4b:s4+s3], $0x20, v0, vm0, $0xb8;
	[tilespmem:$0x12C00] =	vst v63  }
0x29: {  	v0 =	vld [tilespmem:$0x30];
	_ =	sdelay $0x6  }
0x2a: {  	s14 =	simm.s32 $0x6A00  }
0x2b: {  	[tilespmem:s14], [sflag:$0x1] =	stream.indirect_vreg.gather [hbm4b:s4+s3], $0x20, v0, vm0, $0xb8;
	[tilespmem:$0x12C00] =	vst v63  }
0x2c: {  	v0 =	vld [tilespmem:$0x40];
	_ =	sdelay $0x6  }
0x2d: {  	s15 =	simm.s32 $0x6C00  }
0x2e: {  	[tilespmem:s15], [sflag:$0x1] =	stream.indirect_vreg.gather [hbm4b:s4+s3], $0x20, v0, vm0, $0xb8;
	[tilespmem:$0x12C00] =	vst v63  }
0x2f: {  	v0 =	vld [tilespmem:$0x50];
	_ =	sdelay $0x6  }
0x30: {  	s16 =	simm.s32 $0x6E00  }
0x31: {  	[tilespmem:s16], [sflag:$0x1] =	stream.indirect_vreg.gather [hbm4b:s4+s3], $0x20, v0, vm0, $0xb8;
	[tilespmem:$0x12C00] =	vst v63  }
0x32: {  	v0 =	vld [tilespmem:$0x60];
	_ =	sdelay $0x6  }
0x33: {  	s14 =	simm.s32 $0x7000  }
0x34: {  	[tilespmem:s14], [sflag:$0x1] =	stream.indirect_vreg.gather [hbm4b:s4+s3], $0x20, v0, vm0, $0xb8;
	[tilespmem:$0x12C00] =	vst v63  }
0x35: {  	v0 =	vld [tilespmem:$0x70];
	_ =	sdelay $0x6  }
0x36: {  	s15 =	simm.s32 $0x7200  }
0x37: {  	[tilespmem:s15], [sflag:$0x1] =	stream.indirect_vreg.gather [hbm4b:s4+s3], $0x20, v0, vm0, $0xb8;
	[tilespmem:$0x12C00] =	vst v63  }
0x38: {  	v0 =	vld [tilespmem:$0x80];
	_ =	sdelay $0x6  }
0x39: {  	s16 =	simm.s32 $0x7400  }
0x3a: {  	[tilespmem:s16], [sflag:$0x1] =	stream.indirect_vreg.gather [hbm4b:s4+s3], $0x20, v0, vm0, $0xb8;
	[tilespmem:$0x12C00] =	vst v63  }
0x3b: {  	v0 =	vld [tilespmem:$0x90];
	_ =	sdelay $0x6  }
0x3c: {  	s14 =	simm.s32 $0x7600  }
0x3d: {  	[tilespmem:s14], [sflag:$0x1] =	stream.indirect_vreg.gather [hbm4b:s4+s3], $0x20, v0, vm0, $0xb8;
	[tilespmem:$0x12C00] =	vst v63  }
0x3e: {  	v0 =	vld [tilespmem:$0xA0];
	_ =	sdelay $0x6  }
0x3f: {  	s15 =	simm.s32 $0x7800  }
0x40: {  	[tilespmem:s15], [sflag:$0x1] =	stream.indirect_vreg.gather [hbm4b:s4+s3], $0x20, v0, vm0, $0xb8;
	[tilespmem:$0x12C00] =	vst v63  }
0x41: {  	v0 =	vld [tilespmem:$0xB0];
	_ =	sdelay $0x6  }
0x42: {  	s16 =	simm.s32 $0x7A00  }
0x43: {  	[tilespmem:s16], [sflag:$0x1] =	stream.indirect_vreg.gather [hbm4b:s4+s3], $0x20, v0, vm0, $0xb8;
	[tilespmem:$0x12C00] =	vst v63  }
0x44: {  	v0 =	vld [tilespmem:$0xC0];
	_ =	sdelay $0x6  }
0x45: {  	s14 =	simm.s32 $0x7C00  }
0x46: {  	[tilespmem:s14], [sflag:$0x1] =	stream.indirect_vreg.gather [hbm4b:s4+s3], $0x20, v0, vm0, $0xb8;
	[tilespmem:$0x12C00] =	vst v63  }
0x47: {  	v0 =	vld [tilespmem:$0xD0];
	_ =	sdelay $0x6  }
0x48: {  	s15 =	simm.s32 $0x7E00  }
0x49: {  	[tilespmem:s15], [sflag:$0x1] =	stream.indirect_vreg.gather [hbm4b:s4+s3], $0x20, v0, vm0, $0xb8;
	[tilespmem:$0x12C00] =	vst v63  }
0x4a: {  	v0 =	vld [tilespmem:$0xE0];
	_ =	sdelay $0x6  }
0x4b: {  	s16 =	simm.s32 $0x8000  }
0x4c: {  	[tilespmem:s16], [sflag:$0x1] =	stream.indirect_vreg.gather [hbm4b:s4+s3], $0x20, v0, vm0, $0xb8;
	[tilespmem:$0x12C00] =	vst v63  }
0x4d: {  	v0 =	vld [tilespmem:$0xF0];
	_ =	sdelay $0x6  }
0x4e: {  	s14 =	simm.s32 $0x8200  }
0x4f: {  	[tilespmem:s14], [sflag:$0x1] =	stream.indirect_vreg.gather [hbm4b:s4+s3], $0x20, v0, vm0, $0xb8;
	[tilespmem:$0x12C00] =	vst v63  }
0x50: {  	v0 =	vld [tilespmem:$0x100];
	_ =	sdelay $0x6  }
0x51: {  	s15 =	simm.s32 $0x8400  }
0x52: {  	[tilespmem:s15], [sflag:$0x1] =	stream.indirect_vreg.gather [hbm4b:s4+s3], $0x20, v0, vm0, $0xb8;
	[tilespmem:$0x12C00] =	vst v63  }
0x53: {  	v0 =	vld [tilespmem:$0x110];
	_ =	sdelay $0x6  }
0x54: {  	s16 =	simm.s32 $0x8600  }
0x55: {  	[tilespmem:s16], [sflag:$0x1] =	stream.indirect_vreg.gather [hbm4b:s4+s3], $0x20, v0, vm0, $0xb8;
	[tilespmem:$0x12C00] =	vst v63  }
0x56: {  	v0 =	vld [tilespmem:$0x120];
	_ =	sdelay $0x6  }
0x57: {  	s14 =	simm.s32 $0x8800  }
0x58: {  	[tilespmem:s14], [sflag:$0x1] =	stream.indirect_vreg.gather [hbm4b:s4+s3], $0x20, v0, vm0, $0xb8;
	[tilespmem:$0x12C00] =	vst v63  }
0x59: {  	v0 =	vld [tilespmem:$0x130];
	_ =	sdelay $0x6  }
0x5a: {  	s15 =	simm.s32 $0x8A00  }
0x5b: {  	[tilespmem:s15], [sflag:$0x1] =	stream.indirect_vreg.gather [hbm4b:s4+s3], $0x20, v0, vm0, $0xb8;
	[tilespmem:$0x12C00] =	vst v63  }
0x5c: {  	v0 =	vld [tilespmem:$0x140];
	_ =	sdelay $0x6  }
0x5d: {  	s16 =	simm.s32 $0x8C00  }
0x5e: {  	[tilespmem:s16], [sflag:$0x1] =	stream.indirect_vreg.gather [hbm4b:s4+s3], $0x20, v0, vm0, $0xb8;
	[tilespmem:$0x12C00] =	vst v63  }
0x5f: {  	v0 =	vld [tilespmem:$0x150];
	_ =	sdelay $0x6  }
0x60: {  	s14 =	simm.s32 $0x8E00  }
0x61: {  	[tilespmem:s14], [sflag:$0x1] =	stream.indirect_vreg.gather [hbm4b:s4+s3], $0x20, v0, vm0, $0xb8;
	[tilespmem:$0x12C00] =	vst v63  }
0x62: {  	v0 =	vld [tilespmem:$0x160];
	_ =	sdelay $0x6  }
0x63: {  	s15 =	simm.s32 $0x9000  }
0x64: {  	[tilespmem:s15], [sflag:$0x1] =	stream.indirect_vreg.gather [hbm4b:s4+s3], $0x20, v0, vm0, $0xb8;
	[tilespmem:$0x12C00] =	vst v63  }
0x65: {  	v0 =	vld [tilespmem:$0x170];
	_ =	sdelay $0x6  }
0x66: {  	s16 =	simm.s32 $0x9200  }
0x67: {  	[tilespmem:s16], [sflag:$0x1] =	stream.indirect_vreg.gather [hbm4b:s4+s3], $0x20, v0, vm0, $0xb8;
	[tilespmem:$0x12C00] =	vst v63  }
0x68: {  	v0 =	vld [tilespmem:$0x180];
	_ =	sdelay $0x6  }
0x69: {  	s14 =	simm.s32 $0x9400  }
0x6a: {  	[tilespmem:s14], [sflag:$0x1] =	stream.indirect_vreg.gather [hbm4b:s4+s3], $0x20, v0, vm0, $0xb8;
	[tilespmem:$0x12C00] =	vst v63  }
0x6b: {  	v0 =	vld [tilespmem:$0x190];
	_ =	sdelay $0x7  }
0x6c: {  	[tilespmem:s7], [sflag:$0x2] =	stream.indirect_vreg.gather [hbm4b:s4+s3], $0x20, v0, vm0, $0xb8;
	[tilespmem:$0x12C00] =	vst v63  }
0x6d: {  	v0 =	vld [tilespmem:$0x1A0];
	_ =	sdelay $0x6  }
0x6e: {  	s15 =	simm.s32 $0x9800  }
0x6f: {  	[tilespmem:s15], [sflag:$0x2] =	stream.indirect_vreg.gather [hbm4b:s4+s3], $0x20, v0, vm0, $0xb8;
	[tilespmem:$0x12C00] =	vst v63  }
0x70: {  	v0 =	vld [tilespmem:$0x1B0];
	_ =	sdelay $0x6  }
0x71: {  	s16 =	simm.s32 $0x9A00  }
0x72: {  	[tilespmem:s16], [sflag:$0x2] =	stream.indirect_vreg.gather [hbm4b:s4+s3], $0x20, v0, vm0, $0xb8;
	[tilespmem:$0x12C00] =	vst v63  }
0x73: {  	v0 =	vld [tilespmem:$0x1C0];
	_ =	sdelay $0x6  }
0x74: {  	s14 =	simm.s32 $0x9C00  }
0x75: {  	[tilespmem:s14], [sflag:$0x2] =	stream.indirect_vreg.gather [hbm4b:s4+s3], $0x20, v0, vm0, $0xb8;
	[tilespmem:$0x12C00] =	vst v63  }
0x76: {  	v0 =	vld [tilespmem:$0x1D0];
	_ =	sdelay $0x6  }
0x77: {  	s15 =	simm.s32 $0x9E00  }
0x78: {  	[tilespmem:s15], [sflag:$0x2] =	stream.indirect_vreg.gather [hbm4b:s4+s3], $0x20, v0, vm0, $0xb8;
	[tilespmem:$0x12C00] =	vst v63  }
0x79: {  	v0 =	vld [tilespmem:$0x1E0];
	_ =	sdelay $0x6  }
0x7a: {  	s16 =	simm.s32 $0xA000  }
0x7b: {  	[tilespmem:s16], [sflag:$0x2] =	stream.indirect_vreg.gather [hbm4b:s4+s3], $0x20, v0, vm0, $0xb8;
	[tilespmem:$0x12C00] =	vst v63  }
0x7c: {  	v0 =	vld [tilespmem:$0x1F0];
	_ =	sdelay $0x6  }
0x7d: {  	s14 =	simm.s32 $0xA200  }
0x7e: {  	[tilespmem:s14], [sflag:$0x2] =	stream.indirect_vreg.gather [hbm4b:s4+s3], $0x20, v0, vm0, $0xb8;
	[tilespmem:$0x12C00] =	vst v63  }
0x7f: {  	v0 =	vld [tilespmem:$0x200];
	_ =	sdelay $0x6  }
0x80: {  	s15 =	simm.s32 $0xA400  }
0x81: {  	[tilespmem:s15], [sflag:$0x2] =	stream.indirect_vreg.gather [hbm4b:s4+s3], $0x20, v0, vm0, $0xb8;
	[tilespmem:$0x12C00] =	vst v63  }
0x82: {  	v0 =	vld [tilespmem:$0x210];
	_ =	sdelay $0x6  }
0x83: {  	s16 =	simm.s32 $0xA600  }
0x84: {  	[tilespmem:s16], [sflag:$0x2] =	stream.indirect_vreg.gather [hbm4b:s4+s3], $0x20, v0, vm0, $0xb8;
	[tilespmem:$0x12C00] =	vst v63  }
0x85: {  	v0 =	vld [tilespmem:$0x220];
	_ =	sdelay $0x7  }
0x86: {  	[tilespmem:s17], [sflag:$0x2] =	stream.indirect_vreg.gather [hbm4b:s4+s3], $0x20, v0, vm0, $0xb8;
	[tilespmem:$0x12C00] =	vst v63  }
0x87: {  	v0 =	vld [tilespmem:$0x230];
	_ =	sdelay $0x7  }
0x88: {  	[tilespmem:s18], [sflag:$0x2] =	stream.indirect_vreg.gather [hbm4b:s4+s3], $0x20, v0, vm0, $0xb8;
	[tilespmem:$0x12C00] =	vst v63  }
0x89: {  	v0 =	vld [tilespmem:$0x240];
	_ =	sdelay $0x7  }
0x8a: {  	[tilespmem:s19], [sflag:$0x2] =	stream.indirect_vreg.gather [hbm4b:s4+s3], $0x20, v0, vm0, $0xb8;
	[tilespmem:$0x12C00] =	vst v63  }
0x8b: {  	v0 =	vld [tilespmem:$0x250];
	_ =	sdelay $0x7  }
0x8c: {  	[tilespmem:s20], [sflag:$0x2] =	stream.indirect_vreg.gather [hbm4b:s4+s3], $0x20, v0, vm0, $0xb8;
	[tilespmem:$0x12C00] =	vst v63  }
0x8d: {  	v0 =	vld [tilespmem:$0x260];
	_ =	sdelay $0x7  }
0x8e: {  	[tilespmem:s21], [sflag:$0x2] =	stream.indirect_vreg.gather [hbm4b:s4+s3], $0x20, v0, vm0, $0xb8;
	[tilespmem:$0x12C00] =	vst v63  }
0x8f: {  	v0 =	vld [tilespmem:$0x270];
	_ =	sdelay $0x7  }
0x90: {  	[tilespmem:s22], [sflag:$0x2] =	stream.indirect_vreg.gather [hbm4b:s4+s3], $0x20, v0, vm0, $0xb8;
	[tilespmem:$0x12C00] =	vst v63  }
0x91: {  	v0 =	vld [tilespmem:$0x280];
	_ =	sdelay $0x7  }
0x92: {  	[tilespmem:s23], [sflag:$0x2] =	stream.indirect_vreg.gather [hbm4b:s4+s3], $0x20, v0, vm0, $0xb8;
	[tilespmem:$0x12C00] =	vst v63  }
0x93: {  	v0 =	vld [tilespmem:$0x290];
	_ =	sdelay $0x7  }
0x94: {  	[tilespmem:s24], [sflag:$0x2] =	stream.indirect_vreg.gather [hbm4b:s4+s3], $0x20, v0, vm0, $0xb8;
	[tilespmem:$0x12C00] =	vst v63  }
0x95: {  	v0 =	vld [tilespmem:$0x2A0];
	_ =	sdelay $0x7  }
0x96: {  	[tilespmem:s25], [sflag:$0x2] =	stream.indirect_vreg.gather [hbm4b:s4+s3], $0x20, v0, vm0, $0xb8;
	[tilespmem:$0x12C00] =	vst v63  }
0x97: {  	v0 =	vld [tilespmem:$0x2B0];
	_ =	sdelay $0x7  }
0x98: {  	[tilespmem:s26], [sflag:$0x2] =	stream.indirect_vreg.gather [hbm4b:s4+s3], $0x20, v0, vm0, $0xb8;
	[tilespmem:$0x12C00] =	vst v63  }
0x99: {  	v0 =	vld [tilespmem:$0x2C0];
	_ =	sdelay $0x7  }
0x9a: {  	[tilespmem:s28], [sflag:$0x2] =	stream.indirect_vreg.gather [hbm4b:s4+s3], $0x20, v0, vm0, $0xb8;
	[tilespmem:$0x12C00] =	vst v63  }
0x9b: {  	v0 =	vld [tilespmem:$0x2D0];
	_ =	sdelay $0x7  }
0x9c: {  	[tilespmem:s29], [sflag:$0x2] =	stream.indirect_vreg.gather [hbm4b:s4+s3], $0x20, v0, vm0, $0xb8;
	[tilespmem:$0x12C00] =	vst v63  }
0x9d: {  	v0 =	vld [tilespmem:$0x2E0];
	_ =	sdelay $0x7  }
0x9e: {  	[tilespmem:s30], [sflag:$0x2] =	stream.indirect_vreg.gather [hbm4b:s4+s3], $0x20, v0, vm0, $0xb8;
	[tilespmem:$0x12C00] =	vst v63  }
0x9f: {  	v0 =	vld [tilespmem:$0x2F0];
	_ =	sdelay $0x7  }
0xa0: {  	[tilespmem:s31], [sflag:$0x2] =	stream.indirect_vreg.gather [hbm4b:s4+s3], $0x20, v0, vm0, $0xb8;
	[tilespmem:$0x12C00] =	vst v63  }
0xa1: {  	v0 =	vld [tilespmem:$0x300];
	_ =	sdelay $0x7  }
0xa2: {  	[tilespmem:s1], [sflag:$0x2] =	stream.indirect_vreg.gather [hbm4b:s4+s3], $0x20, v0, vm0, $0xb8;
	[tilespmem:$0x12C00] =	vst v63  }
0xa3: {  	v0 =	vld [tilespmem:$0x310];
	_ =	sdelay $0x3  }
.Ltmp2:
0xa4: {  	_ = 	snop;
	(pc) =	sbr.rel .LBB2_2-.Ltmp2, $3  }
0xa5: {  	_ =	sdelay $0x1  }
0xa6: {  	s13 =	simm.s32 $0x0  }
0xa7: {  	[tilespmem:s0], [sflag:$0x2] =	stream.indirect_vreg.gather [hbm4b:s4+s3], $0x20, v0, vm0, $0xb8;
	[tilespmem:$0x12C00] =	vst v63  }
.LBB2_12:
0xa8: {  	s13 =	sadd.s32 $0x1, s13  }
0xa9: {  	p0 =	sne.s32 s13, $0x40  }
.Ltmp3:
0xaa: {  	_ = 	snop;
	(pc) =	sbr.rel @!p0 .LBB2_13-.Ltmp3, $1  }
0xab: {  	_ =	sdelay $0x3  }
.LBB2_2:
0xac: {  	s14 =	sand.u32 $0x1, s13  }
0xad: {  	p0 =	seq.s32 s14, $0x1  }
.Ltmp4:
0xae: {  	_ = 	snop;
	(pc) =	sbr.rel @p0 .LBB2_8-.Ltmp4, $1  }
0xaf: {  	_ =	sdelay $0x3  }
0xb0: {  	s15 =	simm.s32 $0x0  }
0xb1: {  	_ =	swait.ge [sflag:s10], $0x3200;
	v6 =	vor.u32 s15, v32  }
0xb2: {  	p0 =	slt.u32 s13, $0x2;
	[sflag:s10] =	ssyncset.done $0x0;
	v7 =	vshll.u32 v6, $0x5  }
0xb3: {  	s15 =	simm.s32 @!p0 $0x3;
	[sflag:s10] =	ssyncadd.s32 $0xFFFFCE00;
	v0 =	vor.u32 $0x1, v7  }
0xb4: {  	_ =	swait.ge @!p0 [sflag:s15], $0x3200;
	v1 =	vor.u32 $0x2, v7  }
0xb5: {  	v3 =	vor.u32 $0xE, v7;
	[sflag:s15] =	ssyncset.done @!p0 $0x0  }
0xb6: {  	v4 =	vor.u32 $0xA, v7;
	[sflag:s15] =	ssyncadd.s32 @!p0 $0xFFFFCE00  }
0xb7: {  	v5 =	vor.u32 $0x3, v7;
	v2 =	vld.idx.msk [tilespmem:v7+s9+$0x0], $0xffff  }
0xb8: {  	v8 =	vor.u32 $0x10, v7;
	v0 =	vld.idx.msk [tilespmem:v0+s9+$0x0], $0xffff  }
0xb9: {  	v9 =	vor.u32 $0xF, v7;
	v1 =	vld.idx.msk [tilespmem:v1+s9+$0x0], $0xffff  }
0xba: {  	v10 =	vor.u32 $0x9, v7;
	v24 =	vld.idx.msk [tilespmem:v3+s9+$0x0], $0xffff  }
0xbb: {  	v11 =	vor.u32 $0x12, v7;
	v23 =	vld.idx.msk [tilespmem:v4+s9+$0x0], $0xffff  }
0xbc: {  	v12 =	vor.u32 $0x14, v7;
	v3 =	vld.idx.msk [tilespmem:v5+s9+$0x0], $0xffff  }
0xbd: {  	v4 =	vor.u32 $0x19, v7;
	v25 =	vld.idx.msk [tilespmem:v8+s9+$0x0], $0xffff  }
0xbe: {  	v5 =	vor.u32 $0x15, v7;
	v22 =	vld.idx.msk [tilespmem:v9+s9+$0x0], $0xffff  }
0xbf: {  	v8 =	vor.u32 $0x6, v7;
	v31 =	vld.idx.msk [tilespmem:v10+s9+$0x0], $0xffff  }
0xc0: {  	v9 =	vor.u32 $0x1E, v7;
	v34 =	vld.idx.msk [tilespmem:v11+s9+$0x0], $0xffff  }
0xc1: {  	v10 =	vor.u32 $0xD, v7;
	v37 =	vld.idx.msk [tilespmem:v12+s9+$0x0], $0xffff  }
0xc2: {  	v11 =	vor.u32 $0x5, v7;
	v26 =	vld.idx.msk [tilespmem:v4+s9+$0x0], $0xffff  }
0xc3: {  	v13 =	vor.u32 $0xC, v7;
	v27 =	vld.idx.msk [tilespmem:v5+s9+$0x0], $0xffff  }
0xc4: {  	v4 =	vld.idx.msk [tilespmem:v8+s9+$0x0], $0xffff  }
0xc5: {  	v8 =	vor.u32 $0x4, v7;
	v29 =	vld.idx.msk [tilespmem:v9+s9+$0x0], $0xffff  }
0xc6: {  	v30 =	vld.idx.msk [tilespmem:v10+s9+$0x0], $0xffff  }
0xc7: {  	v14 =	vor.u32 $0x7, v7;
	v5 =	vld.idx.msk [tilespmem:v11+s9+$0x0], $0xffff;
	[tilespmem:$0x1FE50] =	vst v22  }
0xc8: {  	v16 =	vor.u32 $0xB, v7;
	v33 =	vld.idx.msk [tilespmem:v13+s9+$0x0], $0xffff;
	[tilespmem:$0x1FE60] =	vst v23  }
0xc9: {  	[tilespmem:$0x1FE70] =	vst v24  }
0xca: {  	v15 =	vor.u32 $0x8, v7;
	v9 =	vld.idx.msk [tilespmem:v8+s9+$0x0], $0xffff;
	[tilespmem:$0x1FE80] =	vst v25  }
0xcb: {  	v17 =	vor.u32 $0x11, v7;
	v12 =	vor.u32 $0x1D, v7;
	v18 =	vmul.f32 v2, v2;
	[tilespmem:$0x1FE90] =	vst v26  }
0xcc: {  	v10 =	vor.u32 $0x16, v7;
	v19 =	vmul.f32 v0, v0;
	v20 =	vmul.f32 v1, v1;
	v36 =	vld.idx.msk [tilespmem:v14+s9+$0x0], $0xffff;
	[tilespmem:$0x1FEA0] =	vst v27  }
0xcd: {  	v11 =	vor.u32 $0x17, v7;
	v21 =	vmul.f32 v3, v3;
	v22 =	vmul.f32 v22, v22;
	v35 =	vld.idx.msk [tilespmem:v16+s9+$0x0], $0xffff;
	[tilespmem:$0x1FEB0] =	vst v29  }
0xce: {  	v23 =	vmul.f32 v23, v23;
	v24 =	vmul.f32 v24, v24;
	v8 =	vor.u32 $0x1B, v7;
	[tilespmem:$0x1FEC0] =	vst v30  }
0xcf: {  	v28 =	vmul.f32 v5, v5;
	v14 =	vmul.f32 v27, v27;
	v27 =	vor.u32 $0x13, v7;
	v38 =	vld.idx.msk [tilespmem:v15+s9+$0x0], $0xffff  }
0xd0: {  	v13 =	vor.u32 $0x1A, v7;
	v25 =	vmul.f32 v25, v25;
	v26 =	vmul.f32 v26, v26;
	v40 =	vld.idx.msk [tilespmem:v17+s9+$0x0], $0xffff;
	[tilespmem:$0x1FED0] =	vst v31  }
0xd1: {  	v29 =	vmul.f32 v29, v29;
	v19 =	vadd.f32 v28, v19;
	v15 =	vmul.f32 v31, v31;
	[tilespmem:$0x1FEE0] =	vst v34  }
0xd2: {  	v16 =	vor.u32 $0x18, v7;
	v30 =	vmul.f32 v30, v30;
	v17 =	vmul.f32 v34, v34;
	v39 =	vld.idx.msk [tilespmem:v10+s9+$0x0], $0xffff;
	[tilespmem:$0x1FEF0] =	vst v33  }
0xd3: {  	v31 =	vmul.f32 v4, v4;
	v62 =	vld.idx.msk [tilespmem:v8+s9+$0x0], $0xffff;
	v8 =	vadd.f32 v15, v19;
	v19 =	vmul.f32 v9, v9  }
0xd4: {  	v28 =	vor.u32 $0x1F, v7;
	v10 =	vmul.f32 v33, v33;
	v15 =	vmul.f32 v36, v36;
	v63 =	vld.idx.msk [tilespmem:v27+s9+$0x0], $0xffff;
	[tilespmem:$0x1FF00] =	vst v35  }
0xd5: {  	v7 =	vor.u32 $0x1C, v7;
	v20 =	vadd.f32 v31, v20;
	v18 =	vadd.f32 v19, v18;
	v31 =	vld.idx.msk [tilespmem:v12+s9+$0x0], $0xffff;
	[tilespmem:$0x1FF10] =	vst v38  }
0xd6: {  	v27 =	vmul.f32 v35, v35;
	v8 =	vadd.f32 v30, v8;
	v12 =	vadd.f32 v15, v21;
	[tilespmem:$0x1FF20] =	vst v40  }
0xd7: {  	v15 =	vmul.f32 v38, v38;
	v19 =	vmul.f32 v40, v40;
	v30 =	vld.idx.msk [tilespmem:v11+s9+$0x0], $0xffff;
	[tilespmem:$0x1FF30] =	vst v39  }
0xd8: {  	v11 =	vadd.f32 v23, v20;
	v20 =	vmul.f32 v39, v39;
	v21 =	vld.idx.msk [tilespmem:v13+s9+$0x0], $0xffff;
	v12 =	vadd.f32 v27, v12  }
0xd9: {  	v13 =	vadd.f32 v15, v18;
	v8 =	vadd.f32 v19, v8;
	[tilespmem:$0x1FF40] =	vst v37;
	v15 =	vmul.f32 v37, v37  }
0xda: {  	v23 =	vld.idx.msk [tilespmem:v16+s9+$0x0], $0xffff;
	v11 =	vadd.f32 v24, v11;
	[tilespmem:$0x1FF50] =	vst v63;
	v16 =	vmul.f32 v63, v63  }
0xdb: {  	v19 =	vld.idx.msk [tilespmem:v7+s9+$0x0], $0xffff;
	v7 =	vadd.f32 v22, v12;
	v10 =	vadd.f32 v10, v13;
	[tilespmem:$0x1FF60] =	vst v62  }
0xdc: {  	v8 =	vadd.f32 v14, v8;
	v12 =	vmul.f32 v62, v62;
	v18 =	vld.idx.msk [tilespmem:v28+s9+$0x0], $0xffff;
	v11 =	vadd.f32 v17, v11  }
0xdd: {  	v13 =	vmul.f32 v30, v30;
	v7 =	vadd.f32 v16, v7;
	v10 =	vadd.f32 v25, v10  }
0xde: {  	v14 =	vmul.f32 v31, v31;
	v16 =	vmul.f32 v21, v21;
	v11 =	vadd.f32 v20, v11  }
0xdf: {  	v17 =	vmul.f32 v23, v23;
	v10 =	vadd.f32 v15, v10;
	v7 =	vadd.f32 v13, v7  }
0xe0: {  	v8 =	vadd.f32 v26, v8;
	v11 =	vadd.f32 v16, v11;
	v13 =	vmul.f32 v19, v19  }
0xe1: {  	v15 =	vmul.f32 v18, v18;
	v10 =	vadd.f32 v17, v10;
	v7 =	vadd.f32 v12, v7  }
0xe2: {  	v8 =	vadd.f32 v14, v8;
	v11 =	vadd.f32 v29, v11  }
0xe3: {  	v10 =	vadd.f32 v13, v10;
	v7 =	vadd.f32 v15, v7;
	_ =	sdelay $0x1  }
0xe4: {  	v8 =	vadd.f32 v8, v10;
	v7 =	vadd.f32 v7, v11;
	_ =	sdelay $0x1  }
0xe5: {  	v7 =	vadd.f32 v7, v8;
	_ =	sdelay $0x1  }
0xe6: {  	v7 =	vmax.f32 v7, $1.000000020e-24  }
0xe7: {  	v8 =	vshra.s32 v7, $0x1;
	v7 =	vmul.f32 $5.000000000e-01, v7  }
0xe8: {  	v8 =	vsub.s32 $0x5F3759DF, v8  }
0xe9: {  	v10 =	vmul.f32 v8, v7;
	_ =	sdelay $0x1  }
0xea: {  	v10 =	vmul.f32 v8, v10;
	_ =	sdelay $0x1  }
0xeb: {  	v10 =	vsub.f32 $1.500000000e+00, v10  }
0xec: {  	s16 =	simm.s32 $0x10  }
0xed: {  	[tilespmem:$0x1FF80] =	vst v31;
	v11 =	vmul.u32 $0x51F, v6;
	v8 =	vmul.f32 v8, v10;
	v10 =	vor.u32 s16, v32  }
0xee: {  	[tilespmem:$0x1FF70] =	vst v30;
	v49 =	vshll.u32 v10, $0x5  }
0xef: {  	[tilespmem:$0x1FF90] =	vst v21;
	v11 =	vshrl.u32 v11, $0x10;
	v12 =	vmul.f32 v8, v7;
	v13 =	vor.u32 $0x1, v49  }
0xf0: {  	[tilespmem:$0x1FFA0] =	vst v23;
	v15 =	vmul.u32 $0x7FFFFCE, v11;
	v14 =	vor.u32 $0x2, v49  }
0xf1: {  	[tilespmem:$0x1FFB0] =	vst v19;
	v16 =	vor.u32 $0xE, v49;
	v12 =	vmul.f32 v12, v8  }
0xf2: {  	[tilespmem:$0x1FFC0] =	vst v18;
	v11 =	vmul.u32 $0x640, v11;
	v6 =	vadd.s32 v6, v15;
	v17 =	vor.u32 $0xA, v49  }
0xf3: {  	v18 =	vshll.u32 v6, $0x5;
	v15 =	vor.u32 $0x3, v49;
	v12 =	vsub.f32 $1.500000000e+00, v12;
	v37 =	vld.idx.msk [tilespmem:v49+s9+$0x0], $0xffff  }
0xf4: {  	v44 =	vadd.s32 v11, v18;
	v6 =	vor.u32 $0x10, v49;
	v29 =	vld.idx.msk [tilespmem:v13+s9+$0x0], $0xffff  }
0xf5: {  	v56 =	vor.u32 $0x5, v44;
	v20 =	vor.u32 $0x9, v49;
	v28 =	vld.idx.msk [tilespmem:v14+s9+$0x0], $0xffff;
	v8 =	vmul.f32 v12, v8  }
0xf6: {  	v59 =	vor.u32 $0x2, v44;
	v61 =	vor.u32 $0x3, v44;
	v14 =	vor.u32 $0xF, v49;
	v43 =	vld.idx.msk [tilespmem:v16+s9+$0x0], $0xffff  }
0xf7: {  	v52 =	vor.u32 $0xB, v44;
	v23 =	vor.u32 $0x15, v49;
	v45 =	vld.idx.msk [tilespmem:v17+s9+$0x0], $0xffff;
	v7 =	vmul.f32 v8, v7  }
0xf8: {  	v60 =	vor.u32 $0x6, v44;
	v19 =	vor.u32 $0x6, v49;
	v17 =	vor.u32 $0x19, v49;
	v34 =	vld.idx.msk [tilespmem:v15+s9+$0x0], $0xffff  }
0xf9: {  	v21 =	vor.u32 $0x12, v49;
	v40 =	vld.idx.msk [tilespmem:v6+s9+$0x0], $0xffff;
	v12 =	vmul.u32 $0x51F, v10;
	v7 =	vmul.f32 v7, v8  }
0xfa: {  	v22 =	vor.u32 $0x7, v49;
	v25 =	vor.u32 $0x8, v49;
	v27 =	vor.u32 $0xB, v49;
	v46 =	vld.idx.msk [tilespmem:v20+s9+$0x0], $0xffff  }
0xfb: {  	v35 =	vshrl.u32 v12, $0x10;
	v31 =	vld.idx.msk [tilespmem:v14+s9+$0x0], $0xffff;
	v14 =	vor.u32 $0x1E, v49;
	v6 =	vsub.f32 $1.500000000e+00, v7  }
0xfc: {  	v24 =	vor.u32 $0x16, v49;
	v15 =	vor.u32 $0xD, v49;
	v33 =	vld.idx.msk [tilespmem:v23+s9+$0x0], $0xffff;
	v20 =	vmul.u32 $0x7FFFFCE, v35  }
0xfd: {  	v26 =	vor.u32 $0xC, v49;
	v16 =	vor.u32 $0x5, v49;
	v30 =	vld.idx.msk [tilespmem:v17+s9+$0x0], $0xffff;
	v41 =	vmul.f32 v6, v8  }
0xfe: {  	v11 =	vor.u32 $0x14, v49;
	v13 =	vor.u32 $0x4, v49;
	v32 =	vld.idx.msk [tilespmem:v21+s9+$0x0], $0xffff;
	v10 =	vadd.s32 v10, v20  }
0xff: {  	v38 =	vld.idx.msk [tilespmem:v19+s9+$0x0], $0xffff;
	v21 =	vmul.f32 v29, v29;
	v50 =	vmul.f32 v41, v0;
	v0 =	vshll.u32 v10, $0x5  }
0x100: {  	v12 =	vor.u32 $0x11, v49;
	v18 =	vmul.f32 v28, v28;
	v17 =	vmul.f32 v43, v43;
	v23 =	vld.idx.msk [tilespmem:v14+s9+$0x0], $0xffff;
	[tilespmem:$0x1FFD0] =	vst v0  }
0x101: {  	v19 =	vmul.f32 v33, v33;
	v20 =	vmul.f32 v45, v45;
	v7 =	vor.u32 $0x17, v49;
	v47 =	vld.idx.msk [tilespmem:v15+s9+$0x0], $0xffff  }
0x102: {  	v6 =	vor.u32 $0x1D, v49;
	v14 =	vmul.f32 v30, v30;
	v2 =	vmul.f32 v41, v2;
	v57 =	vld.idx.msk [tilespmem:v16+s9+$0x0], $0xffff  }
0x103: {  	v8 =	vor.u32 $0x1A, v49;
	v63 =	vmul.f32 v41, v1;
	v1 =	vmul.f32 v41, v3;
	v39 =	vld.idx.msk [tilespmem:v11+s9+$0x0], $0xffff  }
0x104: {  	v48 =	vmul.f32 v41, v9;
	v62 =	vmul.f32 v41, v4;
	v3 =	vor.u32 $0x1, v44;
	v51 =	vld.idx.msk [tilespmem:v26+s9+$0x0], $0xffff  }
0x105: {  	v9 =	vmul.f32 v37, v37;
	v10 =	vor.u32 $0x18, v49;
	v4 =	vor.u32 $0x1F, v49;
	[tilespmem:v44+s11+$0x0] =	vst.idx.msk $0xffff, v2;
	v53 =	vld.idx.msk [tilespmem:v13+s9+$0x0], $0xffff  }
0x106: {  	v0 =	vmul.f32 v41, v5;
	v5 =	vor.u32 $0x9, v44;
	v16 =	vmul.f32 v34, v34;
	v42 =	vld.idx.msk [tilespmem:v12+s9+$0x0], $0xffff;
	[tilespmem:$0x1FFE0] =	vst v40  }
0x107: {  	v15 =	vor.u32 $0x1B, v49;
	v11 =	vmul.f32 v31, v31;
	v13 =	vmul.f32 v40, v40;
	v58 =	vld.idx.msk [tilespmem:v22+s9+$0x0], $0xffff  }
0x108: {  	v2 =	vor.u32 $0x4, v44;
	v26 =	vmul.f32 v46, v46;
	v40 =	vld.idx.msk [tilespmem:v24+s9+$0x0], $0xffff;
	[tilespmem:$0x1FFF0] =	vst v23;
	v12 =	vmul.f32 v23, v23  }
0x109: {  	v22 =	vmul.f32 v32, v32;
	[tilespmem:v3+s11+$0x0] =	vst.idx.msk $0xffff, v50;
	v55 =	vld.idx.msk [tilespmem:v25+s9+$0x0], $0xffff;
	v50 =	vmul.f32 v57, v57  }
0x10a: {  	s15 =	simm.s32 $0x20;
	v3 =	vor.u32 $0x7, v44;
	v25 =	vor.u32 $0x13, v49;
	v54 =	vld.idx.msk [tilespmem:v27+s9+$0x0], $0xffff;
	v27 =	vmovc v38;
	v24 =	vmul.f32 v47, v47  }
.LBB2_4:
0x10b: {  	v21 =	vadd.f32 v50, v21;
	_ =	sdelay $0x1  }
0x10c: {  	v21 =	vadd.f32 v26, v21;
	_ =	sdelay $0x1  }
0x10d: {  	v21 =	vadd.f32 v24, v21;
	v24 =	vld.idx.msk [tilespmem:v7+s9+$0x0], $0xffff  }
0x10e: {  	v7 =	vld [tilespmem:$0x1FF00];
	_ =	sdelay $0x3  }
0x10f: {  	[tilespmem:$0x1FDF0] =	vst v29  }
0x110: {  	[tilespmem:$0x1FDE0] =	vst v37;
	v29 =	vmovc v45;
	v45 =	vor.u32 $0x1C, v49;
	v49 =	vmul.f32 v41, v7;
	v7 =	vmov v58  }
0x111: {  	[tilespmem:$0x1FE10] =	vst v7;
	v7 =	vld [tilespmem:$0x1FEF0]  }
0x112: {  	[tilespmem:$0x1FE00] =	vst v28;
	v23 =	vmov v57;
	v15 =	vld.idx.msk [tilespmem:v15+s9+$0x0], $0xffff  }
0x113: {  	v57 =	vmov v38;
	v28 =	vld [tilespmem:$0x1FE60];
	[tilespmem:$0x1FE30] =	vst v23  }
0x114: {  	v23 =	vld [tilespmem:$0x1FF10];
	v27 =	vmul.f32 v27, v57;
	[tilespmem:$0x1FE60] =	vst v29;
	v29 =	vmov v46  }
0x115: {  	[tilespmem:$0x1FE20] =	vst v34;
	v34 =	vmul.f32 v51, v51;
	v57 =	vld.idx.msk [tilespmem:v25+s9+$0x0], $0xffff  }
0x116: {  	[tilespmem:$0x1FE40] =	vst v38;
	v18 =	vadd.f32 v27, v18;
	v27 =	vmul.f32 v58, v58;
	v58 =	vmul.f32 v41, v7;
	v7 =	vld [tilespmem:$0x1FEC0]  }
0x117: {  	v37 =	vmul.f32 v42, v42;
	v26 =	vld [tilespmem:$0x1FED0];
	v36 =	vmul.f32 v41, v36;
	[tilespmem:$0x1FED0] =	vst v29;
	v29 =	vmov v51  }
0x118: {  	v6 =	vld.idx.msk [tilespmem:v6+s9+$0x0], $0xffff;
	v25 =	vmul.f32 v40, v40;
	v46 =	vmul.f32 v54, v54;
	v18 =	vadd.f32 v20, v18  }
0x119: {  	v8 =	vld.idx.msk [tilespmem:v8+s9+$0x0], $0xffff;
	v28 =	vmul.f32 v41, v28;
	v16 =	vadd.f32 v27, v16;
	v27 =	vmul.f32 v55, v55  }
0x11a: {  	v4 =	vld.idx.msk [tilespmem:v4+s9+$0x0], $0xffff;
	v38 =	vmul.f32 v41, v23;
	v17 =	vadd.f32 v17, v18;
	[tilespmem:$0x1FEF0] =	vst v29;
	v29 =	vmov v55  }
0x11b: {  	v45 =	vld.idx.msk [tilespmem:v45+s9+$0x0], $0xffff;
	v21 =	vadd.f32 v37, v21;
	[tilespmem:$0x1FF10] =	vst v29;
	v20 =	vmul.f32 v41, v7;
	v7 =	vmov v47  }
0x11c: {  	v50 =	vmovc v53;
	v51 =	vld [tilespmem:$0x1FE70];
	v37 =	vmul.f32 v39, v39;
	v18 =	vmul.f32 v57, v57;
	v47 =	vmov v43;
	[tilespmem:$0x1FEC0] =	vst v7  }
0x11d: {  	v19 =	vadd.f32 v19, v21;
	v7 =	vld.idx.msk [tilespmem:v10+s9+$0x0], $0xffff;
	v10 =	vmul.f32 v53, v50;
	[tilespmem:$0x1FE70] =	vst v47  }
0x11e: {  	v26 =	vmul.f32 v41, v26;
	v53 =	vadd.f32 v22, v17;
	v17 =	vmov v54;
	[tilespmem:v59+s11+$0x0] =	vst.idx.msk $0xffff, v63  }
0x11f: {  	v21 =	vmul.f32 v15, v15;
	v14 =	vadd.f32 v14, v19;
	[tilespmem:$0x1FF00] =	vst v17;
	v9 =	vadd.f32 v10, v9  }
0x120: {  	v23 =	vor.u32 $0x8, v44;
	v22 =	vmul.f32 v24, v24;
	[tilespmem:v61+s11+$0x0] =	vst.idx.msk $0xffff, v1;
	v10 =	vadd.f32 v46, v16  }
0x121: {  	v16 =	vmul.f32 v6, v6;
	[tilespmem:v2+s11+$0x0] =	vst.idx.msk $0xffff, v48;
	v9 =	vadd.f32 v27, v9  }
0x122: {  	v46 =	vmul.f32 v41, v51;
	[tilespmem:v56+s11+$0x0] =	vst.idx.msk $0xffff, v0;
	v27 =	vmul.f32 v8, v8  }
0x123: {  	v51 =	vor.u32 $0xA, v44;
	v10 =	vadd.f32 v11, v10;
	[tilespmem:v60+s11+$0x0] =	vst.idx.msk $0xffff, v62;
	v9 =	vadd.f32 v34, v9  }
0x124: {  	v24 =	vmov v24;
	v11 =	vadd.f32 v25, v53;
	v14 =	vadd.f32 v16, v14;
	[tilespmem:v3+s11+$0x0] =	vst.idx.msk $0xffff, v36  }
0x125: {  	v16 =	vor.u32 $0xC, v44;
	v18 =	vadd.f32 v18, v10;
	[tilespmem:v23+s11+$0x0] =	vst.idx.msk $0xffff, v38;
	v9 =	vadd.f32 v13, v9  }
0x126: {  	v1 =	vor.u32 $0xD, v44;
	v17 =	vmul.f32 v7, v7;
	v11 =	vadd.f32 v27, v11;
	v27 =	vld [tilespmem:$0x1FF70];
	[tilespmem:$0x1FF70] =	vst v24  }
0x127: {  	v19 =	vld [tilespmem:$0x1FE50];
	v2 =	vor.u32 $0xE, v44;
	[tilespmem:v5+s11+$0x0] =	vst.idx.msk $0xffff, v26;
	v18 =	vadd.f32 v22, v18;
	v9 =	vadd.f32 v37, v9  }
0x128: {  	v13 =	vmul.f32 v45, v45;
	v22 =	vld [tilespmem:$0x1FE80];
	[tilespmem:v51+s11+$0x0] =	vst.idx.msk $0xffff, v28  }
0x129: {  	v0 =	vor.u32 $0xF, v44;
	[tilespmem:v52+s11+$0x0] =	vst.idx.msk $0xffff, v49;
	v9 =	vadd.f32 v17, v9;
	v17 =	vadd.f32 v21, v18;
	v21 =	vld [tilespmem:$0x1FF20]  }
0x12a: {  	v25 =	vld [tilespmem:$0x1FEE0];
	v11 =	vadd.f32 v12, v11;
	[tilespmem:v16+s11+$0x0] =	vst.idx.msk $0xffff, v58;
	v18 =	vor.u32 $0x10, v44  }
0x12b: {  	v3 =	vor.u32 $0x11, v44;
	v12 =	vmul.f32 v4, v4;
	[tilespmem:v1+s11+$0x0] =	vst.idx.msk $0xffff, v20;
	v9 =	vadd.f32 v13, v9  }
0x12c: {  	v19 =	vmul.f32 v41, v19;
	v7 =	vmov v7;
	v28 =	vld [tilespmem:$0x1FFA0];
	[tilespmem:v2+s11+$0x0] =	vst.idx.msk $0xffff, v46;
	v13 =	vor.u32 $0x12, v44  }
0x12d: {  	[tilespmem:$0x1FFA0] =	vst v7;
	v22 =	vmul.f32 v41, v22;
	v12 =	vadd.f32 v12, v17;
	v17 =	vld [tilespmem:$0x1FF50];
	v9 =	vadd.f32 v14, v9  }
0x12e: {  	[tilespmem:v0+s11+$0x0] =	vst.idx.msk $0xffff, v19;
	v21 =	vmul.f32 v41, v21  }
0x12f: {  	v23 =	vld [tilespmem:$0x1FF40];
	v5 =	vor.u32 $0x13, v44;
	v25 =	vmul.f32 v41, v25;
	v11 =	vadd.f32 v12, v11;
	[tilespmem:v18+s11+$0x0] =	vst.idx.msk $0xffff, v22  }
0x130: {  	v26 =	vld [tilespmem:$0x1FF30];
	[tilespmem:v3+s11+$0x0] =	vst.idx.msk $0xffff, v21  }
0x131: {  	v12 =	vor.u32 $0x14, v44;
	v14 =	vld [tilespmem:$0x1FEA0];
	v62 =	vadd.f32 v11, v9;
	v9 =	vmov v8;
	[tilespmem:v13+s11+$0x0] =	vst.idx.msk $0xffff, v25  }
0x132: {  	s16 =	smov.u32 s15;
	v24 =	vlaneseq.u32;
	v20 =	vld [tilespmem:$0x1FF90];
	v19 =	vmov v15;
	v17 =	vmul.f32 v41, v17;
	[tilespmem:$0x1FF90] =	vst v9  }
0x133: {  	v24 =	vor.u32 s16, v24;
	v11 =	vor.u32 $0x15, v44;
	v9 =	vld [tilespmem:$0x1FF60];
	[tilespmem:$0x1FF60] =	vst v19  }
0x134: {  	v16 =	vor.u32 $0x16, v44;
	v23 =	vmul.f32 v41, v23;
	v25 =	vmovc v6;
	v6 =	vmov v45;
	[tilespmem:v5+s11+$0x0] =	vst.idx.msk $0xffff, v17  }
0x135: {  	v49 =	vshll.u32 v24, $0x5;
	v1 =	vor.u32 $0x17, v44;
	v56 =	vmax.f32 v62, $1.000000020e-24;
	v19 =	vld [tilespmem:$0x1FFB0];
	[tilespmem:$0x1FFB0] =	vst v6  }
0x136: {  	v29 =	vld [tilespmem:$0x1FE90];
	v14 =	vmul.f32 v41, v14;
	v58 =	vshra.s32 v56, $0x1;
	v59 =	vmul.f32 $5.000000000e-01, v56;
	[tilespmem:v12+s11+$0x0] =	vst.idx.msk $0xffff, v23;
	v12 =	vmovc v31  }
0x137: {  	v26 =	vmul.f32 v41, v26;
	v2 =	vor.u32 $0x18, v44;
	v17 =	vld [tilespmem:$0x1FFE0];
	v8 =	vsub.s32 $0x5F3759DF, v58;
	[tilespmem:$0x1FE50] =	vst v12  }
0x138: {  	v27 =	vmul.f32 v41, v27;
	v6 =	vor.u32 $0x1, v49;
	v15 =	vmul.f32 v8, v59;
	[tilespmem:v11+s11+$0x0] =	vst.idx.msk $0xffff, v14  }
0x139: {  	v0 =	vor.u32 $0x19, v44;
	[tilespmem:v16+s11+$0x0] =	vst.idx.msk $0xffff, v26  }
0x13a: {  	v28 =	vmul.f32 v41, v28;
	v15 =	vmul.f32 v8, v15;
	[tilespmem:v1+s11+$0x0] =	vst.idx.msk $0xffff, v27;
	v1 =	vmov v39  }
0x13b: {  	v63 =	vmul.f32 v41, v29;
	[tilespmem:$0x1FF40] =	vst v1  }
0x13c: {  	v7 =	vor.u32 $0x2, v49;
	v18 =	vor.u32 $0x1A, v44;
	v17 =	vmovc v17;
	v1 =	vld.idx.msk [tilespmem:v49+s9+$0x0], $0xffff;
	[tilespmem:v2+s11+$0x0] =	vst.idx.msk $0xffff, v28;
	v15 =	vsub.f32 $1.500000000e+00, v15  }
0x13d: {  	[tilespmem:$0x1FE80] =	vst v17;
	v17 =	vor.u32 $0xE, v49;
	v28 =	vld.idx.msk [tilespmem:v6+s9+$0x0], $0xffff  }
0x13e: {  	v3 =	vor.u32 $0x1B, v44;
	v11 =	vmovc v30;
	[tilespmem:v0+s11+$0x0] =	vst.idx.msk $0xffff, v63;
	v0 =	vmov v42;
	v30 =	vmul.f32 v8, v15;
	v15 =	vld [tilespmem:$0x1FFF0]  }
0x13f: {  	v20 =	vmul.f32 v41, v20;
	v21 =	vld [tilespmem:$0x1FF80];
	[tilespmem:$0x1FF20] =	vst v0;
	v8 =	vmov v33  }
0x140: {  	v22 =	vld [tilespmem:$0x1FEB0];
	v13 =	vor.u32 $0x1C, v44;
	v5 =	vor.u32 $0x1D, v44;
	[tilespmem:$0x1FEA0] =	vst v8;
	v8 =	vor.u32 $0xA, v49  }
0x141: {  	v12 =	vor.u32 $0x3, v49;
	v14 =	vmov v32;
	v9 =	vmul.f32 v41, v9;
	v0 =	vld.idx.msk [tilespmem:v7+s9+$0x0], $0xffff;
	[tilespmem:v18+s11+$0x0] =	vst.idx.msk $0xffff, v20  }
0x142: {  	v10 =	vor.u32 $0x1E, v44;
	v27 =	vor.u32 $0x10, v49;
	[tilespmem:$0x1FEE0] =	vst v14;
	v43 =	vld.idx.msk [tilespmem:v17+s9+$0x0], $0xffff  }
0x143: {  	v31 =	vor.u32 $0xF, v49;
	v19 =	vmul.f32 v41, v19;
	[tilespmem:v3+s11+$0x0] =	vst.idx.msk $0xffff, v9;
	v3 =	vld [tilespmem:$0x1FFC0];
	v15 =	vmov v15  }
0x144: {  	v21 =	vmul.f32 v41, v21;
	v14 =	vor.u32 $0x9, v49;
	v37 =	vmovc v1;
	v9 =	vmul.f32 v1, v1;
	v1 =	vld [tilespmem:$0x1FDF0];
	[tilespmem:$0x1FEB0] =	vst v15  }
0x145: {  	v47 =	vor.u32 $0x1F, v44;
	v22 =	vmul.f32 v41, v22;
	v45 =	vld.idx.msk [tilespmem:v8+s9+$0x0], $0xffff;
	[tilespmem:v13+s11+$0x0] =	vst.idx.msk $0xffff, v19  }
0x146: {  	v16 =	vor.u32 $0x12, v49;
	v62 =	vld.idx.msk [tilespmem:v12+s9+$0x0], $0xffff;
	[tilespmem:v5+s11+$0x0] =	vst.idx.msk $0xffff, v21  }
0x147: {  	v17 =	vor.u32 $0x15, v49;
	v15 =	vmul.f32 v30, v59;
	v19 =	vld.idx.msk [tilespmem:v27+s9+$0x0], $0xffff;
	[tilespmem:v10+s11+$0x0] =	vst.idx.msk $0xffff, v22  }
0x148: {  	[tilespmem:$0x1FE90] =	vst v11;
	v11 =	vor.u32 $0x6, v49;
	v3 =	vmul.f32 v41, v3;
	v31 =	vld.idx.msk [tilespmem:v31+s9+$0x0], $0xffff  }
0x149: {  	v2 =	vor.u32 $0xD, v49;
	v7 =	vmul.f32 v15, v30;
	v46 =	vld.idx.msk [tilespmem:v14+s9+$0x0], $0xffff  }
0x14a: {  	v26 =	vor.u32 $0x5, v49;
	v14 =	vld [tilespmem:$0x1FFD0];
	[tilespmem:v47+s11+$0x0] =	vst.idx.msk $0xffff, v3  }
0x14b: {  	v42 =	vor.u32 $0xC, v49;
	v20 =	vsub.f32 $1.500000000e+00, v7;
	v32 =	vld.idx.msk [tilespmem:v16+s9+$0x0], $0xffff  }
0x14c: {  	v33 =	vld.idx.msk [tilespmem:v17+s9+$0x0], $0xffff  }
0x14d: {  	v23 =	vor.u32 $0x4, v49;
	v27 =	vld.idx.msk [tilespmem:v11+s9+$0x0], $0xffff;
	v5 =	vmul.f32 v20, v30  }
0x14e: {  	v36 =	vor.u32 $0x7, v49;
	v48 =	vor.u32 $0x11, v49;
	v47 =	vld.idx.msk [tilespmem:v2+s9+$0x0], $0xffff  }
0x14f: {  	v29 =	vmovc v57;
	v38 =	vor.u32 $0x8, v49;
	v18 =	vor.u32 $0x19, v49;
	v57 =	vld.idx.msk [tilespmem:v26+s9+$0x0], $0xffff;
	v3 =	vmul.f32 v5, v59  }
0x150: {  	v54 =	vor.u32 $0xB, v49;
	v34 =	vor.u32 $0x16, v49;
	v12 =	vmul.u32 $0x640, v35;
	v51 =	vld.idx.msk [tilespmem:v42+s9+$0x0], $0xffff  }
0x151: {  	[tilespmem:$0x1FF80] =	vst v25;
	v25 =	vmul.u32 $0x51F, v24;
	v6 =	vmovc v4;
	v4 =	vmovc v40;
	v13 =	vor.u32 $0x1E, v49;
	v2 =	vld [tilespmem:$0x1FDE0];
	v3 =	vmul.f32 v3, v5  }
0x152: {  	[tilespmem:$0x1FF30] =	vst v4;
	v4 =	vor.u32 $0x1F, v49;
	v53 =	vld.idx.msk [tilespmem:v23+s9+$0x0], $0xffff;
	v44 =	vadd.s32 v12, v14;
	v14 =	vor.u32 $0x14, v49  }
0x153: {  	[tilespmem:$0x1FFC0] =	vst v6;
	v6 =	vor.u32 $0x1D, v49;
	v35 =	vshrl.u32 v25, $0x10;
	v42 =	vld.idx.msk [tilespmem:v48+s9+$0x0], $0xffff;
	v3 =	vsub.f32 $1.500000000e+00, v3  }
0x154: {  	[tilespmem:$0x1FF50] =	vst v29;
	v8 =	vor.u32 $0x1A, v49;
	v21 =	vmul.f32 v28, v28;
	v30 =	vld.idx.msk [tilespmem:v18+s9+$0x0], $0xffff;
	v12 =	vmul.u32 $0x7FFFFCE, v35  }
0x155: {  	v29 =	vmovc v28;
	v28 =	vmovc v0;
	v25 =	vor.u32 $0x13, v49;
	v18 =	vmul.f32 v0, v0;
	v0 =	vld [tilespmem:$0x1FE30];
	v41 =	vmul.f32 v3, v5  }
0x156: {  	v17 =	vmul.f32 v43, v43;
	v22 =	vor.u32 $0x1, v44;
	v12 =	vadd.s32 v24, v12;
	v24 =	vld.idx.msk [tilespmem:v13+s9+$0x0], $0xffff  }
0x157: {  	v15 =	vor.u32 $0x1B, v49;
	v16 =	vmul.f32 v62, v62;
	v39 =	vld.idx.msk [tilespmem:v14+s9+$0x0], $0xffff;
	v3 =	vmul.f32 v41, v2  }
0x158: {  	v10 =	vor.u32 $0x18, v49;
	v20 =	vmul.f32 v45, v45;
	v11 =	vmul.f32 v31, v31;
	v5 =	vld [tilespmem:$0x1FE40]  }
0x159: {  	v7 =	vor.u32 $0x17, v49;
	v26 =	vmul.f32 v46, v46;
	v1 =	vmul.f32 v41, v1;
	[tilespmem:v44+s11+$0x0] =	vst.idx.msk $0xffff, v3;
	v3 =	vld [tilespmem:$0x1FE00]  }
0x15a: {  	[tilespmem:$0x1FFE0] =	vst v19;
	v56 =	vor.u32 $0x5, v44;
	v59 =	vor.u32 $0x2, v44;
	v61 =	vor.u32 $0x3, v44;
	v58 =	vld.idx.msk [tilespmem:v36+s9+$0x0], $0xffff  }
0x15b: {  	p0 =	sne.s32 s15, $0x180;
	v13 =	vmul.f32 v19, v19;
	v19 =	vmul.f32 v33, v33;
	v12 =	vshll.u32 v12, $0x5;
	[tilespmem:v22+s11+$0x0] =	vst.idx.msk $0xffff, v1;
	v1 =	vld [tilespmem:$0x1FE20]  }
.Ltmp5:
0x15c: {  	v52 =	vor.u32 $0xB, v44;
	[tilespmem:$0x1FFD0] =	vst v12;
	v14 =	vmul.f32 v30, v30;
	v12 =	vmul.f32 v24, v24;
	(pc) =	sbr.rel @p0 .LBB2_4-.Ltmp5, $4  }
0x15d: {  	v60 =	vor.u32 $0x6, v44;
	[tilespmem:$0x1FFF0] =	vst v24;
	v24 =	vmul.f32 v47, v47;
	v48 =	vmul.f32 v41, v50;
	v36 =	vld [tilespmem:$0x1FE10]  }
0x15e: {  	v2 =	vor.u32 $0x4, v44;
	v50 =	vmul.f32 v57, v57;
	v0 =	vmul.f32 v41, v0;
	v40 =	vld.idx.msk [tilespmem:v34+s9+$0x0], $0xffff  }
0x15f: {  	v22 =	vmul.f32 v32, v32;
	v55 =	vld.idx.msk [tilespmem:v38+s9+$0x0], $0xffff;
	v34 =	vmovc v62;
	v62 =	vmul.f32 v41, v5;
	v5 =	vor.u32 $0x9, v44  }
0x160: {  	s15 =	sadd.s32 $0x10, s15;
	v54 =	vld.idx.msk [tilespmem:v54+s9+$0x0], $0xffff;
	v38 =	vmovc v27;
	v63 =	vmul.f32 v41, v3;
	v3 =	vor.u32 $0x7, v44;
	v1 =	vmul.f32 v41, v1  }
0x161: {  	_ =	sdelay $0x1  }
0x162: {  	v21 =	vadd.f32 v50, v21  }
0x163: {  	v23 =	vmul.f32 v27, v38;
	v50 =	vmul.f32 v53, v53  }
0x164: {  	v27 =	vmul.f32 v58, v58;
	v8 =	vld.idx.msk [tilespmem:v8+s9+$0x0], $0xffff;
	[tilespmem:v59+s11+$0x0] =	vst.idx.msk $0xffff, v63;
	v21 =	vadd.f32 v26, v21  }
0x165: {  	v4 =	vld.idx.msk [tilespmem:v4+s9+$0x0], $0xffff;
	v59 =	vmul.f32 v41, v36;
	v18 =	vadd.f32 v23, v18;
	v9 =	vadd.f32 v50, v9  }
0x166: {  	v50 =	vld.idx.msk [tilespmem:v25+s9+$0x0], $0xffff;
	[tilespmem:v61+s11+$0x0] =	vst.idx.msk $0xffff, v1;
	v26 =	vmul.f32 v55, v55;
	v21 =	vadd.f32 v24, v21  }
0x167: {  	[tilespmem:v2+s11+$0x0] =	vst.idx.msk $0xffff, v48;
	v18 =	vadd.f32 v20, v18;
	v24 =	vld.idx.msk [tilespmem:v15+s9+$0x0], $0xffff;
	v15 =	vadd.f32 v27, v16  }
0x168: {  	v20 =	vor.u32 $0x1C, v49;
	v27 =	vmul.f32 v42, v42;
	v25 =	vmul.f32 v54, v54;
	[tilespmem:v56+s11+$0x0] =	vst.idx.msk $0xffff, v0  }
0x169: {  	v49 =	vld.idx.msk [tilespmem:v7+s9+$0x0], $0xffff;
	v9 =	vadd.f32 v26, v9;
	v26 =	vmul.f32 v51, v51;
	v17 =	vadd.f32 v17, v18  }
0x16a: {  	v7 =	vld.idx.msk [tilespmem:v10+s9+$0x0], $0xffff;
	[tilespmem:v60+s11+$0x0] =	vst.idx.msk $0xffff, v62;
	v21 =	vadd.f32 v27, v21;
	v15 =	vadd.f32 v25, v15  }
0x16b: {  	v25 =	vmul.f32 v39, v39;
	v62 =	vld [tilespmem:$0x1FF10];
	[tilespmem:v3+s11+$0x0] =	vst.idx.msk $0xffff, v59;
	v9 =	vadd.f32 v26, v9  }
0x16c: {  	v18 =	vld.idx.msk [tilespmem:v6+s9+$0x0], $0xffff;
	v27 =	vadd.f32 v22, v17;
	v11 =	vadd.f32 v11, v15;
	v22 =	vmul.f32 v50, v50  }
0x16d: {  	v23 =	vadd.f32 v19, v21;
	v6 =	vld.idx.msk [tilespmem:v20+s9+$0x0], $0xffff;
	v20 =	vmul.f32 v40, v40;
	v9 =	vadd.f32 v13, v9  }
0x16e: {  	v26 =	vmul.f32 v49, v49;
	v21 =	vmul.f32 v24, v24;
	v11 =	vadd.f32 v22, v11  }
0x16f: {  	v14 =	vadd.f32 v14, v23;
	v10 =	vadd.f32 v20, v27;
	v27 =	vmul.f32 v8, v8  }
0x170: {  	v9 =	vadd.f32 v25, v9;
	v20 =	vmul.f32 v7, v7;
	v11 =	vadd.f32 v26, v11  }
0x171: {  	v22 =	vmul.f32 v18, v18;
	v25 =	vmul.f32 v4, v4;
	v10 =	vadd.f32 v27, v10  }
0x172: {  	v9 =	vadd.f32 v20, v9;
	v11 =	vadd.f32 v21, v11;
	v23 =	vmul.f32 v6, v6  }
0x173: {  	v0 =	vld [tilespmem:$0x1FED0];
	v13 =	vadd.f32 v22, v14;
	v10 =	vadd.f32 v12, v10  }
0x174: {  	v27 =	vor.u32 $0x8, v44;
	v9 =	vadd.f32 v23, v9;
	v11 =	vadd.f32 v25, v11;
	_ =	sdelay $0x1  }
0x175: {  	v9 =	vadd.f32 v13, v9;
	v10 =	vadd.f32 v11, v10  }
0x176: {  	v11 =	vmul.f32 v41, v62  }
0x177: {  	v0 =	vmul.f32 v41, v0;
	v9 =	vadd.f32 v10, v9  }
0x178: {  	[tilespmem:v27+s11+$0x0] =	vst.idx.msk $0xffff, v11  }
0x179: {  	v26 =	vmax.f32 v9, $1.000000020e-24;
	v9 =	vld [tilespmem:$0x1FE60];
	[tilespmem:v5+s11+$0x0] =	vst.idx.msk $0xffff, v0  }
0x17a: {  	v0 =	vld [tilespmem:$0x1FF00]  }
0x17b: {  	v61 =	vor.u32 $0xA, v44;
	_ =	sdelay $0x2  }
0x17c: {  	v9 =	vmul.f32 v41, v9  }
0x17d: {  	v0 =	vmul.f32 v41, v0  }
0x17e: {  	[tilespmem:v61+s11+$0x0] =	vst.idx.msk $0xffff, v9  }
0x17f: {  	v9 =	vld [tilespmem:$0x1FEF0];
	[tilespmem:v52+s11+$0x0] =	vst.idx.msk $0xffff, v0  }
0x180: {  	v0 =	vld [tilespmem:$0x1FEC0]  }
0x181: {  	v16 =	vor.u32 $0xC, v44  }
0x182: {  	v19 =	vor.u32 $0xD, v44;
	_ =	sdelay $0x1  }
0x183: {  	v9 =	vmul.f32 v41, v9  }
0x184: {  	v0 =	vmul.f32 v41, v0  }
0x185: {  	[tilespmem:v16+s11+$0x0] =	vst.idx.msk $0xffff, v9  }
0x186: {  	v3 =	vld [tilespmem:$0x1FE70];
	[tilespmem:v19+s11+$0x0] =	vst.idx.msk $0xffff, v0  }
0x187: {  	v0 =	vld [tilespmem:$0x1FE50]  }
0x188: {  	v20 =	vor.u32 $0xE, v44  }
0x189: {  	v22 =	vor.u32 $0xF, v44  }
0x18a: {  	v12 =	vld [tilespmem:$0x1FE80]  }
0x18b: {  	v3 =	vmul.f32 v41, v3  }
0x18c: {  	v23 =	vor.u32 $0x10, v44;
	v0 =	vmul.f32 v41, v0  }
0x18d: {  	[tilespmem:v20+s11+$0x0] =	vst.idx.msk $0xffff, v3  }
0x18e: {  	[tilespmem:v22+s11+$0x0] =	vst.idx.msk $0xffff, v0  }
0x18f: {  	v12 =	vmul.f32 v41, v12;
	v0 =	vld [tilespmem:$0x1FF20];
	_ =	sdelay $0x1  }
0x190: {  	v25 =	vor.u32 $0x11, v44;
	[tilespmem:v23+s11+$0x0] =	vst.idx.msk $0xffff, v12  }
0x191: {  	v12 =	vld [tilespmem:$0x1FEE0]  }
0x192: {  	v48 =	vshra.s32 v26, $0x1  }
0x193: {  	v1 =	vmul.f32 $5.000000000e-01, v26;
	v26 =	vor.u32 $0x12, v44;
	v0 =	vmul.f32 v41, v0;
	_ =	sdelay $0x1  }
0x194: {  	[tilespmem:v25+s11+$0x0] =	vst.idx.msk $0xffff, v0  }
0x195: {  	v12 =	vmul.f32 v41, v12;
	v0 =	vld [tilespmem:$0x1FF50];
	_ =	sdelay $0x1  }
0x196: {  	v27 =	vor.u32 $0x13, v44;
	[tilespmem:v26+s11+$0x0] =	vst.idx.msk $0xffff, v12  }
0x197: {  	v10 =	vld [tilespmem:$0x1FF40];
	_ =	sdelay $0x1  }
0x198: {  	v2 =	vsub.s32 $0x5F3759DF, v48;
	v48 =	vor.u32 $0x14, v44;
	v0 =	vmul.f32 v41, v0;
	_ =	sdelay $0x1  }
0x199: {  	[tilespmem:v27+s11+$0x0] =	vst.idx.msk $0xffff, v0  }
0x19a: {  	v10 =	vmul.f32 v41, v10;
	v0 =	vld [tilespmem:$0x1FEA0];
	_ =	sdelay $0x1  }
0x19b: {  	v52 =	vor.u32 $0x15, v44;
	[tilespmem:v48+s11+$0x0] =	vst.idx.msk $0xffff, v10  }
0x19c: {  	v10 =	vld [tilespmem:$0x1FF30];
	_ =	sdelay $0x1  }
0x19d: {  	v56 =	vor.u32 $0x16, v44;
	v0 =	vmul.f32 v41, v0;
	_ =	sdelay $0x1  }
0x19e: {  	[tilespmem:v52+s11+$0x0] =	vst.idx.msk $0xffff, v0  }
0x19f: {  	v10 =	vmul.f32 v41, v10;
	v0 =	vld [tilespmem:$0x1FF70];
	_ =	sdelay $0x1  }
0x1a0: {  	v59 =	vor.u32 $0x17, v44;
	v63 =	vmul.f32 v2, v1;
	[tilespmem:v56+s11+$0x0] =	vst.idx.msk $0xffff, v10  }
0x1a1: {  	v9 =	vld [tilespmem:$0x1FFA0]  }
0x1a2: {  	v17 =	vmul.f32 v2, v63  }
0x1a3: {  	v60 =	vor.u32 $0x18, v44;
	v0 =	vmul.f32 v41, v0  }
0x1a4: {  	v21 =	vsub.f32 $1.500000000e+00, v17  }
0x1a5: {  	[tilespmem:v59+s11+$0x0] =	vst.idx.msk $0xffff, v0  }
0x1a6: {  	v2 =	vmul.f32 v2, v21;
	v9 =	vmul.f32 v41, v9;
	v0 =	vld [tilespmem:$0x1FE90];
	_ =	sdelay $0x1  }
0x1a7: {  	v61 =	vor.u32 $0x19, v44;
	v36 =	vmul.f32 v2, v1;
	[tilespmem:v60+s11+$0x0] =	vst.idx.msk $0xffff, v9  }
0x1a8: {  	v3 =	vld [tilespmem:$0x1FF90]  }
0x1a9: {  	v5 =	vmul.f32 v36, v2  }
0x1aa: {  	v62 =	vor.u32 $0x1A, v44;
	v0 =	vmul.f32 v41, v0  }
0x1ab: {  	v5 =	vsub.f32 $1.500000000e+00, v5  }
0x1ac: {  	[tilespmem:v61+s11+$0x0] =	vst.idx.msk $0xffff, v0  }
0x1ad: {  	v2 =	vmul.f32 v5, v2;
	v3 =	vmul.f32 v41, v3;
	v5 =	vld [tilespmem:$0x1FF60];
	_ =	sdelay $0x1  }
0x1ae: {  	v63 =	vor.u32 $0x1B, v44;
	[tilespmem:v62+s11+$0x0] =	vst.idx.msk $0xffff, v3  }
0x1af: {  	v11 =	vld [tilespmem:$0x1FFB0];
	_ =	sdelay $0x1  }
0x1b0: {  	v16 =	vor.u32 $0x1C, v44;
	v5 =	vmul.f32 v41, v5;
	_ =	sdelay $0x1  }
0x1b1: {  	[tilespmem:v63+s11+$0x0] =	vst.idx.msk $0xffff, v5  }
0x1b2: {  	v11 =	vmul.f32 v41, v11;
	v10 =	vld [tilespmem:$0x1FF80]  }
0x1b3: {  	v1 =	vmul.f32 v2, v1;
	v5 =	vld [tilespmem:$0x1FFD0]  }
0x1b4: {  	v17 =	vor.u32 $0x1D, v44;
	[tilespmem:v16+s11+$0x0] =	vst.idx.msk $0xffff, v11  }
0x1b5: {  	v1 =	vmul.f32 v1, v2;
	v11 =	vld [tilespmem:$0x1FEB0]  }
0x1b6: {  	v20 =	vmul.u32 $0x640, v35  }
0x1b7: {  	v19 =	vor.u32 $0x1E, v44;
	v1 =	vsub.f32 $1.500000000e+00, v1;
	v10 =	vmul.f32 v41, v10  }
0x1b8: {  	v5 =	vadd.s32 v20, v5  }
0x1b9: {  	v1 =	vmul.f32 v1, v2;
	v22 =	vor.u32 $0x1, v5;
	[tilespmem:v17+s11+$0x0] =	vst.idx.msk $0xffff, v10  }
0x1ba: {  	v11 =	vmul.f32 v41, v11;
	v23 =	vor.u32 $0x2, v5;
	v9 =	vld [tilespmem:$0x1FFC0]  }
0x1bb: {  	v26 =	vmul.f32 v1, v37;
	v25 =	vor.u32 $0x3, v5  }
0x1bc: {  	v35 =	vmul.f32 v1, v29;
	v27 =	vor.u32 $0x4, v5;
	[tilespmem:v19+s11+$0x0] =	vst.idx.msk $0xffff, v11  }
0x1bd: {  	v21 =	vor.u32 $0x1F, v44;
	v37 =	vmul.f32 v1, v28;
	[tilespmem:v5+s11+$0x0] =	vst.idx.msk $0xffff, v26  }
0x1be: {  	v44 =	vmul.f32 v1, v34;
	v36 =	vor.u32 $0x5, v5;
	[tilespmem:v22+s11+$0x0] =	vst.idx.msk $0xffff, v35  }
0x1bf: {  	v48 =	vmul.f32 v1, v53;
	[tilespmem:v23+s11+$0x0] =	vst.idx.msk $0xffff, v37;
	v9 =	vmul.f32 v41, v9;
	v41 =	vor.u32 $0x6, v5  }
0x1c0: {  	v52 =	vor.u32 $0x7, v5;
	[tilespmem:v25+s11+$0x0] =	vst.idx.msk $0xffff, v44  }
0x1c1: {  	v53 =	vmul.f32 v1, v57;
	v56 =	vor.u32 $0x8, v5;
	[tilespmem:v27+s11+$0x0] =	vst.idx.msk $0xffff, v48  }
0x1c2: {  	v57 =	vmul.f32 v1, v38;
	v59 =	vor.u32 $0x9, v5;
	[tilespmem:v21+s11+$0x0] =	vst.idx.msk $0xffff, v9  }
0x1c3: {  	v60 =	vmul.f32 v1, v58;
	v61 =	vor.u32 $0xA, v5;
	[tilespmem:v36+s11+$0x0] =	vst.idx.msk $0xffff, v53  }
0x1c4: {  	v63 =	vmul.f32 v1, v55;
	v62 =	vor.u32 $0xB, v5;
	[tilespmem:v41+s11+$0x0] =	vst.idx.msk $0xffff, v57  }
0x1c5: {  	v16 =	vmul.f32 v1, v46;
	v17 =	vor.u32 $0xC, v5;
	[tilespmem:v52+s11+$0x0] =	vst.idx.msk $0xffff, v60  }
0x1c6: {  	v20 =	vor.u32 $0xD, v5;
	v19 =	vmul.f32 v1, v45;
	[tilespmem:v56+s11+$0x0] =	vst.idx.msk $0xffff, v63  }
0x1c7: {  	v22 =	vor.u32 $0xE, v5;
	v21 =	vmul.f32 v1, v54;
	[tilespmem:v59+s11+$0x0] =	vst.idx.msk $0xffff, v16  }
0x1c8: {  	v23 =	vmul.f32 v1, v51;
	[tilespmem:v61+s11+$0x0] =	vst.idx.msk $0xffff, v19  }
0x1c9: {  	v26 =	vmul.f32 v1, v47;
	[tilespmem:v62+s11+$0x0] =	vst.idx.msk $0xffff, v21  }
0x1ca: {  	v28 =	vmul.f32 v1, v43;
	[tilespmem:v17+s11+$0x0] =	vst.idx.msk $0xffff, v23  }
0x1cb: {  	[tilespmem:v20+s11+$0x0] =	vst.idx.msk $0xffff, v26  }
0x1cc: {  	[tilespmem:v22+s11+$0x0] =	vst.idx.msk $0xffff, v28  }
0x1cd: {  	v3 =	vld [tilespmem:$0x1FFE0]  }
0x1ce: {  	v25 =	vor.u32 $0xF, v5  }
0x1cf: {  	v27 =	vor.u32 $0x10, v5  }
0x1d0: {  	v29 =	vor.u32 $0x11, v5  }
0x1d1: {  	v31 =	vmul.f32 v1, v31;
	v34 =	vor.u32 $0x12, v5  }
0x1d2: {  	v35 =	vor.u32 $0x13, v5;
	v3 =	vmul.f32 v1, v3  }
0x1d3: {  	v37 =	vor.u32 $0x14, v5;
	v36 =	vmul.f32 v1, v42;
	[tilespmem:v25+s11+$0x0] =	vst.idx.msk $0xffff, v31  }
0x1d4: {  	v38 =	vmul.f32 v1, v32;
	v41 =	vor.u32 $0x15, v5;
	[tilespmem:v27+s11+$0x0] =	vst.idx.msk $0xffff, v3  }
0x1d5: {  	v43 =	vor.u32 $0x16, v5;
	v42 =	vmul.f32 v1, v50;
	[tilespmem:v29+s11+$0x0] =	vst.idx.msk $0xffff, v36  }
0x1d6: {  	v45 =	vor.u32 $0x17, v5;
	v44 =	vmul.f32 v1, v39;
	[tilespmem:v34+s11+$0x0] =	vst.idx.msk $0xffff, v38  }
0x1d7: {  	v46 =	vmul.f32 v1, v33;
	v47 =	vor.u32 $0x18, v5;
	[tilespmem:v35+s11+$0x0] =	vst.idx.msk $0xffff, v42  }
0x1d8: {  	v48 =	vmul.f32 v1, v40;
	v50 =	vor.u32 $0x19, v5;
	[tilespmem:v37+s11+$0x0] =	vst.idx.msk $0xffff, v44  }
0x1d9: {  	v51 =	vmul.f32 v1, v49;
	v52 =	vor.u32 $0x1A, v5;
	[tilespmem:v41+s11+$0x0] =	vst.idx.msk $0xffff, v46  }
0x1da: {  	v53 =	vmul.f32 v1, v7;
	v54 =	vor.u32 $0x1B, v5;
	[tilespmem:v43+s11+$0x0] =	vst.idx.msk $0xffff, v48  }
0x1db: {  	v55 =	vmul.f32 v1, v30;
	v56 =	vor.u32 $0x1C, v5;
	[tilespmem:v45+s11+$0x0] =	vst.idx.msk $0xffff, v51  }
0x1dc: {  	v57 =	vmul.f32 v1, v8;
	[tilespmem:v47+s11+$0x0] =	vst.idx.msk $0xffff, v53  }
0x1dd: {  	v60 =	vmul.f32 v1, v24;
	[tilespmem:v50+s11+$0x0] =	vst.idx.msk $0xffff, v55  }
0x1de: {  	v62 =	vmul.f32 v1, v6;
	[tilespmem:v52+s11+$0x0] =	vst.idx.msk $0xffff, v57  }
0x1df: {  	[tilespmem:v54+s11+$0x0] =	vst.idx.msk $0xffff, v60  }
0x1e0: {  	[tilespmem:v56+s11+$0x0] =	vst.idx.msk $0xffff, v62  }
0x1e1: {  	v3 =	vld [tilespmem:$0x1FFF0]  }
0x1e2: {  	v58 =	vor.u32 $0x1D, v5  }
0x1e3: {  	v59 =	vor.u32 $0x1E, v5  }
0x1e4: {  	v61 =	vor.u32 $0x1F, v5  }
0x1e5: {  	s15 =	sshll.u32 s13, $0x3;
	p0 =	sgt.u32 s13, $0x3D;
	v63 =	vmul.f32 v1, v18  }
.Ltmp6:
0x1e6: {  	s15 =	sadd.s32 s6, s15;
	v3 =	vmul.f32 v1, v3;
	(pc) =	sbr.rel @p0 .LBB2_7-.Ltmp6, $4  }
0x1e7: {  	s15 =	smul.u32 $0xC8, s15;
	[tilespmem:v58+s11+$0x0] =	vst.idx.msk $0xffff, v63;
	v1 =	vmul.f32 v1, v4  }
0x1e8: {  	[tilespmem:v59+s11+$0x0] =	vst.idx.msk $0xffff, v3  }
0x1e9: {  	s15 =	sadd.s32 s2, s15;
	[tilespmem:v61+s11+$0x0] =	vst.idx.msk $0xffff, v1  }
0x1ea: {  	[hbm4b:s15+s3] =	stream.linear.scatter [tilespmem:s11], [sflag:$0x3], $0x3200, $0x38;
	[tilespmem:$0x12C00] =	vst v63  }
0x1eb: {  	s15 =	smul.u32 $0x640, s13;
	_ =	sdelay $0x1  }
0x1ec: {  	s15 =	sshra.s32 s15, $0x2  }
0x1ed: {  	v0 =	vld [tilespmem:s15+$0x320];
	_ =	sdelay $0x7  }
0x1ee: {  	[tilespmem:s9], [sflag:$0x1] =	stream.indirect_vreg.gather [hbm4b:s4+s3], $0x20, v0, vm0, $0xb8;
	[tilespmem:$0x12C00] =	vst v63  }
0x1ef: {  	v0 =	vld [tilespmem:s15+$0x330];
	_ =	sdelay $0x6  }
0x1f0: {  	s16 =	simm.s32 $0x6600  }
0x1f1: {  	[tilespmem:s16], [sflag:$0x1] =	stream.indirect_vreg.gather [hbm4b:s4+s3], $0x20, v0, vm0, $0xb8;
	[tilespmem:$0x12C00] =	vst v63  }
0x1f2: {  	v0 =	vld [tilespmem:s15+$0x340];
	_ =	sdelay $0x6  }
0x1f3: {  	s16 =	simm.s32 $0x6800  }
0x1f4: {  	[tilespmem:s16], [sflag:$0x1] =	stream.indirect_vreg.gather [hbm4b:s4+s3], $0x20, v0, vm0, $0xb8;
	[tilespmem:$0x12C00] =	vst v63  }
0x1f5: {  	v0 =	vld [tilespmem:s15+$0x350];
	_ =	sdelay $0x6  }
0x1f6: {  	s16 =	simm.s32 $0x6A00  }
0x1f7: {  	[tilespmem:s16], [sflag:$0x1] =	stream.indirect_vreg.gather [hbm4b:s4+s3], $0x20, v0, vm0, $0xb8;
	[tilespmem:$0x12C00] =	vst v63  }
0x1f8: {  	v0 =	vld [tilespmem:s15+$0x360];
	_ =	sdelay $0x6  }
0x1f9: {  	s16 =	simm.s32 $0x6C00  }
0x1fa: {  	[tilespmem:s16], [sflag:$0x1] =	stream.indirect_vreg.gather [hbm4b:s4+s3], $0x20, v0, vm0, $0xb8;
	[tilespmem:$0x12C00] =	vst v63  }
0x1fb: {  	v0 =	vld [tilespmem:s15+$0x370];
	_ =	sdelay $0x6  }
0x1fc: {  	s16 =	simm.s32 $0x6E00  }
0x1fd: {  	[tilespmem:s16], [sflag:$0x1] =	stream.indirect_vreg.gather [hbm4b:s4+s3], $0x20, v0, vm0, $0xb8;
	[tilespmem:$0x12C00] =	vst v63  }
0x1fe: {  	v0 =	vld [tilespmem:s15+$0x380];
	_ =	sdelay $0x6  }
0x1ff: {  	s16 =	simm.s32 $0x7000  }
0x200: {  	[tilespmem:s16], [sflag:$0x1] =	stream.indirect_vreg.gather [hbm4b:s4+s3], $0x20, v0, vm0, $0xb8;
	[tilespmem:$0x12C00] =	vst v63  }
0x201: {  	v0 =	vld [tilespmem:s15+$0x390];
	_ =	sdelay $0x6  }
0x202: {  	s16 =	simm.s32 $0x7200  }
0x203: {  	[tilespmem:s16], [sflag:$0x1] =	stream.indirect_vreg.gather [hbm4b:s4+s3], $0x20, v0, vm0, $0xb8;
	[tilespmem:$0x12C00] =	vst v63  }
0x204: {  	v0 =	vld [tilespmem:s15+$0x3A0];
	_ =	sdelay $0x6  }
0x205: {  	s16 =	simm.s32 $0x7400  }
0x206: {  	[tilespmem:s16], [sflag:$0x1] =	stream.indirect_vreg.gather [hbm4b:s4+s3], $0x20, v0, vm0, $0xb8;
	[tilespmem:$0x12C00] =	vst v63  }
0x207: {  	v0 =	vld [tilespmem:s15+$0x3B0];
	_ =	sdelay $0x6  }
0x208: {  	s16 =	simm.s32 $0x7600  }
0x209: {  	[tilespmem:s16], [sflag:$0x1] =	stream.indirect_vreg.gather [hbm4b:s4+s3], $0x20, v0, vm0, $0xb8;
	[tilespmem:$0x12C00] =	vst v63  }
0x20a: {  	v0 =	vld [tilespmem:s15+$0x3C0];
	_ =	sdelay $0x6  }
0x20b: {  	s16 =	simm.s32 $0x7800  }
0x20c: {  	[tilespmem:s16], [sflag:$0x1] =	stream.indirect_vreg.gather [hbm4b:s4+s3], $0x20, v0, vm0, $0xb8;
	[tilespmem:$0x12C00] =	vst v63  }
0x20d: {  	v0 =	vld [tilespmem:s15+$0x3D0];
	_ =	sdelay $0x6  }
0x20e: {  	s16 =	simm.s32 $0x7A00  }
0x20f: {  	[tilespmem:s16], [sflag:$0x1] =	stream.indirect_vreg.gather [hbm4b:s4+s3], $0x20, v0, vm0, $0xb8;
	[tilespmem:$0x12C00] =	vst v63  }
0x210: {  	v0 =	vld [tilespmem:s15+$0x3E0];
	_ =	sdelay $0x6  }
0x211: {  	s16 =	simm.s32 $0x7C00  }
0x212: {  	[tilespmem:s16], [sflag:$0x1] =	stream.indirect_vreg.gather [hbm4b:s4+s3], $0x20, v0, vm0, $0xb8;
	[tilespmem:$0x12C00] =	vst v63  }
0x213: {  	v0 =	vld [tilespmem:s15+$0x3F0];
	_ =	sdelay $0x6  }
0x214: {  	s16 =	simm.s32 $0x7E00  }
0x215: {  	[tilespmem:s16], [sflag:$0x1] =	stream.indirect_vreg.gather [hbm4b:s4+s3], $0x20, v0, vm0, $0xb8;
	[tilespmem:$0x12C00] =	vst v63  }
0x216: {  	v0 =	vld [tilespmem:s15+$0x400];
	_ =	sdelay $0x6  }
0x217: {  	s16 =	simm.s32 $0x8000  }
0x218: {  	[tilespmem:s16], [sflag:$0x1] =	stream.indirect_vreg.gather [hbm4b:s4+s3], $0x20, v0, vm0, $0xb8;
	[tilespmem:$0x12C00] =	vst v63  }
0x219: {  	v0 =	vld [tilespmem:s15+$0x410];
	_ =	sdelay $0x6  }
0x21a: {  	s16 =	simm.s32 $0x8200  }
0x21b: {  	[tilespmem:s16], [sflag:$0x1] =	stream.indirect_vreg.gather [hbm4b:s4+s3], $0x20, v0, vm0, $0xb8;
	[tilespmem:$0x12C00] =	vst v63  }
0x21c: {  	v0 =	vld [tilespmem:s15+$0x420];
	_ =	sdelay $0x6  }
0x21d: {  	s16 =	simm.s32 $0x8400  }
0x21e: {  	[tilespmem:s16], [sflag:$0x1] =	stream.indirect_vreg.gather [hbm4b:s4+s3], $0x20, v0, vm0, $0xb8;
	[tilespmem:$0x12C00] =	vst v63  }
0x21f: {  	v0 =	vld [tilespmem:s15+$0x430];
	_ =	sdelay $0x6  }
0x220: {  	s16 =	simm.s32 $0x8600  }
0x221: {  	[tilespmem:s16], [sflag:$0x1] =	stream.indirect_vreg.gather [hbm4b:s4+s3], $0x20, v0, vm0, $0xb8;
	[tilespmem:$0x12C00] =	vst v63  }
0x222: {  	v0 =	vld [tilespmem:s15+$0x440];
	_ =	sdelay $0x6  }
0x223: {  	s16 =	simm.s32 $0x8800  }
0x224: {  	[tilespmem:s16], [sflag:$0x1] =	stream.indirect_vreg.gather [hbm4b:s4+s3], $0x20, v0, vm0, $0xb8;
	[tilespmem:$0x12C00] =	vst v63  }
0x225: {  	v0 =	vld [tilespmem:s15+$0x450];
	_ =	sdelay $0x6  }
0x226: {  	s16 =	simm.s32 $0x8A00  }
0x227: {  	[tilespmem:s16], [sflag:$0x1] =	stream.indirect_vreg.gather [hbm4b:s4+s3], $0x20, v0, vm0, $0xb8;
	[tilespmem:$0x12C00] =	vst v63  }
0x228: {  	v0 =	vld [tilespmem:s15+$0x460];
	_ =	sdelay $0x6  }
0x229: {  	s16 =	simm.s32 $0x8C00  }
0x22a: {  	[tilespmem:s16], [sflag:$0x1] =	stream.indirect_vreg.gather [hbm4b:s4+s3], $0x20, v0, vm0, $0xb8;
	[tilespmem:$0x12C00] =	vst v63  }
0x22b: {  	v0 =	vld [tilespmem:s15+$0x470];
	_ =	sdelay $0x6  }
0x22c: {  	s16 =	simm.s32 $0x8E00  }
0x22d: {  	[tilespmem:s16], [sflag:$0x1] =	stream.indirect_vreg.gather [hbm4b:s4+s3], $0x20, v0, vm0, $0xb8;
	[tilespmem:$0x12C00] =	vst v63  }
0x22e: {  	v0 =	vld [tilespmem:s15+$0x480];
	_ =	sdelay $0x6  }
0x22f: {  	s16 =	simm.s32 $0x9000  }
0x230: {  	[tilespmem:s16], [sflag:$0x1] =	stream.indirect_vreg.gather [hbm4b:s4+s3], $0x20, v0, vm0, $0xb8;
	[tilespmem:$0x12C00] =	vst v63  }
0x231: {  	v0 =	vld [tilespmem:s15+$0x490];
	_ =	sdelay $0x6  }
0x232: {  	s16 =	simm.s32 $0x9200  }
0x233: {  	[tilespmem:s16], [sflag:$0x1] =	stream.indirect_vreg.gather [hbm4b:s4+s3], $0x20, v0, vm0, $0xb8;
	[tilespmem:$0x12C00] =	vst v63  }
0x234: {  	v0 =	vld [tilespmem:s15+$0x4A0];
	_ =	sdelay $0x6  }
0x235: {  	s16 =	simm.s32 $0x9400  }
0x236: {  	[tilespmem:s16], [sflag:$0x1] =	stream.indirect_vreg.gather [hbm4b:s4+s3], $0x20, v0, vm0, $0xb8;
	[tilespmem:$0x12C00] =	vst v63  }
.LBB2_7:
0x237: {  	p0 =	seq.s32 s14, $0x0  }
.Ltmp7:
0x238: {  	_ = 	snop;
	(pc) =	sbr.rel @p0 .LBB2_12-.Ltmp7, $2  }
0x239: {  	_ =	sdelay $0x2  }
0x23a: {  	v32 =	vlaneseq.u32  }
.LBB2_8:
0x23b: {  	s14 =	simm.s32 $0x0  }
0x23c: {  	_ =	swait.ge [sflag:s5], $0x3200;
	v6 =	vor.u32 s14, v32  }
0x23d: {  	p0 =	slt.u32 s13, $0x2;
	[sflag:s5] =	ssyncset.done $0x0;
	v7 =	vshll.u32 v6, $0x5  }
0x23e: {  	s14 =	simm.s32 @!p0 $0x4;
	[sflag:s5] =	ssyncadd.s32 $0xFFFFCE00;
	v0 =	vor.u32 $0x1, v7  }
0x23f: {  	_ =	swait.ge @!p0 [sflag:s14], $0x3200;
	v1 =	vor.u32 $0x2, v7  }
0x240: {  	v3 =	vor.u32 $0xE, v7;
	[sflag:s14] =	ssyncset.done @!p0 $0x0  }
0x241: {  	v4 =	vor.u32 $0xA, v7;
	[sflag:s14] =	ssyncadd.s32 @!p0 $0xFFFFCE00  }
0x242: {  	v5 =	vor.u32 $0x3, v7;
	v2 =	vld.idx.msk [tilespmem:v7+s7+$0x0], $0xffff  }
0x243: {  	v8 =	vor.u32 $0x10, v7;
	v0 =	vld.idx.msk [tilespmem:v0+s7+$0x0], $0xffff  }
0x244: {  	v9 =	vor.u32 $0xF, v7;
	v1 =	vld.idx.msk [tilespmem:v1+s7+$0x0], $0xffff  }
0x245: {  	v10 =	vor.u32 $0x9, v7;
	v24 =	vld.idx.msk [tilespmem:v3+s7+$0x0], $0xffff  }
0x246: {  	v11 =	vor.u32 $0x12, v7;
	v23 =	vld.idx.msk [tilespmem:v4+s7+$0x0], $0xffff  }
0x247: {  	v12 =	vor.u32 $0x14, v7;
	v3 =	vld.idx.msk [tilespmem:v5+s7+$0x0], $0xffff  }
0x248: {  	v4 =	vor.u32 $0x19, v7;
	v25 =	vld.idx.msk [tilespmem:v8+s7+$0x0], $0xffff  }
0x249: {  	v5 =	vor.u32 $0x15, v7;
	v22 =	vld.idx.msk [tilespmem:v9+s7+$0x0], $0xffff  }
0x24a: {  	v8 =	vor.u32 $0x6, v7;
	v31 =	vld.idx.msk [tilespmem:v10+s7+$0x0], $0xffff  }
0x24b: {  	v9 =	vor.u32 $0x1E, v7;
	v34 =	vld.idx.msk [tilespmem:v11+s7+$0x0], $0xffff  }
0x24c: {  	v10 =	vor.u32 $0xD, v7;
	v37 =	vld.idx.msk [tilespmem:v12+s7+$0x0], $0xffff  }
0x24d: {  	v11 =	vor.u32 $0x5, v7;
	v26 =	vld.idx.msk [tilespmem:v4+s7+$0x0], $0xffff  }
0x24e: {  	v13 =	vor.u32 $0xC, v7;
	v27 =	vld.idx.msk [tilespmem:v5+s7+$0x0], $0xffff  }
0x24f: {  	v4 =	vld.idx.msk [tilespmem:v8+s7+$0x0], $0xffff  }
0x250: {  	v8 =	vor.u32 $0x4, v7;
	v29 =	vld.idx.msk [tilespmem:v9+s7+$0x0], $0xffff  }
0x251: {  	v30 =	vld.idx.msk [tilespmem:v10+s7+$0x0], $0xffff  }
0x252: {  	v14 =	vor.u32 $0x7, v7;
	v5 =	vld.idx.msk [tilespmem:v11+s7+$0x0], $0xffff;
	[tilespmem:$0x1FC30] =	vst v22  }
0x253: {  	v16 =	vor.u32 $0xB, v7;
	v33 =	vld.idx.msk [tilespmem:v13+s7+$0x0], $0xffff;
	[tilespmem:$0x1FC40] =	vst v23  }
0x254: {  	[tilespmem:$0x1FC50] =	vst v24  }
0x255: {  	v15 =	vor.u32 $0x8, v7;
	v9 =	vld.idx.msk [tilespmem:v8+s7+$0x0], $0xffff;
	[tilespmem:$0x1FC60] =	vst v25  }
0x256: {  	v17 =	vor.u32 $0x11, v7;
	v12 =	vor.u32 $0x1D, v7;
	v18 =	vmul.f32 v2, v2;
	[tilespmem:$0x1FC70] =	vst v26  }
0x257: {  	v10 =	vor.u32 $0x16, v7;
	v19 =	vmul.f32 v0, v0;
	v20 =	vmul.f32 v1, v1;
	v36 =	vld.idx.msk [tilespmem:v14+s7+$0x0], $0xffff;
	[tilespmem:$0x1FC80] =	vst v27  }
0x258: {  	v11 =	vor.u32 $0x17, v7;
	v21 =	vmul.f32 v3, v3;
	v22 =	vmul.f32 v22, v22;
	v35 =	vld.idx.msk [tilespmem:v16+s7+$0x0], $0xffff;
	[tilespmem:$0x1FC90] =	vst v29  }
0x259: {  	v23 =	vmul.f32 v23, v23;
	v24 =	vmul.f32 v24, v24;
	v8 =	vor.u32 $0x1B, v7;
	[tilespmem:$0x1FCA0] =	vst v30  }
0x25a: {  	v28 =	vmul.f32 v5, v5;
	v14 =	vmul.f32 v27, v27;
	v27 =	vor.u32 $0x13, v7;
	v38 =	vld.idx.msk [tilespmem:v15+s7+$0x0], $0xffff  }
0x25b: {  	v13 =	vor.u32 $0x1A, v7;
	v25 =	vmul.f32 v25, v25;
	v26 =	vmul.f32 v26, v26;
	v40 =	vld.idx.msk [tilespmem:v17+s7+$0x0], $0xffff;
	[tilespmem:$0x1FCB0] =	vst v31  }
0x25c: {  	v29 =	vmul.f32 v29, v29;
	v19 =	vadd.f32 v28, v19;
	v15 =	vmul.f32 v31, v31;
	[tilespmem:$0x1FCC0] =	vst v34  }
0x25d: {  	v16 =	vor.u32 $0x18, v7;
	v30 =	vmul.f32 v30, v30;
	v17 =	vmul.f32 v34, v34;
	v39 =	vld.idx.msk [tilespmem:v10+s7+$0x0], $0xffff;
	[tilespmem:$0x1FCD0] =	vst v33  }
0x25e: {  	v31 =	vmul.f32 v4, v4;
	v62 =	vld.idx.msk [tilespmem:v8+s7+$0x0], $0xffff;
	v8 =	vadd.f32 v15, v19;
	v19 =	vmul.f32 v9, v9  }
0x25f: {  	v28 =	vor.u32 $0x1F, v7;
	v10 =	vmul.f32 v33, v33;
	v15 =	vmul.f32 v36, v36;
	v63 =	vld.idx.msk [tilespmem:v27+s7+$0x0], $0xffff;
	[tilespmem:$0x1FCE0] =	vst v35  }
0x260: {  	v7 =	vor.u32 $0x1C, v7;
	v20 =	vadd.f32 v31, v20;
	v18 =	vadd.f32 v19, v18;
	v31 =	vld.idx.msk [tilespmem:v12+s7+$0x0], $0xffff;
	[tilespmem:$0x1FCF0] =	vst v38  }
0x261: {  	v27 =	vmul.f32 v35, v35;
	v8 =	vadd.f32 v30, v8;
	v12 =	vadd.f32 v15, v21;
	[tilespmem:$0x1FD00] =	vst v40  }
0x262: {  	v15 =	vmul.f32 v38, v38;
	v19 =	vmul.f32 v40, v40;
	v30 =	vld.idx.msk [tilespmem:v11+s7+$0x0], $0xffff;
	[tilespmem:$0x1FD10] =	vst v39  }
0x263: {  	v11 =	vadd.f32 v23, v20;
	v20 =	vmul.f32 v39, v39;
	v21 =	vld.idx.msk [tilespmem:v13+s7+$0x0], $0xffff;
	v12 =	vadd.f32 v27, v12  }
0x264: {  	v13 =	vadd.f32 v15, v18;
	v8 =	vadd.f32 v19, v8;
	[tilespmem:$0x1FD20] =	vst v37;
	v15 =	vmul.f32 v37, v37  }
0x265: {  	v23 =	vld.idx.msk [tilespmem:v16+s7+$0x0], $0xffff;
	v11 =	vadd.f32 v24, v11;
	[tilespmem:$0x1FD30] =	vst v63;
	v16 =	vmul.f32 v63, v63  }
0x266: {  	v19 =	vld.idx.msk [tilespmem:v7+s7+$0x0], $0xffff;
	v7 =	vadd.f32 v22, v12;
	v10 =	vadd.f32 v10, v13;
	[tilespmem:$0x1FD40] =	vst v62  }
0x267: {  	v8 =	vadd.f32 v14, v8;
	v12 =	vmul.f32 v62, v62;
	v18 =	vld.idx.msk [tilespmem:v28+s7+$0x0], $0xffff;
	v11 =	vadd.f32 v17, v11  }
0x268: {  	v13 =	vmul.f32 v30, v30;
	v7 =	vadd.f32 v16, v7;
	v10 =	vadd.f32 v25, v10  }
0x269: {  	v14 =	vmul.f32 v31, v31;
	v16 =	vmul.f32 v21, v21;
	v11 =	vadd.f32 v20, v11  }
0x26a: {  	v17 =	vmul.f32 v23, v23;
	v10 =	vadd.f32 v15, v10;
	v7 =	vadd.f32 v13, v7  }
0x26b: {  	v8 =	vadd.f32 v26, v8;
	v11 =	vadd.f32 v16, v11;
	v13 =	vmul.f32 v19, v19  }
0x26c: {  	v15 =	vmul.f32 v18, v18;
	v10 =	vadd.f32 v17, v10;
	v7 =	vadd.f32 v12, v7  }
0x26d: {  	v8 =	vadd.f32 v14, v8;
	v11 =	vadd.f32 v29, v11  }
0x26e: {  	v10 =	vadd.f32 v13, v10;
	v7 =	vadd.f32 v15, v7;
	_ =	sdelay $0x1  }
0x26f: {  	v8 =	vadd.f32 v8, v10;
	v7 =	vadd.f32 v7, v11;
	_ =	sdelay $0x1  }
0x270: {  	v7 =	vadd.f32 v7, v8;
	_ =	sdelay $0x1  }
0x271: {  	v7 =	vmax.f32 v7, $1.000000020e-24  }
0x272: {  	v8 =	vshra.s32 v7, $0x1;
	v7 =	vmul.f32 $5.000000000e-01, v7  }
0x273: {  	v8 =	vsub.s32 $0x5F3759DF, v8  }
0x274: {  	v10 =	vmul.f32 v8, v7;
	_ =	sdelay $0x1  }
0x275: {  	v10 =	vmul.f32 v8, v10;
	_ =	sdelay $0x1  }
0x276: {  	v10 =	vsub.f32 $1.500000000e+00, v10  }
0x277: {  	s16 =	simm.s32 $0x10  }
0x278: {  	[tilespmem:$0x1FD60] =	vst v31;
	v11 =	vmul.u32 $0x51F, v6;
	v8 =	vmul.f32 v8, v10;
	v10 =	vor.u32 s16, v32  }
0x279: {  	[tilespmem:$0x1FD50] =	vst v30;
	v49 =	vshll.u32 v10, $0x5  }
0x27a: {  	[tilespmem:$0x1FD70] =	vst v21;
	v11 =	vshrl.u32 v11, $0x10;
	v12 =	vmul.f32 v8, v7;
	v13 =	vor.u32 $0x1, v49  }
0x27b: {  	[tilespmem:$0x1FD80] =	vst v23;
	v15 =	vmul.u32 $0x7FFFFCE, v11;
	v14 =	vor.u32 $0x2, v49  }
0x27c: {  	[tilespmem:$0x1FD90] =	vst v19;
	v16 =	vor.u32 $0xE, v49;
	v12 =	vmul.f32 v12, v8  }
0x27d: {  	[tilespmem:$0x1FDA0] =	vst v18;
	v11 =	vmul.u32 $0x640, v11;
	v6 =	vadd.s32 v6, v15;
	v17 =	vor.u32 $0xA, v49  }
0x27e: {  	v18 =	vshll.u32 v6, $0x5;
	v15 =	vor.u32 $0x3, v49;
	v12 =	vsub.f32 $1.500000000e+00, v12;
	v37 =	vld.idx.msk [tilespmem:v49+s7+$0x0], $0xffff  }
0x27f: {  	v44 =	vadd.s32 v11, v18;
	v6 =	vor.u32 $0x10, v49;
	v29 =	vld.idx.msk [tilespmem:v13+s7+$0x0], $0xffff  }
0x280: {  	v56 =	vor.u32 $0x5, v44;
	v20 =	vor.u32 $0x9, v49;
	v28 =	vld.idx.msk [tilespmem:v14+s7+$0x0], $0xffff;
	v8 =	vmul.f32 v12, v8  }
0x281: {  	v59 =	vor.u32 $0x2, v44;
	v61 =	vor.u32 $0x3, v44;
	v14 =	vor.u32 $0xF, v49;
	v43 =	vld.idx.msk [tilespmem:v16+s7+$0x0], $0xffff  }
0x282: {  	v52 =	vor.u32 $0xB, v44;
	v23 =	vor.u32 $0x15, v49;
	v45 =	vld.idx.msk [tilespmem:v17+s7+$0x0], $0xffff;
	v7 =	vmul.f32 v8, v7  }
0x283: {  	v60 =	vor.u32 $0x6, v44;
	v19 =	vor.u32 $0x6, v49;
	v17 =	vor.u32 $0x19, v49;
	v34 =	vld.idx.msk [tilespmem:v15+s7+$0x0], $0xffff  }
0x284: {  	v21 =	vor.u32 $0x12, v49;
	v40 =	vld.idx.msk [tilespmem:v6+s7+$0x0], $0xffff;
	v12 =	vmul.u32 $0x51F, v10;
	v7 =	vmul.f32 v7, v8  }
0x285: {  	v22 =	vor.u32 $0x7, v49;
	v25 =	vor.u32 $0x8, v49;
	v27 =	vor.u32 $0xB, v49;
	v46 =	vld.idx.msk [tilespmem:v20+s7+$0x0], $0xffff  }
0x286: {  	v35 =	vshrl.u32 v12, $0x10;
	v31 =	vld.idx.msk [tilespmem:v14+s7+$0x0], $0xffff;
	v14 =	vor.u32 $0x1E, v49;
	v6 =	vsub.f32 $1.500000000e+00, v7  }
0x287: {  	v24 =	vor.u32 $0x16, v49;
	v15 =	vor.u32 $0xD, v49;
	v33 =	vld.idx.msk [tilespmem:v23+s7+$0x0], $0xffff;
	v20 =	vmul.u32 $0x7FFFFCE, v35  }
0x288: {  	v26 =	vor.u32 $0xC, v49;
	v16 =	vor.u32 $0x5, v49;
	v30 =	vld.idx.msk [tilespmem:v17+s7+$0x0], $0xffff;
	v41 =	vmul.f32 v6, v8  }
0x289: {  	v11 =	vor.u32 $0x14, v49;
	v32 =	vld.idx.msk [tilespmem:v21+s7+$0x0], $0xffff;
	v21 =	vmul.f32 v29, v29;
	v10 =	vadd.s32 v10, v20  }
0x28a: {  	v38 =	vld.idx.msk [tilespmem:v19+s7+$0x0], $0xffff;
	v50 =	vmul.f32 v41, v0;
	v0 =	vmul.f32 v41, v1;
	v1 =	vshll.u32 v10, $0x5  }
0x28b: {  	v13 =	vor.u32 $0x4, v49;
	v18 =	vmul.f32 v28, v28;
	v17 =	vmul.f32 v43, v43;
	v23 =	vld.idx.msk [tilespmem:v14+s7+$0x0], $0xffff;
	[tilespmem:$0x1FDB0] =	vst v1  }
0x28c: {  	v12 =	vor.u32 $0x11, v49;
	v19 =	vmul.f32 v33, v33;
	v20 =	vmul.f32 v45, v45;
	v47 =	vld.idx.msk [tilespmem:v15+s7+$0x0], $0xffff  }
0x28d: {  	v7 =	vor.u32 $0x17, v49;
	v14 =	vmul.f32 v30, v30;
	v2 =	vmul.f32 v41, v2;
	v57 =	vld.idx.msk [tilespmem:v16+s7+$0x0], $0xffff  }
0x28e: {  	v6 =	vor.u32 $0x1D, v49;
	v48 =	vmul.f32 v41, v9;
	v63 =	vmul.f32 v41, v5;
	v39 =	vld.idx.msk [tilespmem:v11+s7+$0x0], $0xffff  }
0x28f: {  	v62 =	vmul.f32 v41, v4;
	v1 =	vmul.f32 v41, v3;
	v3 =	vor.u32 $0x1, v44;
	v51 =	vld.idx.msk [tilespmem:v26+s7+$0x0], $0xffff  }
0x290: {  	v8 =	vor.u32 $0x1A, v49;
	v9 =	vmul.f32 v37, v37;
	v10 =	vor.u32 $0x18, v49;
	[tilespmem:v44+s8+$0x0] =	vst.idx.msk $0xffff, v2;
	v53 =	vld.idx.msk [tilespmem:v13+s7+$0x0], $0xffff  }
0x291: {  	v4 =	vor.u32 $0x1F, v49;
	v5 =	vor.u32 $0x9, v44;
	v16 =	vmul.f32 v34, v34;
	v42 =	vld.idx.msk [tilespmem:v12+s7+$0x0], $0xffff;
	[tilespmem:$0x1FDC0] =	vst v40  }
0x292: {  	v15 =	vor.u32 $0x1B, v49;
	v11 =	vmul.f32 v31, v31;
	v13 =	vmul.f32 v40, v40;
	v58 =	vld.idx.msk [tilespmem:v22+s7+$0x0], $0xffff  }
0x293: {  	v2 =	vor.u32 $0x4, v44;
	v26 =	vmul.f32 v46, v46;
	v40 =	vld.idx.msk [tilespmem:v24+s7+$0x0], $0xffff;
	[tilespmem:$0x1FDD0] =	vst v23;
	v12 =	vmul.f32 v23, v23  }
0x294: {  	v22 =	vmul.f32 v32, v32;
	v55 =	vld.idx.msk [tilespmem:v25+s7+$0x0], $0xffff;
	[tilespmem:v3+s8+$0x0] =	vst.idx.msk $0xffff, v50;
	v50 =	vmul.f32 v57, v57  }
0x295: {  	s14 =	simm.s32 $0x20;
	v25 =	vor.u32 $0x13, v49;
	v54 =	vld.idx.msk [tilespmem:v27+s7+$0x0], $0xffff;
	v27 =	vmovc v38;
	v3 =	vor.u32 $0x7, v44;
	v24 =	vmul.f32 v47, v47  }
.LBB2_9:
0x296: {  	v21 =	vadd.f32 v50, v21;
	_ =	sdelay $0x1  }
0x297: {  	v21 =	vadd.f32 v26, v21;
	_ =	sdelay $0x1  }
0x298: {  	v21 =	vadd.f32 v24, v21;
	v24 =	vld.idx.msk [tilespmem:v7+s7+$0x0], $0xffff  }
0x299: {  	v7 =	vld [tilespmem:$0x1FCE0];
	_ =	sdelay $0x3  }
0x29a: {  	[tilespmem:$0x1FBD0] =	vst v29  }
0x29b: {  	[tilespmem:$0x1FBC0] =	vst v37;
	v29 =	vmovc v45;
	v45 =	vor.u32 $0x1C, v49;
	v49 =	vmul.f32 v41, v7;
	v7 =	vmov v58  }
0x29c: {  	[tilespmem:$0x1FBF0] =	vst v7;
	v7 =	vld [tilespmem:$0x1FCD0]  }
0x29d: {  	[tilespmem:$0x1FBE0] =	vst v28;
	v15 =	vld.idx.msk [tilespmem:v15+s7+$0x0], $0xffff  }
0x29e: {  	[tilespmem:$0x1FC00] =	vst v34;
	v23 =	vmov v57;
	v57 =	vmov v38;
	v28 =	vld [tilespmem:$0x1FC40]  }
0x29f: {  	v6 =	vld.idx.msk [tilespmem:v6+s7+$0x0], $0xffff;
	v27 =	vmul.f32 v27, v57;
	[tilespmem:$0x1FC40] =	vst v29;
	v29 =	vmov v46  }
0x2a0: {  	[tilespmem:$0x1FC10] =	vst v23;
	v23 =	vld [tilespmem:$0x1FCF0]  }
0x2a1: {  	[tilespmem:$0x1FC20] =	vst v38;
	v18 =	vadd.f32 v27, v18;
	v27 =	vmul.f32 v58, v58;
	v58 =	vmul.f32 v41, v7;
	v7 =	vld [tilespmem:$0x1FCA0]  }
0x2a2: {  	v34 =	vmul.f32 v51, v51;
	v37 =	vmul.f32 v42, v42;
	v26 =	vld [tilespmem:$0x1FCB0];
	[tilespmem:$0x1FCB0] =	vst v29;
	v29 =	vmov v51  }
0x2a3: {  	v57 =	vld.idx.msk [tilespmem:v25+s7+$0x0], $0xffff;
	v36 =	vmul.f32 v41, v36;
	v25 =	vmul.f32 v40, v40;
	v18 =	vadd.f32 v20, v18  }
0x2a4: {  	v8 =	vld.idx.msk [tilespmem:v8+s7+$0x0], $0xffff;
	v46 =	vmul.f32 v54, v54;
	v16 =	vadd.f32 v27, v16;
	v27 =	vmul.f32 v55, v55  }
0x2a5: {  	v4 =	vld.idx.msk [tilespmem:v4+s7+$0x0], $0xffff;
	v21 =	vadd.f32 v37, v21;
	v17 =	vadd.f32 v17, v18;
	[tilespmem:$0x1FCD0] =	vst v29;
	v29 =	vmov v55  }
0x2a6: {  	v45 =	vld.idx.msk [tilespmem:v45+s7+$0x0], $0xffff;
	v38 =	vmul.f32 v41, v23;
	[tilespmem:$0x1FCF0] =	vst v29;
	v20 =	vmul.f32 v41, v7;
	v7 =	vmov v47  }
0x2a7: {  	v50 =	vmovc v53;
	v51 =	vld [tilespmem:$0x1FC50];
	v37 =	vmul.f32 v39, v39;
	v19 =	vadd.f32 v19, v21;
	v47 =	vmov v43;
	[tilespmem:$0x1FCA0] =	vst v7  }
0x2a8: {  	v18 =	vmul.f32 v57, v57;
	v7 =	vld.idx.msk [tilespmem:v10+s7+$0x0], $0xffff;
	v10 =	vmul.f32 v53, v50;
	[tilespmem:$0x1FC50] =	vst v47  }
0x2a9: {  	v14 =	vadd.f32 v14, v19;
	v53 =	vadd.f32 v22, v17;
	v17 =	vmov v54;
	[tilespmem:v59+s8+$0x0] =	vst.idx.msk $0xffff, v0  }
0x2aa: {  	v26 =	vmul.f32 v41, v26;
	[tilespmem:$0x1FCE0] =	vst v17;
	v9 =	vadd.f32 v10, v9;
	v10 =	vadd.f32 v46, v16  }
0x2ab: {  	v23 =	vor.u32 $0x8, v44;
	v22 =	vmul.f32 v24, v24;
	[tilespmem:v61+s8+$0x0] =	vst.idx.msk $0xffff, v1;
	v16 =	vmul.f32 v6, v6  }
0x2ac: {  	[tilespmem:v2+s8+$0x0] =	vst.idx.msk $0xffff, v48;
	v9 =	vadd.f32 v27, v9;
	v10 =	vadd.f32 v11, v10  }
0x2ad: {  	v46 =	vmul.f32 v41, v51;
	[tilespmem:v56+s8+$0x0] =	vst.idx.msk $0xffff, v63;
	v27 =	vmul.f32 v8, v8  }
0x2ae: {  	v51 =	vor.u32 $0xA, v44;
	[tilespmem:v60+s8+$0x0] =	vst.idx.msk $0xffff, v62;
	v9 =	vadd.f32 v34, v9;
	v18 =	vadd.f32 v18, v10  }
0x2af: {  	v11 =	vadd.f32 v25, v53;
	v14 =	vadd.f32 v16, v14;
	[tilespmem:v3+s8+$0x0] =	vst.idx.msk $0xffff, v36  }
0x2b0: {  	v24 =	vmov v24;
	[tilespmem:v23+s8+$0x0] =	vst.idx.msk $0xffff, v38;
	v9 =	vadd.f32 v13, v9;
	v16 =	vadd.f32 v22, v18;
	v18 =	vld [tilespmem:$0x1FC30]  }
0x2b1: {  	v28 =	vmul.f32 v41, v28;
	v0 =	vor.u32 $0xC, v44;
	v11 =	vadd.f32 v27, v11;
	v27 =	vld [tilespmem:$0x1FD50];
	[tilespmem:$0x1FD50] =	vst v24  }
0x2b2: {  	v1 =	vor.u32 $0xD, v44;
	v17 =	vmul.f32 v7, v7;
	[tilespmem:v5+s8+$0x0] =	vst.idx.msk $0xffff, v26;
	v9 =	vadd.f32 v37, v9  }
0x2b3: {  	v21 =	vmul.f32 v15, v15;
	v19 =	vld [tilespmem:$0x1FC60];
	v2 =	vor.u32 $0xE, v44;
	v7 =	vmov v7;
	[tilespmem:v51+s8+$0x0] =	vst.idx.msk $0xffff, v28  }
0x2b4: {  	v13 =	vmul.f32 v45, v45;
	v28 =	vld [tilespmem:$0x1FD80];
	[tilespmem:$0x1FD80] =	vst v7;
	v9 =	vadd.f32 v17, v9;
	v17 =	vor.u32 $0xF, v44  }
0x2b5: {  	v11 =	vadd.f32 v12, v11;
	v22 =	vld [tilespmem:$0x1FD00];
	[tilespmem:v52+s8+$0x0] =	vst.idx.msk $0xffff, v49;
	v18 =	vmul.f32 v41, v18  }
0x2b6: {  	v25 =	vld [tilespmem:$0x1FCC0];
	v12 =	vmul.f32 v4, v4;
	v16 =	vadd.f32 v21, v16;
	v21 =	vor.u32 $0x10, v44;
	[tilespmem:v0+s8+$0x0] =	vst.idx.msk $0xffff, v58  }
0x2b7: {  	v3 =	vor.u32 $0x11, v44;
	[tilespmem:v1+s8+$0x0] =	vst.idx.msk $0xffff, v20;
	v9 =	vadd.f32 v13, v9  }
0x2b8: {  	v12 =	vadd.f32 v12, v16;
	v16 =	vld [tilespmem:$0x1FD30];
	[tilespmem:v2+s8+$0x0] =	vst.idx.msk $0xffff, v46;
	v13 =	vor.u32 $0x12, v44  }
0x2b9: {  	v19 =	vmul.f32 v41, v19;
	v23 =	vld [tilespmem:$0x1FD20];
	v9 =	vadd.f32 v14, v9;
	[tilespmem:v17+s8+$0x0] =	vst.idx.msk $0xffff, v18;
	v18 =	vmov v15  }
0x2ba: {  	v5 =	vor.u32 $0x13, v44;
	v22 =	vmul.f32 v41, v22;
	v17 =	vld [tilespmem:$0x1FD40];
	[tilespmem:$0x1FD40] =	vst v18  }
0x2bb: {  	v25 =	vmul.f32 v41, v25;
	v11 =	vadd.f32 v12, v11;
	[tilespmem:v21+s8+$0x0] =	vst.idx.msk $0xffff, v19  }
0x2bc: {  	v12 =	vor.u32 $0x14, v44;
	v14 =	vld [tilespmem:$0x1FC80];
	[tilespmem:v3+s8+$0x0] =	vst.idx.msk $0xffff, v22  }
0x2bd: {  	v26 =	vld [tilespmem:$0x1FD10];
	v16 =	vmul.f32 v41, v16;
	v62 =	vadd.f32 v11, v9;
	v9 =	vmov v8;
	[tilespmem:v13+s8+$0x0] =	vst.idx.msk $0xffff, v25  }
0x2be: {  	s15 =	smov.u32 s14;
	v24 =	vlaneseq.u32;
	v20 =	vld [tilespmem:$0x1FD70];
	v11 =	vor.u32 $0x15, v44;
	[tilespmem:$0x1FD70] =	vst v9  }
0x2bf: {  	v24 =	vor.u32 s15, v24;
	v23 =	vmul.f32 v41, v23;
	v25 =	vmovc v6;
	v6 =	vmov v45;
	[tilespmem:v5+s8+$0x0] =	vst.idx.msk $0xffff, v16  }
0x2c0: {  	v0 =	vor.u32 $0x16, v44;
	v1 =	vor.u32 $0x17, v44;
	v19 =	vld [tilespmem:$0x1FD90];
	v56 =	vmax.f32 v62, $1.000000020e-24;
	[tilespmem:$0x1FD90] =	vst v6  }
0x2c1: {  	v14 =	vmul.f32 v41, v14;
	v58 =	vshra.s32 v56, $0x1;
	v59 =	vmul.f32 $5.000000000e-01, v56;
	v16 =	vld [tilespmem:$0x1FDC0];
	[tilespmem:v12+s8+$0x0] =	vst.idx.msk $0xffff, v23;
	v12 =	vmovc v31  }
0x2c2: {  	v49 =	vshll.u32 v24, $0x5;
	v8 =	vsub.s32 $0x5F3759DF, v58;
	[tilespmem:$0x1FC30] =	vst v12  }
0x2c3: {  	v29 =	vld [tilespmem:$0x1FC70];
	v26 =	vmul.f32 v41, v26;
	v15 =	vmul.f32 v8, v59;
	[tilespmem:v11+s8+$0x0] =	vst.idx.msk $0xffff, v14;
	v11 =	vmov v30  }
0x2c4: {  	v27 =	vmul.f32 v41, v27;
	v2 =	vor.u32 $0x18, v44;
	[tilespmem:$0x1FC70] =	vst v11  }
0x2c5: {  	v9 =	vor.u32 $0x19, v44;
	v6 =	vor.u32 $0x1, v49;
	[tilespmem:v0+s8+$0x0] =	vst.idx.msk $0xffff, v26;
	v15 =	vmul.f32 v8, v15  }
0x2c6: {  	v7 =	vor.u32 $0x2, v49;
	v18 =	vor.u32 $0x1A, v44;
	v21 =	vld [tilespmem:$0x1FD60];
	[tilespmem:v1+s8+$0x0] =	vst.idx.msk $0xffff, v27;
	v16 =	vmov v16  }
0x2c7: {  	v28 =	vmul.f32 v41, v28;
	v22 =	vld [tilespmem:$0x1FC90];
	v1 =	vmovc v39;
	v15 =	vsub.f32 $1.500000000e+00, v15;
	[tilespmem:$0x1FC60] =	vst v16;
	v16 =	vor.u32 $0xE, v49  }
0x2c8: {  	v63 =	vmul.f32 v41, v29;
	v20 =	vmul.f32 v41, v20;
	v3 =	vor.u32 $0x1B, v44;
	[tilespmem:$0x1FD20] =	vst v1;
	v1 =	vld.idx.msk [tilespmem:v49+s7+$0x0], $0xffff  }
0x2c9: {  	v13 =	vor.u32 $0x1C, v44;
	[tilespmem:v2+s8+$0x0] =	vst.idx.msk $0xffff, v28;
	v30 =	vmul.f32 v8, v15;
	v8 =	vor.u32 $0xA, v49;
	v15 =	vld [tilespmem:$0x1FDD0]  }
0x2ca: {  	v5 =	vor.u32 $0x1D, v44;
	v28 =	vld.idx.msk [tilespmem:v6+s7+$0x0], $0xffff;
	[tilespmem:v9+s8+$0x0] =	vst.idx.msk $0xffff, v63  }
0x2cb: {  	v17 =	vmul.f32 v41, v17;
	v12 =	vor.u32 $0x3, v49;
	v14 =	vmov v32;
	v34 =	vld.idx.msk [tilespmem:v7+s7+$0x0], $0xffff;
	[tilespmem:v18+s8+$0x0] =	vst.idx.msk $0xffff, v20  }
0x2cc: {  	v10 =	vor.u32 $0x1E, v44;
	v19 =	vmul.f32 v41, v19;
	v27 =	vor.u32 $0x10, v49;
	[tilespmem:$0x1FCC0] =	vst v14;
	v43 =	vld.idx.msk [tilespmem:v16+s7+$0x0], $0xffff  }
0x2cd: {  	v31 =	vor.u32 $0xF, v49;
	[tilespmem:v3+s8+$0x0] =	vst.idx.msk $0xffff, v17;
	v3 =	vld [tilespmem:$0x1FDA0]  }
0x2ce: {  	v21 =	vmul.f32 v41, v21;
	v14 =	vor.u32 $0x9, v49;
	v15 =	vmov v15;
	v45 =	vld.idx.msk [tilespmem:v8+s7+$0x0], $0xffff;
	[tilespmem:v13+s8+$0x0] =	vst.idx.msk $0xffff, v19  }
0x2cf: {  	v47 =	vor.u32 $0x1F, v44;
	v22 =	vmul.f32 v41, v22;
	v9 =	vmul.f32 v1, v1;
	v37 =	vmovc v1;
	v1 =	vld [tilespmem:$0x1FBD0];
	[tilespmem:$0x1FC90] =	vst v15  }
0x2d0: {  	v26 =	vor.u32 $0x12, v49;
	v15 =	vmul.f32 v30, v59;
	v62 =	vld.idx.msk [tilespmem:v12+s7+$0x0], $0xffff;
	[tilespmem:v5+s8+$0x0] =	vst.idx.msk $0xffff, v21  }
0x2d1: {  	v16 =	vor.u32 $0x15, v49;
	v19 =	vld.idx.msk [tilespmem:v27+s7+$0x0], $0xffff;
	[tilespmem:v10+s8+$0x0] =	vst.idx.msk $0xffff, v22  }
0x2d2: {  	v11 =	vor.u32 $0x6, v49;
	v0 =	vmovc v33;
	v7 =	vmul.f32 v15, v30;
	v3 =	vmul.f32 v41, v3;
	v31 =	vld.idx.msk [tilespmem:v31+s7+$0x0], $0xffff  }
0x2d3: {  	[tilespmem:$0x1FC80] =	vst v0;
	v2 =	vor.u32 $0xD, v49;
	v46 =	vld.idx.msk [tilespmem:v14+s7+$0x0], $0xffff  }
0x2d4: {  	v0 =	vor.u32 $0x5, v49;
	v14 =	vld [tilespmem:$0x1FDB0];
	v18 =	vsub.f32 $1.500000000e+00, v7;
	[tilespmem:v47+s8+$0x0] =	vst.idx.msk $0xffff, v3  }
0x2d5: {  	v6 =	vmov v42;
	v42 =	vor.u32 $0xC, v49;
	v32 =	vld.idx.msk [tilespmem:v26+s7+$0x0], $0xffff  }
0x2d6: {  	v33 =	vld.idx.msk [tilespmem:v16+s7+$0x0], $0xffff;
	v5 =	vmul.f32 v18, v30  }
0x2d7: {  	v23 =	vor.u32 $0x4, v49;
	v27 =	vld.idx.msk [tilespmem:v11+s7+$0x0], $0xffff  }
0x2d8: {  	v55 =	vor.u32 $0x11, v49;
	v47 =	vld.idx.msk [tilespmem:v2+s7+$0x0], $0xffff;
	v3 =	vmul.f32 v5, v59  }
0x2d9: {  	v29 =	vmovc v57;
	v36 =	vor.u32 $0x7, v49;
	[tilespmem:$0x1FD60] =	vst v25;
	v25 =	vmul.u32 $0x51F, v24;
	v17 =	vor.u32 $0x19, v49;
	v57 =	vld.idx.msk [tilespmem:v0+s7+$0x0], $0xffff  }
0x2da: {  	v13 =	vor.u32 $0x1E, v49;
	v12 =	vmul.u32 $0x640, v35;
	v51 =	vld.idx.msk [tilespmem:v42+s7+$0x0], $0xffff;
	v3 =	vmul.f32 v3, v5  }
0x2db: {  	v38 =	vor.u32 $0x8, v49;
	v54 =	vor.u32 $0xB, v49;
	[tilespmem:$0x1FD00] =	vst v6;
	v35 =	vshrl.u32 v25, $0x10;
	v0 =	vld [tilespmem:$0x1FBC0]  }
0x2dc: {  	v6 =	vmovc v4;
	v4 =	vmovc v40;
	v53 =	vld.idx.msk [tilespmem:v23+s7+$0x0], $0xffff;
	v44 =	vadd.s32 v12, v14;
	v14 =	vor.u32 $0x14, v49;
	v3 =	vsub.f32 $1.500000000e+00, v3  }
0x2dd: {  	v48 =	vor.u32 $0x16, v49;
	[tilespmem:$0x1FD10] =	vst v4;
	v4 =	vor.u32 $0x1F, v49;
	v42 =	vld.idx.msk [tilespmem:v55+s7+$0x0], $0xffff;
	v12 =	vmul.u32 $0x7FFFFCE, v35  }
0x2de: {  	[tilespmem:$0x1FDA0] =	vst v6;
	v6 =	vor.u32 $0x1D, v49;
	v8 =	vor.u32 $0x1A, v49;
	v30 =	vld.idx.msk [tilespmem:v17+s7+$0x0], $0xffff;
	v41 =	vmul.f32 v3, v5  }
0x2df: {  	v21 =	vmul.f32 v28, v28;
	v22 =	vor.u32 $0x1, v44;
	v12 =	vadd.s32 v24, v12;
	v24 =	vld.idx.msk [tilespmem:v13+s7+$0x0], $0xffff  }
0x2e0: {  	v25 =	vor.u32 $0x13, v49;
	v20 =	vmul.f32 v45, v45;
	v5 =	vld [tilespmem:$0x1FC10];
	v0 =	vmul.f32 v41, v0  }
0x2e1: {  	v10 =	vor.u32 $0x18, v49;
	v16 =	vmul.f32 v62, v62;
	v18 =	vmul.f32 v34, v34;
	v39 =	vld.idx.msk [tilespmem:v14+s7+$0x0], $0xffff  }
0x2e2: {  	v15 =	vor.u32 $0x1B, v49;
	v17 =	vmul.f32 v43, v43;
	v1 =	vmul.f32 v41, v1;
	[tilespmem:v44+s8+$0x0] =	vst.idx.msk $0xffff, v0;
	v0 =	vld [tilespmem:$0x1FBE0]  }
0x2e3: {  	[tilespmem:$0x1FD30] =	vst v29;
	v7 =	vor.u32 $0x17, v49;
	v11 =	vmul.f32 v31, v31;
	v26 =	vmul.f32 v46, v46;
	v58 =	vld.idx.msk [tilespmem:v36+s7+$0x0], $0xffff  }
0x2e4: {  	v56 =	vor.u32 $0x5, v44;
	v59 =	vor.u32 $0x2, v44;
	v61 =	vor.u32 $0x3, v44;
	[tilespmem:v22+s8+$0x0] =	vst.idx.msk $0xffff, v1;
	v1 =	vld [tilespmem:$0x1FC00]  }
0x2e5: {  	p0 =	sne.s32 s14, $0x180;
	[tilespmem:$0x1FDC0] =	vst v19;
	v13 =	vmul.f32 v19, v19;
	v12 =	vshll.u32 v12, $0x5;
	v63 =	vmul.f32 v41, v5;
	v5 =	vld [tilespmem:$0x1FC20]  }
.Ltmp8:
0x2e6: {  	v52 =	vor.u32 $0xB, v44;
	v19 =	vmul.f32 v33, v33;
	[tilespmem:$0x1FDB0] =	vst v12;
	v14 =	vmul.f32 v30, v30;
	(pc) =	sbr.rel @p0 .LBB2_9-.Ltmp8, $4  }
0x2e7: {  	v29 =	vmovc v28;
	v60 =	vor.u32 $0x6, v44;
	[tilespmem:$0x1FDD0] =	vst v24;
	v12 =	vmul.f32 v24, v24;
	v24 =	vmul.f32 v47, v47;
	v36 =	vld [tilespmem:$0x1FBF0]  }
0x2e8: {  	v28 =	vmovc v34;
	v2 =	vor.u32 $0x4, v44;
	v22 =	vmul.f32 v32, v32;
	v40 =	vld.idx.msk [tilespmem:v48+s7+$0x0], $0xffff;
	v48 =	vmul.f32 v41, v50  }
0x2e9: {  	v34 =	vmovc v62;
	v3 =	vor.u32 $0x7, v44;
	v55 =	vld.idx.msk [tilespmem:v38+s7+$0x0], $0xffff;
	v50 =	vmul.f32 v57, v57;
	v0 =	vmul.f32 v41, v0  }
0x2ea: {  	s14 =	sadd.s32 $0x10, s14;
	v54 =	vld.idx.msk [tilespmem:v54+s7+$0x0], $0xffff;
	v38 =	vmovc v27;
	v1 =	vmul.f32 v41, v1;
	v62 =	vmul.f32 v41, v5;
	v5 =	vor.u32 $0x9, v44  }
0x2eb: {  	_ =	sdelay $0x1  }
0x2ec: {  	v21 =	vadd.f32 v50, v21  }
0x2ed: {  	v23 =	vmul.f32 v27, v38;
	v50 =	vmul.f32 v53, v53  }
0x2ee: {  	v27 =	vmul.f32 v58, v58;
	[tilespmem:v59+s8+$0x0] =	vst.idx.msk $0xffff, v0;
	v21 =	vadd.f32 v26, v21  }
0x2ef: {  	[tilespmem:v61+s8+$0x0] =	vst.idx.msk $0xffff, v1;
	v59 =	vmul.f32 v41, v36;
	v18 =	vadd.f32 v23, v18  }
0x2f0: {  	v9 =	vadd.f32 v50, v9;
	v50 =	vld.idx.msk [tilespmem:v25+s7+$0x0], $0xffff;
	[tilespmem:v2+s8+$0x0] =	vst.idx.msk $0xffff, v48;
	v21 =	vadd.f32 v24, v21  }
0x2f1: {  	v18 =	vadd.f32 v20, v18;
	v24 =	vld.idx.msk [tilespmem:v15+s7+$0x0], $0xffff;
	v15 =	vadd.f32 v27, v16;
	v25 =	vmul.f32 v54, v54  }
0x2f2: {  	v26 =	vmul.f32 v55, v55;
	v20 =	vor.u32 $0x1C, v49;
	v49 =	vld.idx.msk [tilespmem:v7+s7+$0x0], $0xffff;
	v27 =	vmul.f32 v42, v42  }
0x2f3: {  	[tilespmem:v56+s8+$0x0] =	vst.idx.msk $0xffff, v63;
	v17 =	vadd.f32 v17, v18;
	v15 =	vadd.f32 v25, v15  }
0x2f4: {  	v8 =	vld.idx.msk [tilespmem:v8+s7+$0x0], $0xffff;
	v9 =	vadd.f32 v26, v9;
	v26 =	vmul.f32 v51, v51;
	v21 =	vadd.f32 v27, v21  }
0x2f5: {  	v4 =	vld.idx.msk [tilespmem:v4+s7+$0x0], $0xffff;
	v27 =	vadd.f32 v22, v17;
	v11 =	vadd.f32 v11, v15;
	v22 =	vmul.f32 v50, v50  }
0x2f6: {  	[tilespmem:v60+s8+$0x0] =	vst.idx.msk $0xffff, v62;
	v18 =	vld.idx.msk [tilespmem:v6+s7+$0x0], $0xffff;
	v25 =	vmul.f32 v39, v39;
	v9 =	vadd.f32 v26, v9  }
0x2f7: {  	v6 =	vld.idx.msk [tilespmem:v20+s7+$0x0], $0xffff;
	v20 =	vmul.f32 v40, v40;
	v26 =	vmul.f32 v49, v49;
	v11 =	vadd.f32 v22, v11  }
0x2f8: {  	v23 =	vadd.f32 v19, v21;
	v9 =	vadd.f32 v13, v9;
	v21 =	vmul.f32 v24, v24  }
0x2f9: {  	v7 =	vld.idx.msk [tilespmem:v10+s7+$0x0], $0xffff;
	v10 =	vadd.f32 v20, v27;
	v27 =	vmul.f32 v8, v8;
	v11 =	vadd.f32 v26, v11  }
0x2fa: {  	v62 =	vld [tilespmem:$0x1FCF0];
	[tilespmem:v3+s8+$0x0] =	vst.idx.msk $0xffff, v59;
	v9 =	vadd.f32 v25, v9  }
0x2fb: {  	v3 =	vld [tilespmem:$0x1FCB0];
	v25 =	vmul.f32 v4, v4;
	v10 =	vadd.f32 v27, v10;
	v11 =	vadd.f32 v21, v11  }
0x2fc: {  	v27 =	vor.u32 $0x8, v44  }
0x2fd: {  	v10 =	vadd.f32 v12, v10;
	v11 =	vadd.f32 v25, v11;
	_ =	sdelay $0x1  }
0x2fe: {  	v10 =	vadd.f32 v11, v10;
	v11 =	vmul.f32 v41, v62  }
0x2ff: {  	v3 =	vmul.f32 v41, v3  }
0x300: {  	[tilespmem:v27+s8+$0x0] =	vst.idx.msk $0xffff, v11  }
0x301: {  	v1 =	vld [tilespmem:$0x1FC40];
	[tilespmem:v5+s8+$0x0] =	vst.idx.msk $0xffff, v3  }
0x302: {  	v3 =	vld [tilespmem:$0x1FCE0]  }
0x303: {  	v61 =	vor.u32 $0xA, v44;
	_ =	sdelay $0x2  }
0x304: {  	v1 =	vmul.f32 v41, v1  }
0x305: {  	v3 =	vmul.f32 v41, v3  }
0x306: {  	[tilespmem:v61+s8+$0x0] =	vst.idx.msk $0xffff, v1  }
0x307: {  	v1 =	vld [tilespmem:$0x1FCD0];
	[tilespmem:v52+s8+$0x0] =	vst.idx.msk $0xffff, v3  }
0x308: {  	v3 =	vld [tilespmem:$0x1FCA0]  }
0x309: {  	v16 =	vor.u32 $0xC, v44  }
0x30a: {  	v19 =	vor.u32 $0xD, v44;
	_ =	sdelay $0x1  }
0x30b: {  	v1 =	vmul.f32 v41, v1  }
0x30c: {  	v3 =	vmul.f32 v41, v3  }
0x30d: {  	[tilespmem:v16+s8+$0x0] =	vst.idx.msk $0xffff, v1  }
0x30e: {  	v20 =	vmul.f32 v7, v7;
	v1 =	vld [tilespmem:$0x1FC50];
	[tilespmem:v19+s8+$0x0] =	vst.idx.msk $0xffff, v3  }
0x30f: {  	v14 =	vadd.f32 v14, v23;
	v22 =	vmul.f32 v18, v18;
	v3 =	vld [tilespmem:$0x1FC30]  }
0x310: {  	v9 =	vadd.f32 v20, v9;
	v20 =	vor.u32 $0xE, v44  }
0x311: {  	v13 =	vadd.f32 v22, v14;
	v22 =	vor.u32 $0xF, v44  }
0x312: {  	v23 =	vmul.f32 v6, v6;
	v12 =	vld [tilespmem:$0x1FC60]  }
0x313: {  	v1 =	vmul.f32 v41, v1  }
0x314: {  	v9 =	vadd.f32 v23, v9;
	v23 =	vor.u32 $0x10, v44;
	v3 =	vmul.f32 v41, v3  }
0x315: {  	[tilespmem:v20+s8+$0x0] =	vst.idx.msk $0xffff, v1  }
0x316: {  	v9 =	vadd.f32 v13, v9;
	[tilespmem:v22+s8+$0x0] =	vst.idx.msk $0xffff, v3  }
0x317: {  	v12 =	vmul.f32 v41, v12;
	v3 =	vld [tilespmem:$0x1FD00]  }
0x318: {  	v9 =	vadd.f32 v10, v9  }
0x319: {  	v25 =	vor.u32 $0x11, v44;
	[tilespmem:v23+s8+$0x0] =	vst.idx.msk $0xffff, v12  }
0x31a: {  	v26 =	vmax.f32 v9, $1.000000020e-24;
	v12 =	vld [tilespmem:$0x1FCC0]  }
0x31b: {  	v48 =	vshra.s32 v26, $0x1  }
0x31c: {  	v0 =	vmul.f32 $5.000000000e-01, v26;
	v26 =	vor.u32 $0x12, v44;
	v3 =	vmul.f32 v41, v3;
	_ =	sdelay $0x1  }
0x31d: {  	[tilespmem:v25+s8+$0x0] =	vst.idx.msk $0xffff, v3  }
0x31e: {  	v12 =	vmul.f32 v41, v12;
	v3 =	vld [tilespmem:$0x1FD30];
	_ =	sdelay $0x1  }
0x31f: {  	v27 =	vor.u32 $0x13, v44;
	[tilespmem:v26+s8+$0x0] =	vst.idx.msk $0xffff, v12  }
0x320: {  	v10 =	vld [tilespmem:$0x1FD20];
	_ =	sdelay $0x1  }
0x321: {  	v2 =	vsub.s32 $0x5F3759DF, v48;
	v48 =	vor.u32 $0x14, v44;
	v3 =	vmul.f32 v41, v3;
	_ =	sdelay $0x1  }
0x322: {  	[tilespmem:v27+s8+$0x0] =	vst.idx.msk $0xffff, v3  }
0x323: {  	v10 =	vmul.f32 v41, v10;
	v1 =	vld [tilespmem:$0x1FC80];
	_ =	sdelay $0x1  }
0x324: {  	v52 =	vor.u32 $0x15, v44;
	[tilespmem:v48+s8+$0x0] =	vst.idx.msk $0xffff, v10  }
0x325: {  	v10 =	vld [tilespmem:$0x1FD10];
	_ =	sdelay $0x1  }
0x326: {  	v56 =	vor.u32 $0x16, v44;
	v1 =	vmul.f32 v41, v1;
	_ =	sdelay $0x1  }
0x327: {  	[tilespmem:v52+s8+$0x0] =	vst.idx.msk $0xffff, v1  }
0x328: {  	v10 =	vmul.f32 v41, v10;
	v1 =	vld [tilespmem:$0x1FD50];
	_ =	sdelay $0x1  }
0x329: {  	v59 =	vor.u32 $0x17, v44;
	v63 =	vmul.f32 v2, v0;
	[tilespmem:v56+s8+$0x0] =	vst.idx.msk $0xffff, v10  }
0x32a: {  	v9 =	vld [tilespmem:$0x1FD80]  }
0x32b: {  	v17 =	vmul.f32 v2, v63  }
0x32c: {  	v60 =	vor.u32 $0x18, v44;
	v1 =	vmul.f32 v41, v1  }
0x32d: {  	v21 =	vsub.f32 $1.500000000e+00, v17  }
0x32e: {  	[tilespmem:v59+s8+$0x0] =	vst.idx.msk $0xffff, v1  }
0x32f: {  	v2 =	vmul.f32 v2, v21;
	v9 =	vmul.f32 v41, v9;
	v1 =	vld [tilespmem:$0x1FC70];
	_ =	sdelay $0x1  }
0x330: {  	v61 =	vor.u32 $0x19, v44;
	v36 =	vmul.f32 v2, v0;
	[tilespmem:v60+s8+$0x0] =	vst.idx.msk $0xffff, v9  }
0x331: {  	v3 =	vld [tilespmem:$0x1FD70]  }
0x332: {  	v5 =	vmul.f32 v36, v2  }
0x333: {  	v62 =	vor.u32 $0x1A, v44;
	v1 =	vmul.f32 v41, v1  }
0x334: {  	v5 =	vsub.f32 $1.500000000e+00, v5  }
0x335: {  	[tilespmem:v61+s8+$0x0] =	vst.idx.msk $0xffff, v1  }
0x336: {  	v2 =	vmul.f32 v5, v2;
	v3 =	vmul.f32 v41, v3;
	v5 =	vld [tilespmem:$0x1FD40];
	_ =	sdelay $0x1  }
0x337: {  	v63 =	vor.u32 $0x1B, v44;
	[tilespmem:v62+s8+$0x0] =	vst.idx.msk $0xffff, v3  }
0x338: {  	v11 =	vld [tilespmem:$0x1FD90];
	_ =	sdelay $0x1  }
0x339: {  	v16 =	vor.u32 $0x1C, v44;
	v5 =	vmul.f32 v41, v5;
	_ =	sdelay $0x1  }
0x33a: {  	[tilespmem:v63+s8+$0x0] =	vst.idx.msk $0xffff, v5  }
0x33b: {  	v11 =	vmul.f32 v41, v11;
	v10 =	vld [tilespmem:$0x1FD60]  }
0x33c: {  	v0 =	vmul.f32 v2, v0;
	v5 =	vld [tilespmem:$0x1FDB0]  }
0x33d: {  	v17 =	vor.u32 $0x1D, v44;
	[tilespmem:v16+s8+$0x0] =	vst.idx.msk $0xffff, v11  }
0x33e: {  	v0 =	vmul.f32 v0, v2;
	v11 =	vld [tilespmem:$0x1FC90]  }
0x33f: {  	v20 =	vmul.u32 $0x640, v35  }
0x340: {  	v19 =	vor.u32 $0x1E, v44;
	v0 =	vsub.f32 $1.500000000e+00, v0;
	v10 =	vmul.f32 v41, v10  }
0x341: {  	v5 =	vadd.s32 v20, v5  }
0x342: {  	v0 =	vmul.f32 v0, v2;
	v22 =	vor.u32 $0x1, v5;
	[tilespmem:v17+s8+$0x0] =	vst.idx.msk $0xffff, v10  }
0x343: {  	v11 =	vmul.f32 v41, v11;
	v23 =	vor.u32 $0x2, v5;
	v9 =	vld [tilespmem:$0x1FDA0]  }
0x344: {  	v26 =	vmul.f32 v0, v37;
	v25 =	vor.u32 $0x3, v5  }
0x345: {  	v35 =	vmul.f32 v0, v29;
	v27 =	vor.u32 $0x4, v5;
	[tilespmem:v19+s8+$0x0] =	vst.idx.msk $0xffff, v11  }
0x346: {  	v21 =	vor.u32 $0x1F, v44;
	v37 =	vmul.f32 v0, v28;
	[tilespmem:v5+s8+$0x0] =	vst.idx.msk $0xffff, v26  }
0x347: {  	v44 =	vmul.f32 v0, v34;
	v36 =	vor.u32 $0x5, v5;
	[tilespmem:v22+s8+$0x0] =	vst.idx.msk $0xffff, v35  }
0x348: {  	v48 =	vmul.f32 v0, v53;
	[tilespmem:v23+s8+$0x0] =	vst.idx.msk $0xffff, v37;
	v9 =	vmul.f32 v41, v9;
	v41 =	vor.u32 $0x6, v5  }
0x349: {  	v52 =	vor.u32 $0x7, v5;
	[tilespmem:v25+s8+$0x0] =	vst.idx.msk $0xffff, v44  }
0x34a: {  	v53 =	vmul.f32 v0, v57;
	v56 =	vor.u32 $0x8, v5;
	[tilespmem:v27+s8+$0x0] =	vst.idx.msk $0xffff, v48  }
0x34b: {  	v57 =	vmul.f32 v0, v38;
	v59 =	vor.u32 $0x9, v5;
	[tilespmem:v21+s8+$0x0] =	vst.idx.msk $0xffff, v9  }
0x34c: {  	v60 =	vmul.f32 v0, v58;
	v61 =	vor.u32 $0xA, v5;
	[tilespmem:v36+s8+$0x0] =	vst.idx.msk $0xffff, v53  }
0x34d: {  	v63 =	vmul.f32 v0, v55;
	v62 =	vor.u32 $0xB, v5;
	[tilespmem:v41+s8+$0x0] =	vst.idx.msk $0xffff, v57  }
0x34e: {  	v16 =	vmul.f32 v0, v46;
	v17 =	vor.u32 $0xC, v5;
	[tilespmem:v52+s8+$0x0] =	vst.idx.msk $0xffff, v60  }
0x34f: {  	v20 =	vor.u32 $0xD, v5;
	v19 =	vmul.f32 v0, v45;
	[tilespmem:v56+s8+$0x0] =	vst.idx.msk $0xffff, v63  }
0x350: {  	v22 =	vor.u32 $0xE, v5;
	v21 =	vmul.f32 v0, v54;
	[tilespmem:v59+s8+$0x0] =	vst.idx.msk $0xffff, v16  }
0x351: {  	v23 =	vmul.f32 v0, v51;
	[tilespmem:v61+s8+$0x0] =	vst.idx.msk $0xffff, v19  }
0x352: {  	v26 =	vmul.f32 v0, v47;
	[tilespmem:v62+s8+$0x0] =	vst.idx.msk $0xffff, v21  }
0x353: {  	v28 =	vmul.f32 v0, v43;
	[tilespmem:v17+s8+$0x0] =	vst.idx.msk $0xffff, v23  }
0x354: {  	[tilespmem:v20+s8+$0x0] =	vst.idx.msk $0xffff, v26  }
0x355: {  	[tilespmem:v22+s8+$0x0] =	vst.idx.msk $0xffff, v28  }
0x356: {  	v3 =	vld [tilespmem:$0x1FDC0]  }
0x357: {  	v25 =	vor.u32 $0xF, v5  }
0x358: {  	v27 =	vor.u32 $0x10, v5  }
0x359: {  	v29 =	vor.u32 $0x11, v5  }
0x35a: {  	v31 =	vmul.f32 v0, v31;
	v34 =	vor.u32 $0x12, v5  }
0x35b: {  	v35 =	vor.u32 $0x13, v5;
	v3 =	vmul.f32 v0, v3  }
0x35c: {  	v37 =	vor.u32 $0x14, v5;
	v36 =	vmul.f32 v0, v42;
	[tilespmem:v25+s8+$0x0] =	vst.idx.msk $0xffff, v31  }
0x35d: {  	v38 =	vmul.f32 v0, v32;
	v41 =	vor.u32 $0x15, v5;
	[tilespmem:v27+s8+$0x0] =	vst.idx.msk $0xffff, v3  }
0x35e: {  	v43 =	vor.u32 $0x16, v5;
	v42 =	vmul.f32 v0, v50;
	[tilespmem:v29+s8+$0x0] =	vst.idx.msk $0xffff, v36  }
0x35f: {  	v45 =	vor.u32 $0x17, v5;
	v44 =	vmul.f32 v0, v39;
	[tilespmem:v34+s8+$0x0] =	vst.idx.msk $0xffff, v38  }
0x360: {  	v46 =	vmul.f32 v0, v33;
	v47 =	vor.u32 $0x18, v5;
	[tilespmem:v35+s8+$0x0] =	vst.idx.msk $0xffff, v42  }
0x361: {  	v48 =	vmul.f32 v0, v40;
	v50 =	vor.u32 $0x19, v5;
	[tilespmem:v37+s8+$0x0] =	vst.idx.msk $0xffff, v44  }
0x362: {  	v51 =	vmul.f32 v0, v49;
	v52 =	vor.u32 $0x1A, v5;
	[tilespmem:v41+s8+$0x0] =	vst.idx.msk $0xffff, v46  }
0x363: {  	v53 =	vmul.f32 v0, v7;
	v54 =	vor.u32 $0x1B, v5;
	[tilespmem:v43+s8+$0x0] =	vst.idx.msk $0xffff, v48  }
0x364: {  	v55 =	vmul.f32 v0, v30;
	v56 =	vor.u32 $0x1C, v5;
	[tilespmem:v45+s8+$0x0] =	vst.idx.msk $0xffff, v51  }
0x365: {  	v57 =	vmul.f32 v0, v8;
	[tilespmem:v47+s8+$0x0] =	vst.idx.msk $0xffff, v53  }
0x366: {  	v60 =	vmul.f32 v0, v24;
	[tilespmem:v50+s8+$0x0] =	vst.idx.msk $0xffff, v55  }
0x367: {  	v62 =	vmul.f32 v0, v6;
	[tilespmem:v52+s8+$0x0] =	vst.idx.msk $0xffff, v57  }
0x368: {  	[tilespmem:v54+s8+$0x0] =	vst.idx.msk $0xffff, v60  }
0x369: {  	[tilespmem:v56+s8+$0x0] =	vst.idx.msk $0xffff, v62  }
0x36a: {  	v3 =	vld [tilespmem:$0x1FDD0]  }
0x36b: {  	v58 =	vor.u32 $0x1D, v5  }
0x36c: {  	v59 =	vor.u32 $0x1E, v5  }
0x36d: {  	v61 =	vor.u32 $0x1F, v5  }
0x36e: {  	s14 =	sshll.u32 s13, $0x3;
	p0 =	sgt.u32 s13, $0x3D;
	v63 =	vmul.f32 v0, v18  }
.Ltmp9:
0x36f: {  	s14 =	sadd.s32 s6, s14;
	v3 =	vmul.f32 v0, v3;
	(pc) =	sbr.rel @p0 .LBB2_12-.Ltmp9, $4  }
0x370: {  	s14 =	smul.u32 $0xC8, s14;
	[tilespmem:v58+s8+$0x0] =	vst.idx.msk $0xffff, v63;
	v0 =	vmul.f32 v0, v4  }
0x371: {  	[tilespmem:v59+s8+$0x0] =	vst.idx.msk $0xffff, v3  }
0x372: {  	s14 =	sadd.s32 s2, s14;
	[tilespmem:v61+s8+$0x0] =	vst.idx.msk $0xffff, v0  }
0x373: {  	v32 =	vlaneseq.u32;
	[hbm4b:s14+s3] =	stream.linear.scatter [tilespmem:s8], [sflag:$0x4], $0x3200, $0x38;
	[tilespmem:$0x12C00] =	vst v63  }
0x374: {  	s14 =	smul.u32 $0x640, s13;
	_ =	sdelay $0x1  }
0x375: {  	s14 =	sshra.s32 s14, $0x2  }
0x376: {  	v0 =	vld [tilespmem:s14+$0x320];
	_ =	sdelay $0x7  }
0x377: {  	[tilespmem:s7], [sflag:$0x2] =	stream.indirect_vreg.gather [hbm4b:s4+s3], $0x20, v0, vm0, $0xb8;
	[tilespmem:$0x12C00] =	vst v63  }
0x378: {  	v0 =	vld [tilespmem:s14+$0x330];
	_ =	sdelay $0x6  }
0x379: {  	s15 =	simm.s32 $0x9800  }
0x37a: {  	[tilespmem:s15], [sflag:$0x2] =	stream.indirect_vreg.gather [hbm4b:s4+s3], $0x20, v0, vm0, $0xb8;
	[tilespmem:$0x12C00] =	vst v63  }
0x37b: {  	v0 =	vld [tilespmem:s14+$0x340];
	_ =	sdelay $0x6  }
0x37c: {  	s16 =	simm.s32 $0x9A00  }
0x37d: {  	[tilespmem:s16], [sflag:$0x2] =	stream.indirect_vreg.gather [hbm4b:s4+s3], $0x20, v0, vm0, $0xb8;
	[tilespmem:$0x12C00] =	vst v63  }
0x37e: {  	v0 =	vld [tilespmem:s14+$0x350];
	_ =	sdelay $0x6  }
0x37f: {  	s16 =	simm.s32 $0x9C00  }
0x380: {  	[tilespmem:s16], [sflag:$0x2] =	stream.indirect_vreg.gather [hbm4b:s4+s3], $0x20, v0, vm0, $0xb8;
	[tilespmem:$0x12C00] =	vst v63  }
0x381: {  	v0 =	vld [tilespmem:s14+$0x360];
	_ =	sdelay $0x6  }
0x382: {  	s16 =	simm.s32 $0x9E00  }
0x383: {  	[tilespmem:s16], [sflag:$0x2] =	stream.indirect_vreg.gather [hbm4b:s4+s3], $0x20, v0, vm0, $0xb8;
	[tilespmem:$0x12C00] =	vst v63  }
0x384: {  	v0 =	vld [tilespmem:s14+$0x370];
	_ =	sdelay $0x6  }
0x385: {  	s16 =	simm.s32 $0xA000  }
0x386: {  	[tilespmem:s16], [sflag:$0x2] =	stream.indirect_vreg.gather [hbm4b:s4+s3], $0x20, v0, vm0, $0xb8;
	[tilespmem:$0x12C00] =	vst v63  }
0x387: {  	v0 =	vld [tilespmem:s14+$0x380];
	_ =	sdelay $0x6  }
0x388: {  	s16 =	simm.s32 $0xA200  }
0x389: {  	[tilespmem:s16], [sflag:$0x2] =	stream.indirect_vreg.gather [hbm4b:s4+s3], $0x20, v0, vm0, $0xb8;
	[tilespmem:$0x12C00] =	vst v63  }
0x38a: {  	v0 =	vld [tilespmem:s14+$0x390];
	_ =	sdelay $0x6  }
0x38b: {  	s16 =	simm.s32 $0xA400  }
0x38c: {  	[tilespmem:s16], [sflag:$0x2] =	stream.indirect_vreg.gather [hbm4b:s4+s3], $0x20, v0, vm0, $0xb8;
	[tilespmem:$0x12C00] =	vst v63  }
0x38d: {  	v0 =	vld [tilespmem:s14+$0x3A0];
	_ =	sdelay $0x6  }
0x38e: {  	s16 =	simm.s32 $0xA600  }
0x38f: {  	[tilespmem:s16], [sflag:$0x2] =	stream.indirect_vreg.gather [hbm4b:s4+s3], $0x20, v0, vm0, $0xb8;
	[tilespmem:$0x12C00] =	vst v63  }
0x390: {  	v0 =	vld [tilespmem:s14+$0x3B0];
	_ =	sdelay $0x7  }
0x391: {  	[tilespmem:s17], [sflag:$0x2] =	stream.indirect_vreg.gather [hbm4b:s4+s3], $0x20, v0, vm0, $0xb8;
	[tilespmem:$0x12C00] =	vst v63  }
0x392: {  	v0 =	vld [tilespmem:s14+$0x3C0];
	_ =	sdelay $0x7  }
0x393: {  	[tilespmem:s18], [sflag:$0x2] =	stream.indirect_vreg.gather [hbm4b:s4+s3], $0x20, v0, vm0, $0xb8;
	[tilespmem:$0x12C00] =	vst v63  }
0x394: {  	v0 =	vld [tilespmem:s14+$0x3D0];
	_ =	sdelay $0x7  }
0x395: {  	[tilespmem:s19], [sflag:$0x2] =	stream.indirect_vreg.gather [hbm4b:s4+s3], $0x20, v0, vm0, $0xb8;
	[tilespmem:$0x12C00] =	vst v63  }
0x396: {  	v0 =	vld [tilespmem:s14+$0x3E0];
	_ =	sdelay $0x7  }
0x397: {  	[tilespmem:s20], [sflag:$0x2] =	stream.indirect_vreg.gather [hbm4b:s4+s3], $0x20, v0, vm0, $0xb8;
	[tilespmem:$0x12C00] =	vst v63  }
0x398: {  	v0 =	vld [tilespmem:s14+$0x3F0];
	_ =	sdelay $0x7  }
0x399: {  	[tilespmem:s21], [sflag:$0x2] =	stream.indirect_vreg.gather [hbm4b:s4+s3], $0x20, v0, vm0, $0xb8;
	[tilespmem:$0x12C00] =	vst v63  }
0x39a: {  	v0 =	vld [tilespmem:s14+$0x400];
	_ =	sdelay $0x7  }
0x39b: {  	[tilespmem:s22], [sflag:$0x2] =	stream.indirect_vreg.gather [hbm4b:s4+s3], $0x20, v0, vm0, $0xb8;
	[tilespmem:$0x12C00] =	vst v63  }
0x39c: {  	v0 =	vld [tilespmem:s14+$0x410];
	_ =	sdelay $0x7  }
0x39d: {  	[tilespmem:s23], [sflag:$0x2] =	stream.indirect_vreg.gather [hbm4b:s4+s3], $0x20, v0, vm0, $0xb8;
	[tilespmem:$0x12C00] =	vst v63  }
0x39e: {  	v0 =	vld [tilespmem:s14+$0x420];
	_ =	sdelay $0x7  }
0x39f: {  	[tilespmem:s24], [sflag:$0x2] =	stream.indirect_vreg.gather [hbm4b:s4+s3], $0x20, v0, vm0, $0xb8;
	[tilespmem:$0x12C00] =	vst v63  }
0x3a0: {  	v0 =	vld [tilespmem:s14+$0x430];
	_ =	sdelay $0x7  }
0x3a1: {  	[tilespmem:s25], [sflag:$0x2] =	stream.indirect_vreg.gather [hbm4b:s4+s3], $0x20, v0, vm0, $0xb8;
	[tilespmem:$0x12C00] =	vst v63  }
0x3a2: {  	v0 =	vld [tilespmem:s14+$0x440];
	_ =	sdelay $0x7  }
0x3a3: {  	[tilespmem:s26], [sflag:$0x2] =	stream.indirect_vreg.gather [hbm4b:s4+s3], $0x20, v0, vm0, $0xb8;
	[tilespmem:$0x12C00] =	vst v63  }
0x3a4: {  	v0 =	vld [tilespmem:s14+$0x450];
	_ =	sdelay $0x7  }
0x3a5: {  	[tilespmem:s28], [sflag:$0x2] =	stream.indirect_vreg.gather [hbm4b:s4+s3], $0x20, v0, vm0, $0xb8;
	[tilespmem:$0x12C00] =	vst v63  }
0x3a6: {  	v0 =	vld [tilespmem:s14+$0x460];
	_ =	sdelay $0x7  }
0x3a7: {  	[tilespmem:s29], [sflag:$0x2] =	stream.indirect_vreg.gather [hbm4b:s4+s3], $0x20, v0, vm0, $0xb8;
	[tilespmem:$0x12C00] =	vst v63  }
0x3a8: {  	v0 =	vld [tilespmem:s14+$0x470];
	_ =	sdelay $0x7  }
0x3a9: {  	[tilespmem:s30], [sflag:$0x2] =	stream.indirect_vreg.gather [hbm4b:s4+s3], $0x20, v0, vm0, $0xb8;
	[tilespmem:$0x12C00] =	vst v63  }
0x3aa: {  	v0 =	vld [tilespmem:s14+$0x480];
	_ =	sdelay $0x7  }
0x3ab: {  	[tilespmem:s31], [sflag:$0x2] =	stream.indirect_vreg.gather [hbm4b:s4+s3], $0x20, v0, vm0, $0xb8;
	[tilespmem:$0x12C00] =	vst v63  }
0x3ac: {  	v0 =	vld [tilespmem:s14+$0x490];
	_ =	sdelay $0x7  }
0x3ad: {  	[tilespmem:s1], [sflag:$0x2] =	stream.indirect_vreg.gather [hbm4b:s4+s3], $0x20, v0, vm0, $0xb8;
	[tilespmem:$0x12C00] =	vst v63  }
0x3ae: {  	v0 =	vld [tilespmem:s14+$0x4A0];
	_ =	sdelay $0x3  }
.Ltmp10:
0x3af: {  	_ = 	snop;
	(pc) =	sbr.rel .LBB2_12-.Ltmp10, $2  }
0x3b0: {  	_ =	sdelay $0x2  }
0x3b1: {  	[tilespmem:s0], [sflag:$0x2] =	stream.indirect_vreg.gather [hbm4b:s4+s3], $0x20, v0, vm0, $0xb8;
	[tilespmem:$0x12C00] =	vst v63  }
.LBB2_14:
0x3b2: {  	_ =	sfence.sel $0x180000  }
0x3b3: {  	[bflag:$0x0] =	sbarrier.arrive $0xFFFF  }
0x3b4: {  	_ =	strace $0x90000047  }
0x3b5: {  	s0 =	stileid.u32;
	[bflag:$0x2] =	sbarrier.arrive $0xFFFF  }
0x3b6: {  	p0 =	sne.s32 s0, $0x0;
	s0 =	rddreg [dreg:$0x2]  }
0x3b7: {  	s0 =	sadd.s32 @!p0 $0x100000, s0  }
0x3b8: {  	[sflag:s0] =	ssyncadd.tile.s32 @!p0 $0x1;
	_ =	shalt  }
.Lfunc_end2:
_tile_overlayer_lowered:
.L_overlay_start_2:
0x3b9: {  	(tag) =	ssettag $0x2  }
0x3ba: {  	s0 =	rddreg [dreg:$0x0];
	s2 =	stileid.u32  }
0x3bb: {  	s1 =	rddreg [dreg:$0x1];
	p0 =	sne.s32 s2, $0x0  }
0x3bc: {  	s3 =	rddreg [dreg:$0x2];
	[bflag:$0x3] =	sbarrier.arrive $0xFFFF;
	s2 =	simm.s32 @!p0 $0x1C05  }
0x3bd: {  	[timem:s3], [sflag:s2] =	dma.local @!p0 [hbm:s0], s1  }
0x3be: {  	s0 =	simm.s32 @!p0 $0x5  }
0x3bf: {  	_ =	swait.ge @!p0 [sflag:s0], s1  }
0x3c0: {  	s1 =	ssub.s32 @!p0 $0x0, s1;
	[sflag:s0] =	ssyncset.done @!p0 $0x0  }
0x3c1: {  	[sflag:s0] =	ssyncadd.s32 @!p0 s1  }
0x3c2: {  	[bflag:$0x3] =	sbarrier.arrive $0xFFFF  }
0x3c3: {  	_ =	shalt  }

// kernel: sparse-core-data-format-call.cloned.1.call-start
scs
called_computation_lowered:
.L_overlay_start_0:
0x0: {  	s2 =	sld [smem:$0x3FD9]  }
0x1: {  	s3 =	sld [smem:$0x3FFE];
	_ =	sdelay $0x1  }
0x2: {  	s1 =	srdreg.scid  }
0x3: {  	s0 =	sand.u32 $0x1, s1  }
0x4: {  	s18 =	sshll.u32 s0, $0xA;
	s2 =	sadd.s32 s3, s2  }
0x5: {  	s2 =	sadd.s32 s2, s18  }
0x6: {  	[smem:$0x3FC6] =	sst s2  }
0x7: {  	_ = 	snop  }
0x8: {  	s2 =	sld [smem:$0x3FD0];
	(tm) =	ssettm $0x1  }
0x9: {  	s19 =	sld [smem:$0x3FFB];
	_ =	sdelay $0x3  }
0xa: {  	_ =	strace s19  }
0xb: {  	s3 =	sld [smem:$0x3FFC];
	_ =	sdelay $0x3  }
0xc: {  	_ =	strace s3  }
0xd: {  	s3 =	sld [smem:$0x3FFD];
	_ =	sdelay $0x3  }
0xe: {  	_ =	strace s3  }
0xf: {  	_ =	strace $0x8FFFFFFF  }
0x10: {  	s20 =	sld [smem:$0x3FDB];
	_ =	sdelay $0x1  }
0x11: {  	s4 =	simm.s32 $_scs_section_size  }
0x12: {  	s5 =	simm.s32 $_size__tile_overlayer_lowered;
	s6 =	simm.s32 $_tile_overlayer_lowered  }
0x13: {  	s23 =	simm.s32 $0x1BFF;
	s22 =	sshll.u32 s6, $0x1;
	s3 =	sadd.s32 s4, s20  }
0x14: {  	s7 =	simm.s32 $0x0;
	s21 =	sshll.u32 s5, $0x1;
	s5 =	sadd.s32 s22, s3  }
0x15: {  	[timem:s7], [sflag:s23] =	dma.local [hbm:s5], s21  }
0x16: {  	_ =	swait.ge [sflag:s23], s21  }
0x17: {  	s4 =	ssub.s32 $0x0, s21;
	[sflag:s23] =	ssyncset.done $0x0  }
0x18: {  	[sflag:s23] =	ssyncadd.s32 s4;
	_ =	sdelay $0x1  }
0x19: {  	s24 =	simm.s32 $0x1B8B  }
0x1a: {  	_ =	swait.ge [sflag:s24], $0x1  }
0x1b: {  	[sflag:s24] =	ssyncset.done $0x0  }
0x1c: {  	s26 =	simm.s32 $0x1B8E;
	s25 =	sld [smem:$0x3FFE];
	[sflag:s24] =	ssyncadd.s32 $0xFFFFFFFF  }
0x1d: {  	s27 =	simm.s32 $execute0_lowered;
	[smem:$0x3FD2] =	sst s26  }
0x1e: {  	s5 =	sshll.u32 s27, $0x1;
	_ =	strace $0x80000049;
	[dreg:$0x1] =	wrdreg $0xFFFFFFFF  }
0x1f: {  	s28 =	simm.s32 $_size_execute0_lowered;
	s3 =	sadd.s32 s3, s5;
	[dreg:$0x0] =	wrdreg $0x0  }
0x20: {  	s5 =	sshll.u32 s28, $0x1;
	[dreg:$0x2] =	wrdreg s3  }
0x21: {  	[dreg:$0x3] =	wrdreg s5  }
0x22: {  	[dreg:$0x4] =	wrdreg $0xC0  }
0x23: {  	_ =	task [dreg:s7], $0x5FFFF  }
0x24: {  	[dreg:$0x1] =	wrdreg $0xFFFFFFFF  }
0x25: {  	[dreg:$0x0] =	wrdreg $0x60  }
0x26: {  	[dreg:$0x2] =	wrdreg s25  }
0x27: {  	[dreg:$0x3] =	wrdreg s2  }
0x28: {  	[dreg:$0x4] =	wrdreg $0x9  }
0x29: {  	_ =	task.clear_ibuf [dreg:s7], $0x5FFFF;
	_ =	strace $0x90000049  }
0x2a: {  	s29 =	simm.s32 $0x9;
	_ =	strace $0x8000004B  }
0x2b: {  	_ =	swait.ge [sflag:s29], $0x1  }
0x2c: {  	[sflag:s29] =	ssyncadd.s32 $0xFFFFFFFF  }
0x2d: {  	_ =	strace $0x9000004B  }
0x2e: {  	_ =	sfence  }
0x2f: {  	s30 =	sld [smem:$0x0];
	_ =	sdelay $0x2  }
0x30: {  	s31 =	sshll.u32 s1, $0xD;
	s1 =	sshrl.u32 s1, $0x2  }
0x31: {  	s3 =	sand.u32 $0x4000, s31;
	s1 =	sadd.s32 s1, s30  }
0x32: {  	s0 =	sor.u32 s3, s0;
	s1 =	sshll.u32 s1, $0x11  }
0x33: {  	s0 =	sor.u32 s1, s0  }
0x34: {  	s0 =	sadd.s32 $0x8F2B, s0  }
0x35: {  	[sflag:s0] =	ssyncadd.remote.s32 $0x1  }
0x36: {  	_ =	sfence.sel $0xFFFF  }
0x37: {  	[dreg:$0x0] =	wrdreg $0xFFFFFFFF;
	(pc) =	sbr.abs _section_cstart, $3  }
0x38: {  	[dreg:$0x1] =	wrdreg $0xFFFFFFFF  }
0x39: {  	_ =	task.clear_ibuf [dreg:s7], $0x2FFFF;
	_ =	strace $0x9FFFFFFF  }
0x3a: {  	(tm) =	ssettm $0x7FFFFFFF  }
0x3b: {  	_ =	shalt  }
tec
execute0_lowered:
.L_overlay_start_1:
0x0: {  	(tag) =	ssettag $0x1  }
0x1: {  	s0 =	srdreg.scid  }
0x2: {  	s1 =	sshll.u32 s0, $0x4  }
0x3: {  	s0 =	stileid.u32;
	s1 =	sand.u32 $0x10, s1  }
0x4: {  	s1 =	sor.u32 s0, s1  }
0x5: {  	s6 =	rddreg [dreg:$0x0];
	s4 =	simm.s32 $0x1;
	s2 =	sshll.u32 s1, $0x7  }
0x6: {  	s7 =	simm.s32 $0x2;
	s12 =	simm.s32 $0x0;
	s1 =	ssub.s32 $0x4000, s2  }
0x7: {  	s8 =	simm.s32 $0x20000;
	s13 =	simm.s32 $0x0;
	s3 =	sand.u32 $0xF80, s1  }
0x8: {  	s9 =	simm.s32 $0x0;
	s5 =	sshrl.u32 s1, $0xC;
	p0 =	sne.s32 s3, $0x0  }
.Ltmp0:
0x9: {  	s1 =	rddreg [dreg:$0x2];
	s4 =	simm.s32 @!p0 $0x0;
	(pc) =	sbr.rel .LBB1_1-.Ltmp0, $4  }
0xa: {  	s11 =	simm.s32 $0x0;
	s3 =	rddreg [dreg:$0x1];
	s5 =	sadd.s32 s4, s5  }
0xb: {  	_ =	strace $0x8000004A;
	s4 =	simm.s32 $0x1;
	s5 =	smul.u32 $0x32, s5  }
0xc: {  	s6 =	sadd.s32 $0xA00, s6;
	s10 =	smov.u32 s2;
	[sflag:s4] =	ssyncpa.u1 $0x0  }
0xd: {  	p0 =	por $0x0, $0x0;
	[sflag:s7] =	ssyncpa.u1 $0x0;
	s7 =	sor.u32 $0x1, s5  }
.LBB1_4:
0xe: {  	s16 =	sshll.u32 s13, $0x3;
	s17 =	sand.u32 $0x78, s13  }
0xf: {  	s30 =	sand.u32 $0xF800, s13;
	s12 =	sshll.u32 s12, $0x10;
	s16 =	sand.u32 $0x3C00, s16  }
0x10: {  	s31 =	sand.u32 $0x7, s13;
	s16 =	sor.u32 s17, s16;
	s17 =	sadd.s32 s3, s30  }
0x11: {  	s13 =	sshll.u32 s31, $0x12;
	s16 =	sshrl.u32 s16, $0x3;
	s12 =	sadd.s32 s12, s17  }
0x12: {  	[tilespmem:s15+$0x0 ss:$0x81] =	vst.msk $0xffff, v0;
	s13 =	sor.u32 $0x400, s13;
	s12 =	sadd.s32 s16, s12  }
0x13: {  	[hbm4b:s12+s13] =	stream.strided.scatter [tilespmem:s14], [sflag:$0x2], $0x1000, s8, s13, $0x20;
	[tilespmem:$0x4040] =	vst v63  }
.LBB1_5:
0x14: {  	s14 =	sadd.s32 $0x1, s9  }
0x15: {  	s12 =	sadd.s32 $0x1000, s10;
	s16 =	smov.u32 s10;
	p2 =	sgt.s32 s14, $0x31  }
0x16: {  	s16 =	smov.u32 @p2 s12  }
0x17: {  	s14 =	simm.s32 @p2 $0x0;
	p2 =	sgt.s32 s16, $0x3FFF  }
0x18: {  	s16 =	smov.u32 @p2 s2;
	p2 =	sne.s32 s11, s7  }
.Ltmp1:
0x19: {  	p1 =	slt.u32 s11, $0x2;
	(pc) =	sbr.rel @!p2 .LBB1_6-.Ltmp1, $4  }
0x1a: {  	s15 =	simm.s32 @!p1 $0x2  }
0x1b: {  	s13 =	smov.u32 s10;
	p0 =	por !p0, !p0;
	_ =	swait.ge @!p1 [sflag:s15], $0x1000  }
0x1c: {  	s12 =	smov.u32 s9;
	[sflag:s15] =	ssyncset.done @!p1 $0x0;
	s9 =	smov.u32 s14  }
0x1d: {  	s11 =	sadd.s32 $0x1, s11;
	[sflag:s15] =	ssyncadd.s32 @!p1 $0xFFFFF000;
	s10 =	smov.u32 s16  }
.LBB1_1:
0x1e: {  	p1 =	sge.u32 s11, s5  }
0x1f: {  	s14 =	sand.u32 @!p1 $0x1FFFFFF, s9  }
0x20: {  	s15 =	smulhi.u32 @!p1 $0x4924925, s14;
	_ =	sdelay $0x1  }
0x21: {  	s15 =	smul.u32 @!p1 $0x38, s15  }
0x22: {  	s16 =	sxor.u32 @!p1 $0xFFFFFFFF, s11;
	s17 =	smul.u32 @!p1 $0x380, s10  }
0x23: {  	s31 =	sadd.s32 $0xFFFFFFFF, s11;
	s16 =	sshll.u32 @!p1 s16, $0xC;
	s14 =	ssub.s32 @!p1 s14, s15  }
0x24: {  	s15 =	sand.u32 @!p1 $0x1000, s16;
	s16 =	sadd.s32 @!p1 s6, s17;
	s14 =	sshll.u32 @!p1 s14, $0x4  }
0x25: {  	s17 =	simm.s32 @!p1 $0x1C00;
	s14 =	sadd.s32 @!p1 s14, s16;
	s16 =	simm.s32 @!p1 $0x20  }
0x26: {  	[tilespmem:s15], [sflag:$0x1] =	stream.strided.gather @!p1 [hbm4b:s14+s16], $0x1000, s17, s16, $0x38;
	[tilespmem:$0x4040] =	vst v63  }
0x27: {  	p1 =	sge.u32 s31, s5  }
.Ltmp2:
0x28: {  	_ = 	snop;
	(pc) =	sbr.rel @p1 .LBB1_5-.Ltmp2, $1  }
0x29: {  	_ =	sdelay $0x3  }
0x2a: {  	s14 =	simm.s32 $0x1  }
0x2b: {  	_ =	swait.ge [sflag:s4], $0x1000;
	s14 =	simm.s32 @!p0 $0x0  }
0x2c: {  	[sflag:s4] =	ssyncset.done $0x0;
	s15 =	sshll.u32 s14, $0xC  }
0x2d: {  	[sflag:s4] =	ssyncadd.s32 $0xFFFFF000;
	s18 =	sor.u32 $0x10, s15  }
0x2e: {  	s14 =	smul.u32 $0x4080, s14;
	v1 =	vld [tilespmem:s18+$0x0]  }
0x2f: {  	s30 =	sand.u32 $0x1, s11;
	v0 =	vld [tilespmem:s18+$0xFFFFFFF0]  }
0x30: {  	s15 =	smul.u32 $0x4080, s30;
	s14 =	sshrl.u32 s14, $0x2  }
0x31: {  	s16 =	sor.u32 $0x2000, s14  }
0x32: {  	s31 =	sshrl.u32 s15, $0x2;
	s15 =	sadd.s32 $0x0, s16  }
0x33: {  	s17 =	simm.s32 $0x4;
	s18 =	sadd.s32 $0x20, s18;
	s14 =	sor.u32 $0x2000, s31;
	[tilespmem:s15+$0x810 ss:$0x81] =	vst.msk $0xffff, v1  }
.LBB1_3:
0x34: {  	v1 =	vld [tilespmem:s18+$0x0];
	p1 =	sne.s32 s17, $0x1FC;
	[tilespmem:s15+$0x0 ss:$0x81] =	vst.msk $0xffff, v0;
	s15 =	smov.u32 s17;
	s17 =	sadd.s32 $0x4, s17  }
.Ltmp3:
0x35: {  	v0 =	vld [tilespmem:s18+$0xFFFFFFF0];
	(pc) =	sbr.rel @p1 .LBB1_3-.Ltmp3, $4  }
0x36: {  	_ = 	snop  }
0x37: {  	s15 =	sshra.s32 s15, $0x2  }
0x38: {  	s15 =	sadd.s32 s15, s16  }
0x39: {  	s18 =	sadd.s32 $0x20, s18;
	[tilespmem:s15+$0x810 ss:$0x81] =	vst.msk $0xffff, v1  }
.Ltmp4:
0x3a: {  	_ = 	snop;
	(pc) =	sbr.rel .LBB1_4-.Ltmp4, $1  }
0x3b: {  	_ =	sdelay $0x3  }
.LBB1_6:
0x3c: {  	_ =	sfence.sel $0x180000  }
0x3d: {  	s2 =	simm.s32 $0x1;
	[bflag:$0x0] =	sbarrier.arrive $0xFFFF  }
0x3e: {  	s31 =	simm.s32 $0x2;
	[sflag:s2] =	ssyncpa.u1 $0x1  }
0x3f: {  	[sflag:s31] =	ssyncpa.u1 $0x1  }
0x40: {  	p0 =	sne.s32 s0, $0x0;
	_ =	strace $0x9000004A  }
0x41: {  	s0 =	sadd.s32 @!p0 $0x100000, s1;
	[bflag:$0x2] =	sbarrier.arrive $0xFFFF  }
0x42: {  	[sflag:s0] =	ssyncadd.tile.s32 @!p0 $0x1;
	_ =	shalt  }
.Lfunc_end1:
_tile_overlayer_lowered:
.L_overlay_start_2:
0x43: {  	(tag) =	ssettag $0x2  }
0x44: {  	s0 =	rddreg [dreg:$0x0];
	s2 =	stileid.u32  }
0x45: {  	s1 =	rddreg [dreg:$0x1];
	p0 =	sne.s32 s2, $0x0  }
0x46: {  	s3 =	rddreg [dreg:$0x2];
	[bflag:$0x3] =	sbarrier.arrive $0xFFFF;
	s2 =	simm.s32 @!p0 $0x1C01  }
0x47: {  	[timem:s3], [sflag:s2] =	dma.local @!p0 [hbm:s0], s1  }
0x48: {  	s0 =	simm.s32 @!p0 $0x1  }
0x49: {  	_ =	swait.ge @!p0 [sflag:s0], s1  }
0x4a: {  	s1 =	ssub.s32 @!p0 $0x0, s1;
	[sflag:s0] =	ssyncset.done @!p0 $0x0  }
0x4b: {  	[sflag:s0] =	ssyncadd.s32 @!p0 s1  }
0x4c: {  	[bflag:$0x3] =	sbarrier.arrive $0xFFFF  }
0x4d: {  	_ =	shalt  }

</sc_bundles>
